<compile_context>
chip_gen: v7x
topology: tpu7x:2x2x1
jax: 0.10.2.dev20260603
libtpu: 0.0.44.dev20260713+nightly
codegen_flags: <defaults>
</compile_context>

<pallas_src>
import functools

import jax
import jax.numpy as jnp
import numpy as np
from jax import lax
from jax.experimental import pallas as pl
from jax.experimental.pallas import tpu as pltpu
from jax.experimental.pallas import tpu_sc as plsc

GRID = 48
N = GRID * GRID
T = 25
K_MAX = 2
M0 = 0.2
B = 8

NC = 2
NS = 16
NW = NC * NS
IPW = N // NW
CH = 9
NCHUNK = IPW // CH
NPAIR = NCHUNK // 2
NVEC = N // 16


def _grid_constants():
    gx = np.linspace(224.0, 0.0, GRID, dtype=np.float32)
    gy = np.linspace(0.0, 224.0, GRID, dtype=np.float32)
    xx, yy = np.meshgrid(gx, gy, indexing="ij")
    coords = np.stack([xx.ravel(), yy.ravel()], axis=-1).astype(np.float32)
    d2 = ((coords[:, None, :] - coords[None, :, :]) ** 2).sum(-1).astype(np.float32)
    order = np.argsort(d2, axis=1, kind="stable").astype(np.int32)
    d2s = np.take_along_axis(d2, order, axis=1)
    return order.reshape(-1), d2s.reshape(-1)


_ORDER_FLAT, _D2S_FLAT = _grid_constants()


def _weights_body(x_ref, w_ref):
    x = x_ref[...]
    sp = jnp.maximum(x, 0.0) + jnp.log(1.0 + jnp.exp(-jnp.abs(x)))
    w_ref[...] = sp / jnp.sum(sp, axis=1, keepdims=True)


def _dtm_sc_body(w_hbm, order_hbm, d2s_hbm, out_hbm, w_v,
                 ord_c0, d2s_c0, ord_c1, d2s_c1, res_v, sem0, sem1):
    wid = lax.axis_index("s") * NC + lax.axis_index("c")
    i0 = wid * IPW
    pltpu.sync_copy(w_hbm, w_v)
    lane = jnp.arange(16, dtype=jnp.int32)
    lane0 = lane == 0

    def start_fetch(c, ord_b, d2s_b, sem):
        row0 = (i0 + c * CH) * N
        pltpu.async_copy(order_hbm.at[pl.ds(row0, CH * N)], ord_b, sem)
        pltpu.async_copy(d2s_hbm.at[pl.ds(row0, CH * N)], d2s_b, sem)

    def drain(ord_b, d2s_b, sem):
        pltpu.make_async_copy(order_hbm.at[pl.ds(0, CH * N)], ord_b, sem).wait()
        pltpu.make_async_copy(d2s_hbm.at[pl.ds(0, CH * N)], d2s_b, sem).wait()

    def compute_chunk(c, ord_c, d2s_c):
        def row_loop(li, _):
            base = li * N

            def cond(state):
                k = state[0]
                cs = state[1:1 + B]
                mn = cs[0]
                for b in range(1, B):
                    mn = jnp.minimum(mn, cs[b])
                return (k < NVEC) & (mn < M0)

            def pstep(state):
                k = state[0]
                cs = list(state[1:1 + B])
                accs = list(state[1 + B:])
                off = base + k * 16
                idx = ord_c[pl.ds(off, 16)]
                d = d2s_c[pl.ds(off, 16)]
                for b in range(B):
                    g = plsc.load_gather(w_v, [idx + b * N])
                    csum = plsc.cumsum(g)
                    rem = (M0 - cs[b]) - csum
                    eff = jnp.minimum(g, jnp.maximum(rem + g, 0.0))
                    accs[b] = accs[b] + eff * d
                    cs[b] = cs[b] + csum[15]
                return (k + 1, *cs, *accs)

            def body(state):
                for _ in range(8):
                    state = pstep(state)
                return state

            init = (jnp.int32(0),) + (jnp.float32(0.0),) * B \
                + (jnp.zeros((16,), jnp.float32),) * B
            state = lax.while_loop(cond, body, init)
            accs = state[1 + B:]
            pos = c * CH + li
            for b in range(B):
                val = jnp.sum(accs[b]) * (1.0 / M0)
                plsc.store_scatter(res_v, [jnp.full((16,), b * IPW + pos, jnp.int32)],
                                   jnp.full((16,), val, jnp.float32), mask=lane0)
            return 0

        lax.fori_loop(0, CH, row_loop, 0)

    start_fetch(0, ord_c0, d2s_c0, sem0)

    def pair_loop(p, _):
        c0 = 2 * p
        start_fetch(c0 + 1, ord_c1, d2s_c1, sem1)
        drain(ord_c0, d2s_c0, sem0)
        compute_chunk(c0, ord_c0, d2s_c0)

        @pl.when(p < NPAIR - 1)
        def _():
            start_fetch(c0 + 2, ord_c0, d2s_c0, sem0)

        drain(ord_c1, d2s_c1, sem1)
        compute_chunk(c0 + 1, ord_c1, d2s_c1)
        return 0

    lax.fori_loop(0, NPAIR, pair_loop, 0)
    for b in range(B):
        pltpu.sync_copy(res_v.at[pl.ds(b * IPW, IPW)],
                        out_hbm.at[pl.ds(b * N + i0, IPW)])


_dtm_sc = functools.partial(
    pl.kernel,
    out_type=jax.ShapeDtypeStruct((B * N,), jnp.float32),
    mesh=plsc.VectorSubcoreMesh(core_axis_name="c", subcore_axis_name="s",
                                num_cores=NC, num_subcores=NS),
    scratch_types=[
        pltpu.VMEM((B * N,), jnp.float32),
        pltpu.VMEM((CH * N,), jnp.int32),
        pltpu.VMEM((CH * N,), jnp.float32),
        pltpu.VMEM((CH * N,), jnp.int32),
        pltpu.VMEM((CH * N,), jnp.float32),
        pltpu.VMEM((B * IPW,), jnp.float32),
        pltpu.SemaphoreType.DMA,
        pltpu.SemaphoreType.DMA,
    ],
    compiler_params=pltpu.CompilerParams(needs_layout_passes=False),
)(_dtm_sc_body)


def _post_body(dtm2_ref, we_ref, wo_ref, bt_ref, wfc_ref, bfc_ref,
               out_ref, sig_ref):
    dtm2 = dtm2_ref[...]
    dtm = jnp.sqrt(jnp.maximum(dtm2, 1e-12))
    tmin = jnp.min(dtm, axis=1, keepdims=True)
    tmax = jnp.max(dtm, axis=1, keepdims=True)
    alphas = (lax.broadcasted_iota(jnp.int32, (T, 1), 0).astype(jnp.float32)
              * (1.0 / (T - 1)))
    iota_n = lax.broadcasted_iota(jnp.int32, (T, N), 1)
    big = jnp.float32(3.4e38)
    m1_cols, m2_cols = [], []
    for b in range(B):
        tseq = tmin[b, 0] + (tmax[b, 0] - tmin[b, 0]) * alphas
        dtm_b = dtm[b:b + 1, :]
        tent = jnp.maximum(0.0, jnp.minimum(tseq - dtm_b, tmax[b, 0] - tseq))
        m1 = jnp.max(tent, axis=1, keepdims=True)
        is_max = tent >= m1
        first = jnp.min(jnp.where(is_max, iota_n, N), axis=1, keepdims=True)
        tent2 = jnp.where(iota_n == first, -big, tent)
        m2 = jnp.max(tent2, axis=1, keepdims=True)
        m1_cols.append(m1)
        m2_cols.append(m2)
    m1s = jnp.concatenate(m1_cols, axis=1)
    m2s = jnp.concatenate(m2_cols, axis=1)
    dn = (((0,), (0,)), ((), ()))
    x = (lax.dot_general(m1s, we_ref[...], dn, preferred_element_type=jnp.float32)
         + lax.dot_general(m2s, wo_ref[...], dn, preferred_element_type=jnp.float32)
         + bt_ref[...])
    sig_ref[...] = jnp.sum(jnp.abs(x), axis=0, keepdims=True)
    out_ref[...] = (jnp.dot(jnp.maximum(x, 0.0), wfc_ref[...],
                            preferred_element_type=jnp.float32)
                    + bfc_ref[...])


@jax.jit
def _run(x_flat, W_topo, b_topo, W_fc, b_fc):
    w = pl.pallas_call(
        _weights_body,
        out_shape=jax.ShapeDtypeStruct((B, N), jnp.float32),
    )(x_flat)

    dtm2 = _dtm_sc(w.reshape(-1), jnp.asarray(_ORDER_FLAT),
                   jnp.asarray(_D2S_FLAT)).reshape(B, N)

    out_features = W_topo.shape[1]
    n_cls = W_fc.shape[1]
    output, signal = pl.pallas_call(
        _post_body,
        out_shape=(
            jax.ShapeDtypeStruct((B, n_cls), jnp.float32),
            jax.ShapeDtypeStruct((1, out_features), jnp.float32),
        ),
    )(dtm2, W_topo[0::2, :], W_topo[1::2, :], b_topo.reshape(1, -1),
      W_fc, b_fc.reshape(1, -1))
    return output, signal.reshape(-1)


def kernel(input, W_topo, b_topo, W_fc, b_fc):
    x_flat = input.reshape(input.shape[0], -1)
    return _run(x_flat, W_topo, b_topo, W_fc, b_fc)

# --- scband reference (transcript-rebuilt; emitter-appended) ---
"""Pipeline reference for scband-base-pllay-2-38276748542093 (READ-ONLY COPY).

The authoritative reference and input builder live on the scoring server;
editing this copy changes nothing except your own understanding.
"""

import jax, jax.numpy as jnp
import numpy as np

GRID = 48
N = GRID * GRID
T = 25
K_MAX = 2
M0 = 0.2
OUT_FEATURES = 50


def _grid_coords():
    # lims = [[224, 0], [0, 224]]
    gx = jnp.linspace(224.0, 0.0, GRID)
    gy = jnp.linspace(0.0, 224.0, GRID)
    XX, YY = jnp.meshgrid(gx, gy, indexing='ij')
    return jnp.stack([XX.ravel(), YY.ravel()], axis=-1)  # [N, 2]


def _dtm(w):
    # robust distance-to-measure with mass parameter m0, r=2
    # w: [B, N] nonnegative weights summing to 1 per row
    coords = _grid_coords()
    d2 = jnp.sum((coords[:, None, :] - coords[None, :, :]) ** 2, axis=-1)  # [N, N]
    order = jnp.argsort(d2, axis=1)                     # [N, N] (input-independent)
    d2s = jnp.take_along_axis(d2, order, axis=1)        # [N, N]
    ws = w[:, order]                                    # [B, N, N] gather
    cum = jnp.cumsum(ws, axis=-1)
    cum_prev = cum - ws
    eff = jnp.clip(M0 - cum_prev, 0.0, ws)              # partial last weight
    dtm2 = jnp.sum(eff * d2s[None, :, :], axis=-1) / M0
    return jnp.sqrt(jnp.maximum(dtm2, 1e-12))           # [B, N]


def _topo_layer(x_flat, W_topo, b_topo):
    # measure from image values
    w = jax.nn.softplus(x_flat)
    w = w / jnp.sum(w, axis=1, keepdims=True)
    dtm = _dtm(w)  # [B, N]
    tmin = jnp.min(dtm, axis=1, keepdims=True)
    tmax = jnp.max(dtm, axis=1, keepdims=True)
    alphas = jnp.linspace(0.0, 1.0, T)
    tseq = tmin + (tmax - tmin) * alphas[None, :]       # [B, T]
    # tent functions (persistence landscape surrogate), top-K per eval point
    tent = jnp.maximum(0.0, jnp.minimum(tseq[:, :, None] - dtm[:, None, :],
                                        tmax[:, :, None] - tseq[:, :, None]))  # [B, T, N]
    land, _ = jax.lax.top_k(tent, K_MAX)                # [B, T, K_MAX]
    feats = land.reshape(land.shape[0], T * K_MAX)      # [B, 50]
    return feats @ W_topo + b_topo                      # [B, OUT_FEATURES]


def setup_inputs(seed: int = 0):
    key = jax.random.key(seed)
    k1, k2, k3 = jax.random.split(key, 3)
    return {
        'input': jax.random.normal(k1, (8, 1, GRID, GRID), dtype=jnp.float32),
        'W_topo': jax.random.normal(k2, (T * K_MAX, OUT_FEATURES), dtype=jnp.float32) * (1.0 / np.sqrt(T * K_MAX)),
        'b_topo': jnp.zeros((OUT_FEATURES,), dtype=jnp.float32),
        'W_fc': jax.random.normal(k3, (OUT_FEATURES, 10), dtype=jnp.float32) * (1.0 / np.sqrt(OUT_FEATURES)),
        'b_fc': jnp.zeros((10,), dtype=jnp.float32),
    }


def reference(input, W_topo, b_topo, W_fc, b_fc):
    x_flat = input.reshape(input.shape[0], -1)
    x = _topo_layer(x_flat, W_topo, b_topo)
    signal = jnp.sum(jnp.abs(jax.lax.stop_gradient(x)), axis=0)  # x.detach().abs().sum(dim=0)
    output = jnp.maximum(x, 0.0) @ W_fc + b_fc
    return (output, signal)

if __name__ == "__main__":
    import jax
    _d = setup_inputs()
    print(jax.jit(kernel)(*tuple(_d.values())))

</pallas_src>

<mosaic_0001>
#map = affine_map<(d0, d1) -> (0)>
module attributes {stable_mosaic.version = 14 : i64} {
  func.func @_dtm_sc_body(%arg0: i32, %arg1: i32, %arg2: memref<18432xf32, #tpu.memory_space<hbm>>, %arg3: memref<5308416xi32, #tpu.memory_space<hbm>>, %arg4: memref<5308416xf32, #tpu.memory_space<hbm>>, %arg5: memref<18432xf32, #tpu.memory_space<hbm>>, %arg6: memref<18432xf32, #tpu.memory_space<vmem>>, %arg7: memref<20736xi32, #tpu.memory_space<vmem>>, %arg8: memref<20736xf32, #tpu.memory_space<vmem>>, %arg9: memref<20736xi32, #tpu.memory_space<vmem>>, %arg10: memref<20736xf32, #tpu.memory_space<vmem>>, %arg11: memref<576xf32, #tpu.memory_space<vmem>>, %arg12: memref<!tpu.dma_semaphore, #tpu.memory_space<semaphore_mem>>, %arg13: memref<!tpu.dma_semaphore, #tpu.memory_space<semaphore_mem>>) attributes {dimension_semantics = [#tpu.dimension_semantics<core_parallel>, #tpu.dimension_semantics<subcore_parallel>], iteration_bounds = array<i64: 2, 16>, scalar_prefetch = 0 : i64, scratch_operands = 8 : i64, tpu.core_type = #tpu.core_type<sc_vector_subcore>, window_params = [{transform_indices = #map}, {transform_indices = #map}, {transform_indices = #map}, {transform_indices = #map}]} {
    %mul3A = arith.constant 2 : i32
    %mul3A_0 = arith.muli %arg1, %mul3A : i32
    %add3A = arith.addi %mul3A_0, %arg0 : i32
    %mul3A_1 = arith.constant 72 : i32
    %mul3A_2 = arith.muli %add3A, %mul3A_1 : i32
    "tpu.region"() ({
      %run_scoped3A = tpu.sem_alloc : memref<!tpu.dma_semaphore, #tpu.memory_space<semaphore_mem>>
      tpu.enqueue_dma source(%arg2 : memref<18432xf32, #tpu.memory_space<hbm>>) target(%arg6 : memref<18432xf32, #tpu.memory_space<vmem>>) target_semaphore(%run_scoped3A : memref<!tpu.dma_semaphore, #tpu.memory_space<semaphore_mem>>)
      tpu.wait_dma2 semaphore(%run_scoped3A : memref<!tpu.dma_semaphore, #tpu.memory_space<semaphore_mem>>) src(%arg2 : memref<18432xf32, #tpu.memory_space<hbm>>) dst(%arg6 : memref<18432xf32, #tpu.memory_space<vmem>>)
      tpu.yield
    }) : () -> ()
    %iota3A = tpu.iota {dimensions = array<i32: 0>} : vector<16xi32>
    %eq3A = arith.constant 0 : i32
    %eq3A_3 = vector.broadcast %eq3A : i32 to vector<16xi32>
    %eq3A_4 = arith.cmpi eq, %iota3A, %eq3A_3 : vector<16xi32>
    %add3A_5 = arith.constant 0 : i32
    %add3A_6 = arith.addi %mul3A_2, %add3A_5 : i32
    %mul3A_7 = arith.constant 2304 : i32
    %mul3A_8 = arith.muli %add3A_6, %mul3A_7 : i32
    %dma_start3A = tpu.memref_slice %arg3[%mul3A_8] : memref<5308416xi32, #tpu.memory_space<hbm>> -> memref<20736xi32, #tpu.memory_space<hbm>>
    %dma_start3A_9 = tpu.memref_slice %arg3[%mul3A_8] : memref<5308416xi32, #tpu.memory_space<hbm>> -> memref<20736xi32, #tpu.memory_space<hbm>>
    tpu.enqueue_dma source(%dma_start3A_9 : memref<20736xi32, #tpu.memory_space<hbm>>) target(%arg7 : memref<20736xi32, #tpu.memory_space<vmem>>) target_semaphore(%arg12 : memref<!tpu.dma_semaphore, #tpu.memory_space<semaphore_mem>>)
    %dma_start3A_10 = tpu.memref_slice %arg4[%mul3A_8] : memref<5308416xf32, #tpu.memory_space<hbm>> -> memref<20736xf32, #tpu.memory_space<hbm>>
    %dma_start3A_11 = tpu.memref_slice %arg4[%mul3A_8] : memref<5308416xf32, #tpu.memory_space<hbm>> -> memref<20736xf32, #tpu.memory_space<hbm>>
    tpu.enqueue_dma source(%dma_start3A_11 : memref<20736xf32, #tpu.memory_space<hbm>>) target(%arg8 : memref<20736xf32, #tpu.memory_space<vmem>>) target_semaphore(%arg12 : memref<!tpu.dma_semaphore, #tpu.memory_space<semaphore_mem>>)
    %scan3A = arith.constant 0 : i32
    %scan3A_12 = arith.constant 0 : i32
    %scan3A_13 = arith.constant 4 : i32
    %scan3A_14 = arith.addi %scan3A_12, %scan3A_13 : i32
    %scan3A_15 = arith.constant 1 : i32
    %scan3A_16 = scf.for %scan3A_34 = %scan3A_12 to %scan3A_14 step %scan3A_15 iter_args(%scan3A_35 = %scan3A) -> (i32)  : i32 {
      %mul3A_36 = arith.constant 2 : i32
      %mul3A_37 = arith.muli %mul3A_36, %scan3A_34 : i32
      %add3A_38 = arith.constant 1 : i32
      %add3A_39 = arith.addi %mul3A_37, %add3A_38 : i32
      %mul3A_40 = arith.constant 9 : i32
      %mul3A_41 = arith.muli %add3A_39, %mul3A_40 : i32
      %add3A_42 = arith.addi %mul3A_2, %mul3A_41 : i32
      %mul3A_43 = arith.constant 2304 : i32
      %mul3A_44 = arith.muli %add3A_42, %mul3A_43 : i32
      %dma_start3A_45 = tpu.memref_slice %arg3[%mul3A_44] : memref<5308416xi32, #tpu.memory_space<hbm>> -> memref<20736xi32, #tpu.memory_space<hbm>>
      %dma_start3A_46 = tpu.memref_slice %arg3[%mul3A_44] : memref<5308416xi32, #tpu.memory_space<hbm>> -> memref<20736xi32, #tpu.memory_space<hbm>>
      tpu.enqueue_dma source(%dma_start3A_46 : memref<20736xi32, #tpu.memory_space<hbm>>) target(%arg9 : memref<20736xi32, #tpu.memory_space<vmem>>) target_semaphore(%arg13 : memref<!tpu.dma_semaphore, #tpu.memory_space<semaphore_mem>>)
      %dma_start3A_47 = tpu.memref_slice %arg4[%mul3A_44] : memref<5308416xf32, #tpu.memory_space<hbm>> -> memref<20736xf32, #tpu.memory_space<hbm>>
      %dma_start3A_48 = tpu.memref_slice %arg4[%mul3A_44] : memref<5308416xf32, #tpu.memory_space<hbm>> -> memref<20736xf32, #tpu.memory_space<hbm>>
      tpu.enqueue_dma source(%dma_start3A_48 : memref<20736xf32, #tpu.memory_space<hbm>>) target(%arg10 : memref<20736xf32, #tpu.memory_space<vmem>>) target_semaphore(%arg13 : memref<!tpu.dma_semaphore, #tpu.memory_space<semaphore_mem>>)
      %dma_wait3A = arith.constant 0 : i32
      %dma_wait3A_49 = tpu.memref_slice %arg3[%dma_wait3A] : memref<5308416xi32, #tpu.memory_space<hbm>> -> memref<20736xi32, #tpu.memory_space<hbm>>
      %dma_wait3A_50 = arith.constant 0 : i32
      %dma_wait3A_51 = tpu.memref_slice %arg3[%dma_wait3A_50] : memref<5308416xi32, #tpu.memory_space<hbm>> -> memref<20736xi32, #tpu.memory_space<hbm>>
      tpu.wait_dma2 semaphore(%arg12 : memref<!tpu.dma_semaphore, #tpu.memory_space<semaphore_mem>>) src(%dma_wait3A_51 : memref<20736xi32, #tpu.memory_space<hbm>>) dst(%arg7 : memref<20736xi32, #tpu.memory_space<vmem>>)
      %dma_wait3A_52 = arith.constant 0 : i32
      %dma_wait3A_53 = tpu.memref_slice %arg4[%dma_wait3A_52] : memref<5308416xf32, #tpu.memory_space<hbm>> -> memref<20736xf32, #tpu.memory_space<hbm>>
      %dma_wait3A_54 = arith.constant 0 : i32
      %dma_wait3A_55 = tpu.memref_slice %arg4[%dma_wait3A_54] : memref<5308416xf32, #tpu.memory_space<hbm>> -> memref<20736xf32, #tpu.memory_space<hbm>>
      tpu.wait_dma2 semaphore(%arg12 : memref<!tpu.dma_semaphore, #tpu.memory_space<semaphore_mem>>) src(%dma_wait3A_55 : memref<20736xf32, #tpu.memory_space<hbm>>) dst(%arg8 : memref<20736xf32, #tpu.memory_space<vmem>>)
      %scan3A_56 = arith.constant 0 : i32
      %scan3A_57 = arith.constant 0 : i32
      %scan3A_58 = arith.constant 9 : i32
      %scan3A_59 = arith.addi %scan3A_57, %scan3A_58 : i32
      %scan3A_60 = arith.constant 1 : i32
      %scan3A_61 = scf.for %scan3A_83 = %scan3A_57 to %scan3A_59 step %scan3A_60 iter_args(%scan3A_84 = %scan3A_56) -> (i32)  : i32 {
        %mul3A_85 = arith.constant 2304 : i32
        %mul3A_86 = arith.muli %scan3A_83, %mul3A_85 : i32
        %broadcast_in_dim3A = arith.constant 0.000000e+00 : f32
        %broadcast_in_dim3A_87 = vector.broadcast %broadcast_in_dim3A : f32 to vector<16xf32>
        %while3A = arith.constant 0 : i32
        %while3A_88 = arith.constant 0.000000e+00 : f32
        %while3A_89 = arith.constant 0.000000e+00 : f32
        %while3A_90 = arith.constant 0.000000e+00 : f32
        %while3A_91 = arith.constant 0.000000e+00 : f32
        %while3A_92 = arith.constant 0.000000e+00 : f32
        %while3A_93 = arith.constant 0.000000e+00 : f32
        %while3A_94 = arith.constant 0.000000e+00 : f32
        %while3A_95 = arith.constant 0.000000e+00 : f32
        %while3A_96:17 = scf.while (%while3A_180 = %while3A, %while3A_181 = %while3A_88, %while3A_182 = %while3A_89, %while3A_183 = %while3A_90, %while3A_184 = %while3A_91, %while3A_185 = %while3A_92, %while3A_186 = %while3A_93, %while3A_187 = %while3A_94, %while3A_188 = %while3A_95, %while3A_189 = %broadcast_in_dim3A_87, %while3A_190 = %broadcast_in_dim3A_87, %while3A_191 = %broadcast_in_dim3A_87, %while3A_192 = %broadcast_in_dim3A_87, %while3A_193 = %broadcast_in_dim3A_87, %while3A_194 = %broadcast_in_dim3A_87, %while3A_195 = %broadcast_in_dim3A_87, %while3A_196 = %broadcast_in_dim3A_87) : (i32, f32, f32, f32, f32, f32, f32, f32, f32, vector<16xf32>, vector<16xf32>, vector<16xf32>, vector<16xf32>, vector<16xf32>, vector<16xf32>, vector<16xf32>, vector<16xf32>) -> (i32, f32, f32, f32, f32, f32, f32, f32, f32, vector<16xf32>, vector<16xf32>, vector<16xf32>, vector<16xf32>, vector<16xf32>, vector<16xf32>, vector<16xf32>, vector<16xf32>) {
          %min3A = arith.minimumf %while3A_181, %while3A_182 : f32
          %min3A_197 = arith.minimumf %min3A, %while3A_183 : f32
          %min3A_198 = arith.minimumf %min3A_197, %while3A_184 : f32
          %min3A_199 = arith.minimumf %min3A_198, %while3A_185 : f32
          %min3A_200 = arith.minimumf %min3A_199, %while3A_186 : f32
          %min3A_201 = arith.minimumf %min3A_200, %while3A_187 : f32
          %min3A_202 = arith.minimumf %min3A_201, %while3A_188 : f32
          %lt3A_203 = arith.constant 144 : i32
          %lt3A_204 = arith.cmpi slt, %while3A_180, %lt3A_203 : i32
          %lt3A_205 = arith.constant 2.000000e-01 : f32
          %lt3A_206 = arith.cmpf olt, %min3A_202, %lt3A_205 : f32
          %and3A = arith.andi %lt3A_204, %lt3A_206 : i1
          scf.condition(%and3A) %while3A_180, %while3A_181, %while3A_182, %while3A_183, %while3A_184, %while3A_185, %while3A_186, %while3A_187, %while3A_188, %while3A_189, %while3A_190, %while3A_191, %while3A_192, %while3A_193, %while3A_194, %while3A_195, %while3A_196 : i32, f32, f32, f32, f32, f32, f32, f32, f32, vector<16xf32>, vector<16xf32>, vector<16xf32>, vector<16xf32>, vector<16xf32>, vector<16xf32>, vector<16xf32>, vector<16xf32>
        } do {
        ^bb0(%while3A_180: i32, %while3A_181: f32, %while3A_182: f32, %while3A_183: f32, %while3A_184: f32, %while3A_185: f32, %while3A_186: f32, %while3A_187: f32, %while3A_188: f32, %while3A_189: vector<16xf32>, %while3A_190: vector<16xf32>, %while3A_191: vector<16xf32>, %while3A_192: vector<16xf32>, %while3A_193: vector<16xf32>, %while3A_194: vector<16xf32>, %while3A_195: vector<16xf32>, %while3A_196: vector<16xf32>):
          %mul3A_197 = arith.constant 16 : i32
          %mul3A_198 = arith.muli %while3A_180, %mul3A_197 : i32
          %add3A_199 = arith.addi %mul3A_86, %mul3A_198 : i32
          %get3A = arith.index_cast %add3A_199 : i32 to index
          %get3A_200 = tpu.vector_load %arg7[%get3A] {strides = array<i32>} : memref<20736xi32, #tpu.memory_space<vmem>>, vector<16xi32>,
          %get3A_201 = arith.index_cast %add3A_199 : i32 to index
          %get3A_202 = tpu.vector_load %arg8[%get3A_201] {strides = array<i32>} : memref<20736xf32, #tpu.memory_space<vmem>>, vector<16xf32>,
          %add3A_203 = arith.constant 0 : i32
          %add3A_204 = vector.broadcast %add3A_203 : i32 to vector<16xi32>
          %add3A_205 = arith.addi %get3A_200, %add3A_204 : vector<16xi32>
          %gather3A = tpu.vector_load_idx %arg6[%add3A_205] : memref<18432xf32, #tpu.memory_space<vmem>>[vector<16xi32>], vector<16xf32>,
          %broadcast_in_dim3A_206 = arith.constant true
          %broadcast_in_dim3A_207 = vector.broadcast %broadcast_in_dim3A_206 : i1 to vector<16xi1>
          %masked_cumsum3A = tpu.scan <sum>, %gather3A masked %broadcast_in_dim3A_207 : vector<16xf32>, vector<16xi1> -> vector<16xf32>
          %sub3A = arith.constant 2.000000e-01 : f32
          %sub3A_208 = arith.subf %sub3A, %while3A_181 : f32
          %sub3A_209 = vector.broadcast %sub3A_208 : f32 to vector<16xf32>
          %sub3A_210 = arith.subf %sub3A_209, %masked_cumsum3A : vector<16xf32>
          %add3A_211 = arith.addf %sub3A_210, %gather3A : vector<16xf32>
          %max3A = arith.constant 0.000000e+00 : f32
          %max3A_212 = vector.broadcast %max3A : f32 to vector<16xf32>
          %max3A_213 = arith.maximumf %add3A_211, %max3A_212 : vector<16xf32>
          %min3A = arith.minimumf %gather3A, %max3A_213 : vector<16xf32>
          %mul3A_214 = arith.mulf %min3A, %get3A_202 : vector<16xf32>
          %add3A_215 = arith.addf %while3A_189, %mul3A_214 : vector<16xf32>
          %slice3A = vector.extract_strided_slice %masked_cumsum3A {offsets = [15], sizes = [1], strides = [1]} : vector<16xf32> to vector<1xf32>
          %squeeze3A = vector.extract %slice3A[0] : f32 from vector<1xf32>
          %add3A_216 = arith.addf %while3A_181, %squeeze3A : f32
          %add3A_217 = arith.constant 2304 : i32
          %add3A_218 = vector.broadcast %add3A_217 : i32 to vector<16xi32>
          %add3A_219 = arith.addi %get3A_200, %add3A_218 : vector<16xi32>
          %gather3A_220 = tpu.vector_load_idx %arg6[%add3A_219] : memref<18432xf32, #tpu.memory_space<vmem>>[vector<16xi32>], vector<16xf32>,
          %broadcast_in_dim3A_221 = arith.constant true
          %broadcast_in_dim3A_222 = vector.broadcast %broadcast_in_dim3A_221 : i1 to vector<16xi1>
          %masked_cumsum3A_223 = tpu.scan <sum>, %gather3A_220 masked %broadcast_in_dim3A_222 : vector<16xf32>, vector<16xi1> -> vector<16xf32>
          %sub3A_224 = arith.constant 2.000000e-01 : f32
          %sub3A_225 = arith.subf %sub3A_224, %while3A_182 : f32
          %sub3A_226 = vector.broadcast %sub3A_225 : f32 to vector<16xf32>
          %sub3A_227 = arith.subf %sub3A_226, %masked_cumsum3A_223 : vector<16xf32>
          %add3A_228 = arith.addf %sub3A_227, %gather3A_220 : vector<16xf32>
          %max3A_229 = arith.constant 0.000000e+00 : f32
          %max3A_230 = vector.broadcast %max3A_229 : f32 to vector<16xf32>
          %max3A_231 = arith.maximumf %add3A_228, %max3A_230 : vector<16xf32>
          %min3A_232 = arith.minimumf %gather3A_220, %max3A_231 : vector<16xf32>
          %mul3A_233 = arith.mulf %min3A_232, %get3A_202 : vector<16xf32>
          %add3A_234 = arith.addf %while3A_190, %mul3A_233 : vector<16xf32>
          %slice3A_235 = vector.extract_strided_slice %masked_cumsum3A_223 {offsets = [15], sizes = [1], strides = [1]} : vector<16xf32> to vector<1xf32>
          %squeeze3A_236 = vector.extract %slice3A_235[0] : f32 from vector<1xf32>
          %add3A_237 = arith.addf %while3A_182, %squeeze3A_236 : f32
          %add3A_238 = arith.constant 4608 : i32
          %add3A_239 = vector.broadcast %add3A_238 : i32 to vector<16xi32>
          %add3A_240 = arith.addi %get3A_200, %add3A_239 : vector<16xi32>
          %gather3A_241 = tpu.vector_load_idx %arg6[%add3A_240] : memref<18432xf32, #tpu.memory_space<vmem>>[vector<16xi32>], vector<16xf32>,
          %broadcast_in_dim3A_242 = arith.constant true
          %broadcast_in_dim3A_243 = vector.broadcast %broadcast_in_dim3A_242 : i1 to vector<16xi1>
          %masked_cumsum3A_244 = tpu.scan <sum>, %gather3A_241 masked %broadcast_in_dim3A_243 : vector<16xf32>, vector<16xi1> -> vector<16xf32>
          %sub3A_245 = arith.constant 2.000000e-01 : f32
          %sub3A_246 = arith.subf %sub3A_245, %while3A_183 : f32
          %sub3A_247 = vector.broadcast %sub3A_246 : f32 to vector<16xf32>
          %sub3A_248 = arith.subf %sub3A_247, %masked_cumsum3A_244 : vector<16xf32>
          %add3A_249 = arith.addf %sub3A_248, %gather3A_241 : vector<16xf32>
          %max3A_250 = arith.constant 0.000000e+00 : f32
          %max3A_251 = vector.broadcast %max3A_250 : f32 to vector<16xf32>
          %max3A_252 = arith.maximumf %add3A_249, %max3A_251 : vector<16xf32>
          %min3A_253 = arith.minimumf %gather3A_241, %max3A_252 : vector<16xf32>
          %mul3A_254 = arith.mulf %min3A_253, %get3A_202 : vector<16xf32>
          %add3A_255 = arith.addf %while3A_191, %mul3A_254 : vector<16xf32>
          %slice3A_256 = vector.extract_strided_slice %masked_cumsum3A_244 {offsets = [15], sizes = [1], strides = [1]} : vector<16xf32> to vector<1xf32>
          %squeeze3A_257 = vector.extract %slice3A_256[0] : f32 from vector<1xf32>
          %add3A_258 = arith.addf %while3A_183, %squeeze3A_257 : f32
          %add3A_259 = arith.constant 6912 : i32
          %add3A_260 = vector.broadcast %add3A_259 : i32 to vector<16xi32>
          %add3A_261 = arith.addi %get3A_200, %add3A_260 : vector<16xi32>
          %gather3A_262 = tpu.vector_load_idx %arg6[%add3A_261] : memref<18432xf32, #tpu.memory_space<vmem>>[vector<16xi32>], vector<16xf32>,
          %broadcast_in_dim3A_263 = arith.constant true
          %broadcast_in_dim3A_264 = vector.broadcast %broadcast_in_dim3A_263 : i1 to vector<16xi1>
          %masked_cumsum3A_265 = tpu.scan <sum>, %gather3A_262 masked %broadcast_in_dim3A_264 : vector<16xf32>, vector<16xi1> -> vector<16xf32>
          %sub3A_266 = arith.constant 2.000000e-01 : f32
          %sub3A_267 = arith.subf %sub3A_266, %while3A_184 : f32
          %sub3A_268 = vector.broadcast %sub3A_267 : f32 to vector<16xf32>
          %sub3A_269 = arith.subf %sub3A_268, %masked_cumsum3A_265 : vector<16xf32>
          %add3A_270 = arith.addf %sub3A_269, %gather3A_262 : vector<16xf32>
          %max3A_271 = arith.constant 0.000000e+00 : f32
          %max3A_272 = vector.broadcast %max3A_271 : f32 to vector<16xf32>
          %max3A_273 = arith.maximumf %add3A_270, %max3A_272 : vector<16xf32>
          %min3A_274 = arith.minimumf %gather3A_262, %max3A_273 : vector<16xf32>
          %mul3A_275 = arith.mulf %min3A_274, %get3A_202 : vector<16xf32>
          %add3A_276 = arith.addf %while3A_192, %mul3A_275 : vector<16xf32>
          %slice3A_277 = vector.extract_strided_slice %masked_cumsum3A_265 {offsets = [15], sizes = [1], strides = [1]} : vector<16xf32> to vector<1xf32>
          %squeeze3A_278 = vector.extract %slice3A_277[0] : f32 from vector<1xf32>
          %add3A_279 = arith.addf %while3A_184, %squeeze3A_278 : f32
          %add3A_280 = arith.constant 9216 : i32
          %add3A_281 = vector.broadcast %add3A_280 : i32 to vector<16xi32>
          %add3A_282 = arith.addi %get3A_200, %add3A_281 : vector<16xi32>
          %gather3A_283 = tpu.vector_load_idx %arg6[%add3A_282] : memref<18432xf32, #tpu.memory_space<vmem>>[vector<16xi32>], vector<16xf32>,
          %broadcast_in_dim3A_284 = arith.constant true
          %broadcast_in_dim3A_285 = vector.broadcast %broadcast_in_dim3A_284 : i1 to vector<16xi1>
          %masked_cumsum3A_286 = tpu.scan <sum>, %gather3A_283 masked %broadcast_in_dim3A_285 : vector<16xf32>, vector<16xi1> -> vector<16xf32>
          %sub3A_287 = arith.constant 2.000000e-01 : f32
          %sub3A_288 = arith.subf %sub3A_287, %while3A_185 : f32
          %sub3A_289 = vector.broadcast %sub3A_288 : f32 to vector<16xf32>
          %sub3A_290 = arith.subf %sub3A_289, %masked_cumsum3A_286 : vector<16xf32>
          %add3A_291 = arith.addf %sub3A_290, %gather3A_283 : vector<16xf32>
          %max3A_292 = arith.constant 0.000000e+00 : f32
          %max3A_293 = vector.broadcast %max3A_292 : f32 to vector<16xf32>
          %max3A_294 = arith.maximumf %add3A_291, %max3A_293 : vector<16xf32>
          %min3A_295 = arith.minimumf %gather3A_283, %max3A_294 : vector<16xf32>
          %mul3A_296 = arith.mulf %min3A_295, %get3A_202 : vector<16xf32>
          %add3A_297 = arith.addf %while3A_193, %mul3A_296 : vector<16xf32>
          %slice3A_298 = vector.extract_strided_slice %masked_cumsum3A_286 {offsets = [15], sizes = [1], strides = [1]} : vector<16xf32> to vector<1xf32>
          %squeeze3A_299 = vector.extract %slice3A_298[0] : f32 from vector<1xf32>
          %add3A_300 = arith.addf %while3A_185, %squeeze3A_299 : f32
          %add3A_301 = arith.constant 11520 : i32
          %add3A_302 = vector.broadcast %add3A_301 : i32 to vector<16xi32>
          %add3A_303 = arith.addi %get3A_200, %add3A_302 : vector<16xi32>
          %gather3A_304 = tpu.vector_load_idx %arg6[%add3A_303] : memref<18432xf32, #tpu.memory_space<vmem>>[vector<16xi32>], vector<16xf32>,
          %broadcast_in_dim3A_305 = arith.constant true
          %broadcast_in_dim3A_306 = vector.broadcast %broadcast_in_dim3A_305 : i1 to vector<16xi1>
          %masked_cumsum3A_307 = tpu.scan <sum>, %gather3A_304 masked %broadcast_in_dim3A_306 : vector<16xf32>, vector<16xi1> -> vector<16xf32>
          %sub3A_308 = arith.constant 2.000000e-01 : f32
          %sub3A_309 = arith.subf %sub3A_308, %while3A_186 : f32
          %sub3A_310 = vector.broadcast %sub3A_309 : f32 to vector<16xf32>
          %sub3A_311 = arith.subf %sub3A_310, %masked_cumsum3A_307 : vector<16xf32>
          %add3A_312 = arith.addf %sub3A_311, %gather3A_304 : vector<16xf32>
          %max3A_313 = arith.constant 0.000000e+00 : f32
          %max3A_314 = vector.broadcast %max3A_313 : f32 to vector<16xf32>
          %max3A_315 = arith.maximumf %add3A_312, %max3A_314 : vector<16xf32>
          %min3A_316 = arith.minimumf %gather3A_304, %max3A_315 : vector<16xf32>
          %mul3A_317 = arith.mulf %min3A_316, %get3A_202 : vector<16xf32>
          %add3A_318 = arith.addf %while3A_194, %mul3A_317 : vector<16xf32>
          %slice3A_319 = vector.extract_strided_slice %masked_cumsum3A_307 {offsets = [15], sizes = [1], strides = [1]} : vector<16xf32> to vector<1xf32>
          %squeeze3A_320 = vector.extract %slice3A_319[0] : f32 from vector<1xf32>
          %add3A_321 = arith.addf %while3A_186, %squeeze3A_320 : f32
          %add3A_322 = arith.constant 13824 : i32
          %add3A_323 = vector.broadcast %add3A_322 : i32 to vector<16xi32>
          %add3A_324 = arith.addi %get3A_200, %add3A_323 : vector<16xi32>
          %gather3A_325 = tpu.vector_load_idx %arg6[%add3A_324] : memref<18432xf32, #tpu.memory_space<vmem>>[vector<16xi32>], vector<16xf32>,
          %broadcast_in_dim3A_326 = arith.constant true
          %broadcast_in_dim3A_327 = vector.broadcast %broadcast_in_dim3A_326 : i1 to vector<16xi1>
          %masked_cumsum3A_328 = tpu.scan <sum>, %gather3A_325 masked %broadcast_in_dim3A_327 : vector<16xf32>, vector<16xi1> -> vector<16xf32>
          %sub3A_329 = arith.constant 2.000000e-01 : f32
          %sub3A_330 = arith.subf %sub3A_329, %while3A_187 : f32
          %sub3A_331 = vector.broadcast %sub3A_330 : f32 to vector<16xf32>
          %sub3A_332 = arith.subf %sub3A_331, %masked_cumsum3A_328 : vector<16xf32>
          %add3A_333 = arith.addf %sub3A_332, %gather3A_325 : vector<16xf32>
          %max3A_334 = arith.constant 0.000000e+00 : f32
          %max3A_335 = vector.broadcast %max3A_334 : f32 to vector<16xf32>
          %max3A_336 = arith.maximumf %add3A_333, %max3A_335 : vector<16xf32>
          %min3A_337 = arith.minimumf %gather3A_325, %max3A_336 : vector<16xf32>
          %mul3A_338 = arith.mulf %min3A_337, %get3A_202 : vector<16xf32>
          %add3A_339 = arith.addf %while3A_195, %mul3A_338 : vector<16xf32>
          %slice3A_340 = vector.extract_strided_slice %masked_cumsum3A_328 {offsets = [15], sizes = [1], strides = [1]} : vector<16xf32> to vector<1xf32>
          %squeeze3A_341 = vector.extract %slice3A_340[0] : f32 from vector<1xf32>
          %add3A_342 = arith.addf %while3A_187, %squeeze3A_341 : f32
          %add3A_343 = arith.constant 16128 : i32
          %add3A_344 = vector.broadcast %add3A_343 : i32 to vector<16xi32>
          %add3A_345 = arith.addi %get3A_200, %add3A_344 : vector<16xi32>
          %gather3A_346 = tpu.vector_load_idx %arg6[%add3A_345] : memref<18432xf32, #tpu.memory_space<vmem>>[vector<16xi32>], vector<16xf32>,
          %broadcast_in_dim3A_347 = arith.constant true
          %broadcast_in_dim3A_348 = vector.broadcast %broadcast_in_dim3A_347 : i1 to vector<16xi1>
          %masked_cumsum3A_349 = tpu.scan <sum>, %gather3A_346 masked %broadcast_in_dim3A_348 : vector<16xf32>, vector<16xi1> -> vector<16xf32>
          %sub3A_350 = arith.constant 2.000000e-01 : f32
          %sub3A_351 = arith.subf %sub3A_350, %while3A_188 : f32
          %sub3A_352 = vector.broadcast %sub3A_351 : f32 to vector<16xf32>
          %sub3A_353 = arith.subf %sub3A_352, %masked_cumsum3A_349 : vector<16xf32>
          %add3A_354 = arith.addf %sub3A_353, %gather3A_346 : vector<16xf32>
          %max3A_355 = arith.constant 0.000000e+00 : f32
          %max3A_356 = vector.broadcast %max3A_355 : f32 to vector<16xf32>
          %max3A_357 = arith.maximumf %add3A_354, %max3A_356 : vector<16xf32>
          %min3A_358 = arith.minimumf %gather3A_346, %max3A_357 : vector<16xf32>
          %mul3A_359 = arith.mulf %min3A_358, %get3A_202 : vector<16xf32>
          %add3A_360 = arith.addf %while3A_196, %mul3A_359 : vector<16xf32>
          %slice3A_361 = vector.extract_strided_slice %masked_cumsum3A_349 {offsets = [15], sizes = [1], strides = [1]} : vector<16xf32> to vector<1xf32>
          %squeeze3A_362 = vector.extract %slice3A_361[0] : f32 from vector<1xf32>
          %add3A_363 = arith.addf %while3A_188, %squeeze3A_362 : f32
          %add3A_364 = arith.constant 1 : i32
          %add3A_365 = arith.addi %while3A_180, %add3A_364 : i32
          %mul3A_366 = arith.constant 16 : i32
          %mul3A_367 = arith.muli %add3A_365, %mul3A_366 : i32
          %add3A_368 = arith.addi %mul3A_86, %mul3A_367 : i32
          %get3A_369 = arith.index_cast %add3A_368 : i32 to index
          %get3A_370 = tpu.vector_load %arg7[%get3A_369] {strides = array<i32>} : memref<20736xi32, #tpu.memory_space<vmem>>, vector<16xi32>,
          %get3A_371 = arith.index_cast %add3A_368 : i32 to index
          %get3A_372 = tpu.vector_load %arg8[%get3A_371] {strides = array<i32>} : memref<20736xf32, #tpu.memory_space<vmem>>, vector<16xf32>,
          %add3A_373 = arith.constant 0 : i32
          %add3A_374 = vector.broadcast %add3A_373 : i32 to vector<16xi32>
          %add3A_375 = arith.addi %get3A_370, %add3A_374 : vector<16xi32>
          %gather3A_376 = tpu.vector_load_idx %arg6[%add3A_375] : memref<18432xf32, #tpu.memory_space<vmem>>[vector<16xi32>], vector<16xf32>,
          %broadcast_in_dim3A_377 = arith.constant true
          %broadcast_in_dim3A_378 = vector.broadcast %broadcast_in_dim3A_377 : i1 to vector<16xi1>
          %masked_cumsum3A_379 = tpu.scan <sum>, %gather3A_376 masked %broadcast_in_dim3A_378 : vector<16xf32>, vector<16xi1> -> vector<16xf32>
          %sub3A_380 = arith.constant 2.000000e-01 : f32
          %sub3A_381 = arith.subf %sub3A_380, %add3A_216 : f32
          %sub3A_382 = vector.broadcast %sub3A_381 : f32 to vector<16xf32>
          %sub3A_383 = arith.subf %sub3A_382, %masked_cumsum3A_379 : vector<16xf32>
          %add3A_384 = arith.addf %sub3A_383, %gather3A_376 : vector<16xf32>
          %max3A_385 = arith.constant 0.000000e+00 : f32
          %max3A_386 = vector.broadcast %max3A_385 : f32 to vector<16xf32>
          %max3A_387 = arith.maximumf %add3A_384, %max3A_386 : vector<16xf32>
          %min3A_388 = arith.minimumf %gather3A_376, %max3A_387 : vector<16xf32>
          %mul3A_389 = arith.mulf %min3A_388, %get3A_372 : vector<16xf32>
          %add3A_390 = arith.addf %add3A_215, %mul3A_389 : vector<16xf32>
          %slice3A_391 = vector.extract_strided_slice %masked_cumsum3A_379 {offsets = [15], sizes = [1], strides = [1]} : vector<16xf32> to vector<1xf32>
          %squeeze3A_392 = vector.extract %slice3A_391[0] : f32 from vector<1xf32>
          %add3A_393 = arith.addf %add3A_216, %squeeze3A_392 : f32
          %add3A_394 = arith.constant 2304 : i32
          %add3A_395 = vector.broadcast %add3A_394 : i32 to vector<16xi32>
          %add3A_396 = arith.addi %get3A_370, %add3A_395 : vector<16xi32>
          %gather3A_397 = tpu.vector_load_idx %arg6[%add3A_396] : memref<18432xf32, #tpu.memory_space<vmem>>[vector<16xi32>], vector<16xf32>,
          %broadcast_in_dim3A_398 = arith.constant true
          %broadcast_in_dim3A_399 = vector.broadcast %broadcast_in_dim3A_398 : i1 to vector<16xi1>
          %masked_cumsum3A_400 = tpu.scan <sum>, %gather3A_397 masked %broadcast_in_dim3A_399 : vector<16xf32>, vector<16xi1> -> vector<16xf32>
          %sub3A_401 = arith.constant 2.000000e-01 : f32
          %sub3A_402 = arith.subf %sub3A_401, %add3A_237 : f32
          %sub3A_403 = vector.broadcast %sub3A_402 : f32 to vector<16xf32>
          %sub3A_404 = arith.subf %sub3A_403, %masked_cumsum3A_400 : vector<16xf32>
          %add3A_405 = arith.addf %sub3A_404, %gather3A_397 : vector<16xf32>
          %max3A_406 = arith.constant 0.000000e+00 : f32
          %max3A_407 = vector.broadcast %max3A_406 : f32 to vector<16xf32>
          %max3A_408 = arith.maximumf %add3A_405, %max3A_407 : vector<16xf32>
          %min3A_409 = arith.minimumf %gather3A_397, %max3A_408 : vector<16xf32>
          %mul3A_410 = arith.mulf %min3A_409, %get3A_372 : vector<16xf32>
          %add3A_411 = arith.addf %add3A_234, %mul3A_410 : vector<16xf32>
          %slice3A_412 = vector.extract_strided_slice %masked_cumsum3A_400 {offsets = [15], sizes = [1], strides = [1]} : vector<16xf32> to vector<1xf32>
          %squeeze3A_413 = vector.extract %slice3A_412[0] : f32 from vector<1xf32>
          %add3A_414 = arith.addf %add3A_237, %squeeze3A_413 : f32
          %add3A_415 = arith.constant 4608 : i32
          %add3A_416 = vector.broadcast %add3A_415 : i32 to vector<16xi32>
          %add3A_417 = arith.addi %get3A_370, %add3A_416 : vector<16xi32>
          %gather3A_418 = tpu.vector_load_idx %arg6[%add3A_417] : memref<18432xf32, #tpu.memory_space<vmem>>[vector<16xi32>], vector<16xf32>,
          %broadcast_in_dim3A_419 = arith.constant true
          %broadcast_in_dim3A_420 = vector.broadcast %broadcast_in_dim3A_419 : i1 to vector<16xi1>
          %masked_cumsum3A_421 = tpu.scan <sum>, %gather3A_418 masked %broadcast_in_dim3A_420 : vector<16xf32>, vector<16xi1> -> vector<16xf32>
          %sub3A_422 = arith.constant 2.000000e-01 : f32
          %sub3A_423 = arith.subf %sub3A_422, %add3A_258 : f32
          %sub3A_424 = vector.broadcast %sub3A_423 : f32 to vector<16xf32>
          %sub3A_425 = arith.subf %sub3A_424, %masked_cumsum3A_421 : vector<16xf32>
          %add3A_426 = arith.addf %sub3A_425, %gather3A_418 : vector<16xf32>
          %max3A_427 = arith.constant 0.000000e+00 : f32
          %max3A_428 = vector.broadcast %max3A_427 : f32 to vector<16xf32>
          %max3A_429 = arith.maximumf %add3A_426, %max3A_428 : vector<16xf32>
          %min3A_430 = arith.minimumf %gather3A_418, %max3A_429 : vector<16xf32>
          %mul3A_431 = arith.mulf %min3A_430, %get3A_372 : vector<16xf32>
          %add3A_432 = arith.addf %add3A_255, %mul3A_431 : vector<16xf32>
          %slice3A_433 = vector.extract_strided_slice %masked_cumsum3A_421 {offsets = [15], sizes = [1], strides = [1]} : vector<16xf32> to vector<1xf32>
          %squeeze3A_434 = vector.extract %slice3A_433[0] : f32 from vector<1xf32>
          %add3A_435 = arith.addf %add3A_258, %squeeze3A_434 : f32
          %add3A_436 = arith.constant 6912 : i32
          %add3A_437 = vector.broadcast %add3A_436 : i32 to vector<16xi32>
          %add3A_438 = arith.addi %get3A_370, %add3A_437 : vector<16xi32>
          %gather3A_439 = tpu.vector_load_idx %arg6[%add3A_438] : memref<18432xf32, #tpu.memory_space<vmem>>[vector<16xi32>], vector<16xf32>,
          %broadcast_in_dim3A_440 = arith.constant true
          %broadcast_in_dim3A_441 = vector.broadcast %broadcast_in_dim3A_440 : i1 to vector<16xi1>
          %masked_cumsum3A_442 = tpu.scan <sum>, %gather3A_439 masked %broadcast_in_dim3A_441 : vector<16xf32>, vector<16xi1> -> vector<16xf32>
          %sub3A_443 = arith.constant 2.000000e-01 : f32
          %sub3A_444 = arith.subf %sub3A_443, %add3A_279 : f32
          %sub3A_445 = vector.broadcast %sub3A_444 : f32 to vector<16xf32>
          %sub3A_446 = arith.subf %sub3A_445, %masked_cumsum3A_442 : vector<16xf32>
          %add3A_447 = arith.addf %sub3A_446, %gather3A_439 : vector<16xf32>
          %max3A_448 = arith.constant 0.000000e+00 : f32
          %max3A_449 = vector.broadcast %max3A_448 : f32 to vector<16xf32>
          %max3A_450 = arith.maximumf %add3A_447, %max3A_449 : vector<16xf32>
          %min3A_451 = arith.minimumf %gather3A_439, %max3A_450 : vector<16xf32>
          %mul3A_452 = arith.mulf %min3A_451, %get3A_372 : vector<16xf32>
          %add3A_453 = arith.addf %add3A_276, %mul3A_452 : vector<16xf32>
          %slice3A_454 = vector.extract_strided_slice %masked_cumsum3A_442 {offsets = [15], sizes = [1], strides = [1]} : vector<16xf32> to vector<1xf32>
          %squeeze3A_455 = vector.extract %slice3A_454[0] : f32 from vector<1xf32>
          %add3A_456 = arith.addf %add3A_279, %squeeze3A_455 : f32
          %add3A_457 = arith.constant 9216 : i32
          %add3A_458 = vector.broadcast %add3A_457 : i32 to vector<16xi32>
          %add3A_459 = arith.addi %get3A_370, %add3A_458 : vector<16xi32>
          %gather3A_460 = tpu.vector_load_idx %arg6[%add3A_459] : memref<18432xf32, #tpu.memory_space<vmem>>[vector<16xi32>], vector<16xf32>,
          %broadcast_in_dim3A_461 = arith.constant true
          %broadcast_in_dim3A_462 = vector.broadcast %broadcast_in_dim3A_461 : i1 to vector<16xi1>
          %masked_cumsum3A_463 = tpu.scan <sum>, %gather3A_460 masked %broadcast_in_dim3A_462 : vector<16xf32>, vector<16xi1> -> vector<16xf32>
          %sub3A_464 = arith.constant 2.000000e-01 : f32
          %sub3A_465 = arith.subf %sub3A_464, %add3A_300 : f32
          %sub3A_466 = vector.broadcast %sub3A_465 : f32 to vector<16xf32>
          %sub3A_467 = arith.subf %sub3A_466, %masked_cumsum3A_463 : vector<16xf32>
          %add3A_468 = arith.addf %sub3A_467, %gather3A_460 : vector<16xf32>
          %max3A_469 = arith.constant 0.000000e+00 : f32
          %max3A_470 = vector.broadcast %max3A_469 : f32 to vector<16xf32>
          %max3A_471 = arith.maximumf %add3A_468, %max3A_470 : vector<16xf32>
          %min3A_472 = arith.minimumf %gather3A_460, %max3A_471 : vector<16xf32>
          %mul3A_473 = arith.mulf %min3A_472, %get3A_372 : vector<16xf32>
          %add3A_474 = arith.addf %add3A_297, %mul3A_473 : vector<16xf32>
          %slice3A_475 = vector.extract_strided_slice %masked_cumsum3A_463 {offsets = [15], sizes = [1], strides = [1]} : vector<16xf32> to vector<1xf32>
          %squeeze3A_476 = vector.extract %slice3A_475[0] : f32 from vector<1xf32>
          %add3A_477 = arith.addf %add3A_300, %squeeze3A_476 : f32
          %add3A_478 = arith.constant 11520 : i32
          %add3A_479 = vector.broadcast %add3A_478 : i32 to vector<16xi32>
          %add3A_480 = arith.addi %get3A_370, %add3A_479 : vector<16xi32>
          %gather3A_481 = tpu.vector_load_idx %arg6[%add3A_480] : memref<18432xf32, #tpu.memory_space<vmem>>[vector<16xi32>], vector<16xf32>,
          %broadcast_in_dim3A_482 = arith.constant true
          %broadcast_in_dim3A_483 = vector.broadcast %broadcast_in_dim3A_482 : i1 to vector<16xi1>
          %masked_cumsum3A_484 = tpu.scan <sum>, %gather3A_481 masked %broadcast_in_dim3A_483 : vector<16xf32>, vector<16xi1> -> vector<16xf32>
          %sub3A_485 = arith.constant 2.000000e-01 : f32
          %sub3A_486 = arith.subf %sub3A_485, %add3A_321 : f32
          %sub3A_487 = vector.broadcast %sub3A_486 : f32 to vector<16xf32>
          %sub3A_488 = arith.subf %sub3A_487, %masked_cumsum3A_484 : vector<16xf32>
          %add3A_489 = arith.addf %sub3A_488, %gather3A_481 : vector<16xf32>
          %max3A_490 = arith.constant 0.000000e+00 : f32
          %max3A_491 = vector.broadcast %max3A_490 : f32 to vector<16xf32>
          %max3A_492 = arith.maximumf %add3A_489, %max3A_491 : vector<16xf32>
          %min3A_493 = arith.minimumf %gather3A_481, %max3A_492 : vector<16xf32>
          %mul3A_494 = arith.mulf %min3A_493, %get3A_372 : vector<16xf32>
          %add3A_495 = arith.addf %add3A_318, %mul3A_494 : vector<16xf32>
          %slice3A_496 = vector.extract_strided_slice %masked_cumsum3A_484 {offsets = [15], sizes = [1], strides = [1]} : vector<16xf32> to vector<1xf32>
          %squeeze3A_497 = vector.extract %slice3A_496[0] : f32 from vector<1xf32>
          %add3A_498 = arith.addf %add3A_321, %squeeze3A_497 : f32
          %add3A_499 = arith.constant 13824 : i32
          %add3A_500 = vector.broadcast %add3A_499 : i32 to vector<16xi32>
          %add3A_501 = arith.addi %get3A_370, %add3A_500 : vector<16xi32>
          %gather3A_502 = tpu.vector_load_idx %arg6[%add3A_501] : memref<18432xf32, #tpu.memory_space<vmem>>[vector<16xi32>], vector<16xf32>,
          %broadcast_in_dim3A_503 = arith.constant true
          %broadcast_in_dim3A_504 = vector.broadcast %broadcast_in_dim3A_503 : i1 to vector<16xi1>
          %masked_cumsum3A_505 = tpu.scan <sum>, %gather3A_502 masked %broadcast_in_dim3A_504 : vector<16xf32>, vector<16xi1> -> vector<16xf32>
          %sub3A_506 = arith.constant 2.000000e-01 : f32
          %sub3A_507 = arith.subf %sub3A_506, %add3A_342 : f32
          %sub3A_508 = vector.broadcast %sub3A_507 : f32 to vector<16xf32>
          %sub3A_509 = arith.subf %sub3A_508, %masked_cumsum3A_505 : vector<16xf32>
          %add3A_510 = arith.addf %sub3A_509, %gather3A_502 : vector<16xf32>
          %max3A_511 = arith.constant 0.000000e+00 : f32
          %max3A_512 = vector.broadcast %max3A_511 : f32 to vector<16xf32>
          %max3A_513 = arith.maximumf %add3A_510, %max3A_512 : vector<16xf32>
          %min3A_514 = arith.minimumf %gather3A_502, %max3A_513 : vector<16xf32>
          %mul3A_515 = arith.mulf %min3A_514, %get3A_372 : vector<16xf32>
          %add3A_516 = arith.addf %add3A_339, %mul3A_515 : vector<16xf32>
          %slice3A_517 = vector.extract_strided_slice %masked_cumsum3A_505 {offsets = [15], sizes = [1], strides = [1]} : vector<16xf32> to vector<1xf32>
          %squeeze3A_518 = vector.extract %slice3A_517[0] : f32 from vector<1xf32>
          %add3A_519 = arith.addf %add3A_342, %squeeze3A_518 : f32
          %add3A_520 = arith.constant 16128 : i32
          %add3A_521 = vector.broadcast %add3A_520 : i32 to vector<16xi32>
          %add3A_522 = arith.addi %get3A_370, %add3A_521 : vector<16xi32>
          %gather3A_523 = tpu.vector_load_idx %arg6[%add3A_522] : memref<18432xf32, #tpu.memory_space<vmem>>[vector<16xi32>], vector<16xf32>,
          %broadcast_in_dim3A_524 = arith.constant true
          %broadcast_in_dim3A_525 = vector.broadcast %broadcast_in_dim3A_524 : i1 to vector<16xi1>
          %masked_cumsum3A_526 = tpu.scan <sum>, %gather3A_523 masked %broadcast_in_dim3A_525 : vector<16xf32>, vector<16xi1> -> vector<16xf32>
          %sub3A_527 = arith.constant 2.000000e-01 : f32
          %sub3A_528 = arith.subf %sub3A_527, %add3A_363 : f32
          %sub3A_529 = vector.broadcast %sub3A_528 : f32 to vector<16xf32>
          %sub3A_530 = arith.subf %sub3A_529, %masked_cumsum3A_526 : vector<16xf32>
          %add3A_531 = arith.addf %sub3A_530, %gather3A_523 : vector<16xf32>
          %max3A_532 = arith.constant 0.000000e+00 : f32
          %max3A_533 = vector.broadcast %max3A_532 : f32 to vector<16xf32>
          %max3A_534 = arith.maximumf %add3A_531, %max3A_533 : vector<16xf32>
          %min3A_535 = arith.minimumf %gather3A_523, %max3A_534 : vector<16xf32>
          %mul3A_536 = arith.mulf %min3A_535, %get3A_372 : vector<16xf32>
          %add3A_537 = arith.addf %add3A_360, %mul3A_536 : vector<16xf32>
          %slice3A_538 = vector.extract_strided_slice %masked_cumsum3A_526 {offsets = [15], sizes = [1], strides = [1]} : vector<16xf32> to vector<1xf32>
          %squeeze3A_539 = vector.extract %slice3A_538[0] : f32 from vector<1xf32>
          %add3A_540 = arith.addf %add3A_363, %squeeze3A_539 : f32
          %add3A_541 = arith.constant 1 : i32
          %add3A_542 = arith.addi %add3A_365, %add3A_541 : i32
          %mul3A_543 = arith.constant 16 : i32
          %mul3A_544 = arith.muli %add3A_542, %mul3A_543 : i32
          %add3A_545 = arith.addi %mul3A_86, %mul3A_544 : i32
          %get3A_546 = arith.index_cast %add3A_545 : i32 to index
          %get3A_547 = tpu.vector_load %arg7[%get3A_546] {strides = array<i32>} : memref<20736xi32, #tpu.memory_space<vmem>>, vector<16xi32>,
          %get3A_548 = arith.index_cast %add3A_545 : i32 to index
          %get3A_549 = tpu.vector_load %arg8[%get3A_548] {strides = array<i32>} : memref<20736xf32, #tpu.memory_space<vmem>>, vector<16xf32>,
          %add3A_550 = arith.constant 0 : i32
          %add3A_551 = vector.broadcast %add3A_550 : i32 to vector<16xi32>
          %add3A_552 = arith.addi %get3A_547, %add3A_551 : vector<16xi32>
          %gather3A_553 = tpu.vector_load_idx %arg6[%add3A_552] : memref<18432xf32, #tpu.memory_space<vmem>>[vector<16xi32>], vector<16xf32>,
          %broadcast_in_dim3A_554 = arith.constant true
          %broadcast_in_dim3A_555 = vector.broadcast %broadcast_in_dim3A_554 : i1 to vector<16xi1>
          %masked_cumsum3A_556 = tpu.scan <sum>, %gather3A_553 masked %broadcast_in_dim3A_555 : vector<16xf32>, vector<16xi1> -> vector<16xf32>
          %sub3A_557 = arith.constant 2.000000e-01 : f32
          %sub3A_558 = arith.subf %sub3A_557, %add3A_393 : f32
          %sub3A_559 = vector.broadcast %sub3A_558 : f32 to vector<16xf32>
          %sub3A_560 = arith.subf %sub3A_559, %masked_cumsum3A_556 : vector<16xf32>
          %add3A_561 = arith.addf %sub3A_560, %gather3A_553 : vector<16xf32>
          %max3A_562 = arith.constant 0.000000e+00 : f32
          %max3A_563 = vector.broadcast %max3A_562 : f32 to vector<16xf32>
          %max3A_564 = arith.maximumf %add3A_561, %max3A_563 : vector<16xf32>
          %min3A_565 = arith.minimumf %gather3A_553, %max3A_564 : vector<16xf32>
          %mul3A_566 = arith.mulf %min3A_565, %get3A_549 : vector<16xf32>
          %add3A_567 = arith.addf %add3A_390, %mul3A_566 : vector<16xf32>
          %slice3A_568 = vector.extract_strided_slice %masked_cumsum3A_556 {offsets = [15], sizes = [1], strides = [1]} : vector<16xf32> to vector<1xf32>
          %squeeze3A_569 = vector.extract %slice3A_568[0] : f32 from vector<1xf32>
          %add3A_570 = arith.addf %add3A_393, %squeeze3A_569 : f32
          %add3A_571 = arith.constant 2304 : i32
          %add3A_572 = vector.broadcast %add3A_571 : i32 to vector<16xi32>
          %add3A_573 = arith.addi %get3A_547, %add3A_572 : vector<16xi32>
          %gather3A_574 = tpu.vector_load_idx %arg6[%add3A_573] : memref<18432xf32, #tpu.memory_space<vmem>>[vector<16xi32>], vector<16xf32>,
          %broadcast_in_dim3A_575 = arith.constant true
          %broadcast_in_dim3A_576 = vector.broadcast %broadcast_in_dim3A_575 : i1 to vector<16xi1>
          %masked_cumsum3A_577 = tpu.scan <sum>, %gather3A_574 masked %broadcast_in_dim3A_576 : vector<16xf32>, vector<16xi1> -> vector<16xf32>
          %sub3A_578 = arith.constant 2.000000e-01 : f32
          %sub3A_579 = arith.subf %sub3A_578, %add3A_414 : f32
          %sub3A_580 = vector.broadcast %sub3A_579 : f32 to vector<16xf32>
          %sub3A_581 = arith.subf %sub3A_580, %masked_cumsum3A_577 : vector<16xf32>
          %add3A_582 = arith.addf %sub3A_581, %gather3A_574 : vector<16xf32>
          %max3A_583 = arith.constant 0.000000e+00 : f32
          %max3A_584 = vector.broadcast %max3A_583 : f32 to vector<16xf32>
          %max3A_585 = arith.maximumf %add3A_582, %max3A_584 : vector<16xf32>
          %min3A_586 = arith.minimumf %gather3A_574, %max3A_585 : vector<16xf32>
          %mul3A_587 = arith.mulf %min3A_586, %get3A_549 : vector<16xf32>
          %add3A_588 = arith.addf %add3A_411, %mul3A_587 : vector<16xf32>
          %slice3A_589 = vector.extract_strided_slice %masked_cumsum3A_577 {offsets = [15], sizes = [1], strides = [1]} : vector<16xf32> to vector<1xf32>
          %squeeze3A_590 = vector.extract %slice3A_589[0] : f32 from vector<1xf32>
          %add3A_591 = arith.addf %add3A_414, %squeeze3A_590 : f32
          %add3A_592 = arith.constant 4608 : i32
          %add3A_593 = vector.broadcast %add3A_592 : i32 to vector<16xi32>
          %add3A_594 = arith.addi %get3A_547, %add3A_593 : vector<16xi32>
          %gather3A_595 = tpu.vector_load_idx %arg6[%add3A_594] : memref<18432xf32, #tpu.memory_space<vmem>>[vector<16xi32>], vector<16xf32>,
          %broadcast_in_dim3A_596 = arith.constant true
          %broadcast_in_dim3A_597 = vector.broadcast %broadcast_in_dim3A_596 : i1 to vector<16xi1>
          %masked_cumsum3A_598 = tpu.scan <sum>, %gather3A_595 masked %broadcast_in_dim3A_597 : vector<16xf32>, vector<16xi1> -> vector<16xf32>
          %sub3A_599 = arith.constant 2.000000e-01 : f32
          %sub3A_600 = arith.subf %sub3A_599, %add3A_435 : f32
          %sub3A_601 = vector.broadcast %sub3A_600 : f32 to vector<16xf32>
          %sub3A_602 = arith.subf %sub3A_601, %masked_cumsum3A_598 : vector<16xf32>
          %add3A_603 = arith.addf %sub3A_602, %gather3A_595 : vector<16xf32>
          %max3A_604 = arith.constant 0.000000e+00 : f32
          %max3A_605 = vector.broadcast %max3A_604 : f32 to vector<16xf32>
          %max3A_606 = arith.maximumf %add3A_603, %max3A_605 : vector<16xf32>
          %min3A_607 = arith.minimumf %gather3A_595, %max3A_606 : vector<16xf32>
          %mul3A_608 = arith.mulf %min3A_607, %get3A_549 : vector<16xf32>
          %add3A_609 = arith.addf %add3A_432, %mul3A_608 : vector<16xf32>
          %slice3A_610 = vector.extract_strided_slice %masked_cumsum3A_598 {offsets = [15], sizes = [1], strides = [1]} : vector<16xf32> to vector<1xf32>
          %squeeze3A_611 = vector.extract %slice3A_610[0] : f32 from vector<1xf32>
          %add3A_612 = arith.addf %add3A_435, %squeeze3A_611 : f32
          %add3A_613 = arith.constant 6912 : i32
          %add3A_614 = vector.broadcast %add3A_613 : i32 to vector<16xi32>
          %add3A_615 = arith.addi %get3A_547, %add3A_614 : vector<16xi32>
          %gather3A_616 = tpu.vector_load_idx %arg6[%add3A_615] : memref<18432xf32, #tpu.memory_space<vmem>>[vector<16xi32>], vector<16xf32>,
          %broadcast_in_dim3A_617 = arith.constant true
          %broadcast_in_dim3A_618 = vector.broadcast %broadcast_in_dim3A_617 : i1 to vector<16xi1>
          %masked_cumsum3A_619 = tpu.scan <sum>, %gather3A_616 masked %broadcast_in_dim3A_618 : vector<16xf32>, vector<16xi1> -> vector<16xf32>
          %sub3A_620 = arith.constant 2.000000e-01 : f32
          %sub3A_621 = arith.subf %sub3A_620, %add3A_456 : f32
          %sub3A_622 = vector.broadcast %sub3A_621 : f32 to vector<16xf32>
          %sub3A_623 = arith.subf %sub3A_622, %masked_cumsum3A_619 : vector<16xf32>
          %add3A_624 = arith.addf %sub3A_623, %gather3A_616 : vector<16xf32>
          %max3A_625 = arith.constant 0.000000e+00 : f32
          %max3A_626 = vector.broadcast %max3A_625 : f32 to vector<16xf32>
          %max3A_627 = arith.maximumf %add3A_624, %max3A_626 : vector<16xf32>
          %min3A_628 = arith.minimumf %gather3A_616, %max3A_627 : vector<16xf32>
          %mul3A_629 = arith.mulf %min3A_628, %get3A_549 : vector<16xf32>
          %add3A_630 = arith.addf %add3A_453, %mul3A_629 : vector<16xf32>
          %slice3A_631 = vector.extract_strided_slice %masked_cumsum3A_619 {offsets = [15], sizes = [1], strides = [1]} : vector<16xf32> to vector<1xf32>
          %squeeze3A_632 = vector.extract %slice3A_631[0] : f32 from vector<1xf32>
          %add3A_633 = arith.addf %add3A_456, %squeeze3A_632 : f32
          %add3A_634 = arith.constant 9216 : i32
          %add3A_635 = vector.broadcast %add3A_634 : i32 to vector<16xi32>
          %add3A_636 = arith.addi %get3A_547, %add3A_635 : vector<16xi32>
          %gather3A_637 = tpu.vector_load_idx %arg6[%add3A_636] : memref<18432xf32, #tpu.memory_space<vmem>>[vector<16xi32>], vector<16xf32>,
          %broadcast_in_dim3A_638 = arith.constant true
          %broadcast_in_dim3A_639 = vector.broadcast %broadcast_in_dim3A_638 : i1 to vector<16xi1>
          %masked_cumsum3A_640 = tpu.scan <sum>, %gather3A_637 masked %broadcast_in_dim3A_639 : vector<16xf32>, vector<16xi1> -> vector<16xf32>
          %sub3A_641 = arith.constant 2.000000e-01 : f32
          %sub3A_642 = arith.subf %sub3A_641, %add3A_477 : f32
          %sub3A_643 = vector.broadcast %sub3A_642 : f32 to vector<16xf32>
          %sub3A_644 = arith.subf %sub3A_643, %masked_cumsum3A_640 : vector<16xf32>
          %add3A_645 = arith.addf %sub3A_644, %gather3A_637 : vector<16xf32>
          %max3A_646 = arith.constant 0.000000e+00 : f32
          %max3A_647 = vector.broadcast %max3A_646 : f32 to vector<16xf32>
          %max3A_648 = arith.maximumf %add3A_645, %max3A_647 : vector<16xf32>
          %min3A_649 = arith.minimumf %gather3A_637, %max3A_648 : vector<16xf32>
          %mul3A_650 = arith.mulf %min3A_649, %get3A_549 : vector<16xf32>
          %add3A_651 = arith.addf %add3A_474, %mul3A_650 : vector<16xf32>
          %slice3A_652 = vector.extract_strided_slice %masked_cumsum3A_640 {offsets = [15], sizes = [1], strides = [1]} : vector<16xf32> to vector<1xf32>
          %squeeze3A_653 = vector.extract %slice3A_652[0] : f32 from vector<1xf32>
          %add3A_654 = arith.addf %add3A_477, %squeeze3A_653 : f32
          %add3A_655 = arith.constant 11520 : i32
          %add3A_656 = vector.broadcast %add3A_655 : i32 to vector<16xi32>
          %add3A_657 = arith.addi %get3A_547, %add3A_656 : vector<16xi32>
          %gather3A_658 = tpu.vector_load_idx %arg6[%add3A_657] : memref<18432xf32, #tpu.memory_space<vmem>>[vector<16xi32>], vector<16xf32>,
          %broadcast_in_dim3A_659 = arith.constant true
          %broadcast_in_dim3A_660 = vector.broadcast %broadcast_in_dim3A_659 : i1 to vector<16xi1>
          %masked_cumsum3A_661 = tpu.scan <sum>, %gather3A_658 masked %broadcast_in_dim3A_660 : vector<16xf32>, vector<16xi1> -> vector<16xf32>
          %sub3A_662 = arith.constant 2.000000e-01 : f32
          %sub3A_663 = arith.subf %sub3A_662, %add3A_498 : f32
          %sub3A_664 = vector.broadcast %sub3A_663 : f32 to vector<16xf32>
          %sub3A_665 = arith.subf %sub3A_664, %masked_cumsum3A_661 : vector<16xf32>
          %add3A_666 = arith.addf %sub3A_665, %gather3A_658 : vector<16xf32>
          %max3A_667 = arith.constant 0.000000e+00 : f32
          %max3A_668 = vector.broadcast %max3A_667 : f32 to vector<16xf32>
          %max3A_669 = arith.maximumf %add3A_666, %max3A_668 : vector<16xf32>
          %min3A_670 = arith.minimumf %gather3A_658, %max3A_669 : vector<16xf32>
          %mul3A_671 = arith.mulf %min3A_670, %get3A_549 : vector<16xf32>
          %add3A_672 = arith.addf %add3A_495, %mul3A_671 : vector<16xf32>
          %slice3A_673 = vector.extract_strided_slice %masked_cumsum3A_661 {offsets = [15], sizes = [1], strides = [1]} : vector<16xf32> to vector<1xf32>
          %squeeze3A_674 = vector.extract %slice3A_673[0] : f32 from vector<1xf32>
          %add3A_675 = arith.addf %add3A_498, %squeeze3A_674 : f32
          %add3A_676 = arith.constant 13824 : i32
          %add3A_677 = vector.broadcast %add3A_676 : i32 to vector<16xi32>
          %add3A_678 = arith.addi %get3A_547, %add3A_677 : vector<16xi32>
          %gather3A_679 = tpu.vector_load_idx %arg6[%add3A_678] : memref<18432xf32, #tpu.memory_space<vmem>>[vector<16xi32>], vector<16xf32>,
          %broadcast_in_dim3A_680 = arith.constant true
          %broadcast_in_dim3A_681 = vector.broadcast %broadcast_in_dim3A_680 : i1 to vector<16xi1>
          %masked_cumsum3A_682 = tpu.scan <sum>, %gather3A_679 masked %broadcast_in_dim3A_681 : vector<16xf32>, vector<16xi1> -> vector<16xf32>
          %sub3A_683 = arith.constant 2.000000e-01 : f32
          %sub3A_684 = arith.subf %sub3A_683, %add3A_519 : f32
          %sub3A_685 = vector.broadcast %sub3A_684 : f32 to vector<16xf32>
          %sub3A_686 = arith.subf %sub3A_685, %masked_cumsum3A_682 : vector<16xf32>
          %add3A_687 = arith.addf %sub3A_686, %gather3A_679 : vector<16xf32>
          %max3A_688 = arith.constant 0.000000e+00 : f32
          %max3A_689 = vector.broadcast %max3A_688 : f32 to vector<16xf32>
          %max3A_690 = arith.maximumf %add3A_687, %max3A_689 : vector<16xf32>
          %min3A_691 = arith.minimumf %gather3A_679, %max3A_690 : vector<16xf32>
          %mul3A_692 = arith.mulf %min3A_691, %get3A_549 : vector<16xf32>
          %add3A_693 = arith.addf %add3A_516, %mul3A_692 : vector<16xf32>
          %slice3A_694 = vector.extract_strided_slice %masked_cumsum3A_682 {offsets = [15], sizes = [1], strides = [1]} : vector<16xf32> to vector<1xf32>
          %squeeze3A_695 = vector.extract %slice3A_694[0] : f32 from vector<1xf32>
          %add3A_696 = arith.addf %add3A_519, %squeeze3A_695 : f32
          %add3A_697 = arith.constant 16128 : i32
          %add3A_698 = vector.broadcast %add3A_697 : i32 to vector<16xi32>
          %add3A_699 = arith.addi %get3A_547, %add3A_698 : vector<16xi32>
          %gather3A_700 = tpu.vector_load_idx %arg6[%add3A_699] : memref<18432xf32, #tpu.memory_space<vmem>>[vector<16xi32>], vector<16xf32>,
          %broadcast_in_dim3A_701 = arith.constant true
          %broadcast_in_dim3A_702 = vector.broadcast %broadcast_in_dim3A_701 : i1 to vector<16xi1>
          %masked_cumsum3A_703 = tpu.scan <sum>, %gather3A_700 masked %broadcast_in_dim3A_702 : vector<16xf32>, vector<16xi1> -> vector<16xf32>
          %sub3A_704 = arith.constant 2.000000e-01 : f32
          %sub3A_705 = arith.subf %sub3A_704, %add3A_540 : f32
          %sub3A_706 = vector.broadcast %sub3A_705 : f32 to vector<16xf32>
          %sub3A_707 = arith.subf %sub3A_706, %masked_cumsum3A_703 : vector<16xf32>
          %add3A_708 = arith.addf %sub3A_707, %gather3A_700 : vector<16xf32>
          %max3A_709 = arith.constant 0.000000e+00 : f32
          %max3A_710 = vector.broadcast %max3A_709 : f32 to vector<16xf32>
          %max3A_711 = arith.maximumf %add3A_708, %max3A_710 : vector<16xf32>
          %min3A_712 = arith.minimumf %gather3A_700, %max3A_711 : vector<16xf32>
          %mul3A_713 = arith.mulf %min3A_712, %get3A_549 : vector<16xf32>
          %add3A_714 = arith.addf %add3A_537, %mul3A_713 : vector<16xf32>
          %slice3A_715 = vector.extract_strided_slice %masked_cumsum3A_703 {offsets = [15], sizes = [1], strides = [1]} : vector<16xf32> to vector<1xf32>
          %squeeze3A_716 = vector.extract %slice3A_715[0] : f32 from vector<1xf32>
          %add3A_717 = arith.addf %add3A_540, %squeeze3A_716 : f32
          %add3A_718 = arith.constant 1 : i32
          %add3A_719 = arith.addi %add3A_542, %add3A_718 : i32
          %mul3A_720 = arith.constant 16 : i32
          %mul3A_721 = arith.muli %add3A_719, %mul3A_720 : i32
          %add3A_722 = arith.addi %mul3A_86, %mul3A_721 : i32
          %get3A_723 = arith.index_cast %add3A_722 : i32 to index
          %get3A_724 = tpu.vector_load %arg7[%get3A_723] {strides = array<i32>} : memref<20736xi32, #tpu.memory_space<vmem>>, vector<16xi32>,
          %get3A_725 = arith.index_cast %add3A_722 : i32 to index
          %get3A_726 = tpu.vector_load %arg8[%get3A_725] {strides = array<i32>} : memref<20736xf32, #tpu.memory_space<vmem>>, vector<16xf32>,
          %add3A_727 = arith.constant 0 : i32
          %add3A_728 = vector.broadcast %add3A_727 : i32 to vector<16xi32>
          %add3A_729 = arith.addi %get3A_724, %add3A_728 : vector<16xi32>
          %gather3A_730 = tpu.vector_load_idx %arg6[%add3A_729] : memref<18432xf32, #tpu.memory_space<vmem>>[vector<16xi32>], vector<16xf32>,
          %broadcast_in_dim3A_731 = arith.constant true
          %broadcast_in_dim3A_732 = vector.broadcast %broadcast_in_dim3A_731 : i1 to vector<16xi1>
          %masked_cumsum3A_733 = tpu.scan <sum>, %gather3A_730 masked %broadcast_in_dim3A_732 : vector<16xf32>, vector<16xi1> -> vector<16xf32>
          %sub3A_734 = arith.constant 2.000000e-01 : f32
          %sub3A_735 = arith.subf %sub3A_734, %add3A_570 : f32
          %sub3A_736 = vector.broadcast %sub3A_735 : f32 to vector<16xf32>
          %sub3A_737 = arith.subf %sub3A_736, %masked_cumsum3A_733 : vector<16xf32>
          %add3A_738 = arith.addf %sub3A_737, %gather3A_730 : vector<16xf32>
          %max3A_739 = arith.constant 0.000000e+00 : f32
          %max3A_740 = vector.broadcast %max3A_739 : f32 to vector<16xf32>
          %max3A_741 = arith.maximumf %add3A_738, %max3A_740 : vector<16xf32>
          %min3A_742 = arith.minimumf %gather3A_730, %max3A_741 : vector<16xf32>
          %mul3A_743 = arith.mulf %min3A_742, %get3A_726 : vector<16xf32>
          %add3A_744 = arith.addf %add3A_567, %mul3A_743 : vector<16xf32>
          %slice3A_745 = vector.extract_strided_slice %masked_cumsum3A_733 {offsets = [15], sizes = [1], strides = [1]} : vector<16xf32> to vector<1xf32>
          %squeeze3A_746 = vector.extract %slice3A_745[0] : f32 from vector<1xf32>
          %add3A_747 = arith.addf %add3A_570, %squeeze3A_746 : f32
          %add3A_748 = arith.constant 2304 : i32
          %add3A_749 = vector.broadcast %add3A_748 : i32 to vector<16xi32>
          %add3A_750 = arith.addi %get3A_724, %add3A_749 : vector<16xi32>
          %gather3A_751 = tpu.vector_load_idx %arg6[%add3A_750] : memref<18432xf32, #tpu.memory_space<vmem>>[vector<16xi32>], vector<16xf32>,
          %broadcast_in_dim3A_752 = arith.constant true
          %broadcast_in_dim3A_753 = vector.broadcast %broadcast_in_dim3A_752 : i1 to vector<16xi1>
          %masked_cumsum3A_754 = tpu.scan <sum>, %gather3A_751 masked %broadcast_in_dim3A_753 : vector<16xf32>, vector<16xi1> -> vector<16xf32>
          %sub3A_755 = arith.constant 2.000000e-01 : f32
          %sub3A_756 = arith.subf %sub3A_755, %add3A_591 : f32
          %sub3A_757 = vector.broadcast %sub3A_756 : f32 to vector<16xf32>
          %sub3A_758 = arith.subf %sub3A_757, %masked_cumsum3A_754 : vector<16xf32>
          %add3A_759 = arith.addf %sub3A_758, %gather3A_751 : vector<16xf32>
          %max3A_760 = arith.constant 0.000000e+00 : f32
          %max3A_761 = vector.broadcast %max3A_760 : f32 to vector<16xf32>
          %max3A_762 = arith.maximumf %add3A_759, %max3A_761 : vector<16xf32>
          %min3A_763 = arith.minimumf %gather3A_751, %max3A_762 : vector<16xf32>
          %mul3A_764 = arith.mulf %min3A_763, %get3A_726 : vector<16xf32>
          %add3A_765 = arith.addf %add3A_588, %mul3A_764 : vector<16xf32>
          %slice3A_766 = vector.extract_strided_slice %masked_cumsum3A_754 {offsets = [15], sizes = [1], strides = [1]} : vector<16xf32> to vector<1xf32>
          %squeeze3A_767 = vector.extract %slice3A_766[0] : f32 from vector<1xf32>
          %add3A_768 = arith.addf %add3A_591, %squeeze3A_767 : f32
          %add3A_769 = arith.constant 4608 : i32
          %add3A_770 = vector.broadcast %add3A_769 : i32 to vector<16xi32>
          %add3A_771 = arith.addi %get3A_724, %add3A_770 : vector<16xi32>
          %gather3A_772 = tpu.vector_load_idx %arg6[%add3A_771] : memref<18432xf32, #tpu.memory_space<vmem>>[vector<16xi32>], vector<16xf32>,
          %broadcast_in_dim3A_773 = arith.constant true
          %broadcast_in_dim3A_774 = vector.broadcast %broadcast_in_dim3A_773 : i1 to vector<16xi1>
          %masked_cumsum3A_775 = tpu.scan <sum>, %gather3A_772 masked %broadcast_in_dim3A_774 : vector<16xf32>, vector<16xi1> -> vector<16xf32>
          %sub3A_776 = arith.constant 2.000000e-01 : f32
          %sub3A_777 = arith.subf %sub3A_776, %add3A_612 : f32
          %sub3A_778 = vector.broadcast %sub3A_777 : f32 to vector<16xf32>
          %sub3A_779 = arith.subf %sub3A_778, %masked_cumsum3A_775 : vector<16xf32>
          %add3A_780 = arith.addf %sub3A_779, %gather3A_772 : vector<16xf32>
          %max3A_781 = arith.constant 0.000000e+00 : f32
          %max3A_782 = vector.broadcast %max3A_781 : f32 to vector<16xf32>
          %max3A_783 = arith.maximumf %add3A_780, %max3A_782 : vector<16xf32>
          %min3A_784 = arith.minimumf %gather3A_772, %max3A_783 : vector<16xf32>
          %mul3A_785 = arith.mulf %min3A_784, %get3A_726 : vector<16xf32>
          %add3A_786 = arith.addf %add3A_609, %mul3A_785 : vector<16xf32>
          %slice3A_787 = vector.extract_strided_slice %masked_cumsum3A_775 {offsets = [15], sizes = [1], strides = [1]} : vector<16xf32> to vector<1xf32>
          %squeeze3A_788 = vector.extract %slice3A_787[0] : f32 from vector<1xf32>
          %add3A_789 = arith.addf %add3A_612, %squeeze3A_788 : f32
          %add3A_790 = arith.constant 6912 : i32
          %add3A_791 = vector.broadcast %add3A_790 : i32 to vector<16xi32>
          %add3A_792 = arith.addi %get3A_724, %add3A_791 : vector<16xi32>
          %gather3A_793 = tpu.vector_load_idx %arg6[%add3A_792] : memref<18432xf32, #tpu.memory_space<vmem>>[vector<16xi32>], vector<16xf32>,
          %broadcast_in_dim3A_794 = arith.constant true
          %broadcast_in_dim3A_795 = vector.broadcast %broadcast_in_dim3A_794 : i1 to vector<16xi1>
          %masked_cumsum3A_796 = tpu.scan <sum>, %gather3A_793 masked %broadcast_in_dim3A_795 : vector<16xf32>, vector<16xi1> -> vector<16xf32>
          %sub3A_797 = arith.constant 2.000000e-01 : f32
          %sub3A_798 = arith.subf %sub3A_797, %add3A_633 : f32
          %sub3A_799 = vector.broadcast %sub3A_798 : f32 to vector<16xf32>
          %sub3A_800 = arith.subf %sub3A_799, %masked_cumsum3A_796 : vector<16xf32>
          %add3A_801 = arith.addf %sub3A_800, %gather3A_793 : vector<16xf32>
          %max3A_802 = arith.constant 0.000000e+00 : f32
          %max3A_803 = vector.broadcast %max3A_802 : f32 to vector<16xf32>
          %max3A_804 = arith.maximumf %add3A_801, %max3A_803 : vector<16xf32>
          %min3A_805 = arith.minimumf %gather3A_793, %max3A_804 : vector<16xf32>
          %mul3A_806 = arith.mulf %min3A_805, %get3A_726 : vector<16xf32>
          %add3A_807 = arith.addf %add3A_630, %mul3A_806 : vector<16xf32>
          %slice3A_808 = vector.extract_strided_slice %masked_cumsum3A_796 {offsets = [15], sizes = [1], strides = [1]} : vector<16xf32> to vector<1xf32>
          %squeeze3A_809 = vector.extract %slice3A_808[0] : f32 from vector<1xf32>
          %add3A_810 = arith.addf %add3A_633, %squeeze3A_809 : f32
          %add3A_811 = arith.constant 9216 : i32
          %add3A_812 = vector.broadcast %add3A_811 : i32 to vector<16xi32>
          %add3A_813 = arith.addi %get3A_724, %add3A_812 : vector<16xi32>
          %gather3A_814 = tpu.vector_load_idx %arg6[%add3A_813] : memref<18432xf32, #tpu.memory_space<vmem>>[vector<16xi32>], vector<16xf32>,
          %broadcast_in_dim3A_815 = arith.constant true
          %broadcast_in_dim3A_816 = vector.broadcast %broadcast_in_dim3A_815 : i1 to vector<16xi1>
          %masked_cumsum3A_817 = tpu.scan <sum>, %gather3A_814 masked %broadcast_in_dim3A_816 : vector<16xf32>, vector<16xi1> -> vector<16xf32>
          %sub3A_818 = arith.constant 2.000000e-01 : f32
          %sub3A_819 = arith.subf %sub3A_818, %add3A_654 : f32
          %sub3A_820 = vector.broadcast %sub3A_819 : f32 to vector<16xf32>
          %sub3A_821 = arith.subf %sub3A_820, %masked_cumsum3A_817 : vector<16xf32>
          %add3A_822 = arith.addf %sub3A_821, %gather3A_814 : vector<16xf32>
          %max3A_823 = arith.constant 0.000000e+00 : f32
          %max3A_824 = vector.broadcast %max3A_823 : f32 to vector<16xf32>
          %max3A_825 = arith.maximumf %add3A_822, %max3A_824 : vector<16xf32>
          %min3A_826 = arith.minimumf %gather3A_814, %max3A_825 : vector<16xf32>
          %mul3A_827 = arith.mulf %min3A_826, %get3A_726 : vector<16xf32>
          %add3A_828 = arith.addf %add3A_651, %mul3A_827 : vector<16xf32>
          %slice3A_829 = vector.extract_strided_slice %masked_cumsum3A_817 {offsets = [15], sizes = [1], strides = [1]} : vector<16xf32> to vector<1xf32>
          %squeeze3A_830 = vector.extract %slice3A_829[0] : f32 from vector<1xf32>
          %add3A_831 = arith.addf %add3A_654, %squeeze3A_830 : f32
          %add3A_832 = arith.constant 11520 : i32
          %add3A_833 = vector.broadcast %add3A_832 : i32 to vector<16xi32>
          %add3A_834 = arith.addi %get3A_724, %add3A_833 : vector<16xi32>
          %gather3A_835 = tpu.vector_load_idx %arg6[%add3A_834] : memref<18432xf32, #tpu.memory_space<vmem>>[vector<16xi32>], vector<16xf32>,
          %broadcast_in_dim3A_836 = arith.constant true
          %broadcast_in_dim3A_837 = vector.broadcast %broadcast_in_dim3A_836 : i1 to vector<16xi1>
          %masked_cumsum3A_838 = tpu.scan <sum>, %gather3A_835 masked %broadcast_in_dim3A_837 : vector<16xf32>, vector<16xi1> -> vector<16xf32>
          %sub3A_839 = arith.constant 2.000000e-01 : f32
          %sub3A_840 = arith.subf %sub3A_839, %add3A_675 : f32
          %sub3A_841 = vector.broadcast %sub3A_840 : f32 to vector<16xf32>
          %sub3A_842 = arith.subf %sub3A_841, %masked_cumsum3A_838 : vector<16xf32>
          %add3A_843 = arith.addf %sub3A_842, %gather3A_835 : vector<16xf32>
          %max3A_844 = arith.constant 0.000000e+00 : f32
          %max3A_845 = vector.broadcast %max3A_844 : f32 to vector<16xf32>
          %max3A_846 = arith.maximumf %add3A_843, %max3A_845 : vector<16xf32>
          %min3A_847 = arith.minimumf %gather3A_835, %max3A_846 : vector<16xf32>
          %mul3A_848 = arith.mulf %min3A_847, %get3A_726 : vector<16xf32>
          %add3A_849 = arith.addf %add3A_672, %mul3A_848 : vector<16xf32>
          %slice3A_850 = vector.extract_strided_slice %masked_cumsum3A_838 {offsets = [15], sizes = [1], strides = [1]} : vector<16xf32> to vector<1xf32>
          %squeeze3A_851 = vector.extract %slice3A_850[0] : f32 from vector<1xf32>
          %add3A_852 = arith.addf %add3A_675, %squeeze3A_851 : f32
          %add3A_853 = arith.constant 13824 : i32
          %add3A_854 = vector.broadcast %add3A_853 : i32 to vector<16xi32>
          %add3A_855 = arith.addi %get3A_724, %add3A_854 : vector<16xi32>
          %gather3A_856 = tpu.vector_load_idx %arg6[%add3A_855] : memref<18432xf32, #tpu.memory_space<vmem>>[vector<16xi32>], vector<16xf32>,
          %broadcast_in_dim3A_857 = arith.constant true
          %broadcast_in_dim3A_858 = vector.broadcast %broadcast_in_dim3A_857 : i1 to vector<16xi1>
          %masked_cumsum3A_859 = tpu.scan <sum>, %gather3A_856 masked %broadcast_in_dim3A_858 : vector<16xf32>, vector<16xi1> -> vector<16xf32>
          %sub3A_860 = arith.constant 2.000000e-01 : f32
          %sub3A_861 = arith.subf %sub3A_860, %add3A_696 : f32
          %sub3A_862 = vector.broadcast %sub3A_861 : f32 to vector<16xf32>
          %sub3A_863 = arith.subf %sub3A_862, %masked_cumsum3A_859 : vector<16xf32>
          %add3A_864 = arith.addf %sub3A_863, %gather3A_856 : vector<16xf32>
          %max3A_865 = arith.constant 0.000000e+00 : f32
          %max3A_866 = vector.broadcast %max3A_865 : f32 to vector<16xf32>
          %max3A_867 = arith.maximumf %add3A_864, %max3A_866 : vector<16xf32>
          %min3A_868 = arith.minimumf %gather3A_856, %max3A_867 : vector<16xf32>
          %mul3A_869 = arith.mulf %min3A_868, %get3A_726 : vector<16xf32>
          %add3A_870 = arith.addf %add3A_693, %mul3A_869 : vector<16xf32>
          %slice3A_871 = vector.extract_strided_slice %masked_cumsum3A_859 {offsets = [15], sizes = [1], strides = [1]} : vector<16xf32> to vector<1xf32>
          %squeeze3A_872 = vector.extract %slice3A_871[0] : f32 from vector<1xf32>
          %add3A_873 = arith.addf %add3A_696, %squeeze3A_872 : f32
          %add3A_874 = arith.constant 16128 : i32
          %add3A_875 = vector.broadcast %add3A_874 : i32 to vector<16xi32>
          %add3A_876 = arith.addi %get3A_724, %add3A_875 : vector<16xi32>
          %gather3A_877 = tpu.vector_load_idx %arg6[%add3A_876] : memref<18432xf32, #tpu.memory_space<vmem>>[vector<16xi32>], vector<16xf32>,
          %broadcast_in_dim3A_878 = arith.constant true
          %broadcast_in_dim3A_879 = vector.broadcast %broadcast_in_dim3A_878 : i1 to vector<16xi1>
          %masked_cumsum3A_880 = tpu.scan <sum>, %gather3A_877 masked %broadcast_in_dim3A_879 : vector<16xf32>, vector<16xi1> -> vector<16xf32>
          %sub3A_881 = arith.constant 2.000000e-01 : f32
          %sub3A_882 = arith.subf %sub3A_881, %add3A_717 : f32
          %sub3A_883 = vector.broadcast %sub3A_882 : f32 to vector<16xf32>
          %sub3A_884 = arith.subf %sub3A_883, %masked_cumsum3A_880 : vector<16xf32>
          %add3A_885 = arith.addf %sub3A_884, %gather3A_877 : vector<16xf32>
          %max3A_886 = arith.constant 0.000000e+00 : f32
          %max3A_887 = vector.broadcast %max3A_886 : f32 to vector<16xf32>
          %max3A_888 = arith.maximumf %add3A_885, %max3A_887 : vector<16xf32>
          %min3A_889 = arith.minimumf %gather3A_877, %max3A_888 : vector<16xf32>
          %mul3A_890 = arith.mulf %min3A_889, %get3A_726 : vector<16xf32>
          %add3A_891 = arith.addf %add3A_714, %mul3A_890 : vector<16xf32>
          %slice3A_892 = vector.extract_strided_slice %masked_cumsum3A_880 {offsets = [15], sizes = [1], strides = [1]} : vector<16xf32> to vector<1xf32>
          %squeeze3A_893 = vector.extract %slice3A_892[0] : f32 from vector<1xf32>
          %add3A_894 = arith.addf %add3A_717, %squeeze3A_893 : f32
          %add3A_895 = arith.constant 1 : i32
          %add3A_896 = arith.addi %add3A_719, %add3A_895 : i32
          %mul3A_897 = arith.constant 16 : i32
          %mul3A_898 = arith.muli %add3A_896, %mul3A_897 : i32
          %add3A_899 = arith.addi %mul3A_86, %mul3A_898 : i32
          %get3A_900 = arith.index_cast %add3A_899 : i32 to index
          %get3A_901 = tpu.vector_load %arg7[%get3A_900] {strides = array<i32>} : memref<20736xi32, #tpu.memory_space<vmem>>, vector<16xi32>,
          %get3A_902 = arith.index_cast %add3A_899 : i32 to index
          %get3A_903 = tpu.vector_load %arg8[%get3A_902] {strides = array<i32>} : memref<20736xf32, #tpu.memory_space<vmem>>, vector<16xf32>,
          %add3A_904 = arith.constant 0 : i32
          %add3A_905 = vector.broadcast %add3A_904 : i32 to vector<16xi32>
          %add3A_906 = arith.addi %get3A_901, %add3A_905 : vector<16xi32>
          %gather3A_907 = tpu.vector_load_idx %arg6[%add3A_906] : memref<18432xf32, #tpu.memory_space<vmem>>[vector<16xi32>], vector<16xf32>,
          %broadcast_in_dim3A_908 = arith.constant true
          %broadcast_in_dim3A_909 = vector.broadcast %broadcast_in_dim3A_908 : i1 to vector<16xi1>
          %masked_cumsum3A_910 = tpu.scan <sum>, %gather3A_907 masked %broadcast_in_dim3A_909 : vector<16xf32>, vector<16xi1> -> vector<16xf32>
          %sub3A_911 = arith.constant 2.000000e-01 : f32
          %sub3A_912 = arith.subf %sub3A_911, %add3A_747 : f32
          %sub3A_913 = vector.broadcast %sub3A_912 : f32 to vector<16xf32>
          %sub3A_914 = arith.subf %sub3A_913, %masked_cumsum3A_910 : vector<16xf32>
          %add3A_915 = arith.addf %sub3A_914, %gather3A_907 : vector<16xf32>
          %max3A_916 = arith.constant 0.000000e+00 : f32
          %max3A_917 = vector.broadcast %max3A_916 : f32 to vector<16xf32>
          %max3A_918 = arith.maximumf %add3A_915, %max3A_917 : vector<16xf32>
          %min3A_919 = arith.minimumf %gather3A_907, %max3A_918 : vector<16xf32>
          %mul3A_920 = arith.mulf %min3A_919, %get3A_903 : vector<16xf32>
          %add3A_921 = arith.addf %add3A_744, %mul3A_920 : vector<16xf32>
          %slice3A_922 = vector.extract_strided_slice %masked_cumsum3A_910 {offsets = [15], sizes = [1], strides = [1]} : vector<16xf32> to vector<1xf32>
          %squeeze3A_923 = vector.extract %slice3A_922[0] : f32 from vector<1xf32>
          %add3A_924 = arith.addf %add3A_747, %squeeze3A_923 : f32
          %add3A_925 = arith.constant 2304 : i32
          %add3A_926 = vector.broadcast %add3A_925 : i32 to vector<16xi32>
          %add3A_927 = arith.addi %get3A_901, %add3A_926 : vector<16xi32>
          %gather3A_928 = tpu.vector_load_idx %arg6[%add3A_927] : memref<18432xf32, #tpu.memory_space<vmem>>[vector<16xi32>], vector<16xf32>,
          %broadcast_in_dim3A_929 = arith.constant true
          %broadcast_in_dim3A_930 = vector.broadcast %broadcast_in_dim3A_929 : i1 to vector<16xi1>
          %masked_cumsum3A_931 = tpu.scan <sum>, %gather3A_928 masked %broadcast_in_dim3A_930 : vector<16xf32>, vector<16xi1> -> vector<16xf32>
          %sub3A_932 = arith.constant 2.000000e-01 : f32
          %sub3A_933 = arith.subf %sub3A_932, %add3A_768 : f32
          %sub3A_934 = vector.broadcast %sub3A_933 : f32 to vector<16xf32>
          %sub3A_935 = arith.subf %sub3A_934, %masked_cumsum3A_931 : vector<16xf32>
          %add3A_936 = arith.addf %sub3A_935, %gather3A_928 : vector<16xf32>
          %max3A_937 = arith.constant 0.000000e+00 : f32
          %max3A_938 = vector.broadcast %max3A_937 : f32 to vector<16xf32>
          %max3A_939 = arith.maximumf %add3A_936, %max3A_938 : vector<16xf32>
          %min3A_940 = arith.minimumf %gather3A_928, %max3A_939 : vector<16xf32>
          %mul3A_941 = arith.mulf %min3A_940, %get3A_903 : vector<16xf32>
          %add3A_942 = arith.addf %add3A_765, %mul3A_941 : vector<16xf32>
          %slice3A_943 = vector.extract_strided_slice %masked_cumsum3A_931 {offsets = [15], sizes = [1], strides = [1]} : vector<16xf32> to vector<1xf32>
          %squeeze3A_944 = vector.extract %slice3A_943[0] : f32 from vector<1xf32>
          %add3A_945 = arith.addf %add3A_768, %squeeze3A_944 : f32
          %add3A_946 = arith.constant 4608 : i32
          %add3A_947 = vector.broadcast %add3A_946 : i32 to vector<16xi32>
          %add3A_948 = arith.addi %get3A_901, %add3A_947 : vector<16xi32>
          %gather3A_949 = tpu.vector_load_idx %arg6[%add3A_948] : memref<18432xf32, #tpu.memory_space<vmem>>[vector<16xi32>], vector<16xf32>,
          %broadcast_in_dim3A_950 = arith.constant true
          %broadcast_in_dim3A_951 = vector.broadcast %broadcast_in_dim3A_950 : i1 to vector<16xi1>
          %masked_cumsum3A_952 = tpu.scan <sum>, %gather3A_949 masked %broadcast_in_dim3A_951 : vector<16xf32>, vector<16xi1> -> vector<16xf32>
          %sub3A_953 = arith.constant 2.000000e-01 : f32
          %sub3A_954 = arith.subf %sub3A_953, %add3A_789 : f32
          %sub3A_955 = vector.broadcast %sub3A_954 : f32 to vector<16xf32>
          %sub3A_956 = arith.subf %sub3A_955, %masked_cumsum3A_952 : vector<16xf32>
          %add3A_957 = arith.addf %sub3A_956, %gather3A_949 : vector<16xf32>
          %max3A_958 = arith.constant 0.000000e+00 : f32
          %max3A_959 = vector.broadcast %max3A_958 : f32 to vector<16xf32>
          %max3A_960 = arith.maximumf %add3A_957, %max3A_959 : vector<16xf32>
          %min3A_961 = arith.minimumf %gather3A_949, %max3A_960 : vector<16xf32>
          %mul3A_962 = arith.mulf %min3A_961, %get3A_903 : vector<16xf32>
          %add3A_963 = arith.addf %add3A_786, %mul3A_962 : vector<16xf32>
          %slice3A_964 = vector.extract_strided_slice %masked_cumsum3A_952 {offsets = [15], sizes = [1], strides = [1]} : vector<16xf32> to vector<1xf32>
          %squeeze3A_965 = vector.extract %slice3A_964[0] : f32 from vector<1xf32>
          %add3A_966 = arith.addf %add3A_789, %squeeze3A_965 : f32
          %add3A_967 = arith.constant 6912 : i32
          %add3A_968 = vector.broadcast %add3A_967 : i32 to vector<16xi32>
          %add3A_969 = arith.addi %get3A_901, %add3A_968 : vector<16xi32>
          %gather3A_970 = tpu.vector_load_idx %arg6[%add3A_969] : memref<18432xf32, #tpu.memory_space<vmem>>[vector<16xi32>], vector<16xf32>,
          %broadcast_in_dim3A_971 = arith.constant true
          %broadcast_in_dim3A_972 = vector.broadcast %broadcast_in_dim3A_971 : i1 to vector<16xi1>
          %masked_cumsum3A_973 = tpu.scan <sum>, %gather3A_970 masked %broadcast_in_dim3A_972 : vector<16xf32>, vector<16xi1> -> vector<16xf32>
          %sub3A_974 = arith.constant 2.000000e-01 : f32
          %sub3A_975 = arith.subf %sub3A_974, %add3A_810 : f32
          %sub3A_976 = vector.broadcast %sub3A_975 : f32 to vector<16xf32>
          %sub3A_977 = arith.subf %sub3A_976, %masked_cumsum3A_973 : vector<16xf32>
          %add3A_978 = arith.addf %sub3A_977, %gather3A_970 : vector<16xf32>
          %max3A_979 = arith.constant 0.000000e+00 : f32
          %max3A_980 = vector.broadcast %max3A_979 : f32 to vector<16xf32>
          %max3A_981 = arith.maximumf %add3A_978, %max3A_980 : vector<16xf32>
          %min3A_982 = arith.minimumf %gather3A_970, %max3A_981 : vector<16xf32>
          %mul3A_983 = arith.mulf %min3A_982, %get3A_903 : vector<16xf32>
          %add3A_984 = arith.addf %add3A_807, %mul3A_983 : vector<16xf32>
          %slice3A_985 = vector.extract_strided_slice %masked_cumsum3A_973 {offsets = [15], sizes = [1], strides = [1]} : vector<16xf32> to vector<1xf32>
          %squeeze3A_986 = vector.extract %slice3A_985[0] : f32 from vector<1xf32>
          %add3A_987 = arith.addf %add3A_810, %squeeze3A_986 : f32
          %add3A_988 = arith.constant 9216 : i32
          %add3A_989 = vector.broadcast %add3A_988 : i32 to vector<16xi32>
          %add3A_990 = arith.addi %get3A_901, %add3A_989 : vector<16xi32>
          %gather3A_991 = tpu.vector_load_idx %arg6[%add3A_990] : memref<18432xf32, #tpu.memory_space<vmem>>[vector<16xi32>], vector<16xf32>,
          %broadcast_in_dim3A_992 = arith.constant true
          %broadcast_in_dim3A_993 = vector.broadcast %broadcast_in_dim3A_992 : i1 to vector<16xi1>
          %masked_cumsum3A_994 = tpu.scan <sum>, %gather3A_991 masked %broadcast_in_dim3A_993 : vector<16xf32>, vector<16xi1> -> vector<16xf32>
          %sub3A_995 = arith.constant 2.000000e-01 : f32
          %sub3A_996 = arith.subf %sub3A_995, %add3A_831 : f32
          %sub3A_997 = vector.broadcast %sub3A_996 : f32 to vector<16xf32>
          %sub3A_998 = arith.subf %sub3A_997, %masked_cumsum3A_994 : vector<16xf32>
          %add3A_999 = arith.addf %sub3A_998, %gather3A_991 : vector<16xf32>
          %max3A_1000 = arith.constant 0.000000e+00 : f32
          %max3A_1001 = vector.broadcast %max3A_1000 : f32 to vector<16xf32>
          %max3A_1002 = arith.maximumf %add3A_999, %max3A_1001 : vector<16xf32>
          %min3A_1003 = arith.minimumf %gather3A_991, %max3A_1002 : vector<16xf32>
          %mul3A_1004 = arith.mulf %min3A_1003, %get3A_903 : vector<16xf32>
          %add3A_1005 = arith.addf %add3A_828, %mul3A_1004 : vector<16xf32>
          %slice3A_1006 = vector.extract_strided_slice %masked_cumsum3A_994 {offsets = [15], sizes = [1], strides = [1]} : vector<16xf32> to vector<1xf32>
          %squeeze3A_1007 = vector.extract %slice3A_1006[0] : f32 from vector<1xf32>
          %add3A_1008 = arith.addf %add3A_831, %squeeze3A_1007 : f32
          %add3A_1009 = arith.constant 11520 : i32
          %add3A_1010 = vector.broadcast %add3A_1009 : i32 to vector<16xi32>
          %add3A_1011 = arith.addi %get3A_901, %add3A_1010 : vector<16xi32>
          %gather3A_1012 = tpu.vector_load_idx %arg6[%add3A_1011] : memref<18432xf32, #tpu.memory_space<vmem>>[vector<16xi32>], vector<16xf32>,
          %broadcast_in_dim3A_1013 = arith.constant true
          %broadcast_in_dim3A_1014 = vector.broadcast %broadcast_in_dim3A_1013 : i1 to vector<16xi1>
          %masked_cumsum3A_1015 = tpu.scan <sum>, %gather3A_1012 masked %broadcast_in_dim3A_1014 : vector<16xf32>, vector<16xi1> -> vector<16xf32>
          %sub3A_1016 = arith.constant 2.000000e-01 : f32
          %sub3A_1017 = arith.subf %sub3A_1016, %add3A_852 : f32
          %sub3A_1018 = vector.broadcast %sub3A_1017 : f32 to vector<16xf32>
          %sub3A_1019 = arith.subf %sub3A_1018, %masked_cumsum3A_1015 : vector<16xf32>
          %add3A_1020 = arith.addf %sub3A_1019, %gather3A_1012 : vector<16xf32>
          %max3A_1021 = arith.constant 0.000000e+00 : f32
          %max3A_1022 = vector.broadcast %max3A_1021 : f32 to vector<16xf32>
          %max3A_1023 = arith.maximumf %add3A_1020, %max3A_1022 : vector<16xf32>
          %min3A_1024 = arith.minimumf %gather3A_1012, %max3A_1023 : vector<16xf32>
          %mul3A_1025 = arith.mulf %min3A_1024, %get3A_903 : vector<16xf32>
          %add3A_1026 = arith.addf %add3A_849, %mul3A_1025 : vector<16xf32>
          %slice3A_1027 = vector.extract_strided_slice %masked_cumsum3A_1015 {offsets = [15], sizes = [1], strides = [1]} : vector<16xf32> to vector<1xf32>
          %squeeze3A_1028 = vector.extract %slice3A_1027[0] : f32 from vector<1xf32>
          %add3A_1029 = arith.addf %add3A_852, %squeeze3A_1028 : f32
          %add3A_1030 = arith.constant 13824 : i32
          %add3A_1031 = vector.broadcast %add3A_1030 : i32 to vector<16xi32>
          %add3A_1032 = arith.addi %get3A_901, %add3A_1031 : vector<16xi32>
          %gather3A_1033 = tpu.vector_load_idx %arg6[%add3A_1032] : memref<18432xf32, #tpu.memory_space<vmem>>[vector<16xi32>], vector<16xf32>,
          %broadcast_in_dim3A_1034 = arith.constant true
          %broadcast_in_dim3A_1035 = vector.broadcast %broadcast_in_dim3A_1034 : i1 to vector<16xi1>
          %masked_cumsum3A_1036 = tpu.scan <sum>, %gather3A_1033 masked %broadcast_in_dim3A_1035 : vector<16xf32>, vector<16xi1> -> vector<16xf32>
          %sub3A_1037 = arith.constant 2.000000e-01 : f32
          %sub3A_1038 = arith.subf %sub3A_1037, %add3A_873 : f32
          %sub3A_1039 = vector.broadcast %sub3A_1038 : f32 to vector<16xf32>
          %sub3A_1040 = arith.subf %sub3A_1039, %masked_cumsum3A_1036 : vector<16xf32>
          %add3A_1041 = arith.addf %sub3A_1040, %gather3A_1033 : vector<16xf32>
          %max3A_1042 = arith.constant 0.000000e+00 : f32
          %max3A_1043 = vector.broadcast %max3A_1042 : f32 to vector<16xf32>
          %max3A_1044 = arith.maximumf %add3A_1041, %max3A_1043 : vector<16xf32>
          %min3A_1045 = arith.minimumf %gather3A_1033, %max3A_1044 : vector<16xf32>
          %mul3A_1046 = arith.mulf %min3A_1045, %get3A_903 : vector<16xf32>
          %add3A_1047 = arith.addf %add3A_870, %mul3A_1046 : vector<16xf32>
          %slice3A_1048 = vector.extract_strided_slice %masked_cumsum3A_1036 {offsets = [15], sizes = [1], strides = [1]} : vector<16xf32> to vector<1xf32>
          %squeeze3A_1049 = vector.extract %slice3A_1048[0] : f32 from vector<1xf32>
          %add3A_1050 = arith.addf %add3A_873, %squeeze3A_1049 : f32
          %add3A_1051 = arith.constant 16128 : i32
          %add3A_1052 = vector.broadcast %add3A_1051 : i32 to vector<16xi32>
          %add3A_1053 = arith.addi %get3A_901, %add3A_1052 : vector<16xi32>
          %gather3A_1054 = tpu.vector_load_idx %arg6[%add3A_1053] : memref<18432xf32, #tpu.memory_space<vmem>>[vector<16xi32>], vector<16xf32>,
          %broadcast_in_dim3A_1055 = arith.constant true
          %broadcast_in_dim3A_1056 = vector.broadcast %broadcast_in_dim3A_1055 : i1 to vector<16xi1>
          %masked_cumsum3A_1057 = tpu.scan <sum>, %gather3A_1054 masked %broadcast_in_dim3A_1056 : vector<16xf32>, vector<16xi1> -> vector<16xf32>
          %sub3A_1058 = arith.constant 2.000000e-01 : f32
          %sub3A_1059 = arith.subf %sub3A_1058, %add3A_894 : f32
          %sub3A_1060 = vector.broadcast %sub3A_1059 : f32 to vector<16xf32>
          %sub3A_1061 = arith.subf %sub3A_1060, %masked_cumsum3A_1057 : vector<16xf32>
          %add3A_1062 = arith.addf %sub3A_1061, %gather3A_1054 : vector<16xf32>
          %max3A_1063 = arith.constant 0.000000e+00 : f32
          %max3A_1064 = vector.broadcast %max3A_1063 : f32 to vector<16xf32>
          %max3A_1065 = arith.maximumf %add3A_1062, %max3A_1064 : vector<16xf32>
          %min3A_1066 = arith.minimumf %gather3A_1054, %max3A_1065 : vector<16xf32>
          %mul3A_1067 = arith.mulf %min3A_1066, %get3A_903 : vector<16xf32>
          %add3A_1068 = arith.addf %add3A_891, %mul3A_1067 : vector<16xf32>
          %slice3A_1069 = vector.extract_strided_slice %masked_cumsum3A_1057 {offsets = [15], sizes = [1], strides = [1]} : vector<16xf32> to vector<1xf32>
          %squeeze3A_1070 = vector.extract %slice3A_1069[0] : f32 from vector<1xf32>
          %add3A_1071 = arith.addf %add3A_894, %squeeze3A_1070 : f32
          %add3A_1072 = arith.constant 1 : i32
          %add3A_1073 = arith.addi %add3A_896, %add3A_1072 : i32
          %mul3A_1074 = arith.constant 16 : i32
          %mul3A_1075 = arith.muli %add3A_1073, %mul3A_1074 : i32
          %add3A_1076 = arith.addi %mul3A_86, %mul3A_1075 : i32
          %get3A_1077 = arith.index_cast %add3A_1076 : i32 to index
          %get3A_1078 = tpu.vector_load %arg7[%get3A_1077] {strides = array<i32>} : memref<20736xi32, #tpu.memory_space<vmem>>, vector<16xi32>,
          %get3A_1079 = arith.index_cast %add3A_1076 : i32 to index
          %get3A_1080 = tpu.vector_load %arg8[%get3A_1079] {strides = array<i32>} : memref<20736xf32, #tpu.memory_space<vmem>>, vector<16xf32>,
          %add3A_1081 = arith.constant 0 : i32
          %add3A_1082 = vector.broadcast %add3A_1081 : i32 to vector<16xi32>
          %add3A_1083 = arith.addi %get3A_1078, %add3A_1082 : vector<16xi32>
          %gather3A_1084 = tpu.vector_load_idx %arg6[%add3A_1083] : memref<18432xf32, #tpu.memory_space<vmem>>[vector<16xi32>], vector<16xf32>,
          %broadcast_in_dim3A_1085 = arith.constant true
          %broadcast_in_dim3A_1086 = vector.broadcast %broadcast_in_dim3A_1085 : i1 to vector<16xi1>
          %masked_cumsum3A_1087 = tpu.scan <sum>, %gather3A_1084 masked %broadcast_in_dim3A_1086 : vector<16xf32>, vector<16xi1> -> vector<16xf32>
          %sub3A_1088 = arith.constant 2.000000e-01 : f32
          %sub3A_1089 = arith.subf %sub3A_1088, %add3A_924 : f32
          %sub3A_1090 = vector.broadcast %sub3A_1089 : f32 to vector<16xf32>
          %sub3A_1091 = arith.subf %sub3A_1090, %masked_cumsum3A_1087 : vector<16xf32>
          %add3A_1092 = arith.addf %sub3A_1091, %gather3A_1084 : vector<16xf32>
          %max3A_1093 = arith.constant 0.000000e+00 : f32
          %max3A_1094 = vector.broadcast %max3A_1093 : f32 to vector<16xf32>
          %max3A_1095 = arith.maximumf %add3A_1092, %max3A_1094 : vector<16xf32>
          %min3A_1096 = arith.minimumf %gather3A_1084, %max3A_1095 : vector<16xf32>
          %mul3A_1097 = arith.mulf %min3A_1096, %get3A_1080 : vector<16xf32>
          %add3A_1098 = arith.addf %add3A_921, %mul3A_1097 : vector<16xf32>
          %slice3A_1099 = vector.extract_strided_slice %masked_cumsum3A_1087 {offsets = [15], sizes = [1], strides = [1]} : vector<16xf32> to vector<1xf32>
          %squeeze3A_1100 = vector.extract %slice3A_1099[0] : f32 from vector<1xf32>
          %add3A_1101 = arith.addf %add3A_924, %squeeze3A_1100 : f32
          %add3A_1102 = arith.constant 2304 : i32
          %add3A_1103 = vector.broadcast %add3A_1102 : i32 to vector<16xi32>
          %add3A_1104 = arith.addi %get3A_1078, %add3A_1103 : vector<16xi32>
          %gather3A_1105 = tpu.vector_load_idx %arg6[%add3A_1104] : memref<18432xf32, #tpu.memory_space<vmem>>[vector<16xi32>], vector<16xf32>,
          %broadcast_in_dim3A_1106 = arith.constant true
          %broadcast_in_dim3A_1107 = vector.broadcast %broadcast_in_dim3A_1106 : i1 to vector<16xi1>
          %masked_cumsum3A_1108 = tpu.scan <sum>, %gather3A_1105 masked %broadcast_in_dim3A_1107 : vector<16xf32>, vector<16xi1> -> vector<16xf32>
          %sub3A_1109 = arith.constant 2.000000e-01 : f32
          %sub3A_1110 = arith.subf %sub3A_1109, %add3A_945 : f32
          %sub3A_1111 = vector.broadcast %sub3A_1110 : f32 to vector<16xf32>
          %sub3A_1112 = arith.subf %sub3A_1111, %masked_cumsum3A_1108 : vector<16xf32>
          %add3A_1113 = arith.addf %sub3A_1112, %gather3A_1105 : vector<16xf32>
          %max3A_1114 = arith.constant 0.000000e+00 : f32
          %max3A_1115 = vector.broadcast %max3A_1114 : f32 to vector<16xf32>
          %max3A_1116 = arith.maximumf %add3A_1113, %max3A_1115 : vector<16xf32>
          %min3A_1117 = arith.minimumf %gather3A_1105, %max3A_1116 : vector<16xf32>
          %mul3A_1118 = arith.mulf %min3A_1117, %get3A_1080 : vector<16xf32>
          %add3A_1119 = arith.addf %add3A_942, %mul3A_1118 : vector<16xf32>
          %slice3A_1120 = vector.extract_strided_slice %masked_cumsum3A_1108 {offsets = [15], sizes = [1], strides = [1]} : vector<16xf32> to vector<1xf32>
          %squeeze3A_1121 = vector.extract %slice3A_1120[0] : f32 from vector<1xf32>
          %add3A_1122 = arith.addf %add3A_945, %squeeze3A_1121 : f32
          %add3A_1123 = arith.constant 4608 : i32
          %add3A_1124 = vector.broadcast %add3A_1123 : i32 to vector<16xi32>
          %add3A_1125 = arith.addi %get3A_1078, %add3A_1124 : vector<16xi32>
          %gather3A_1126 = tpu.vector_load_idx %arg6[%add3A_1125] : memref<18432xf32, #tpu.memory_space<vmem>>[vector<16xi32>], vector<16xf32>,
          %broadcast_in_dim3A_1127 = arith.constant true
          %broadcast_in_dim3A_1128 = vector.broadcast %broadcast_in_dim3A_1127 : i1 to vector<16xi1>
          %masked_cumsum3A_1129 = tpu.scan <sum>, %gather3A_1126 masked %broadcast_in_dim3A_1128 : vector<16xf32>, vector<16xi1> -> vector<16xf32>
          %sub3A_1130 = arith.constant 2.000000e-01 : f32
          %sub3A_1131 = arith.subf %sub3A_1130, %add3A_966 : f32
          %sub3A_1132 = vector.broadcast %sub3A_1131 : f32 to vector<16xf32>
          %sub3A_1133 = arith.subf %sub3A_1132, %masked_cumsum3A_1129 : vector<16xf32>
          %add3A_1134 = arith.addf %sub3A_1133, %gather3A_1126 : vector<16xf32>
          %max3A_1135 = arith.constant 0.000000e+00 : f32
          %max3A_1136 = vector.broadcast %max3A_1135 : f32 to vector<16xf32>
          %max3A_1137 = arith.maximumf %add3A_1134, %max3A_1136 : vector<16xf32>
          %min3A_1138 = arith.minimumf %gather3A_1126, %max3A_1137 : vector<16xf32>
          %mul3A_1139 = arith.mulf %min3A_1138, %get3A_1080 : vector<16xf32>
          %add3A_1140 = arith.addf %add3A_963, %mul3A_1139 : vector<16xf32>
          %slice3A_1141 = vector.extract_strided_slice %masked_cumsum3A_1129 {offsets = [15], sizes = [1], strides = [1]} : vector<16xf32> to vector<1xf32>
          %squeeze3A_1142 = vector.extract %slice3A_1141[0] : f32 from vector<1xf32>
          %add3A_1143 = arith.addf %add3A_966, %squeeze3A_1142 : f32
          %add3A_1144 = arith.constant 6912 : i32
          %add3A_1145 = vector.broadcast %add3A_1144 : i32 to vector<16xi32>
          %add3A_1146 = arith.addi %get3A_1078, %add3A_1145 : vector<16xi32>
          %gather3A_1147 = tpu.vector_load_idx %arg6[%add3A_1146] : memref<18432xf32, #tpu.memory_space<vmem>>[vector<16xi32>], vector<16xf32>,
          %broadcast_in_dim3A_1148 = arith.constant true
          %broadcast_in_dim3A_1149 = vector.broadcast %broadcast_in_dim3A_1148 : i1 to vector<16xi1>
          %masked_cumsum3A_1150 = tpu.scan <sum>, %gather3A_1147 masked %broadcast_in_dim3A_1149 : vector<16xf32>, vector<16xi1> -> vector<16xf32>
          %sub3A_1151 = arith.constant 2.000000e-01 : f32
          %sub3A_1152 = arith.subf %sub3A_1151, %add3A_987 : f32
          %sub3A_1153 = vector.broadcast %sub3A_1152 : f32 to vector<16xf32>
          %sub3A_1154 = arith.subf %sub3A_1153, %masked_cumsum3A_1150 : vector<16xf32>
          %add3A_1155 = arith.addf %sub3A_1154, %gather3A_1147 : vector<16xf32>
          %max3A_1156 = arith.constant 0.000000e+00 : f32
          %max3A_1157 = vector.broadcast %max3A_1156 : f32 to vector<16xf32>
          %max3A_1158 = arith.maximumf %add3A_1155, %max3A_1157 : vector<16xf32>
          %min3A_1159 = arith.minimumf %gather3A_1147, %max3A_1158 : vector<16xf32>
          %mul3A_1160 = arith.mulf %min3A_1159, %get3A_1080 : vector<16xf32>
          %add3A_1161 = arith.addf %add3A_984, %mul3A_1160 : vector<16xf32>
          %slice3A_1162 = vector.extract_strided_slice %masked_cumsum3A_1150 {offsets = [15], sizes = [1], strides = [1]} : vector<16xf32> to vector<1xf32>
          %squeeze3A_1163 = vector.extract %slice3A_1162[0] : f32 from vector<1xf32>
          %add3A_1164 = arith.addf %add3A_987, %squeeze3A_1163 : f32
          %add3A_1165 = arith.constant 9216 : i32
          %add3A_1166 = vector.broadcast %add3A_1165 : i32 to vector<16xi32>
          %add3A_1167 = arith.addi %get3A_1078, %add3A_1166 : vector<16xi32>
          %gather3A_1168 = tpu.vector_load_idx %arg6[%add3A_1167] : memref<18432xf32, #tpu.memory_space<vmem>>[vector<16xi32>], vector<16xf32>,
          %broadcast_in_dim3A_1169 = arith.constant true
          %broadcast_in_dim3A_1170 = vector.broadcast %broadcast_in_dim3A_1169 : i1 to vector<16xi1>
          %masked_cumsum3A_1171 = tpu.scan <sum>, %gather3A_1168 masked %broadcast_in_dim3A_1170 : vector<16xf32>, vector<16xi1> -> vector<16xf32>
          %sub3A_1172 = arith.constant 2.000000e-01 : f32
          %sub3A_1173 = arith.subf %sub3A_1172, %add3A_1008 : f32
          %sub3A_1174 = vector.broadcast %sub3A_1173 : f32 to vector<16xf32>
          %sub3A_1175 = arith.subf %sub3A_1174, %masked_cumsum3A_1171 : vector<16xf32>
          %add3A_1176 = arith.addf %sub3A_1175, %gather3A_1168 : vector<16xf32>
          %max3A_1177 = arith.constant 0.000000e+00 : f32
          %max3A_1178 = vector.broadcast %max3A_1177 : f32 to vector<16xf32>
          %max3A_1179 = arith.maximumf %add3A_1176, %max3A_1178 : vector<16xf32>
          %min3A_1180 = arith.minimumf %gather3A_1168, %max3A_1179 : vector<16xf32>
          %mul3A_1181 = arith.mulf %min3A_1180, %get3A_1080 : vector<16xf32>
          %add3A_1182 = arith.addf %add3A_1005, %mul3A_1181 : vector<16xf32>
          %slice3A_1183 = vector.extract_strided_slice %masked_cumsum3A_1171 {offsets = [15], sizes = [1], strides = [1]} : vector<16xf32> to vector<1xf32>
          %squeeze3A_1184 = vector.extract %slice3A_1183[0] : f32 from vector<1xf32>
          %add3A_1185 = arith.addf %add3A_1008, %squeeze3A_1184 : f32
          %add3A_1186 = arith.constant 11520 : i32
          %add3A_1187 = vector.broadcast %add3A_1186 : i32 to vector<16xi32>
          %add3A_1188 = arith.addi %get3A_1078, %add3A_1187 : vector<16xi32>
          %gather3A_1189 = tpu.vector_load_idx %arg6[%add3A_1188] : memref<18432xf32, #tpu.memory_space<vmem>>[vector<16xi32>], vector<16xf32>,
          %broadcast_in_dim3A_1190 = arith.constant true
          %broadcast_in_dim3A_1191 = vector.broadcast %broadcast_in_dim3A_1190 : i1 to vector<16xi1>
          %masked_cumsum3A_1192 = tpu.scan <sum>, %gather3A_1189 masked %broadcast_in_dim3A_1191 : vector<16xf32>, vector<16xi1> -> vector<16xf32>
          %sub3A_1193 = arith.constant 2.000000e-01 : f32
          %sub3A_1194 = arith.subf %sub3A_1193, %add3A_1029 : f32
          %sub3A_1195 = vector.broadcast %sub3A_1194 : f32 to vector<16xf32>
          %sub3A_1196 = arith.subf %sub3A_1195, %masked_cumsum3A_1192 : vector<16xf32>
          %add3A_1197 = arith.addf %sub3A_1196, %gather3A_1189 : vector<16xf32>
          %max3A_1198 = arith.constant 0.000000e+00 : f32
          %max3A_1199 = vector.broadcast %max3A_1198 : f32 to vector<16xf32>
          %max3A_1200 = arith.maximumf %add3A_1197, %max3A_1199 : vector<16xf32>
          %min3A_1201 = arith.minimumf %gather3A_1189, %max3A_1200 : vector<16xf32>
          %mul3A_1202 = arith.mulf %min3A_1201, %get3A_1080 : vector<16xf32>
          %add3A_1203 = arith.addf %add3A_1026, %mul3A_1202 : vector<16xf32>
          %slice3A_1204 = vector.extract_strided_slice %masked_cumsum3A_1192 {offsets = [15], sizes = [1], strides = [1]} : vector<16xf32> to vector<1xf32>
          %squeeze3A_1205 = vector.extract %slice3A_1204[0] : f32 from vector<1xf32>
          %add3A_1206 = arith.addf %add3A_1029, %squeeze3A_1205 : f32
          %add3A_1207 = arith.constant 13824 : i32
          %add3A_1208 = vector.broadcast %add3A_1207 : i32 to vector<16xi32>
          %add3A_1209 = arith.addi %get3A_1078, %add3A_1208 : vector<16xi32>
          %gather3A_1210 = tpu.vector_load_idx %arg6[%add3A_1209] : memref<18432xf32, #tpu.memory_space<vmem>>[vector<16xi32>], vector<16xf32>,
          %broadcast_in_dim3A_1211 = arith.constant true
          %broadcast_in_dim3A_1212 = vector.broadcast %broadcast_in_dim3A_1211 : i1 to vector<16xi1>
          %masked_cumsum3A_1213 = tpu.scan <sum>, %gather3A_1210 masked %broadcast_in_dim3A_1212 : vector<16xf32>, vector<16xi1> -> vector<16xf32>
          %sub3A_1214 = arith.constant 2.000000e-01 : f32
          %sub3A_1215 = arith.subf %sub3A_1214, %add3A_1050 : f32
          %sub3A_1216 = vector.broadcast %sub3A_1215 : f32 to vector<16xf32>
          %sub3A_1217 = arith.subf %sub3A_1216, %masked_cumsum3A_1213 : vector<16xf32>
          %add3A_1218 = arith.addf %sub3A_1217, %gather3A_1210 : vector<16xf32>
          %max3A_1219 = arith.constant 0.000000e+00 : f32
          %max3A_1220 = vector.broadcast %max3A_1219 : f32 to vector<16xf32>
          %max3A_1221 = arith.maximumf %add3A_1218, %max3A_1220 : vector<16xf32>
          %min3A_1222 = arith.minimumf %gather3A_1210, %max3A_1221 : vector<16xf32>
          %mul3A_1223 = arith.mulf %min3A_1222, %get3A_1080 : vector<16xf32>
          %add3A_1224 = arith.addf %add3A_1047, %mul3A_1223 : vector<16xf32>
          %slice3A_1225 = vector.extract_strided_slice %masked_cumsum3A_1213 {offsets = [15], sizes = [1], strides = [1]} : vector<16xf32> to vector<1xf32>
          %squeeze3A_1226 = vector.extract %slice3A_1225[0] : f32 from vector<1xf32>
          %add3A_1227 = arith.addf %add3A_1050, %squeeze3A_1226 : f32
          %add3A_1228 = arith.constant 16128 : i32
          %add3A_1229 = vector.broadcast %add3A_1228 : i32 to vector<16xi32>
          %add3A_1230 = arith.addi %get3A_1078, %add3A_1229 : vector<16xi32>
          %gather3A_1231 = tpu.vector_load_idx %arg6[%add3A_1230] : memref<18432xf32, #tpu.memory_space<vmem>>[vector<16xi32>], vector<16xf32>,
          %broadcast_in_dim3A_1232 = arith.constant true
          %broadcast_in_dim3A_1233 = vector.broadcast %broadcast_in_dim3A_1232 : i1 to vector<16xi1>
          %masked_cumsum3A_1234 = tpu.scan <sum>, %gather3A_1231 masked %broadcast_in_dim3A_1233 : vector<16xf32>, vector<16xi1> -> vector<16xf32>
          %sub3A_1235 = arith.constant 2.000000e-01 : f32
          %sub3A_1236 = arith.subf %sub3A_1235, %add3A_1071 : f32
          %sub3A_1237 = vector.broadcast %sub3A_1236 : f32 to vector<16xf32>
          %sub3A_1238 = arith.subf %sub3A_1237, %masked_cumsum3A_1234 : vector<16xf32>
          %add3A_1239 = arith.addf %sub3A_1238, %gather3A_1231 : vector<16xf32>
          %max3A_1240 = arith.constant 0.000000e+00 : f32
          %max3A_1241 = vector.broadcast %max3A_1240 : f32 to vector<16xf32>
          %max3A_1242 = arith.maximumf %add3A_1239, %max3A_1241 : vector<16xf32>
          %min3A_1243 = arith.minimumf %gather3A_1231, %max3A_1242 : vector<16xf32>
          %mul3A_1244 = arith.mulf %min3A_1243, %get3A_1080 : vector<16xf32>
          %add3A_1245 = arith.addf %add3A_1068, %mul3A_1244 : vector<16xf32>
          %slice3A_1246 = vector.extract_strided_slice %masked_cumsum3A_1234 {offsets = [15], sizes = [1], strides = [1]} : vector<16xf32> to vector<1xf32>
          %squeeze3A_1247 = vector.extract %slice3A_1246[0] : f32 from vector<1xf32>
          %add3A_1248 = arith.addf %add3A_1071, %squeeze3A_1247 : f32
          %add3A_1249 = arith.constant 1 : i32
          %add3A_1250 = arith.addi %add3A_1073, %add3A_1249 : i32
          %mul3A_1251 = arith.constant 16 : i32
          %mul3A_1252 = arith.muli %add3A_1250, %mul3A_1251 : i32
          %add3A_1253 = arith.addi %mul3A_86, %mul3A_1252 : i32
          %get3A_1254 = arith.index_cast %add3A_1253 : i32 to index
          %get3A_1255 = tpu.vector_load %arg7[%get3A_1254] {strides = array<i32>} : memref<20736xi32, #tpu.memory_space<vmem>>, vector<16xi32>,
          %get3A_1256 = arith.index_cast %add3A_1253 : i32 to index
          %get3A_1257 = tpu.vector_load %arg8[%get3A_1256] {strides = array<i32>} : memref<20736xf32, #tpu.memory_space<vmem>>, vector<16xf32>,
          %add3A_1258 = arith.constant 0 : i32
          %add3A_1259 = vector.broadcast %add3A_1258 : i32 to vector<16xi32>
          %add3A_1260 = arith.addi %get3A_1255, %add3A_1259 : vector<16xi32>
          %gather3A_1261 = tpu.vector_load_idx %arg6[%add3A_1260] : memref<18432xf32, #tpu.memory_space<vmem>>[vector<16xi32>], vector<16xf32>,
          %broadcast_in_dim3A_1262 = arith.constant true
          %broadcast_in_dim3A_1263 = vector.broadcast %broadcast_in_dim3A_1262 : i1 to vector<16xi1>
          %masked_cumsum3A_1264 = tpu.scan <sum>, %gather3A_1261 masked %broadcast_in_dim3A_1263 : vector<16xf32>, vector<16xi1> -> vector<16xf32>
          %sub3A_1265 = arith.constant 2.000000e-01 : f32
          %sub3A_1266 = arith.subf %sub3A_1265, %add3A_1101 : f32
          %sub3A_1267 = vector.broadcast %sub3A_1266 : f32 to vector<16xf32>
          %sub3A_1268 = arith.subf %sub3A_1267, %masked_cumsum3A_1264 : vector<16xf32>
          %add3A_1269 = arith.addf %sub3A_1268, %gather3A_1261 : vector<16xf32>
          %max3A_1270 = arith.constant 0.000000e+00 : f32
          %max3A_1271 = vector.broadcast %max3A_1270 : f32 to vector<16xf32>
          %max3A_1272 = arith.maximumf %add3A_1269, %max3A_1271 : vector<16xf32>
          %min3A_1273 = arith.minimumf %gather3A_1261, %max3A_1272 : vector<16xf32>
          %mul3A_1274 = arith.mulf %min3A_1273, %get3A_1257 : vector<16xf32>
          %add3A_1275 = arith.addf %add3A_1098, %mul3A_1274 : vector<16xf32>
          %slice3A_1276 = vector.extract_strided_slice %masked_cumsum3A_1264 {offsets = [15], sizes = [1], strides = [1]} : vector<16xf32> to vector<1xf32>
          %squeeze3A_1277 = vector.extract %slice3A_1276[0] : f32 from vector<1xf32>
          %add3A_1278 = arith.addf %add3A_1101, %squeeze3A_1277 : f32
          %add3A_1279 = arith.constant 2304 : i32
          %add3A_1280 = vector.broadcast %add3A_1279 : i32 to vector<16xi32>
          %add3A_1281 = arith.addi %get3A_1255, %add3A_1280 : vector<16xi32>
          %gather3A_1282 = tpu.vector_load_idx %arg6[%add3A_1281] : memref<18432xf32, #tpu.memory_space<vmem>>[vector<16xi32>], vector<16xf32>,
          %broadcast_in_dim3A_1283 = arith.constant true
          %broadcast_in_dim3A_1284 = vector.broadcast %broadcast_in_dim3A_1283 : i1 to vector<16xi1>
          %masked_cumsum3A_1285 = tpu.scan <sum>, %gather3A_1282 masked %broadcast_in_dim3A_1284 : vector<16xf32>, vector<16xi1> -> vector<16xf32>
          %sub3A_1286 = arith.constant 2.000000e-01 : f32
          %sub3A_1287 = arith.subf %sub3A_1286, %add3A_1122 : f32
          %sub3A_1288 = vector.broadcast %sub3A_1287 : f32 to vector<16xf32>
          %sub3A_1289 = arith.subf %sub3A_1288, %masked_cumsum3A_1285 : vector<16xf32>
          %add3A_1290 = arith.addf %sub3A_1289, %gather3A_1282 : vector<16xf32>
          %max3A_1291 = arith.constant 0.000000e+00 : f32
          %max3A_1292 = vector.broadcast %max3A_1291 : f32 to vector<16xf32>
          %max3A_1293 = arith.maximumf %add3A_1290, %max3A_1292 : vector<16xf32>
          %min3A_1294 = arith.minimumf %gather3A_1282, %max3A_1293 : vector<16xf32>
          %mul3A_1295 = arith.mulf %min3A_1294, %get3A_1257 : vector<16xf32>
          %add3A_1296 = arith.addf %add3A_1119, %mul3A_1295 : vector<16xf32>
          %slice3A_1297 = vector.extract_strided_slice %masked_cumsum3A_1285 {offsets = [15], sizes = [1], strides = [1]} : vector<16xf32> to vector<1xf32>
          %squeeze3A_1298 = vector.extract %slice3A_1297[0] : f32 from vector<1xf32>
          %add3A_1299 = arith.addf %add3A_1122, %squeeze3A_1298 : f32
          %add3A_1300 = arith.constant 4608 : i32
          %add3A_1301 = vector.broadcast %add3A_1300 : i32 to vector<16xi32>
          %add3A_1302 = arith.addi %get3A_1255, %add3A_1301 : vector<16xi32>
          %gather3A_1303 = tpu.vector_load_idx %arg6[%add3A_1302] : memref<18432xf32, #tpu.memory_space<vmem>>[vector<16xi32>], vector<16xf32>,
          %broadcast_in_dim3A_1304 = arith.constant true
          %broadcast_in_dim3A_1305 = vector.broadcast %broadcast_in_dim3A_1304 : i1 to vector<16xi1>
          %masked_cumsum3A_1306 = tpu.scan <sum>, %gather3A_1303 masked %broadcast_in_dim3A_1305 : vector<16xf32>, vector<16xi1> -> vector<16xf32>
          %sub3A_1307 = arith.constant 2.000000e-01 : f32
          %sub3A_1308 = arith.subf %sub3A_1307, %add3A_1143 : f32
          %sub3A_1309 = vector.broadcast %sub3A_1308 : f32 to vector<16xf32>
          %sub3A_1310 = arith.subf %sub3A_1309, %masked_cumsum3A_1306 : vector<16xf32>
          %add3A_1311 = arith.addf %sub3A_1310, %gather3A_1303 : vector<16xf32>
          %max3A_1312 = arith.constant 0.000000e+00 : f32
          %max3A_1313 = vector.broadcast %max3A_1312 : f32 to vector<16xf32>
          %max3A_1314 = arith.maximumf %add3A_1311, %max3A_1313 : vector<16xf32>
          %min3A_1315 = arith.minimumf %gather3A_1303, %max3A_1314 : vector<16xf32>
          %mul3A_1316 = arith.mulf %min3A_1315, %get3A_1257 : vector<16xf32>
          %add3A_1317 = arith.addf %add3A_1140, %mul3A_1316 : vector<16xf32>
          %slice3A_1318 = vector.extract_strided_slice %masked_cumsum3A_1306 {offsets = [15], sizes = [1], strides = [1]} : vector<16xf32> to vector<1xf32>
          %squeeze3A_1319 = vector.extract %slice3A_1318[0] : f32 from vector<1xf32>
          %add3A_1320 = arith.addf %add3A_1143, %squeeze3A_1319 : f32
          %add3A_1321 = arith.constant 6912 : i32
          %add3A_1322 = vector.broadcast %add3A_1321 : i32 to vector<16xi32>
          %add3A_1323 = arith.addi %get3A_1255, %add3A_1322 : vector<16xi32>
          %gather3A_1324 = tpu.vector_load_idx %arg6[%add3A_1323] : memref<18432xf32, #tpu.memory_space<vmem>>[vector<16xi32>], vector<16xf32>,
          %broadcast_in_dim3A_1325 = arith.constant true
          %broadcast_in_dim3A_1326 = vector.broadcast %broadcast_in_dim3A_1325 : i1 to vector<16xi1>
          %masked_cumsum3A_1327 = tpu.scan <sum>, %gather3A_1324 masked %broadcast_in_dim3A_1326 : vector<16xf32>, vector<16xi1> -> vector<16xf32>
          %sub3A_1328 = arith.constant 2.000000e-01 : f32
          %sub3A_1329 = arith.subf %sub3A_1328, %add3A_1164 : f32
          %sub3A_1330 = vector.broadcast %sub3A_1329 : f32 to vector<16xf32>
          %sub3A_1331 = arith.subf %sub3A_1330, %masked_cumsum3A_1327 : vector<16xf32>
          %add3A_1332 = arith.addf %sub3A_1331, %gather3A_1324 : vector<16xf32>
          %max3A_1333 = arith.constant 0.000000e+00 : f32
          %max3A_1334 = vector.broadcast %max3A_1333 : f32 to vector<16xf32>
          %max3A_1335 = arith.maximumf %add3A_1332, %max3A_1334 : vector<16xf32>
          %min3A_1336 = arith.minimumf %gather3A_1324, %max3A_1335 : vector<16xf32>
          %mul3A_1337 = arith.mulf %min3A_1336, %get3A_1257 : vector<16xf32>
          %add3A_1338 = arith.addf %add3A_1161, %mul3A_1337 : vector<16xf32>
          %slice3A_1339 = vector.extract_strided_slice %masked_cumsum3A_1327 {offsets = [15], sizes = [1], strides = [1]} : vector<16xf32> to vector<1xf32>
          %squeeze3A_1340 = vector.extract %slice3A_1339[0] : f32 from vector<1xf32>
          %add3A_1341 = arith.addf %add3A_1164, %squeeze3A_1340 : f32
          %add3A_1342 = arith.constant 9216 : i32
          %add3A_1343 = vector.broadcast %add3A_1342 : i32 to vector<16xi32>
          %add3A_1344 = arith.addi %get3A_1255, %add3A_1343 : vector<16xi32>
          %gather3A_1345 = tpu.vector_load_idx %arg6[%add3A_1344] : memref<18432xf32, #tpu.memory_space<vmem>>[vector<16xi32>], vector<16xf32>,
          %broadcast_in_dim3A_1346 = arith.constant true
          %broadcast_in_dim3A_1347 = vector.broadcast %broadcast_in_dim3A_1346 : i1 to vector<16xi1>
          %masked_cumsum3A_1348 = tpu.scan <sum>, %gather3A_1345 masked %broadcast_in_dim3A_1347 : vector<16xf32>, vector<16xi1> -> vector<16xf32>
          %sub3A_1349 = arith.constant 2.000000e-01 : f32
          %sub3A_1350 = arith.subf %sub3A_1349, %add3A_1185 : f32
          %sub3A_1351 = vector.broadcast %sub3A_1350 : f32 to vector<16xf32>
          %sub3A_1352 = arith.subf %sub3A_1351, %masked_cumsum3A_1348 : vector<16xf32>
          %add3A_1353 = arith.addf %sub3A_1352, %gather3A_1345 : vector<16xf32>
          %max3A_1354 = arith.constant 0.000000e+00 : f32
          %max3A_1355 = vector.broadcast %max3A_1354 : f32 to vector<16xf32>
          %max3A_1356 = arith.maximumf %add3A_1353, %max3A_1355 : vector<16xf32>
          %min3A_1357 = arith.minimumf %gather3A_1345, %max3A_1356 : vector<16xf32>
          %mul3A_1358 = arith.mulf %min3A_1357, %get3A_1257 : vector<16xf32>
          %add3A_1359 = arith.addf %add3A_1182, %mul3A_1358 : vector<16xf32>
          %slice3A_1360 = vector.extract_strided_slice %masked_cumsum3A_1348 {offsets = [15], sizes = [1], strides = [1]} : vector<16xf32> to vector<1xf32>
          %squeeze3A_1361 = vector.extract %slice3A_1360[0] : f32 from vector<1xf32>
          %add3A_1362 = arith.addf %add3A_1185, %squeeze3A_1361 : f32
          %add3A_1363 = arith.constant 11520 : i32
          %add3A_1364 = vector.broadcast %add3A_1363 : i32 to vector<16xi32>
          %add3A_1365 = arith.addi %get3A_1255, %add3A_1364 : vector<16xi32>
          %gather3A_1366 = tpu.vector_load_idx %arg6[%add3A_1365] : memref<18432xf32, #tpu.memory_space<vmem>>[vector<16xi32>], vector<16xf32>,
          %broadcast_in_dim3A_1367 = arith.constant true
          %broadcast_in_dim3A_1368 = vector.broadcast %broadcast_in_dim3A_1367 : i1 to vector<16xi1>
          %masked_cumsum3A_1369 = tpu.scan <sum>, %gather3A_1366 masked %broadcast_in_dim3A_1368 : vector<16xf32>, vector<16xi1> -> vector<16xf32>
          %sub3A_1370 = arith.constant 2.000000e-01 : f32
          %sub3A_1371 = arith.subf %sub3A_1370, %add3A_1206 : f32
          %sub3A_1372 = vector.broadcast %sub3A_1371 : f32 to vector<16xf32>
          %sub3A_1373 = arith.subf %sub3A_1372, %masked_cumsum3A_1369 : vector<16xf32>
          %add3A_1374 = arith.addf %sub3A_1373, %gather3A_1366 : vector<16xf32>
          %max3A_1375 = arith.constant 0.000000e+00 : f32
          %max3A_1376 = vector.broadcast %max3A_1375 : f32 to vector<16xf32>
          %max3A_1377 = arith.maximumf %add3A_1374, %max3A_1376 : vector<16xf32>
          %min3A_1378 = arith.minimumf %gather3A_1366, %max3A_1377 : vector<16xf32>
          %mul3A_1379 = arith.mulf %min3A_1378, %get3A_1257 : vector<16xf32>
          %add3A_1380 = arith.addf %add3A_1203, %mul3A_1379 : vector<16xf32>
          %slice3A_1381 = vector.extract_strided_slice %masked_cumsum3A_1369 {offsets = [15], sizes = [1], strides = [1]} : vector<16xf32> to vector<1xf32>
          %squeeze3A_1382 = vector.extract %slice3A_1381[0] : f32 from vector<1xf32>
          %add3A_1383 = arith.addf %add3A_1206, %squeeze3A_1382 : f32
          %add3A_1384 = arith.constant 13824 : i32
          %add3A_1385 = vector.broadcast %add3A_1384 : i32 to vector<16xi32>
          %add3A_1386 = arith.addi %get3A_1255, %add3A_1385 : vector<16xi32>
          %gather3A_1387 = tpu.vector_load_idx %arg6[%add3A_1386] : memref<18432xf32, #tpu.memory_space<vmem>>[vector<16xi32>], vector<16xf32>,
          %broadcast_in_dim3A_1388 = arith.constant true
          %broadcast_in_dim3A_1389 = vector.broadcast %broadcast_in_dim3A_1388 : i1 to vector<16xi1>
          %masked_cumsum3A_1390 = tpu.scan <sum>, %gather3A_1387 masked %broadcast_in_dim3A_1389 : vector<16xf32>, vector<16xi1> -> vector<16xf32>
          %sub3A_1391 = arith.constant 2.000000e-01 : f32
          %sub3A_1392 = arith.subf %sub3A_1391, %add3A_1227 : f32
          %sub3A_1393 = vector.broadcast %sub3A_1392 : f32 to vector<16xf32>
          %sub3A_1394 = arith.subf %sub3A_1393, %masked_cumsum3A_1390 : vector<16xf32>
          %add3A_1395 = arith.addf %sub3A_1394, %gather3A_1387 : vector<16xf32>
          %max3A_1396 = arith.constant 0.000000e+00 : f32
          %max3A_1397 = vector.broadcast %max3A_1396 : f32 to vector<16xf32>
          %max3A_1398 = arith.maximumf %add3A_1395, %max3A_1397 : vector<16xf32>
          %min3A_1399 = arith.minimumf %gather3A_1387, %max3A_1398 : vector<16xf32>
          %mul3A_1400 = arith.mulf %min3A_1399, %get3A_1257 : vector<16xf32>
          %add3A_1401 = arith.addf %add3A_1224, %mul3A_1400 : vector<16xf32>
          %slice3A_1402 = vector.extract_strided_slice %masked_cumsum3A_1390 {offsets = [15], sizes = [1], strides = [1]} : vector<16xf32> to vector<1xf32>
          %squeeze3A_1403 = vector.extract %slice3A_1402[0] : f32 from vector<1xf32>
          %add3A_1404 = arith.addf %add3A_1227, %squeeze3A_1403 : f32
          %add3A_1405 = arith.constant 16128 : i32
          %add3A_1406 = vector.broadcast %add3A_1405 : i32 to vector<16xi32>
          %add3A_1407 = arith.addi %get3A_1255, %add3A_1406 : vector<16xi32>
          %gather3A_1408 = tpu.vector_load_idx %arg6[%add3A_1407] : memref<18432xf32, #tpu.memory_space<vmem>>[vector<16xi32>], vector<16xf32>,
          %broadcast_in_dim3A_1409 = arith.constant true
          %broadcast_in_dim3A_1410 = vector.broadcast %broadcast_in_dim3A_1409 : i1 to vector<16xi1>
          %masked_cumsum3A_1411 = tpu.scan <sum>, %gather3A_1408 masked %broadcast_in_dim3A_1410 : vector<16xf32>, vector<16xi1> -> vector<16xf32>
          %sub3A_1412 = arith.constant 2.000000e-01 : f32
          %sub3A_1413 = arith.subf %sub3A_1412, %add3A_1248 : f32
          %sub3A_1414 = vector.broadcast %sub3A_1413 : f32 to vector<16xf32>
          %sub3A_1415 = arith.subf %sub3A_1414, %masked_cumsum3A_1411 : vector<16xf32>
          %add3A_1416 = arith.addf %sub3A_1415, %gather3A_1408 : vector<16xf32>
          %max3A_1417 = arith.constant 0.000000e+00 : f32
          %max3A_1418 = vector.broadcast %max3A_1417 : f32 to vector<16xf32>
          %max3A_1419 = arith.maximumf %add3A_1416, %max3A_1418 : vector<16xf32>
          %min3A_1420 = arith.minimumf %gather3A_1408, %max3A_1419 : vector<16xf32>
          %mul3A_1421 = arith.mulf %min3A_1420, %get3A_1257 : vector<16xf32>
          %add3A_1422 = arith.addf %add3A_1245, %mul3A_1421 : vector<16xf32>
          %slice3A_1423 = vector.extract_strided_slice %masked_cumsum3A_1411 {offsets = [15], sizes = [1], strides = [1]} : vector<16xf32> to vector<1xf32>
          %squeeze3A_1424 = vector.extract %slice3A_1423[0] : f32 from vector<1xf32>
          %add3A_1425 = arith.addf %add3A_1248, %squeeze3A_1424 : f32
          %add3A_1426 = arith.constant 1 : i32
          %add3A_1427 = arith.addi %add3A_1250, %add3A_1426 : i32
          %mul3A_1428 = arith.constant 16 : i32
          %mul3A_1429 = arith.muli %add3A_1427, %mul3A_1428 : i32
          %add3A_1430 = arith.addi %mul3A_86, %mul3A_1429 : i32
          %get3A_1431 = arith.index_cast %add3A_1430 : i32 to index
          %get3A_1432 = tpu.vector_load %arg7[%get3A_1431] {strides = array<i32>} : memref<20736xi32, #tpu.memory_space<vmem>>, vector<16xi32>,
          %get3A_1433 = arith.index_cast %add3A_1430 : i32 to index
          %get3A_1434 = tpu.vector_load %arg8[%get3A_1433] {strides = array<i32>} : memref<20736xf32, #tpu.memory_space<vmem>>, vector<16xf32>,
          %add3A_1435 = arith.constant 0 : i32
          %add3A_1436 = vector.broadcast %add3A_1435 : i32 to vector<16xi32>
          %add3A_1437 = arith.addi %get3A_1432, %add3A_1436 : vector<16xi32>
          %gather3A_1438 = tpu.vector_load_idx %arg6[%add3A_1437] : memref<18432xf32, #tpu.memory_space<vmem>>[vector<16xi32>], vector<16xf32>,
          %broadcast_in_dim3A_1439 = arith.constant true
          %broadcast_in_dim3A_1440 = vector.broadcast %broadcast_in_dim3A_1439 : i1 to vector<16xi1>
          %masked_cumsum3A_1441 = tpu.scan <sum>, %gather3A_1438 masked %broadcast_in_dim3A_1440 : vector<16xf32>, vector<16xi1> -> vector<16xf32>
          %sub3A_1442 = arith.constant 2.000000e-01 : f32
          %sub3A_1443 = arith.subf %sub3A_1442, %add3A_1278 : f32
          %sub3A_1444 = vector.broadcast %sub3A_1443 : f32 to vector<16xf32>
          %sub3A_1445 = arith.subf %sub3A_1444, %masked_cumsum3A_1441 : vector<16xf32>
          %add3A_1446 = arith.addf %sub3A_1445, %gather3A_1438 : vector<16xf32>
          %max3A_1447 = arith.constant 0.000000e+00 : f32
          %max3A_1448 = vector.broadcast %max3A_1447 : f32 to vector<16xf32>
          %max3A_1449 = arith.maximumf %add3A_1446, %max3A_1448 : vector<16xf32>
          %min3A_1450 = arith.minimumf %gather3A_1438, %max3A_1449 : vector<16xf32>
          %mul3A_1451 = arith.mulf %min3A_1450, %get3A_1434 : vector<16xf32>
          %add3A_1452 = arith.addf %add3A_1275, %mul3A_1451 : vector<16xf32>
          %slice3A_1453 = vector.extract_strided_slice %masked_cumsum3A_1441 {offsets = [15], sizes = [1], strides = [1]} : vector<16xf32> to vector<1xf32>
          %squeeze3A_1454 = vector.extract %slice3A_1453[0] : f32 from vector<1xf32>
          %add3A_1455 = arith.addf %add3A_1278, %squeeze3A_1454 : f32
          %add3A_1456 = arith.constant 2304 : i32
          %add3A_1457 = vector.broadcast %add3A_1456 : i32 to vector<16xi32>
          %add3A_1458 = arith.addi %get3A_1432, %add3A_1457 : vector<16xi32>
          %gather3A_1459 = tpu.vector_load_idx %arg6[%add3A_1458] : memref<18432xf32, #tpu.memory_space<vmem>>[vector<16xi32>], vector<16xf32>,
          %broadcast_in_dim3A_1460 = arith.constant true
          %broadcast_in_dim3A_1461 = vector.broadcast %broadcast_in_dim3A_1460 : i1 to vector<16xi1>
          %masked_cumsum3A_1462 = tpu.scan <sum>, %gather3A_1459 masked %broadcast_in_dim3A_1461 : vector<16xf32>, vector<16xi1> -> vector<16xf32>
          %sub3A_1463 = arith.constant 2.000000e-01 : f32
          %sub3A_1464 = arith.subf %sub3A_1463, %add3A_1299 : f32
          %sub3A_1465 = vector.broadcast %sub3A_1464 : f32 to vector<16xf32>
          %sub3A_1466 = arith.subf %sub3A_1465, %masked_cumsum3A_1462 : vector<16xf32>
          %add3A_1467 = arith.addf %sub3A_1466, %gather3A_1459 : vector<16xf32>
          %max3A_1468 = arith.constant 0.000000e+00 : f32
          %max3A_1469 = vector.broadcast %max3A_1468 : f32 to vector<16xf32>
          %max3A_1470 = arith.maximumf %add3A_1467, %max3A_1469 : vector<16xf32>
          %min3A_1471 = arith.minimumf %gather3A_1459, %max3A_1470 : vector<16xf32>
          %mul3A_1472 = arith.mulf %min3A_1471, %get3A_1434 : vector<16xf32>
          %add3A_1473 = arith.addf %add3A_1296, %mul3A_1472 : vector<16xf32>
          %slice3A_1474 = vector.extract_strided_slice %masked_cumsum3A_1462 {offsets = [15], sizes = [1], strides = [1]} : vector<16xf32> to vector<1xf32>
          %squeeze3A_1475 = vector.extract %slice3A_1474[0] : f32 from vector<1xf32>
          %add3A_1476 = arith.addf %add3A_1299, %squeeze3A_1475 : f32
          %add3A_1477 = arith.constant 4608 : i32
          %add3A_1478 = vector.broadcast %add3A_1477 : i32 to vector<16xi32>
          %add3A_1479 = arith.addi %get3A_1432, %add3A_1478 : vector<16xi32>
          %gather3A_1480 = tpu.vector_load_idx %arg6[%add3A_1479] : memref<18432xf32, #tpu.memory_space<vmem>>[vector<16xi32>], vector<16xf32>,
          %broadcast_in_dim3A_1481 = arith.constant true
          %broadcast_in_dim3A_1482 = vector.broadcast %broadcast_in_dim3A_1481 : i1 to vector<16xi1>
          %masked_cumsum3A_1483 = tpu.scan <sum>, %gather3A_1480 masked %broadcast_in_dim3A_1482 : vector<16xf32>, vector<16xi1> -> vector<16xf32>
          %sub3A_1484 = arith.constant 2.000000e-01 : f32
          %sub3A_1485 = arith.subf %sub3A_1484, %add3A_1320 : f32
          %sub3A_1486 = vector.broadcast %sub3A_1485 : f32 to vector<16xf32>
          %sub3A_1487 = arith.subf %sub3A_1486, %masked_cumsum3A_1483 : vector<16xf32>
          %add3A_1488 = arith.addf %sub3A_1487, %gather3A_1480 : vector<16xf32>
          %max3A_1489 = arith.constant 0.000000e+00 : f32
          %max3A_1490 = vector.broadcast %max3A_1489 : f32 to vector<16xf32>
          %max3A_1491 = arith.maximumf %add3A_1488, %max3A_1490 : vector<16xf32>
          %min3A_1492 = arith.minimumf %gather3A_1480, %max3A_1491 : vector<16xf32>
          %mul3A_1493 = arith.mulf %min3A_1492, %get3A_1434 : vector<16xf32>
          %add3A_1494 = arith.addf %add3A_1317, %mul3A_1493 : vector<16xf32>
          %slice3A_1495 = vector.extract_strided_slice %masked_cumsum3A_1483 {offsets = [15], sizes = [1], strides = [1]} : vector<16xf32> to vector<1xf32>
          %squeeze3A_1496 = vector.extract %slice3A_1495[0] : f32 from vector<1xf32>
          %add3A_1497 = arith.addf %add3A_1320, %squeeze3A_1496 : f32
          %add3A_1498 = arith.constant 6912 : i32
          %add3A_1499 = vector.broadcast %add3A_1498 : i32 to vector<16xi32>
          %add3A_1500 = arith.addi %get3A_1432, %add3A_1499 : vector<16xi32>
          %gather3A_1501 = tpu.vector_load_idx %arg6[%add3A_1500] : memref<18432xf32, #tpu.memory_space<vmem>>[vector<16xi32>], vector<16xf32>,
          %broadcast_in_dim3A_1502 = arith.constant true
          %broadcast_in_dim3A_1503 = vector.broadcast %broadcast_in_dim3A_1502 : i1 to vector<16xi1>
          %masked_cumsum3A_1504 = tpu.scan <sum>, %gather3A_1501 masked %broadcast_in_dim3A_1503 : vector<16xf32>, vector<16xi1> -> vector<16xf32>
          %sub3A_1505 = arith.constant 2.000000e-01 : f32
          %sub3A_1506 = arith.subf %sub3A_1505, %add3A_1341 : f32
          %sub3A_1507 = vector.broadcast %sub3A_1506 : f32 to vector<16xf32>
          %sub3A_1508 = arith.subf %sub3A_1507, %masked_cumsum3A_1504 : vector<16xf32>
          %add3A_1509 = arith.addf %sub3A_1508, %gather3A_1501 : vector<16xf32>
          %max3A_1510 = arith.constant 0.000000e+00 : f32
          %max3A_1511 = vector.broadcast %max3A_1510 : f32 to vector<16xf32>
          %max3A_1512 = arith.maximumf %add3A_1509, %max3A_1511 : vector<16xf32>
          %min3A_1513 = arith.minimumf %gather3A_1501, %max3A_1512 : vector<16xf32>
          %mul3A_1514 = arith.mulf %min3A_1513, %get3A_1434 : vector<16xf32>
          %add3A_1515 = arith.addf %add3A_1338, %mul3A_1514 : vector<16xf32>
          %slice3A_1516 = vector.extract_strided_slice %masked_cumsum3A_1504 {offsets = [15], sizes = [1], strides = [1]} : vector<16xf32> to vector<1xf32>
          %squeeze3A_1517 = vector.extract %slice3A_1516[0] : f32 from vector<1xf32>
          %add3A_1518 = arith.addf %add3A_1341, %squeeze3A_1517 : f32
          %add3A_1519 = arith.constant 9216 : i32
          %add3A_1520 = vector.broadcast %add3A_1519 : i32 to vector<16xi32>
          %add3A_1521 = arith.addi %get3A_1432, %add3A_1520 : vector<16xi32>
          %gather3A_1522 = tpu.vector_load_idx %arg6[%add3A_1521] : memref<18432xf32, #tpu.memory_space<vmem>>[vector<16xi32>], vector<16xf32>,
          %broadcast_in_dim3A_1523 = arith.constant true
          %broadcast_in_dim3A_1524 = vector.broadcast %broadcast_in_dim3A_1523 : i1 to vector<16xi1>
          %masked_cumsum3A_1525 = tpu.scan <sum>, %gather3A_1522 masked %broadcast_in_dim3A_1524 : vector<16xf32>, vector<16xi1> -> vector<16xf32>
          %sub3A_1526 = arith.constant 2.000000e-01 : f32
          %sub3A_1527 = arith.subf %sub3A_1526, %add3A_1362 : f32
          %sub3A_1528 = vector.broadcast %sub3A_1527 : f32 to vector<16xf32>
          %sub3A_1529 = arith.subf %sub3A_1528, %masked_cumsum3A_1525 : vector<16xf32>
          %add3A_1530 = arith.addf %sub3A_1529, %gather3A_1522 : vector<16xf32>
          %max3A_1531 = arith.constant 0.000000e+00 : f32
          %max3A_1532 = vector.broadcast %max3A_1531 : f32 to vector<16xf32>
          %max3A_1533 = arith.maximumf %add3A_1530, %max3A_1532 : vector<16xf32>
          %min3A_1534 = arith.minimumf %gather3A_1522, %max3A_1533 : vector<16xf32>
          %mul3A_1535 = arith.mulf %min3A_1534, %get3A_1434 : vector<16xf32>
          %add3A_1536 = arith.addf %add3A_1359, %mul3A_1535 : vector<16xf32>
          %slice3A_1537 = vector.extract_strided_slice %masked_cumsum3A_1525 {offsets = [15], sizes = [1], strides = [1]} : vector<16xf32> to vector<1xf32>
          %squeeze3A_1538 = vector.extract %slice3A_1537[0] : f32 from vector<1xf32>
          %add3A_1539 = arith.addf %add3A_1362, %squeeze3A_1538 : f32
          %add3A_1540 = arith.constant 11520 : i32
          %add3A_1541 = vector.broadcast %add3A_1540 : i32 to vector<16xi32>
          %add3A_1542 = arith.addi %get3A_1432, %add3A_1541 : vector<16xi32>
          %gather3A_1543 = tpu.vector_load_idx %arg6[%add3A_1542] : memref<18432xf32, #tpu.memory_space<vmem>>[vector<16xi32>], vector<16xf32>,
          %broadcast_in_dim3A_1544 = arith.constant true
          %broadcast_in_dim3A_1545 = vector.broadcast %broadcast_in_dim3A_1544 : i1 to vector<16xi1>
          %masked_cumsum3A_1546 = tpu.scan <sum>, %gather3A_1543 masked %broadcast_in_dim3A_1545 : vector<16xf32>, vector<16xi1> -> vector<16xf32>
          %sub3A_1547 = arith.constant 2.000000e-01 : f32
          %sub3A_1548 = arith.subf %sub3A_1547, %add3A_1383 : f32
          %sub3A_1549 = vector.broadcast %sub3A_1548 : f32 to vector<16xf32>
          %sub3A_1550 = arith.subf %sub3A_1549, %masked_cumsum3A_1546 : vector<16xf32>
          %add3A_1551 = arith.addf %sub3A_1550, %gather3A_1543 : vector<16xf32>
          %max3A_1552 = arith.constant 0.000000e+00 : f32
          %max3A_1553 = vector.broadcast %max3A_1552 : f32 to vector<16xf32>
          %max3A_1554 = arith.maximumf %add3A_1551, %max3A_1553 : vector<16xf32>
          %min3A_1555 = arith.minimumf %gather3A_1543, %max3A_1554 : vector<16xf32>
          %mul3A_1556 = arith.mulf %min3A_1555, %get3A_1434 : vector<16xf32>
          %add3A_1557 = arith.addf %add3A_1380, %mul3A_1556 : vector<16xf32>
          %slice3A_1558 = vector.extract_strided_slice %masked_cumsum3A_1546 {offsets = [15], sizes = [1], strides = [1]} : vector<16xf32> to vector<1xf32>
          %squeeze3A_1559 = vector.extract %slice3A_1558[0] : f32 from vector<1xf32>
          %add3A_1560 = arith.addf %add3A_1383, %squeeze3A_1559 : f32
          %add3A_1561 = arith.constant 13824 : i32
          %add3A_1562 = vector.broadcast %add3A_1561 : i32 to vector<16xi32>
          %add3A_1563 = arith.addi %get3A_1432, %add3A_1562 : vector<16xi32>
          %gather3A_1564 = tpu.vector_load_idx %arg6[%add3A_1563] : memref<18432xf32, #tpu.memory_space<vmem>>[vector<16xi32>], vector<16xf32>,
          %broadcast_in_dim3A_1565 = arith.constant true
          %broadcast_in_dim3A_1566 = vector.broadcast %broadcast_in_dim3A_1565 : i1 to vector<16xi1>
          %masked_cumsum3A_1567 = tpu.scan <sum>, %gather3A_1564 masked %broadcast_in_dim3A_1566 : vector<16xf32>, vector<16xi1> -> vector<16xf32>
          %sub3A_1568 = arith.constant 2.000000e-01 : f32
          %sub3A_1569 = arith.subf %sub3A_1568, %add3A_1404 : f32
          %sub3A_1570 = vector.broadcast %sub3A_1569 : f32 to vector<16xf32>
          %sub3A_1571 = arith.subf %sub3A_1570, %masked_cumsum3A_1567 : vector<16xf32>
          %add3A_1572 = arith.addf %sub3A_1571, %gather3A_1564 : vector<16xf32>
          %max3A_1573 = arith.constant 0.000000e+00 : f32
          %max3A_1574 = vector.broadcast %max3A_1573 : f32 to vector<16xf32>
          %max3A_1575 = arith.maximumf %add3A_1572, %max3A_1574 : vector<16xf32>
          %min3A_1576 = arith.minimumf %gather3A_1564, %max3A_1575 : vector<16xf32>
          %mul3A_1577 = arith.mulf %min3A_1576, %get3A_1434 : vector<16xf32>
          %add3A_1578 = arith.addf %add3A_1401, %mul3A_1577 : vector<16xf32>
          %slice3A_1579 = vector.extract_strided_slice %masked_cumsum3A_1567 {offsets = [15], sizes = [1], strides = [1]} : vector<16xf32> to vector<1xf32>
          %squeeze3A_1580 = vector.extract %slice3A_1579[0] : f32 from vector<1xf32>
          %add3A_1581 = arith.addf %add3A_1404, %squeeze3A_1580 : f32
          %add3A_1582 = arith.constant 16128 : i32
          %add3A_1583 = vector.broadcast %add3A_1582 : i32 to vector<16xi32>
          %add3A_1584 = arith.addi %get3A_1432, %add3A_1583 : vector<16xi32>
          %gather3A_1585 = tpu.vector_load_idx %arg6[%add3A_1584] : memref<18432xf32, #tpu.memory_space<vmem>>[vector<16xi32>], vector<16xf32>,
          %broadcast_in_dim3A_1586 = arith.constant true
          %broadcast_in_dim3A_1587 = vector.broadcast %broadcast_in_dim3A_1586 : i1 to vector<16xi1>
          %masked_cumsum3A_1588 = tpu.scan <sum>, %gather3A_1585 masked %broadcast_in_dim3A_1587 : vector<16xf32>, vector<16xi1> -> vector<16xf32>
          %sub3A_1589 = arith.constant 2.000000e-01 : f32
          %sub3A_1590 = arith.subf %sub3A_1589, %add3A_1425 : f32
          %sub3A_1591 = vector.broadcast %sub3A_1590 : f32 to vector<16xf32>
          %sub3A_1592 = arith.subf %sub3A_1591, %masked_cumsum3A_1588 : vector<16xf32>
          %add3A_1593 = arith.addf %sub3A_1592, %gather3A_1585 : vector<16xf32>
          %max3A_1594 = arith.constant 0.000000e+00 : f32
          %max3A_1595 = vector.broadcast %max3A_1594 : f32 to vector<16xf32>
          %max3A_1596 = arith.maximumf %add3A_1593, %max3A_1595 : vector<16xf32>
          %min3A_1597 = arith.minimumf %gather3A_1585, %max3A_1596 : vector<16xf32>
          %mul3A_1598 = arith.mulf %min3A_1597, %get3A_1434 : vector<16xf32>
          %add3A_1599 = arith.addf %add3A_1422, %mul3A_1598 : vector<16xf32>
          %slice3A_1600 = vector.extract_strided_slice %masked_cumsum3A_1588 {offsets = [15], sizes = [1], strides = [1]} : vector<16xf32> to vector<1xf32>
          %squeeze3A_1601 = vector.extract %slice3A_1600[0] : f32 from vector<1xf32>
          %add3A_1602 = arith.addf %add3A_1425, %squeeze3A_1601 : f32
          %add3A_1603 = arith.constant 1 : i32
          %add3A_1604 = arith.addi %add3A_1427, %add3A_1603 : i32
          scf.yield %add3A_1604, %add3A_1455, %add3A_1476, %add3A_1497, %add3A_1518, %add3A_1539, %add3A_1560, %add3A_1581, %add3A_1602, %add3A_1452, %add3A_1473, %add3A_1494, %add3A_1515, %add3A_1536, %add3A_1557, %add3A_1578, %add3A_1599 : i32, f32, f32, f32, f32, f32, f32, f32, f32, vector<16xf32>, vector<16xf32>, vector<16xf32>, vector<16xf32>, vector<16xf32>, vector<16xf32>, vector<16xf32>, vector<16xf32>
        }
        %mul3A_97 = arith.constant 9 : i32
        %mul3A_98 = arith.muli %mul3A_37, %mul3A_97 : i32
        %add3A_99 = arith.addi %mul3A_98, %scan3A_83 : i32
        %reduce_sum3A = arith.constant true
        %reduce_sum3A_100 = vector.broadcast %reduce_sum3A : i1 to vector<16xi1>
        %reduce_sum3A_101 = tpu.scan <sum>, %while3A_96#9 masked %reduce_sum3A_100 : vector<16xf32>, vector<16xi1> -> vector<16xf32>
        %reduce_sum3A_102 = vector.extract %reduce_sum3A_101[15] : f32 from vector<16xf32>
        %mul3A_103 = arith.constant 5.000000e+00 : f32
        %mul3A_104 = arith.mulf %reduce_sum3A_102, %mul3A_103 : f32
        %add3A_105 = arith.constant 0 : i32
        %add3A_106 = arith.addi %add3A_105, %add3A_99 : i32
        %broadcast_in_dim3A_107 = vector.broadcast %add3A_106 : i32 to vector<16xi32>
        %broadcast_in_dim3A_108 = vector.broadcast %mul3A_104 : f32 to vector<16xf32>
        tpu.vector_store_idx %arg11[%broadcast_in_dim3A_107], %broadcast_in_dim3A_108 masked %eq3A_4 : memref<576xf32, #tpu.memory_space<vmem>>[vector<16xi32>], vector<16xf32>, vector<16xi1>
        %reduce_sum3A_109 = arith.constant true
        %reduce_sum3A_110 = vector.broadcast %reduce_sum3A_109 : i1 to vector<16xi1>
        %reduce_sum3A_111 = tpu.scan <sum>, %while3A_96#10 masked %reduce_sum3A_110 : vector<16xf32>, vector<16xi1> -> vector<16xf32>
        %reduce_sum3A_112 = vector.extract %reduce_sum3A_111[15] : f32 from vector<16xf32>
        %mul3A_113 = arith.constant 5.000000e+00 : f32
        %mul3A_114 = arith.mulf %reduce_sum3A_112, %mul3A_113 : f32
        %add3A_115 = arith.constant 72 : i32
        %add3A_116 = arith.addi %add3A_115, %add3A_99 : i32
        %broadcast_in_dim3A_117 = vector.broadcast %add3A_116 : i32 to vector<16xi32>
        %broadcast_in_dim3A_118 = vector.broadcast %mul3A_114 : f32 to vector<16xf32>
        tpu.vector_store_idx %arg11[%broadcast_in_dim3A_117], %broadcast_in_dim3A_118 masked %eq3A_4 : memref<576xf32, #tpu.memory_space<vmem>>[vector<16xi32>], vector<16xf32>, vector<16xi1>
        %reduce_sum3A_119 = arith.constant true
        %reduce_sum3A_120 = vector.broadcast %reduce_sum3A_119 : i1 to vector<16xi1>
        %reduce_sum3A_121 = tpu.scan <sum>, %while3A_96#11 masked %reduce_sum3A_120 : vector<16xf32>, vector<16xi1> -> vector<16xf32>
        %reduce_sum3A_122 = vector.extract %reduce_sum3A_121[15] : f32 from vector<16xf32>
        %mul3A_123 = arith.constant 5.000000e+00 : f32
        %mul3A_124 = arith.mulf %reduce_sum3A_122, %mul3A_123 : f32
        %add3A_125 = arith.constant 144 : i32
        %add3A_126 = arith.addi %add3A_125, %add3A_99 : i32
        %broadcast_in_dim3A_127 = vector.broadcast %add3A_126 : i32 to vector<16xi32>
        %broadcast_in_dim3A_128 = vector.broadcast %mul3A_124 : f32 to vector<16xf32>
        tpu.vector_store_idx %arg11[%broadcast_in_dim3A_127], %broadcast_in_dim3A_128 masked %eq3A_4 : memref<576xf32, #tpu.memory_space<vmem>>[vector<16xi32>], vector<16xf32>, vector<16xi1>
        %reduce_sum3A_129 = arith.constant true
        %reduce_sum3A_130 = vector.broadcast %reduce_sum3A_129 : i1 to vector<16xi1>
        %reduce_sum3A_131 = tpu.scan <sum>, %while3A_96#12 masked %reduce_sum3A_130 : vector<16xf32>, vector<16xi1> -> vector<16xf32>
        %reduce_sum3A_132 = vector.extract %reduce_sum3A_131[15] : f32 from vector<16xf32>
        %mul3A_133 = arith.constant 5.000000e+00 : f32
        %mul3A_134 = arith.mulf %reduce_sum3A_132, %mul3A_133 : f32
        %add3A_135 = arith.constant 216 : i32
        %add3A_136 = arith.addi %add3A_135, %add3A_99 : i32
        %broadcast_in_dim3A_137 = vector.broadcast %add3A_136 : i32 to vector<16xi32>
        %broadcast_in_dim3A_138 = vector.broadcast %mul3A_134 : f32 to vector<16xf32>
        tpu.vector_store_idx %arg11[%broadcast_in_dim3A_137], %broadcast_in_dim3A_138 masked %eq3A_4 : memref<576xf32, #tpu.memory_space<vmem>>[vector<16xi32>], vector<16xf32>, vector<16xi1>
        %reduce_sum3A_139 = arith.constant true
        %reduce_sum3A_140 = vector.broadcast %reduce_sum3A_139 : i1 to vector<16xi1>
        %reduce_sum3A_141 = tpu.scan <sum>, %while3A_96#13 masked %reduce_sum3A_140 : vector<16xf32>, vector<16xi1> -> vector<16xf32>
        %reduce_sum3A_142 = vector.extract %reduce_sum3A_141[15] : f32 from vector<16xf32>
        %mul3A_143 = arith.constant 5.000000e+00 : f32
        %mul3A_144 = arith.mulf %reduce_sum3A_142, %mul3A_143 : f32
        %add3A_145 = arith.constant 288 : i32
        %add3A_146 = arith.addi %add3A_145, %add3A_99 : i32
        %broadcast_in_dim3A_147 = vector.broadcast %add3A_146 : i32 to vector<16xi32>
        %broadcast_in_dim3A_148 = vector.broadcast %mul3A_144 : f32 to vector<16xf32>
        tpu.vector_store_idx %arg11[%broadcast_in_dim3A_147], %broadcast_in_dim3A_148 masked %eq3A_4 : memref<576xf32, #tpu.memory_space<vmem>>[vector<16xi32>], vector<16xf32>, vector<16xi1>
        %reduce_sum3A_149 = arith.constant true
        %reduce_sum3A_150 = vector.broadcast %reduce_sum3A_149 : i1 to vector<16xi1>
        %reduce_sum3A_151 = tpu.scan <sum>, %while3A_96#14 masked %reduce_sum3A_150 : vector<16xf32>, vector<16xi1> -> vector<16xf32>
        %reduce_sum3A_152 = vector.extract %reduce_sum3A_151[15] : f32 from vector<16xf32>
        %mul3A_153 = arith.constant 5.000000e+00 : f32
        %mul3A_154 = arith.mulf %reduce_sum3A_152, %mul3A_153 : f32
        %add3A_155 = arith.constant 360 : i32
        %add3A_156 = arith.addi %add3A_155, %add3A_99 : i32
        %broadcast_in_dim3A_157 = vector.broadcast %add3A_156 : i32 to vector<16xi32>
        %broadcast_in_dim3A_158 = vector.broadcast %mul3A_154 : f32 to vector<16xf32>
        tpu.vector_store_idx %arg11[%broadcast_in_dim3A_157], %broadcast_in_dim3A_158 masked %eq3A_4 : memref<576xf32, #tpu.memory_space<vmem>>[vector<16xi32>], vector<16xf32>, vector<16xi1>
        %reduce_sum3A_159 = arith.constant true
        %reduce_sum3A_160 = vector.broadcast %reduce_sum3A_159 : i1 to vector<16xi1>
        %reduce_sum3A_161 = tpu.scan <sum>, %while3A_96#15 masked %reduce_sum3A_160 : vector<16xf32>, vector<16xi1> -> vector<16xf32>
        %reduce_sum3A_162 = vector.extract %reduce_sum3A_161[15] : f32 from vector<16xf32>
        %mul3A_163 = arith.constant 5.000000e+00 : f32
        %mul3A_164 = arith.mulf %reduce_sum3A_162, %mul3A_163 : f32
        %add3A_165 = arith.constant 432 : i32
        %add3A_166 = arith.addi %add3A_165, %add3A_99 : i32
        %broadcast_in_dim3A_167 = vector.broadcast %add3A_166 : i32 to vector<16xi32>
        %broadcast_in_dim3A_168 = vector.broadcast %mul3A_164 : f32 to vector<16xf32>
        tpu.vector_store_idx %arg11[%broadcast_in_dim3A_167], %broadcast_in_dim3A_168 masked %eq3A_4 : memref<576xf32, #tpu.memory_space<vmem>>[vector<16xi32>], vector<16xf32>, vector<16xi1>
        %reduce_sum3A_169 = arith.constant true
        %reduce_sum3A_170 = vector.broadcast %reduce_sum3A_169 : i1 to vector<16xi1>
        %reduce_sum3A_171 = tpu.scan <sum>, %while3A_96#16 masked %reduce_sum3A_170 : vector<16xf32>, vector<16xi1> -> vector<16xf32>
        %reduce_sum3A_172 = vector.extract %reduce_sum3A_171[15] : f32 from vector<16xf32>
        %mul3A_173 = arith.constant 5.000000e+00 : f32
        %mul3A_174 = arith.mulf %reduce_sum3A_172, %mul3A_173 : f32
        %add3A_175 = arith.constant 504 : i32
        %add3A_176 = arith.addi %add3A_175, %add3A_99 : i32
        %broadcast_in_dim3A_177 = vector.broadcast %add3A_176 : i32 to vector<16xi32>
        %broadcast_in_dim3A_178 = vector.broadcast %mul3A_174 : f32 to vector<16xf32>
        tpu.vector_store_idx %arg11[%broadcast_in_dim3A_177], %broadcast_in_dim3A_178 masked %eq3A_4 : memref<576xf32, #tpu.memory_space<vmem>>[vector<16xi32>], vector<16xf32>, vector<16xi1>
        %scan3A_179 = arith.constant 0 : i32
        scf.yield %scan3A_179 : i32
      }
      %scan3A_62 = arith.constant 9 : i32
      %lt3A = arith.constant 3 : i32
      %lt3A_63 = arith.cmpi slt, %scan3A_34, %lt3A : i32
      %convert_element_type3A = arith.extui %lt3A_63 : i1 to i32
      %cond3A = arith.constant 0 : i32
      %cond3A_64 = arith.cmpi ne, %convert_element_type3A, %cond3A : i32
      scf.if %cond3A_64 {
        %add3A_83 = arith.constant 2 : i32
        %add3A_84 = arith.addi %mul3A_37, %add3A_83 : i32
        %mul3A_85 = arith.constant 9 : i32
        %mul3A_86 = arith.muli %add3A_84, %mul3A_85 : i32
        %add3A_87 = arith.addi %mul3A_2, %mul3A_86 : i32
        %mul3A_88 = arith.constant 2304 : i32
        %mul3A_89 = arith.muli %add3A_87, %mul3A_88 : i32
        %dma_start3A_90 = tpu.memref_slice %arg3[%mul3A_89] : memref<5308416xi32, #tpu.memory_space<hbm>> -> memref<20736xi32, #tpu.memory_space<hbm>>
        %dma_start3A_91 = tpu.memref_slice %arg3[%mul3A_89] : memref<5308416xi32, #tpu.memory_space<hbm>> -> memref<20736xi32, #tpu.memory_space<hbm>>
        tpu.enqueue_dma source(%dma_start3A_91 : memref<20736xi32, #tpu.memory_space<hbm>>) target(%arg7 : memref<20736xi32, #tpu.memory_space<vmem>>) target_semaphore(%arg12 : memref<!tpu.dma_semaphore, #tpu.memory_space<semaphore_mem>>)
        %dma_start3A_92 = tpu.memref_slice %arg4[%mul3A_89] : memref<5308416xf32, #tpu.memory_space<hbm>> -> memref<20736xf32, #tpu.memory_space<hbm>>
        %dma_start3A_93 = tpu.memref_slice %arg4[%mul3A_89] : memref<5308416xf32, #tpu.memory_space<hbm>> -> memref<20736xf32, #tpu.memory_space<hbm>>
        tpu.enqueue_dma source(%dma_start3A_93 : memref<20736xf32, #tpu.memory_space<hbm>>) target(%arg8 : memref<20736xf32, #tpu.memory_space<vmem>>) target_semaphore(%arg12 : memref<!tpu.dma_semaphore, #tpu.memory_space<semaphore_mem>>)
      } else {
      }
      %dma_wait3A_65 = arith.constant 0 : i32
      %dma_wait3A_66 = tpu.memref_slice %arg3[%dma_wait3A_65] : memref<5308416xi32, #tpu.memory_space<hbm>> -> memref<20736xi32, #tpu.memory_space<hbm>>
      %dma_wait3A_67 = arith.constant 0 : i32
      %dma_wait3A_68 = tpu.memref_slice %arg3[%dma_wait3A_67] : memref<5308416xi32, #tpu.memory_space<hbm>> -> memref<20736xi32, #tpu.memory_space<hbm>>
      tpu.wait_dma2 semaphore(%arg13 : memref<!tpu.dma_semaphore, #tpu.memory_space<semaphore_mem>>) src(%dma_wait3A_68 : memref<20736xi32, #tpu.memory_space<hbm>>) dst(%arg9 : memref<20736xi32, #tpu.memory_space<vmem>>)
      %dma_wait3A_69 = arith.constant 0 : i32
      %dma_wait3A_70 = tpu.memref_slice %arg4[%dma_wait3A_69] : memref<5308416xf32, #tpu.memory_space<hbm>> -> memref<20736xf32, #tpu.memory_space<hbm>>
      %dma_wait3A_71 = arith.constant 0 : i32
      %dma_wait3A_72 = tpu.memref_slice %arg4[%dma_wait3A_71] : memref<5308416xf32, #tpu.memory_space<hbm>> -> memref<20736xf32, #tpu.memory_space<hbm>>
      tpu.wait_dma2 semaphore(%arg13 : memref<!tpu.dma_semaphore, #tpu.memory_space<semaphore_mem>>) src(%dma_wait3A_72 : memref<20736xf32, #tpu.memory_space<hbm>>) dst(%arg10 : memref<20736xf32, #tpu.memory_space<vmem>>)
      %add3A_73 = arith.constant 1 : i32
      %add3A_74 = arith.addi %mul3A_37, %add3A_73 : i32
      %scan3A_75 = arith.constant 0 : i32
      %scan3A_76 = arith.constant 0 : i32
      %scan3A_77 = arith.constant 9 : i32
      %scan3A_78 = arith.addi %scan3A_76, %scan3A_77 : i32
      %scan3A_79 = arith.constant 1 : i32
      %scan3A_80 = scf.for %scan3A_83 = %scan3A_76 to %scan3A_78 step %scan3A_79 iter_args(%scan3A_84 = %scan3A_75) -> (i32)  : i32 {
        %mul3A_85 = arith.constant 2304 : i32
        %mul3A_86 = arith.muli %scan3A_83, %mul3A_85 : i32
        %broadcast_in_dim3A = arith.constant 0.000000e+00 : f32
        %broadcast_in_dim3A_87 = vector.broadcast %broadcast_in_dim3A : f32 to vector<16xf32>
        %while3A = arith.constant 0 : i32
        %while3A_88 = arith.constant 0.000000e+00 : f32
        %while3A_89 = arith.constant 0.000000e+00 : f32
        %while3A_90 = arith.constant 0.000000e+00 : f32
        %while3A_91 = arith.constant 0.000000e+00 : f32
        %while3A_92 = arith.constant 0.000000e+00 : f32
        %while3A_93 = arith.constant 0.000000e+00 : f32
        %while3A_94 = arith.constant 0.000000e+00 : f32
        %while3A_95 = arith.constant 0.000000e+00 : f32
        %while3A_96:17 = scf.while (%while3A_180 = %while3A, %while3A_181 = %while3A_88, %while3A_182 = %while3A_89, %while3A_183 = %while3A_90, %while3A_184 = %while3A_91, %while3A_185 = %while3A_92, %while3A_186 = %while3A_93, %while3A_187 = %while3A_94, %while3A_188 = %while3A_95, %while3A_189 = %broadcast_in_dim3A_87, %while3A_190 = %broadcast_in_dim3A_87, %while3A_191 = %broadcast_in_dim3A_87, %while3A_192 = %broadcast_in_dim3A_87, %while3A_193 = %broadcast_in_dim3A_87, %while3A_194 = %broadcast_in_dim3A_87, %while3A_195 = %broadcast_in_dim3A_87, %while3A_196 = %broadcast_in_dim3A_87) : (i32, f32, f32, f32, f32, f32, f32, f32, f32, vector<16xf32>, vector<16xf32>, vector<16xf32>, vector<16xf32>, vector<16xf32>, vector<16xf32>, vector<16xf32>, vector<16xf32>) -> (i32, f32, f32, f32, f32, f32, f32, f32, f32, vector<16xf32>, vector<16xf32>, vector<16xf32>, vector<16xf32>, vector<16xf32>, vector<16xf32>, vector<16xf32>, vector<16xf32>) {
          %min3A = arith.minimumf %while3A_181, %while3A_182 : f32
          %min3A_197 = arith.minimumf %min3A, %while3A_183 : f32
          %min3A_198 = arith.minimumf %min3A_197, %while3A_184 : f32
          %min3A_199 = arith.minimumf %min3A_198, %while3A_185 : f32
          %min3A_200 = arith.minimumf %min3A_199, %while3A_186 : f32
          %min3A_201 = arith.minimumf %min3A_200, %while3A_187 : f32
          %min3A_202 = arith.minimumf %min3A_201, %while3A_188 : f32
          %lt3A_203 = arith.constant 144 : i32
          %lt3A_204 = arith.cmpi slt, %while3A_180, %lt3A_203 : i32
          %lt3A_205 = arith.constant 2.000000e-01 : f32
          %lt3A_206 = arith.cmpf olt, %min3A_202, %lt3A_205 : f32
          %and3A = arith.andi %lt3A_204, %lt3A_206 : i1
          scf.condition(%and3A) %while3A_180, %while3A_181, %while3A_182, %while3A_183, %while3A_184, %while3A_185, %while3A_186, %while3A_187, %while3A_188, %while3A_189, %while3A_190, %while3A_191, %while3A_192, %while3A_193, %while3A_194, %while3A_195, %while3A_196 : i32, f32, f32, f32, f32, f32, f32, f32, f32, vector<16xf32>, vector<16xf32>, vector<16xf32>, vector<16xf32>, vector<16xf32>, vector<16xf32>, vector<16xf32>, vector<16xf32>
        } do {
        ^bb0(%while3A_180: i32, %while3A_181: f32, %while3A_182: f32, %while3A_183: f32, %while3A_184: f32, %while3A_185: f32, %while3A_186: f32, %while3A_187: f32, %while3A_188: f32, %while3A_189: vector<16xf32>, %while3A_190: vector<16xf32>, %while3A_191: vector<16xf32>, %while3A_192: vector<16xf32>, %while3A_193: vector<16xf32>, %while3A_194: vector<16xf32>, %while3A_195: vector<16xf32>, %while3A_196: vector<16xf32>):
          %mul3A_197 = arith.constant 16 : i32
          %mul3A_198 = arith.muli %while3A_180, %mul3A_197 : i32
          %add3A_199 = arith.addi %mul3A_86, %mul3A_198 : i32
          %get3A = arith.index_cast %add3A_199 : i32 to index
          %get3A_200 = tpu.vector_load %arg9[%get3A] {strides = array<i32>} : memref<20736xi32, #tpu.memory_space<vmem>>, vector<16xi32>,
          %get3A_201 = arith.index_cast %add3A_199 : i32 to index
          %get3A_202 = tpu.vector_load %arg10[%get3A_201] {strides = array<i32>} : memref<20736xf32, #tpu.memory_space<vmem>>, vector<16xf32>,
          %add3A_203 = arith.constant 0 : i32
          %add3A_204 = vector.broadcast %add3A_203 : i32 to vector<16xi32>
          %add3A_205 = arith.addi %get3A_200, %add3A_204 : vector<16xi32>
          %gather3A = tpu.vector_load_idx %arg6[%add3A_205] : memref<18432xf32, #tpu.memory_space<vmem>>[vector<16xi32>], vector<16xf32>,
          %broadcast_in_dim3A_206 = arith.constant true
          %broadcast_in_dim3A_207 = vector.broadcast %broadcast_in_dim3A_206 : i1 to vector<16xi1>
          %masked_cumsum3A = tpu.scan <sum>, %gather3A masked %broadcast_in_dim3A_207 : vector<16xf32>, vector<16xi1> -> vector<16xf32>
          %sub3A = arith.constant 2.000000e-01 : f32
          %sub3A_208 = arith.subf %sub3A, %while3A_181 : f32
          %sub3A_209 = vector.broadcast %sub3A_208 : f32 to vector<16xf32>
          %sub3A_210 = arith.subf %sub3A_209, %masked_cumsum3A : vector<16xf32>
          %add3A_211 = arith.addf %sub3A_210, %gather3A : vector<16xf32>
          %max3A = arith.constant 0.000000e+00 : f32
          %max3A_212 = vector.broadcast %max3A : f32 to vector<16xf32>
          %max3A_213 = arith.maximumf %add3A_211, %max3A_212 : vector<16xf32>
          %min3A = arith.minimumf %gather3A, %max3A_213 : vector<16xf32>
          %mul3A_214 = arith.mulf %min3A, %get3A_202 : vector<16xf32>
          %add3A_215 = arith.addf %while3A_189, %mul3A_214 : vector<16xf32>
          %slice3A = vector.extract_strided_slice %masked_cumsum3A {offsets = [15], sizes = [1], strides = [1]} : vector<16xf32> to vector<1xf32>
          %squeeze3A = vector.extract %slice3A[0] : f32 from vector<1xf32>
          %add3A_216 = arith.addf %while3A_181, %squeeze3A : f32
          %add3A_217 = arith.constant 2304 : i32
          %add3A_218 = vector.broadcast %add3A_217 : i32 to vector<16xi32>
          %add3A_219 = arith.addi %get3A_200, %add3A_218 : vector<16xi32>
          %gather3A_220 = tpu.vector_load_idx %arg6[%add3A_219] : memref<18432xf32, #tpu.memory_space<vmem>>[vector<16xi32>], vector<16xf32>,
          %broadcast_in_dim3A_221 = arith.constant true
          %broadcast_in_dim3A_222 = vector.broadcast %broadcast_in_dim3A_221 : i1 to vector<16xi1>
          %masked_cumsum3A_223 = tpu.scan <sum>, %gather3A_220 masked %broadcast_in_dim3A_222 : vector<16xf32>, vector<16xi1> -> vector<16xf32>
          %sub3A_224 = arith.constant 2.000000e-01 : f32
          %sub3A_225 = arith.subf %sub3A_224, %while3A_182 : f32
          %sub3A_226 = vector.broadcast %sub3A_225 : f32 to vector<16xf32>
          %sub3A_227 = arith.subf %sub3A_226, %masked_cumsum3A_223 : vector<16xf32>
          %add3A_228 = arith.addf %sub3A_227, %gather3A_220 : vector<16xf32>
          %max3A_229 = arith.constant 0.000000e+00 : f32
          %max3A_230 = vector.broadcast %max3A_229 : f32 to vector<16xf32>
          %max3A_231 = arith.maximumf %add3A_228, %max3A_230 : vector<16xf32>
          %min3A_232 = arith.minimumf %gather3A_220, %max3A_231 : vector<16xf32>
          %mul3A_233 = arith.mulf %min3A_232, %get3A_202 : vector<16xf32>
          %add3A_234 = arith.addf %while3A_190, %mul3A_233 : vector<16xf32>
          %slice3A_235 = vector.extract_strided_slice %masked_cumsum3A_223 {offsets = [15], sizes = [1], strides = [1]} : vector<16xf32> to vector<1xf32>
          %squeeze3A_236 = vector.extract %slice3A_235[0] : f32 from vector<1xf32>
          %add3A_237 = arith.addf %while3A_182, %squeeze3A_236 : f32
          %add3A_238 = arith.constant 4608 : i32
          %add3A_239 = vector.broadcast %add3A_238 : i32 to vector<16xi32>
          %add3A_240 = arith.addi %get3A_200, %add3A_239 : vector<16xi32>
          %gather3A_241 = tpu.vector_load_idx %arg6[%add3A_240] : memref<18432xf32, #tpu.memory_space<vmem>>[vector<16xi32>], vector<16xf32>,
          %broadcast_in_dim3A_242 = arith.constant true
          %broadcast_in_dim3A_243 = vector.broadcast %broadcast_in_dim3A_242 : i1 to vector<16xi1>
          %masked_cumsum3A_244 = tpu.scan <sum>, %gather3A_241 masked %broadcast_in_dim3A_243 : vector<16xf32>, vector<16xi1> -> vector<16xf32>
          %sub3A_245 = arith.constant 2.000000e-01 : f32
          %sub3A_246 = arith.subf %sub3A_245, %while3A_183 : f32
          %sub3A_247 = vector.broadcast %sub3A_246 : f32 to vector<16xf32>
          %sub3A_248 = arith.subf %sub3A_247, %masked_cumsum3A_244 : vector<16xf32>
          %add3A_249 = arith.addf %sub3A_248, %gather3A_241 : vector<16xf32>
          %max3A_250 = arith.constant 0.000000e+00 : f32
          %max3A_251 = vector.broadcast %max3A_250 : f32 to vector<16xf32>
          %max3A_252 = arith.maximumf %add3A_249, %max3A_251 : vector<16xf32>
          %min3A_253 = arith.minimumf %gather3A_241, %max3A_252 : vector<16xf32>
          %mul3A_254 = arith.mulf %min3A_253, %get3A_202 : vector<16xf32>
          %add3A_255 = arith.addf %while3A_191, %mul3A_254 : vector<16xf32>
          %slice3A_256 = vector.extract_strided_slice %masked_cumsum3A_244 {offsets = [15], sizes = [1], strides = [1]} : vector<16xf32> to vector<1xf32>
          %squeeze3A_257 = vector.extract %slice3A_256[0] : f32 from vector<1xf32>
          %add3A_258 = arith.addf %while3A_183, %squeeze3A_257 : f32
          %add3A_259 = arith.constant 6912 : i32
          %add3A_260 = vector.broadcast %add3A_259 : i32 to vector<16xi32>
          %add3A_261 = arith.addi %get3A_200, %add3A_260 : vector<16xi32>
          %gather3A_262 = tpu.vector_load_idx %arg6[%add3A_261] : memref<18432xf32, #tpu.memory_space<vmem>>[vector<16xi32>], vector<16xf32>,
          %broadcast_in_dim3A_263 = arith.constant true
          %broadcast_in_dim3A_264 = vector.broadcast %broadcast_in_dim3A_263 : i1 to vector<16xi1>
          %masked_cumsum3A_265 = tpu.scan <sum>, %gather3A_262 masked %broadcast_in_dim3A_264 : vector<16xf32>, vector<16xi1> -> vector<16xf32>
          %sub3A_266 = arith.constant 2.000000e-01 : f32
          %sub3A_267 = arith.subf %sub3A_266, %while3A_184 : f32
          %sub3A_268 = vector.broadcast %sub3A_267 : f32 to vector<16xf32>
          %sub3A_269 = arith.subf %sub3A_268, %masked_cumsum3A_265 : vector<16xf32>
          %add3A_270 = arith.addf %sub3A_269, %gather3A_262 : vector<16xf32>
          %max3A_271 = arith.constant 0.000000e+00 : f32
          %max3A_272 = vector.broadcast %max3A_271 : f32 to vector<16xf32>
          %max3A_273 = arith.maximumf %add3A_270, %max3A_272 : vector<16xf32>
          %min3A_274 = arith.minimumf %gather3A_262, %max3A_273 : vector<16xf32>
          %mul3A_275 = arith.mulf %min3A_274, %get3A_202 : vector<16xf32>
          %add3A_276 = arith.addf %while3A_192, %mul3A_275 : vector<16xf32>
          %slice3A_277 = vector.extract_strided_slice %masked_cumsum3A_265 {offsets = [15], sizes = [1], strides = [1]} : vector<16xf32> to vector<1xf32>
          %squeeze3A_278 = vector.extract %slice3A_277[0] : f32 from vector<1xf32>
          %add3A_279 = arith.addf %while3A_184, %squeeze3A_278 : f32
          %add3A_280 = arith.constant 9216 : i32
          %add3A_281 = vector.broadcast %add3A_280 : i32 to vector<16xi32>
          %add3A_282 = arith.addi %get3A_200, %add3A_281 : vector<16xi32>
          %gather3A_283 = tpu.vector_load_idx %arg6[%add3A_282] : memref<18432xf32, #tpu.memory_space<vmem>>[vector<16xi32>], vector<16xf32>,
          %broadcast_in_dim3A_284 = arith.constant true
          %broadcast_in_dim3A_285 = vector.broadcast %broadcast_in_dim3A_284 : i1 to vector<16xi1>
          %masked_cumsum3A_286 = tpu.scan <sum>, %gather3A_283 masked %broadcast_in_dim3A_285 : vector<16xf32>, vector<16xi1> -> vector<16xf32>
          %sub3A_287 = arith.constant 2.000000e-01 : f32
          %sub3A_288 = arith.subf %sub3A_287, %while3A_185 : f32
          %sub3A_289 = vector.broadcast %sub3A_288 : f32 to vector<16xf32>
          %sub3A_290 = arith.subf %sub3A_289, %masked_cumsum3A_286 : vector<16xf32>
          %add3A_291 = arith.addf %sub3A_290, %gather3A_283 : vector<16xf32>
          %max3A_292 = arith.constant 0.000000e+00 : f32
          %max3A_293 = vector.broadcast %max3A_292 : f32 to vector<16xf32>
          %max3A_294 = arith.maximumf %add3A_291, %max3A_293 : vector<16xf32>
          %min3A_295 = arith.minimumf %gather3A_283, %max3A_294 : vector<16xf32>
          %mul3A_296 = arith.mulf %min3A_295, %get3A_202 : vector<16xf32>
          %add3A_297 = arith.addf %while3A_193, %mul3A_296 : vector<16xf32>
          %slice3A_298 = vector.extract_strided_slice %masked_cumsum3A_286 {offsets = [15], sizes = [1], strides = [1]} : vector<16xf32> to vector<1xf32>
          %squeeze3A_299 = vector.extract %slice3A_298[0] : f32 from vector<1xf32>
          %add3A_300 = arith.addf %while3A_185, %squeeze3A_299 : f32
          %add3A_301 = arith.constant 11520 : i32
          %add3A_302 = vector.broadcast %add3A_301 : i32 to vector<16xi32>
          %add3A_303 = arith.addi %get3A_200, %add3A_302 : vector<16xi32>
          %gather3A_304 = tpu.vector_load_idx %arg6[%add3A_303] : memref<18432xf32, #tpu.memory_space<vmem>>[vector<16xi32>], vector<16xf32>,
          %broadcast_in_dim3A_305 = arith.constant true
          %broadcast_in_dim3A_306 = vector.broadcast %broadcast_in_dim3A_305 : i1 to vector<16xi1>
          %masked_cumsum3A_307 = tpu.scan <sum>, %gather3A_304 masked %broadcast_in_dim3A_306 : vector<16xf32>, vector<16xi1> -> vector<16xf32>
          %sub3A_308 = arith.constant 2.000000e-01 : f32
          %sub3A_309 = arith.subf %sub3A_308, %while3A_186 : f32
          %sub3A_310 = vector.broadcast %sub3A_309 : f32 to vector<16xf32>
          %sub3A_311 = arith.subf %sub3A_310, %masked_cumsum3A_307 : vector<16xf32>
          %add3A_312 = arith.addf %sub3A_311, %gather3A_304 : vector<16xf32>
          %max3A_313 = arith.constant 0.000000e+00 : f32
          %max3A_314 = vector.broadcast %max3A_313 : f32 to vector<16xf32>
          %max3A_315 = arith.maximumf %add3A_312, %max3A_314 : vector<16xf32>
          %min3A_316 = arith.minimumf %gather3A_304, %max3A_315 : vector<16xf32>
          %mul3A_317 = arith.mulf %min3A_316, %get3A_202 : vector<16xf32>
          %add3A_318 = arith.addf %while3A_194, %mul3A_317 : vector<16xf32>
          %slice3A_319 = vector.extract_strided_slice %masked_cumsum3A_307 {offsets = [15], sizes = [1], strides = [1]} : vector<16xf32> to vector<1xf32>
          %squeeze3A_320 = vector.extract %slice3A_319[0] : f32 from vector<1xf32>
          %add3A_321 = arith.addf %while3A_186, %squeeze3A_320 : f32
          %add3A_322 = arith.constant 13824 : i32
          %add3A_323 = vector.broadcast %add3A_322 : i32 to vector<16xi32>
          %add3A_324 = arith.addi %get3A_200, %add3A_323 : vector<16xi32>
          %gather3A_325 = tpu.vector_load_idx %arg6[%add3A_324] : memref<18432xf32, #tpu.memory_space<vmem>>[vector<16xi32>], vector<16xf32>,
          %broadcast_in_dim3A_326 = arith.constant true
          %broadcast_in_dim3A_327 = vector.broadcast %broadcast_in_dim3A_326 : i1 to vector<16xi1>
          %masked_cumsum3A_328 = tpu.scan <sum>, %gather3A_325 masked %broadcast_in_dim3A_327 : vector<16xf32>, vector<16xi1> -> vector<16xf32>
          %sub3A_329 = arith.constant 2.000000e-01 : f32
          %sub3A_330 = arith.subf %sub3A_329, %while3A_187 : f32
          %sub3A_331 = vector.broadcast %sub3A_330 : f32 to vector<16xf32>
          %sub3A_332 = arith.subf %sub3A_331, %masked_cumsum3A_328 : vector<16xf32>
          %add3A_333 = arith.addf %sub3A_332, %gather3A_325 : vector<16xf32>
          %max3A_334 = arith.constant 0.000000e+00 : f32
          %max3A_335 = vector.broadcast %max3A_334 : f32 to vector<16xf32>
          %max3A_336 = arith.maximumf %add3A_333, %max3A_335 : vector<16xf32>
          %min3A_337 = arith.minimumf %gather3A_325, %max3A_336 : vector<16xf32>
          %mul3A_338 = arith.mulf %min3A_337, %get3A_202 : vector<16xf32>
          %add3A_339 = arith.addf %while3A_195, %mul3A_338 : vector<16xf32>
          %slice3A_340 = vector.extract_strided_slice %masked_cumsum3A_328 {offsets = [15], sizes = [1], strides = [1]} : vector<16xf32> to vector<1xf32>
          %squeeze3A_341 = vector.extract %slice3A_340[0] : f32 from vector<1xf32>
          %add3A_342 = arith.addf %while3A_187, %squeeze3A_341 : f32
          %add3A_343 = arith.constant 16128 : i32
          %add3A_344 = vector.broadcast %add3A_343 : i32 to vector<16xi32>
          %add3A_345 = arith.addi %get3A_200, %add3A_344 : vector<16xi32>
          %gather3A_346 = tpu.vector_load_idx %arg6[%add3A_345] : memref<18432xf32, #tpu.memory_space<vmem>>[vector<16xi32>], vector<16xf32>,
          %broadcast_in_dim3A_347 = arith.constant true
          %broadcast_in_dim3A_348 = vector.broadcast %broadcast_in_dim3A_347 : i1 to vector<16xi1>
          %masked_cumsum3A_349 = tpu.scan <sum>, %gather3A_346 masked %broadcast_in_dim3A_348 : vector<16xf32>, vector<16xi1> -> vector<16xf32>
          %sub3A_350 = arith.constant 2.000000e-01 : f32
          %sub3A_351 = arith.subf %sub3A_350, %while3A_188 : f32
          %sub3A_352 = vector.broadcast %sub3A_351 : f32 to vector<16xf32>
          %sub3A_353 = arith.subf %sub3A_352, %masked_cumsum3A_349 : vector<16xf32>
          %add3A_354 = arith.addf %sub3A_353, %gather3A_346 : vector<16xf32>
          %max3A_355 = arith.constant 0.000000e+00 : f32
          %max3A_356 = vector.broadcast %max3A_355 : f32 to vector<16xf32>
          %max3A_357 = arith.maximumf %add3A_354, %max3A_356 : vector<16xf32>
          %min3A_358 = arith.minimumf %gather3A_346, %max3A_357 : vector<16xf32>
          %mul3A_359 = arith.mulf %min3A_358, %get3A_202 : vector<16xf32>
          %add3A_360 = arith.addf %while3A_196, %mul3A_359 : vector<16xf32>
          %slice3A_361 = vector.extract_strided_slice %masked_cumsum3A_349 {offsets = [15], sizes = [1], strides = [1]} : vector<16xf32> to vector<1xf32>
          %squeeze3A_362 = vector.extract %slice3A_361[0] : f32 from vector<1xf32>
          %add3A_363 = arith.addf %while3A_188, %squeeze3A_362 : f32
          %add3A_364 = arith.constant 1 : i32
          %add3A_365 = arith.addi %while3A_180, %add3A_364 : i32
          %mul3A_366 = arith.constant 16 : i32
          %mul3A_367 = arith.muli %add3A_365, %mul3A_366 : i32
          %add3A_368 = arith.addi %mul3A_86, %mul3A_367 : i32
          %get3A_369 = arith.index_cast %add3A_368 : i32 to index
          %get3A_370 = tpu.vector_load %arg9[%get3A_369] {strides = array<i32>} : memref<20736xi32, #tpu.memory_space<vmem>>, vector<16xi32>,
          %get3A_371 = arith.index_cast %add3A_368 : i32 to index
          %get3A_372 = tpu.vector_load %arg10[%get3A_371] {strides = array<i32>} : memref<20736xf32, #tpu.memory_space<vmem>>, vector<16xf32>,
          %add3A_373 = arith.constant 0 : i32
          %add3A_374 = vector.broadcast %add3A_373 : i32 to vector<16xi32>
          %add3A_375 = arith.addi %get3A_370, %add3A_374 : vector<16xi32>
          %gather3A_376 = tpu.vector_load_idx %arg6[%add3A_375] : memref<18432xf32, #tpu.memory_space<vmem>>[vector<16xi32>], vector<16xf32>,
          %broadcast_in_dim3A_377 = arith.constant true
          %broadcast_in_dim3A_378 = vector.broadcast %broadcast_in_dim3A_377 : i1 to vector<16xi1>
          %masked_cumsum3A_379 = tpu.scan <sum>, %gather3A_376 masked %broadcast_in_dim3A_378 : vector<16xf32>, vector<16xi1> -> vector<16xf32>
          %sub3A_380 = arith.constant 2.000000e-01 : f32
          %sub3A_381 = arith.subf %sub3A_380, %add3A_216 : f32
          %sub3A_382 = vector.broadcast %sub3A_381 : f32 to vector<16xf32>
          %sub3A_383 = arith.subf %sub3A_382, %masked_cumsum3A_379 : vector<16xf32>
          %add3A_384 = arith.addf %sub3A_383, %gather3A_376 : vector<16xf32>
          %max3A_385 = arith.constant 0.000000e+00 : f32
          %max3A_386 = vector.broadcast %max3A_385 : f32 to vector<16xf32>
          %max3A_387 = arith.maximumf %add3A_384, %max3A_386 : vector<16xf32>
          %min3A_388 = arith.minimumf %gather3A_376, %max3A_387 : vector<16xf32>
          %mul3A_389 = arith.mulf %min3A_388, %get3A_372 : vector<16xf32>
          %add3A_390 = arith.addf %add3A_215, %mul3A_389 : vector<16xf32>
          %slice3A_391 = vector.extract_strided_slice %masked_cumsum3A_379 {offsets = [15], sizes = [1], strides = [1]} : vector<16xf32> to vector<1xf32>
          %squeeze3A_392 = vector.extract %slice3A_391[0] : f32 from vector<1xf32>
          %add3A_393 = arith.addf %add3A_216, %squeeze3A_392 : f32
          %add3A_394 = arith.constant 2304 : i32
          %add3A_395 = vector.broadcast %add3A_394 : i32 to vector<16xi32>
          %add3A_396 = arith.addi %get3A_370, %add3A_395 : vector<16xi32>
          %gather3A_397 = tpu.vector_load_idx %arg6[%add3A_396] : memref<18432xf32, #tpu.memory_space<vmem>>[vector<16xi32>], vector<16xf32>,
          %broadcast_in_dim3A_398 = arith.constant true
          %broadcast_in_dim3A_399 = vector.broadcast %broadcast_in_dim3A_398 : i1 to vector<16xi1>
          %masked_cumsum3A_400 = tpu.scan <sum>, %gather3A_397 masked %broadcast_in_dim3A_399 : vector<16xf32>, vector<16xi1> -> vector<16xf32>
          %sub3A_401 = arith.constant 2.000000e-01 : f32
          %sub3A_402 = arith.subf %sub3A_401, %add3A_237 : f32
          %sub3A_403 = vector.broadcast %sub3A_402 : f32 to vector<16xf32>
          %sub3A_404 = arith.subf %sub3A_403, %masked_cumsum3A_400 : vector<16xf32>
          %add3A_405 = arith.addf %sub3A_404, %gather3A_397 : vector<16xf32>
          %max3A_406 = arith.constant 0.000000e+00 : f32
          %max3A_407 = vector.broadcast %max3A_406 : f32 to vector<16xf32>
          %max3A_408 = arith.maximumf %add3A_405, %max3A_407 : vector<16xf32>
          %min3A_409 = arith.minimumf %gather3A_397, %max3A_408 : vector<16xf32>
          %mul3A_410 = arith.mulf %min3A_409, %get3A_372 : vector<16xf32>
          %add3A_411 = arith.addf %add3A_234, %mul3A_410 : vector<16xf32>
          %slice3A_412 = vector.extract_strided_slice %masked_cumsum3A_400 {offsets = [15], sizes = [1], strides = [1]} : vector<16xf32> to vector<1xf32>
          %squeeze3A_413 = vector.extract %slice3A_412[0] : f32 from vector<1xf32>
          %add3A_414 = arith.addf %add3A_237, %squeeze3A_413 : f32
          %add3A_415 = arith.constant 4608 : i32
          %add3A_416 = vector.broadcast %add3A_415 : i32 to vector<16xi32>
          %add3A_417 = arith.addi %get3A_370, %add3A_416 : vector<16xi32>
          %gather3A_418 = tpu.vector_load_idx %arg6[%add3A_417] : memref<18432xf32, #tpu.memory_space<vmem>>[vector<16xi32>], vector<16xf32>,
          %broadcast_in_dim3A_419 = arith.constant true
          %broadcast_in_dim3A_420 = vector.broadcast %broadcast_in_dim3A_419 : i1 to vector<16xi1>
          %masked_cumsum3A_421 = tpu.scan <sum>, %gather3A_418 masked %broadcast_in_dim3A_420 : vector<16xf32>, vector<16xi1> -> vector<16xf32>
          %sub3A_422 = arith.constant 2.000000e-01 : f32
          %sub3A_423 = arith.subf %sub3A_422, %add3A_258 : f32
          %sub3A_424 = vector.broadcast %sub3A_423 : f32 to vector<16xf32>
          %sub3A_425 = arith.subf %sub3A_424, %masked_cumsum3A_421 : vector<16xf32>
          %add3A_426 = arith.addf %sub3A_425, %gather3A_418 : vector<16xf32>
          %max3A_427 = arith.constant 0.000000e+00 : f32
          %max3A_428 = vector.broadcast %max3A_427 : f32 to vector<16xf32>
          %max3A_429 = arith.maximumf %add3A_426, %max3A_428 : vector<16xf32>
          %min3A_430 = arith.minimumf %gather3A_418, %max3A_429 : vector<16xf32>
          %mul3A_431 = arith.mulf %min3A_430, %get3A_372 : vector<16xf32>
          %add3A_432 = arith.addf %add3A_255, %mul3A_431 : vector<16xf32>
          %slice3A_433 = vector.extract_strided_slice %masked_cumsum3A_421 {offsets = [15], sizes = [1], strides = [1]} : vector<16xf32> to vector<1xf32>
          %squeeze3A_434 = vector.extract %slice3A_433[0] : f32 from vector<1xf32>
          %add3A_435 = arith.addf %add3A_258, %squeeze3A_434 : f32
          %add3A_436 = arith.constant 6912 : i32
          %add3A_437 = vector.broadcast %add3A_436 : i32 to vector<16xi32>
          %add3A_438 = arith.addi %get3A_370, %add3A_437 : vector<16xi32>
          %gather3A_439 = tpu.vector_load_idx %arg6[%add3A_438] : memref<18432xf32, #tpu.memory_space<vmem>>[vector<16xi32>], vector<16xf32>,
          %broadcast_in_dim3A_440 = arith.constant true
          %broadcast_in_dim3A_441 = vector.broadcast %broadcast_in_dim3A_440 : i1 to vector<16xi1>
          %masked_cumsum3A_442 = tpu.scan <sum>, %gather3A_439 masked %broadcast_in_dim3A_441 : vector<16xf32>, vector<16xi1> -> vector<16xf32>
          %sub3A_443 = arith.constant 2.000000e-01 : f32
          %sub3A_444 = arith.subf %sub3A_443, %add3A_279 : f32
          %sub3A_445 = vector.broadcast %sub3A_444 : f32 to vector<16xf32>
          %sub3A_446 = arith.subf %sub3A_445, %masked_cumsum3A_442 : vector<16xf32>
          %add3A_447 = arith.addf %sub3A_446, %gather3A_439 : vector<16xf32>
          %max3A_448 = arith.constant 0.000000e+00 : f32
          %max3A_449 = vector.broadcast %max3A_448 : f32 to vector<16xf32>
          %max3A_450 = arith.maximumf %add3A_447, %max3A_449 : vector<16xf32>
          %min3A_451 = arith.minimumf %gather3A_439, %max3A_450 : vector<16xf32>
          %mul3A_452 = arith.mulf %min3A_451, %get3A_372 : vector<16xf32>
          %add3A_453 = arith.addf %add3A_276, %mul3A_452 : vector<16xf32>
          %slice3A_454 = vector.extract_strided_slice %masked_cumsum3A_442 {offsets = [15], sizes = [1], strides = [1]} : vector<16xf32> to vector<1xf32>
          %squeeze3A_455 = vector.extract %slice3A_454[0] : f32 from vector<1xf32>
          %add3A_456 = arith.addf %add3A_279, %squeeze3A_455 : f32
          %add3A_457 = arith.constant 9216 : i32
          %add3A_458 = vector.broadcast %add3A_457 : i32 to vector<16xi32>
          %add3A_459 = arith.addi %get3A_370, %add3A_458 : vector<16xi32>
          %gather3A_460 = tpu.vector_load_idx %arg6[%add3A_459] : memref<18432xf32, #tpu.memory_space<vmem>>[vector<16xi32>], vector<16xf32>,
          %broadcast_in_dim3A_461 = arith.constant true
          %broadcast_in_dim3A_462 = vector.broadcast %broadcast_in_dim3A_461 : i1 to vector<16xi1>
          %masked_cumsum3A_463 = tpu.scan <sum>, %gather3A_460 masked %broadcast_in_dim3A_462 : vector<16xf32>, vector<16xi1> -> vector<16xf32>
          %sub3A_464 = arith.constant 2.000000e-01 : f32
          %sub3A_465 = arith.subf %sub3A_464, %add3A_300 : f32
          %sub3A_466 = vector.broadcast %sub3A_465 : f32 to vector<16xf32>
          %sub3A_467 = arith.subf %sub3A_466, %masked_cumsum3A_463 : vector<16xf32>
          %add3A_468 = arith.addf %sub3A_467, %gather3A_460 : vector<16xf32>
          %max3A_469 = arith.constant 0.000000e+00 : f32
          %max3A_470 = vector.broadcast %max3A_469 : f32 to vector<16xf32>
          %max3A_471 = arith.maximumf %add3A_468, %max3A_470 : vector<16xf32>
          %min3A_472 = arith.minimumf %gather3A_460, %max3A_471 : vector<16xf32>
          %mul3A_473 = arith.mulf %min3A_472, %get3A_372 : vector<16xf32>
          %add3A_474 = arith.addf %add3A_297, %mul3A_473 : vector<16xf32>
          %slice3A_475 = vector.extract_strided_slice %masked_cumsum3A_463 {offsets = [15], sizes = [1], strides = [1]} : vector<16xf32> to vector<1xf32>
          %squeeze3A_476 = vector.extract %slice3A_475[0] : f32 from vector<1xf32>
          %add3A_477 = arith.addf %add3A_300, %squeeze3A_476 : f32
          %add3A_478 = arith.constant 11520 : i32
          %add3A_479 = vector.broadcast %add3A_478 : i32 to vector<16xi32>
          %add3A_480 = arith.addi %get3A_370, %add3A_479 : vector<16xi32>
          %gather3A_481 = tpu.vector_load_idx %arg6[%add3A_480] : memref<18432xf32, #tpu.memory_space<vmem>>[vector<16xi32>], vector<16xf32>,
          %broadcast_in_dim3A_482 = arith.constant true
          %broadcast_in_dim3A_483 = vector.broadcast %broadcast_in_dim3A_482 : i1 to vector<16xi1>
          %masked_cumsum3A_484 = tpu.scan <sum>, %gather3A_481 masked %broadcast_in_dim3A_483 : vector<16xf32>, vector<16xi1> -> vector<16xf32>
          %sub3A_485 = arith.constant 2.000000e-01 : f32
          %sub3A_486 = arith.subf %sub3A_485, %add3A_321 : f32
          %sub3A_487 = vector.broadcast %sub3A_486 : f32 to vector<16xf32>
          %sub3A_488 = arith.subf %sub3A_487, %masked_cumsum3A_484 : vector<16xf32>
          %add3A_489 = arith.addf %sub3A_488, %gather3A_481 : vector<16xf32>
          %max3A_490 = arith.constant 0.000000e+00 : f32
          %max3A_491 = vector.broadcast %max3A_490 : f32 to vector<16xf32>
          %max3A_492 = arith.maximumf %add3A_489, %max3A_491 : vector<16xf32>
          %min3A_493 = arith.minimumf %gather3A_481, %max3A_492 : vector<16xf32>
          %mul3A_494 = arith.mulf %min3A_493, %get3A_372 : vector<16xf32>
          %add3A_495 = arith.addf %add3A_318, %mul3A_494 : vector<16xf32>
          %slice3A_496 = vector.extract_strided_slice %masked_cumsum3A_484 {offsets = [15], sizes = [1], strides = [1]} : vector<16xf32> to vector<1xf32>
          %squeeze3A_497 = vector.extract %slice3A_496[0] : f32 from vector<1xf32>
          %add3A_498 = arith.addf %add3A_321, %squeeze3A_497 : f32
          %add3A_499 = arith.constant 13824 : i32
          %add3A_500 = vector.broadcast %add3A_499 : i32 to vector<16xi32>
          %add3A_501 = arith.addi %get3A_370, %add3A_500 : vector<16xi32>
          %gather3A_502 = tpu.vector_load_idx %arg6[%add3A_501] : memref<18432xf32, #tpu.memory_space<vmem>>[vector<16xi32>], vector<16xf32>,
          %broadcast_in_dim3A_503 = arith.constant true
          %broadcast_in_dim3A_504 = vector.broadcast %broadcast_in_dim3A_503 : i1 to vector<16xi1>
          %masked_cumsum3A_505 = tpu.scan <sum>, %gather3A_502 masked %broadcast_in_dim3A_504 : vector<16xf32>, vector<16xi1> -> vector<16xf32>
          %sub3A_506 = arith.constant 2.000000e-01 : f32
          %sub3A_507 = arith.subf %sub3A_506, %add3A_342 : f32
          %sub3A_508 = vector.broadcast %sub3A_507 : f32 to vector<16xf32>
          %sub3A_509 = arith.subf %sub3A_508, %masked_cumsum3A_505 : vector<16xf32>
          %add3A_510 = arith.addf %sub3A_509, %gather3A_502 : vector<16xf32>
          %max3A_511 = arith.constant 0.000000e+00 : f32
          %max3A_512 = vector.broadcast %max3A_511 : f32 to vector<16xf32>
          %max3A_513 = arith.maximumf %add3A_510, %max3A_512 : vector<16xf32>
          %min3A_514 = arith.minimumf %gather3A_502, %max3A_513 : vector<16xf32>
          %mul3A_515 = arith.mulf %min3A_514, %get3A_372 : vector<16xf32>
          %add3A_516 = arith.addf %add3A_339, %mul3A_515 : vector<16xf32>
          %slice3A_517 = vector.extract_strided_slice %masked_cumsum3A_505 {offsets = [15], sizes = [1], strides = [1]} : vector<16xf32> to vector<1xf32>
          %squeeze3A_518 = vector.extract %slice3A_517[0] : f32 from vector<1xf32>
          %add3A_519 = arith.addf %add3A_342, %squeeze3A_518 : f32
          %add3A_520 = arith.constant 16128 : i32
          %add3A_521 = vector.broadcast %add3A_520 : i32 to vector<16xi32>
          %add3A_522 = arith.addi %get3A_370, %add3A_521 : vector<16xi32>
          %gather3A_523 = tpu.vector_load_idx %arg6[%add3A_522] : memref<18432xf32, #tpu.memory_space<vmem>>[vector<16xi32>], vector<16xf32>,
          %broadcast_in_dim3A_524 = arith.constant true
          %broadcast_in_dim3A_525 = vector.broadcast %broadcast_in_dim3A_524 : i1 to vector<16xi1>
          %masked_cumsum3A_526 = tpu.scan <sum>, %gather3A_523 masked %broadcast_in_dim3A_525 : vector<16xf32>, vector<16xi1> -> vector<16xf32>
          %sub3A_527 = arith.constant 2.000000e-01 : f32
          %sub3A_528 = arith.subf %sub3A_527, %add3A_363 : f32
          %sub3A_529 = vector.broadcast %sub3A_528 : f32 to vector<16xf32>
          %sub3A_530 = arith.subf %sub3A_529, %masked_cumsum3A_526 : vector<16xf32>
          %add3A_531 = arith.addf %sub3A_530, %gather3A_523 : vector<16xf32>
          %max3A_532 = arith.constant 0.000000e+00 : f32
          %max3A_533 = vector.broadcast %max3A_532 : f32 to vector<16xf32>
          %max3A_534 = arith.maximumf %add3A_531, %max3A_533 : vector<16xf32>
          %min3A_535 = arith.minimumf %gather3A_523, %max3A_534 : vector<16xf32>
          %mul3A_536 = arith.mulf %min3A_535, %get3A_372 : vector<16xf32>
          %add3A_537 = arith.addf %add3A_360, %mul3A_536 : vector<16xf32>
          %slice3A_538 = vector.extract_strided_slice %masked_cumsum3A_526 {offsets = [15], sizes = [1], strides = [1]} : vector<16xf32> to vector<1xf32>
          %squeeze3A_539 = vector.extract %slice3A_538[0] : f32 from vector<1xf32>
          %add3A_540 = arith.addf %add3A_363, %squeeze3A_539 : f32
          %add3A_541 = arith.constant 1 : i32
          %add3A_542 = arith.addi %add3A_365, %add3A_541 : i32
          %mul3A_543 = arith.constant 16 : i32
          %mul3A_544 = arith.muli %add3A_542, %mul3A_543 : i32
          %add3A_545 = arith.addi %mul3A_86, %mul3A_544 : i32
          %get3A_546 = arith.index_cast %add3A_545 : i32 to index
          %get3A_547 = tpu.vector_load %arg9[%get3A_546] {strides = array<i32>} : memref<20736xi32, #tpu.memory_space<vmem>>, vector<16xi32>,
          %get3A_548 = arith.index_cast %add3A_545 : i32 to index
          %get3A_549 = tpu.vector_load %arg10[%get3A_548] {strides = array<i32>} : memref<20736xf32, #tpu.memory_space<vmem>>, vector<16xf32>,
          %add3A_550 = arith.constant 0 : i32
          %add3A_551 = vector.broadcast %add3A_550 : i32 to vector<16xi32>
          %add3A_552 = arith.addi %get3A_547, %add3A_551 : vector<16xi32>
          %gather3A_553 = tpu.vector_load_idx %arg6[%add3A_552] : memref<18432xf32, #tpu.memory_space<vmem>>[vector<16xi32>], vector<16xf32>,
          %broadcast_in_dim3A_554 = arith.constant true
          %broadcast_in_dim3A_555 = vector.broadcast %broadcast_in_dim3A_554 : i1 to vector<16xi1>
          %masked_cumsum3A_556 = tpu.scan <sum>, %gather3A_553 masked %broadcast_in_dim3A_555 : vector<16xf32>, vector<16xi1> -> vector<16xf32>
          %sub3A_557 = arith.constant 2.000000e-01 : f32
          %sub3A_558 = arith.subf %sub3A_557, %add3A_393 : f32
          %sub3A_559 = vector.broadcast %sub3A_558 : f32 to vector<16xf32>
          %sub3A_560 = arith.subf %sub3A_559, %masked_cumsum3A_556 : vector<16xf32>
          %add3A_561 = arith.addf %sub3A_560, %gather3A_553 : vector<16xf32>
          %max3A_562 = arith.constant 0.000000e+00 : f32
          %max3A_563 = vector.broadcast %max3A_562 : f32 to vector<16xf32>
          %max3A_564 = arith.maximumf %add3A_561, %max3A_563 : vector<16xf32>
          %min3A_565 = arith.minimumf %gather3A_553, %max3A_564 : vector<16xf32>
          %mul3A_566 = arith.mulf %min3A_565, %get3A_549 : vector<16xf32>
          %add3A_567 = arith.addf %add3A_390, %mul3A_566 : vector<16xf32>
          %slice3A_568 = vector.extract_strided_slice %masked_cumsum3A_556 {offsets = [15], sizes = [1], strides = [1]} : vector<16xf32> to vector<1xf32>
          %squeeze3A_569 = vector.extract %slice3A_568[0] : f32 from vector<1xf32>
          %add3A_570 = arith.addf %add3A_393, %squeeze3A_569 : f32
          %add3A_571 = arith.constant 2304 : i32
          %add3A_572 = vector.broadcast %add3A_571 : i32 to vector<16xi32>
          %add3A_573 = arith.addi %get3A_547, %add3A_572 : vector<16xi32>
          %gather3A_574 = tpu.vector_load_idx %arg6[%add3A_573] : memref<18432xf32, #tpu.memory_space<vmem>>[vector<16xi32>], vector<16xf32>,
          %broadcast_in_dim3A_575 = arith.constant true
          %broadcast_in_dim3A_576 = vector.broadcast %broadcast_in_dim3A_575 : i1 to vector<16xi1>
          %masked_cumsum3A_577 = tpu.scan <sum>, %gather3A_574 masked %broadcast_in_dim3A_576 : vector<16xf32>, vector<16xi1> -> vector<16xf32>
          %sub3A_578 = arith.constant 2.000000e-01 : f32
          %sub3A_579 = arith.subf %sub3A_578, %add3A_414 : f32
          %sub3A_580 = vector.broadcast %sub3A_579 : f32 to vector<16xf32>
          %sub3A_581 = arith.subf %sub3A_580, %masked_cumsum3A_577 : vector<16xf32>
          %add3A_582 = arith.addf %sub3A_581, %gather3A_574 : vector<16xf32>
          %max3A_583 = arith.constant 0.000000e+00 : f32
          %max3A_584 = vector.broadcast %max3A_583 : f32 to vector<16xf32>
          %max3A_585 = arith.maximumf %add3A_582, %max3A_584 : vector<16xf32>
          %min3A_586 = arith.minimumf %gather3A_574, %max3A_585 : vector<16xf32>
          %mul3A_587 = arith.mulf %min3A_586, %get3A_549 : vector<16xf32>
          %add3A_588 = arith.addf %add3A_411, %mul3A_587 : vector<16xf32>
          %slice3A_589 = vector.extract_strided_slice %masked_cumsum3A_577 {offsets = [15], sizes = [1], strides = [1]} : vector<16xf32> to vector<1xf32>
          %squeeze3A_590 = vector.extract %slice3A_589[0] : f32 from vector<1xf32>
          %add3A_591 = arith.addf %add3A_414, %squeeze3A_590 : f32
          %add3A_592 = arith.constant 4608 : i32
          %add3A_593 = vector.broadcast %add3A_592 : i32 to vector<16xi32>
          %add3A_594 = arith.addi %get3A_547, %add3A_593 : vector<16xi32>
          %gather3A_595 = tpu.vector_load_idx %arg6[%add3A_594] : memref<18432xf32, #tpu.memory_space<vmem>>[vector<16xi32>], vector<16xf32>,
          %broadcast_in_dim3A_596 = arith.constant true
          %broadcast_in_dim3A_597 = vector.broadcast %broadcast_in_dim3A_596 : i1 to vector<16xi1>
          %masked_cumsum3A_598 = tpu.scan <sum>, %gather3A_595 masked %broadcast_in_dim3A_597 : vector<16xf32>, vector<16xi1> -> vector<16xf32>
          %sub3A_599 = arith.constant 2.000000e-01 : f32
          %sub3A_600 = arith.subf %sub3A_599, %add3A_435 : f32
          %sub3A_601 = vector.broadcast %sub3A_600 : f32 to vector<16xf32>
          %sub3A_602 = arith.subf %sub3A_601, %masked_cumsum3A_598 : vector<16xf32>
          %add3A_603 = arith.addf %sub3A_602, %gather3A_595 : vector<16xf32>
          %max3A_604 = arith.constant 0.000000e+00 : f32
          %max3A_605 = vector.broadcast %max3A_604 : f32 to vector<16xf32>
          %max3A_606 = arith.maximumf %add3A_603, %max3A_605 : vector<16xf32>
          %min3A_607 = arith.minimumf %gather3A_595, %max3A_606 : vector<16xf32>
          %mul3A_608 = arith.mulf %min3A_607, %get3A_549 : vector<16xf32>
          %add3A_609 = arith.addf %add3A_432, %mul3A_608 : vector<16xf32>
          %slice3A_610 = vector.extract_strided_slice %masked_cumsum3A_598 {offsets = [15], sizes = [1], strides = [1]} : vector<16xf32> to vector<1xf32>
          %squeeze3A_611 = vector.extract %slice3A_610[0] : f32 from vector<1xf32>
          %add3A_612 = arith.addf %add3A_435, %squeeze3A_611 : f32
          %add3A_613 = arith.constant 6912 : i32
          %add3A_614 = vector.broadcast %add3A_613 : i32 to vector<16xi32>
          %add3A_615 = arith.addi %get3A_547, %add3A_614 : vector<16xi32>
          %gather3A_616 = tpu.vector_load_idx %arg6[%add3A_615] : memref<18432xf32, #tpu.memory_space<vmem>>[vector<16xi32>], vector<16xf32>,
          %broadcast_in_dim3A_617 = arith.constant true
          %broadcast_in_dim3A_618 = vector.broadcast %broadcast_in_dim3A_617 : i1 to vector<16xi1>
          %masked_cumsum3A_619 = tpu.scan <sum>, %gather3A_616 masked %broadcast_in_dim3A_618 : vector<16xf32>, vector<16xi1> -> vector<16xf32>
          %sub3A_620 = arith.constant 2.000000e-01 : f32
          %sub3A_621 = arith.subf %sub3A_620, %add3A_456 : f32
          %sub3A_622 = vector.broadcast %sub3A_621 : f32 to vector<16xf32>
          %sub3A_623 = arith.subf %sub3A_622, %masked_cumsum3A_619 : vector<16xf32>
          %add3A_624 = arith.addf %sub3A_623, %gather3A_616 : vector<16xf32>
          %max3A_625 = arith.constant 0.000000e+00 : f32
          %max3A_626 = vector.broadcast %max3A_625 : f32 to vector<16xf32>
          %max3A_627 = arith.maximumf %add3A_624, %max3A_626 : vector<16xf32>
          %min3A_628 = arith.minimumf %gather3A_616, %max3A_627 : vector<16xf32>
          %mul3A_629 = arith.mulf %min3A_628, %get3A_549 : vector<16xf32>
          %add3A_630 = arith.addf %add3A_453, %mul3A_629 : vector<16xf32>
          %slice3A_631 = vector.extract_strided_slice %masked_cumsum3A_619 {offsets = [15], sizes = [1], strides = [1]} : vector<16xf32> to vector<1xf32>
          %squeeze3A_632 = vector.extract %slice3A_631[0] : f32 from vector<1xf32>
          %add3A_633 = arith.addf %add3A_456, %squeeze3A_632 : f32
          %add3A_634 = arith.constant 9216 : i32
          %add3A_635 = vector.broadcast %add3A_634 : i32 to vector<16xi32>
          %add3A_636 = arith.addi %get3A_547, %add3A_635 : vector<16xi32>
          %gather3A_637 = tpu.vector_load_idx %arg6[%add3A_636] : memref<18432xf32, #tpu.memory_space<vmem>>[vector<16xi32>], vector<16xf32>,
          %broadcast_in_dim3A_638 = arith.constant true
          %broadcast_in_dim3A_639 = vector.broadcast %broadcast_in_dim3A_638 : i1 to vector<16xi1>
          %masked_cumsum3A_640 = tpu.scan <sum>, %gather3A_637 masked %broadcast_in_dim3A_639 : vector<16xf32>, vector<16xi1> -> vector<16xf32>
          %sub3A_641 = arith.constant 2.000000e-01 : f32
          %sub3A_642 = arith.subf %sub3A_641, %add3A_477 : f32
          %sub3A_643 = vector.broadcast %sub3A_642 : f32 to vector<16xf32>
          %sub3A_644 = arith.subf %sub3A_643, %masked_cumsum3A_640 : vector<16xf32>
          %add3A_645 = arith.addf %sub3A_644, %gather3A_637 : vector<16xf32>
          %max3A_646 = arith.constant 0.000000e+00 : f32
          %max3A_647 = vector.broadcast %max3A_646 : f32 to vector<16xf32>
          %max3A_648 = arith.maximumf %add3A_645, %max3A_647 : vector<16xf32>
          %min3A_649 = arith.minimumf %gather3A_637, %max3A_648 : vector<16xf32>
          %mul3A_650 = arith.mulf %min3A_649, %get3A_549 : vector<16xf32>
          %add3A_651 = arith.addf %add3A_474, %mul3A_650 : vector<16xf32>
          %slice3A_652 = vector.extract_strided_slice %masked_cumsum3A_640 {offsets = [15], sizes = [1], strides = [1]} : vector<16xf32> to vector<1xf32>
          %squeeze3A_653 = vector.extract %slice3A_652[0] : f32 from vector<1xf32>
          %add3A_654 = arith.addf %add3A_477, %squeeze3A_653 : f32
          %add3A_655 = arith.constant 11520 : i32
          %add3A_656 = vector.broadcast %add3A_655 : i32 to vector<16xi32>
          %add3A_657 = arith.addi %get3A_547, %add3A_656 : vector<16xi32>
          %gather3A_658 = tpu.vector_load_idx %arg6[%add3A_657] : memref<18432xf32, #tpu.memory_space<vmem>>[vector<16xi32>], vector<16xf32>,
          %broadcast_in_dim3A_659 = arith.constant true
          %broadcast_in_dim3A_660 = vector.broadcast %broadcast_in_dim3A_659 : i1 to vector<16xi1>
          %masked_cumsum3A_661 = tpu.scan <sum>, %gather3A_658 masked %broadcast_in_dim3A_660 : vector<16xf32>, vector<16xi1> -> vector<16xf32>
          %sub3A_662 = arith.constant 2.000000e-01 : f32
          %sub3A_663 = arith.subf %sub3A_662, %add3A_498 : f32
          %sub3A_664 = vector.broadcast %sub3A_663 : f32 to vector<16xf32>
          %sub3A_665 = arith.subf %sub3A_664, %masked_cumsum3A_661 : vector<16xf32>
          %add3A_666 = arith.addf %sub3A_665, %gather3A_658 : vector<16xf32>
          %max3A_667 = arith.constant 0.000000e+00 : f32
          %max3A_668 = vector.broadcast %max3A_667 : f32 to vector<16xf32>
          %max3A_669 = arith.maximumf %add3A_666, %max3A_668 : vector<16xf32>
          %min3A_670 = arith.minimumf %gather3A_658, %max3A_669 : vector<16xf32>
          %mul3A_671 = arith.mulf %min3A_670, %get3A_549 : vector<16xf32>
          %add3A_672 = arith.addf %add3A_495, %mul3A_671 : vector<16xf32>
          %slice3A_673 = vector.extract_strided_slice %masked_cumsum3A_661 {offsets = [15], sizes = [1], strides = [1]} : vector<16xf32> to vector<1xf32>
          %squeeze3A_674 = vector.extract %slice3A_673[0] : f32 from vector<1xf32>
          %add3A_675 = arith.addf %add3A_498, %squeeze3A_674 : f32
          %add3A_676 = arith.constant 13824 : i32
          %add3A_677 = vector.broadcast %add3A_676 : i32 to vector<16xi32>
          %add3A_678 = arith.addi %get3A_547, %add3A_677 : vector<16xi32>
          %gather3A_679 = tpu.vector_load_idx %arg6[%add3A_678] : memref<18432xf32, #tpu.memory_space<vmem>>[vector<16xi32>], vector<16xf32>,
          %broadcast_in_dim3A_680 = arith.constant true
          %broadcast_in_dim3A_681 = vector.broadcast %broadcast_in_dim3A_680 : i1 to vector<16xi1>
          %masked_cumsum3A_682 = tpu.scan <sum>, %gather3A_679 masked %broadcast_in_dim3A_681 : vector<16xf32>, vector<16xi1> -> vector<16xf32>
          %sub3A_683 = arith.constant 2.000000e-01 : f32
          %sub3A_684 = arith.subf %sub3A_683, %add3A_519 : f32
          %sub3A_685 = vector.broadcast %sub3A_684 : f32 to vector<16xf32>
          %sub3A_686 = arith.subf %sub3A_685, %masked_cumsum3A_682 : vector<16xf32>
          %add3A_687 = arith.addf %sub3A_686, %gather3A_679 : vector<16xf32>
          %max3A_688 = arith.constant 0.000000e+00 : f32
          %max3A_689 = vector.broadcast %max3A_688 : f32 to vector<16xf32>
          %max3A_690 = arith.maximumf %add3A_687, %max3A_689 : vector<16xf32>
          %min3A_691 = arith.minimumf %gather3A_679, %max3A_690 : vector<16xf32>
          %mul3A_692 = arith.mulf %min3A_691, %get3A_549 : vector<16xf32>
          %add3A_693 = arith.addf %add3A_516, %mul3A_692 : vector<16xf32>
          %slice3A_694 = vector.extract_strided_slice %masked_cumsum3A_682 {offsets = [15], sizes = [1], strides = [1]} : vector<16xf32> to vector<1xf32>
          %squeeze3A_695 = vector.extract %slice3A_694[0] : f32 from vector<1xf32>
          %add3A_696 = arith.addf %add3A_519, %squeeze3A_695 : f32
          %add3A_697 = arith.constant 16128 : i32
          %add3A_698 = vector.broadcast %add3A_697 : i32 to vector<16xi32>
          %add3A_699 = arith.addi %get3A_547, %add3A_698 : vector<16xi32>
          %gather3A_700 = tpu.vector_load_idx %arg6[%add3A_699] : memref<18432xf32, #tpu.memory_space<vmem>>[vector<16xi32>], vector<16xf32>,
          %broadcast_in_dim3A_701 = arith.constant true
          %broadcast_in_dim3A_702 = vector.broadcast %broadcast_in_dim3A_701 : i1 to vector<16xi1>
          %masked_cumsum3A_703 = tpu.scan <sum>, %gather3A_700 masked %broadcast_in_dim3A_702 : vector<16xf32>, vector<16xi1> -> vector<16xf32>
          %sub3A_704 = arith.constant 2.000000e-01 : f32
          %sub3A_705 = arith.subf %sub3A_704, %add3A_540 : f32
          %sub3A_706 = vector.broadcast %sub3A_705 : f32 to vector<16xf32>
          %sub3A_707 = arith.subf %sub3A_706, %masked_cumsum3A_703 : vector<16xf32>
          %add3A_708 = arith.addf %sub3A_707, %gather3A_700 : vector<16xf32>
          %max3A_709 = arith.constant 0.000000e+00 : f32
          %max3A_710 = vector.broadcast %max3A_709 : f32 to vector<16xf32>
          %max3A_711 = arith.maximumf %add3A_708, %max3A_710 : vector<16xf32>
          %min3A_712 = arith.minimumf %gather3A_700, %max3A_711 : vector<16xf32>
          %mul3A_713 = arith.mulf %min3A_712, %get3A_549 : vector<16xf32>
          %add3A_714 = arith.addf %add3A_537, %mul3A_713 : vector<16xf32>
          %slice3A_715 = vector.extract_strided_slice %masked_cumsum3A_703 {offsets = [15], sizes = [1], strides = [1]} : vector<16xf32> to vector<1xf32>
          %squeeze3A_716 = vector.extract %slice3A_715[0] : f32 from vector<1xf32>
          %add3A_717 = arith.addf %add3A_540, %squeeze3A_716 : f32
          %add3A_718 = arith.constant 1 : i32
          %add3A_719 = arith.addi %add3A_542, %add3A_718 : i32
          %mul3A_720 = arith.constant 16 : i32
          %mul3A_721 = arith.muli %add3A_719, %mul3A_720 : i32
          %add3A_722 = arith.addi %mul3A_86, %mul3A_721 : i32
          %get3A_723 = arith.index_cast %add3A_722 : i32 to index
          %get3A_724 = tpu.vector_load %arg9[%get3A_723] {strides = array<i32>} : memref<20736xi32, #tpu.memory_space<vmem>>, vector<16xi32>,
          %get3A_725 = arith.index_cast %add3A_722 : i32 to index
          %get3A_726 = tpu.vector_load %arg10[%get3A_725] {strides = array<i32>} : memref<20736xf32, #tpu.memory_space<vmem>>, vector<16xf32>,
          %add3A_727 = arith.constant 0 : i32
          %add3A_728 = vector.broadcast %add3A_727 : i32 to vector<16xi32>
          %add3A_729 = arith.addi %get3A_724, %add3A_728 : vector<16xi32>
          %gather3A_730 = tpu.vector_load_idx %arg6[%add3A_729] : memref<18432xf32, #tpu.memory_space<vmem>>[vector<16xi32>], vector<16xf32>,
          %broadcast_in_dim3A_731 = arith.constant true
          %broadcast_in_dim3A_732 = vector.broadcast %broadcast_in_dim3A_731 : i1 to vector<16xi1>
          %masked_cumsum3A_733 = tpu.scan <sum>, %gather3A_730 masked %broadcast_in_dim3A_732 : vector<16xf32>, vector<16xi1> -> vector<16xf32>
          %sub3A_734 = arith.constant 2.000000e-01 : f32
          %sub3A_735 = arith.subf %sub3A_734, %add3A_570 : f32
          %sub3A_736 = vector.broadcast %sub3A_735 : f32 to vector<16xf32>
          %sub3A_737 = arith.subf %sub3A_736, %masked_cumsum3A_733 : vector<16xf32>
          %add3A_738 = arith.addf %sub3A_737, %gather3A_730 : vector<16xf32>
          %max3A_739 = arith.constant 0.000000e+00 : f32
          %max3A_740 = vector.broadcast %max3A_739 : f32 to vector<16xf32>
          %max3A_741 = arith.maximumf %add3A_738, %max3A_740 : vector<16xf32>
          %min3A_742 = arith.minimumf %gather3A_730, %max3A_741 : vector<16xf32>
          %mul3A_743 = arith.mulf %min3A_742, %get3A_726 : vector<16xf32>
          %add3A_744 = arith.addf %add3A_567, %mul3A_743 : vector<16xf32>
          %slice3A_745 = vector.extract_strided_slice %masked_cumsum3A_733 {offsets = [15], sizes = [1], strides = [1]} : vector<16xf32> to vector<1xf32>
          %squeeze3A_746 = vector.extract %slice3A_745[0] : f32 from vector<1xf32>
          %add3A_747 = arith.addf %add3A_570, %squeeze3A_746 : f32
          %add3A_748 = arith.constant 2304 : i32
          %add3A_749 = vector.broadcast %add3A_748 : i32 to vector<16xi32>
          %add3A_750 = arith.addi %get3A_724, %add3A_749 : vector<16xi32>
          %gather3A_751 = tpu.vector_load_idx %arg6[%add3A_750] : memref<18432xf32, #tpu.memory_space<vmem>>[vector<16xi32>], vector<16xf32>,
          %broadcast_in_dim3A_752 = arith.constant true
          %broadcast_in_dim3A_753 = vector.broadcast %broadcast_in_dim3A_752 : i1 to vector<16xi1>
          %masked_cumsum3A_754 = tpu.scan <sum>, %gather3A_751 masked %broadcast_in_dim3A_753 : vector<16xf32>, vector<16xi1> -> vector<16xf32>
          %sub3A_755 = arith.constant 2.000000e-01 : f32
          %sub3A_756 = arith.subf %sub3A_755, %add3A_591 : f32
          %sub3A_757 = vector.broadcast %sub3A_756 : f32 to vector<16xf32>
          %sub3A_758 = arith.subf %sub3A_757, %masked_cumsum3A_754 : vector<16xf32>
          %add3A_759 = arith.addf %sub3A_758, %gather3A_751 : vector<16xf32>
          %max3A_760 = arith.constant 0.000000e+00 : f32
          %max3A_761 = vector.broadcast %max3A_760 : f32 to vector<16xf32>
          %max3A_762 = arith.maximumf %add3A_759, %max3A_761 : vector<16xf32>
          %min3A_763 = arith.minimumf %gather3A_751, %max3A_762 : vector<16xf32>
          %mul3A_764 = arith.mulf %min3A_763, %get3A_726 : vector<16xf32>
          %add3A_765 = arith.addf %add3A_588, %mul3A_764 : vector<16xf32>
          %slice3A_766 = vector.extract_strided_slice %masked_cumsum3A_754 {offsets = [15], sizes = [1], strides = [1]} : vector<16xf32> to vector<1xf32>
          %squeeze3A_767 = vector.extract %slice3A_766[0] : f32 from vector<1xf32>
          %add3A_768 = arith.addf %add3A_591, %squeeze3A_767 : f32
          %add3A_769 = arith.constant 4608 : i32
          %add3A_770 = vector.broadcast %add3A_769 : i32 to vector<16xi32>
          %add3A_771 = arith.addi %get3A_724, %add3A_770 : vector<16xi32>
          %gather3A_772 = tpu.vector_load_idx %arg6[%add3A_771] : memref<18432xf32, #tpu.memory_space<vmem>>[vector<16xi32>], vector<16xf32>,
          %broadcast_in_dim3A_773 = arith.constant true
          %broadcast_in_dim3A_774 = vector.broadcast %broadcast_in_dim3A_773 : i1 to vector<16xi1>
          %masked_cumsum3A_775 = tpu.scan <sum>, %gather3A_772 masked %broadcast_in_dim3A_774 : vector<16xf32>, vector<16xi1> -> vector<16xf32>
          %sub3A_776 = arith.constant 2.000000e-01 : f32
          %sub3A_777 = arith.subf %sub3A_776, %add3A_612 : f32
          %sub3A_778 = vector.broadcast %sub3A_777 : f32 to vector<16xf32>
          %sub3A_779 = arith.subf %sub3A_778, %masked_cumsum3A_775 : vector<16xf32>
          %add3A_780 = arith.addf %sub3A_779, %gather3A_772 : vector<16xf32>
          %max3A_781 = arith.constant 0.000000e+00 : f32
          %max3A_782 = vector.broadcast %max3A_781 : f32 to vector<16xf32>
          %max3A_783 = arith.maximumf %add3A_780, %max3A_782 : vector<16xf32>
          %min3A_784 = arith.minimumf %gather3A_772, %max3A_783 : vector<16xf32>
          %mul3A_785 = arith.mulf %min3A_784, %get3A_726 : vector<16xf32>
          %add3A_786 = arith.addf %add3A_609, %mul3A_785 : vector<16xf32>
          %slice3A_787 = vector.extract_strided_slice %masked_cumsum3A_775 {offsets = [15], sizes = [1], strides = [1]} : vector<16xf32> to vector<1xf32>
          %squeeze3A_788 = vector.extract %slice3A_787[0] : f32 from vector<1xf32>
          %add3A_789 = arith.addf %add3A_612, %squeeze3A_788 : f32
          %add3A_790 = arith.constant 6912 : i32
          %add3A_791 = vector.broadcast %add3A_790 : i32 to vector<16xi32>
          %add3A_792 = arith.addi %get3A_724, %add3A_791 : vector<16xi32>
          %gather3A_793 = tpu.vector_load_idx %arg6[%add3A_792] : memref<18432xf32, #tpu.memory_space<vmem>>[vector<16xi32>], vector<16xf32>,
          %broadcast_in_dim3A_794 = arith.constant true
          %broadcast_in_dim3A_795 = vector.broadcast %broadcast_in_dim3A_794 : i1 to vector<16xi1>
          %masked_cumsum3A_796 = tpu.scan <sum>, %gather3A_793 masked %broadcast_in_dim3A_795 : vector<16xf32>, vector<16xi1> -> vector<16xf32>
          %sub3A_797 = arith.constant 2.000000e-01 : f32
          %sub3A_798 = arith.subf %sub3A_797, %add3A_633 : f32
          %sub3A_799 = vector.broadcast %sub3A_798 : f32 to vector<16xf32>
          %sub3A_800 = arith.subf %sub3A_799, %masked_cumsum3A_796 : vector<16xf32>
          %add3A_801 = arith.addf %sub3A_800, %gather3A_793 : vector<16xf32>
          %max3A_802 = arith.constant 0.000000e+00 : f32
          %max3A_803 = vector.broadcast %max3A_802 : f32 to vector<16xf32>
          %max3A_804 = arith.maximumf %add3A_801, %max3A_803 : vector<16xf32>
          %min3A_805 = arith.minimumf %gather3A_793, %max3A_804 : vector<16xf32>
          %mul3A_806 = arith.mulf %min3A_805, %get3A_726 : vector<16xf32>
          %add3A_807 = arith.addf %add3A_630, %mul3A_806 : vector<16xf32>
          %slice3A_808 = vector.extract_strided_slice %masked_cumsum3A_796 {offsets = [15], sizes = [1], strides = [1]} : vector<16xf32> to vector<1xf32>
          %squeeze3A_809 = vector.extract %slice3A_808[0] : f32 from vector<1xf32>
          %add3A_810 = arith.addf %add3A_633, %squeeze3A_809 : f32
          %add3A_811 = arith.constant 9216 : i32
          %add3A_812 = vector.broadcast %add3A_811 : i32 to vector<16xi32>
          %add3A_813 = arith.addi %get3A_724, %add3A_812 : vector<16xi32>
          %gather3A_814 = tpu.vector_load_idx %arg6[%add3A_813] : memref<18432xf32, #tpu.memory_space<vmem>>[vector<16xi32>], vector<16xf32>,
          %broadcast_in_dim3A_815 = arith.constant true
          %broadcast_in_dim3A_816 = vector.broadcast %broadcast_in_dim3A_815 : i1 to vector<16xi1>
          %masked_cumsum3A_817 = tpu.scan <sum>, %gather3A_814 masked %broadcast_in_dim3A_816 : vector<16xf32>, vector<16xi1> -> vector<16xf32>
          %sub3A_818 = arith.constant 2.000000e-01 : f32
          %sub3A_819 = arith.subf %sub3A_818, %add3A_654 : f32
          %sub3A_820 = vector.broadcast %sub3A_819 : f32 to vector<16xf32>
          %sub3A_821 = arith.subf %sub3A_820, %masked_cumsum3A_817 : vector<16xf32>
          %add3A_822 = arith.addf %sub3A_821, %gather3A_814 : vector<16xf32>
          %max3A_823 = arith.constant 0.000000e+00 : f32
          %max3A_824 = vector.broadcast %max3A_823 : f32 to vector<16xf32>
          %max3A_825 = arith.maximumf %add3A_822, %max3A_824 : vector<16xf32>
          %min3A_826 = arith.minimumf %gather3A_814, %max3A_825 : vector<16xf32>
          %mul3A_827 = arith.mulf %min3A_826, %get3A_726 : vector<16xf32>
          %add3A_828 = arith.addf %add3A_651, %mul3A_827 : vector<16xf32>
          %slice3A_829 = vector.extract_strided_slice %masked_cumsum3A_817 {offsets = [15], sizes = [1], strides = [1]} : vector<16xf32> to vector<1xf32>
          %squeeze3A_830 = vector.extract %slice3A_829[0] : f32 from vector<1xf32>
          %add3A_831 = arith.addf %add3A_654, %squeeze3A_830 : f32
          %add3A_832 = arith.constant 11520 : i32
          %add3A_833 = vector.broadcast %add3A_832 : i32 to vector<16xi32>
          %add3A_834 = arith.addi %get3A_724, %add3A_833 : vector<16xi32>
          %gather3A_835 = tpu.vector_load_idx %arg6[%add3A_834] : memref<18432xf32, #tpu.memory_space<vmem>>[vector<16xi32>], vector<16xf32>,
          %broadcast_in_dim3A_836 = arith.constant true
          %broadcast_in_dim3A_837 = vector.broadcast %broadcast_in_dim3A_836 : i1 to vector<16xi1>
          %masked_cumsum3A_838 = tpu.scan <sum>, %gather3A_835 masked %broadcast_in_dim3A_837 : vector<16xf32>, vector<16xi1> -> vector<16xf32>
          %sub3A_839 = arith.constant 2.000000e-01 : f32
          %sub3A_840 = arith.subf %sub3A_839, %add3A_675 : f32
          %sub3A_841 = vector.broadcast %sub3A_840 : f32 to vector<16xf32>
          %sub3A_842 = arith.subf %sub3A_841, %masked_cumsum3A_838 : vector<16xf32>
          %add3A_843 = arith.addf %sub3A_842, %gather3A_835 : vector<16xf32>
          %max3A_844 = arith.constant 0.000000e+00 : f32
          %max3A_845 = vector.broadcast %max3A_844 : f32 to vector<16xf32>
          %max3A_846 = arith.maximumf %add3A_843, %max3A_845 : vector<16xf32>
          %min3A_847 = arith.minimumf %gather3A_835, %max3A_846 : vector<16xf32>
          %mul3A_848 = arith.mulf %min3A_847, %get3A_726 : vector<16xf32>
          %add3A_849 = arith.addf %add3A_672, %mul3A_848 : vector<16xf32>
          %slice3A_850 = vector.extract_strided_slice %masked_cumsum3A_838 {offsets = [15], sizes = [1], strides = [1]} : vector<16xf32> to vector<1xf32>
          %squeeze3A_851 = vector.extract %slice3A_850[0] : f32 from vector<1xf32>
          %add3A_852 = arith.addf %add3A_675, %squeeze3A_851 : f32
          %add3A_853 = arith.constant 13824 : i32
          %add3A_854 = vector.broadcast %add3A_853 : i32 to vector<16xi32>
          %add3A_855 = arith.addi %get3A_724, %add3A_854 : vector<16xi32>
          %gather3A_856 = tpu.vector_load_idx %arg6[%add3A_855] : memref<18432xf32, #tpu.memory_space<vmem>>[vector<16xi32>], vector<16xf32>,
          %broadcast_in_dim3A_857 = arith.constant true
          %broadcast_in_dim3A_858 = vector.broadcast %broadcast_in_dim3A_857 : i1 to vector<16xi1>
          %masked_cumsum3A_859 = tpu.scan <sum>, %gather3A_856 masked %broadcast_in_dim3A_858 : vector<16xf32>, vector<16xi1> -> vector<16xf32>
          %sub3A_860 = arith.constant 2.000000e-01 : f32
          %sub3A_861 = arith.subf %sub3A_860, %add3A_696 : f32
          %sub3A_862 = vector.broadcast %sub3A_861 : f32 to vector<16xf32>
          %sub3A_863 = arith.subf %sub3A_862, %masked_cumsum3A_859 : vector<16xf32>
          %add3A_864 = arith.addf %sub3A_863, %gather3A_856 : vector<16xf32>
          %max3A_865 = arith.constant 0.000000e+00 : f32
          %max3A_866 = vector.broadcast %max3A_865 : f32 to vector<16xf32>
          %max3A_867 = arith.maximumf %add3A_864, %max3A_866 : vector<16xf32>
          %min3A_868 = arith.minimumf %gather3A_856, %max3A_867 : vector<16xf32>
          %mul3A_869 = arith.mulf %min3A_868, %get3A_726 : vector<16xf32>
          %add3A_870 = arith.addf %add3A_693, %mul3A_869 : vector<16xf32>
          %slice3A_871 = vector.extract_strided_slice %masked_cumsum3A_859 {offsets = [15], sizes = [1], strides = [1]} : vector<16xf32> to vector<1xf32>
          %squeeze3A_872 = vector.extract %slice3A_871[0] : f32 from vector<1xf32>
          %add3A_873 = arith.addf %add3A_696, %squeeze3A_872 : f32
          %add3A_874 = arith.constant 16128 : i32
          %add3A_875 = vector.broadcast %add3A_874 : i32 to vector<16xi32>
          %add3A_876 = arith.addi %get3A_724, %add3A_875 : vector<16xi32>
          %gather3A_877 = tpu.vector_load_idx %arg6[%add3A_876] : memref<18432xf32, #tpu.memory_space<vmem>>[vector<16xi32>], vector<16xf32>,
          %broadcast_in_dim3A_878 = arith.constant true
          %broadcast_in_dim3A_879 = vector.broadcast %broadcast_in_dim3A_878 : i1 to vector<16xi1>
          %masked_cumsum3A_880 = tpu.scan <sum>, %gather3A_877 masked %broadcast_in_dim3A_879 : vector<16xf32>, vector<16xi1> -> vector<16xf32>
          %sub3A_881 = arith.constant 2.000000e-01 : f32
          %sub3A_882 = arith.subf %sub3A_881, %add3A_717 : f32
          %sub3A_883 = vector.broadcast %sub3A_882 : f32 to vector<16xf32>
          %sub3A_884 = arith.subf %sub3A_883, %masked_cumsum3A_880 : vector<16xf32>
          %add3A_885 = arith.addf %sub3A_884, %gather3A_877 : vector<16xf32>
          %max3A_886 = arith.constant 0.000000e+00 : f32
          %max3A_887 = vector.broadcast %max3A_886 : f32 to vector<16xf32>
          %max3A_888 = arith.maximumf %add3A_885, %max3A_887 : vector<16xf32>
          %min3A_889 = arith.minimumf %gather3A_877, %max3A_888 : vector<16xf32>
          %mul3A_890 = arith.mulf %min3A_889, %get3A_726 : vector<16xf32>
          %add3A_891 = arith.addf %add3A_714, %mul3A_890 : vector<16xf32>
          %slice3A_892 = vector.extract_strided_slice %masked_cumsum3A_880 {offsets = [15], sizes = [1], strides = [1]} : vector<16xf32> to vector<1xf32>
          %squeeze3A_893 = vector.extract %slice3A_892[0] : f32 from vector<1xf32>
          %add3A_894 = arith.addf %add3A_717, %squeeze3A_893 : f32
          %add3A_895 = arith.constant 1 : i32
          %add3A_896 = arith.addi %add3A_719, %add3A_895 : i32
          %mul3A_897 = arith.constant 16 : i32
          %mul3A_898 = arith.muli %add3A_896, %mul3A_897 : i32
          %add3A_899 = arith.addi %mul3A_86, %mul3A_898 : i32
          %get3A_900 = arith.index_cast %add3A_899 : i32 to index
          %get3A_901 = tpu.vector_load %arg9[%get3A_900] {strides = array<i32>} : memref<20736xi32, #tpu.memory_space<vmem>>, vector<16xi32>,
          %get3A_902 = arith.index_cast %add3A_899 : i32 to index
          %get3A_903 = tpu.vector_load %arg10[%get3A_902] {strides = array<i32>} : memref<20736xf32, #tpu.memory_space<vmem>>, vector<16xf32>,
          %add3A_904 = arith.constant 0 : i32
          %add3A_905 = vector.broadcast %add3A_904 : i32 to vector<16xi32>
          %add3A_906 = arith.addi %get3A_901, %add3A_905 : vector<16xi32>
          %gather3A_907 = tpu.vector_load_idx %arg6[%add3A_906] : memref<18432xf32, #tpu.memory_space<vmem>>[vector<16xi32>], vector<16xf32>,
          %broadcast_in_dim3A_908 = arith.constant true
          %broadcast_in_dim3A_909 = vector.broadcast %broadcast_in_dim3A_908 : i1 to vector<16xi1>
          %masked_cumsum3A_910 = tpu.scan <sum>, %gather3A_907 masked %broadcast_in_dim3A_909 : vector<16xf32>, vector<16xi1> -> vector<16xf32>
          %sub3A_911 = arith.constant 2.000000e-01 : f32
          %sub3A_912 = arith.subf %sub3A_911, %add3A_747 : f32
          %sub3A_913 = vector.broadcast %sub3A_912 : f32 to vector<16xf32>
          %sub3A_914 = arith.subf %sub3A_913, %masked_cumsum3A_910 : vector<16xf32>
          %add3A_915 = arith.addf %sub3A_914, %gather3A_907 : vector<16xf32>
          %max3A_916 = arith.constant 0.000000e+00 : f32
          %max3A_917 = vector.broadcast %max3A_916 : f32 to vector<16xf32>
          %max3A_918 = arith.maximumf %add3A_915, %max3A_917 : vector<16xf32>
          %min3A_919 = arith.minimumf %gather3A_907, %max3A_918 : vector<16xf32>
          %mul3A_920 = arith.mulf %min3A_919, %get3A_903 : vector<16xf32>
          %add3A_921 = arith.addf %add3A_744, %mul3A_920 : vector<16xf32>
          %slice3A_922 = vector.extract_strided_slice %masked_cumsum3A_910 {offsets = [15], sizes = [1], strides = [1]} : vector<16xf32> to vector<1xf32>
          %squeeze3A_923 = vector.extract %slice3A_922[0] : f32 from vector<1xf32>
          %add3A_924 = arith.addf %add3A_747, %squeeze3A_923 : f32
          %add3A_925 = arith.constant 2304 : i32
          %add3A_926 = vector.broadcast %add3A_925 : i32 to vector<16xi32>
          %add3A_927 = arith.addi %get3A_901, %add3A_926 : vector<16xi32>
          %gather3A_928 = tpu.vector_load_idx %arg6[%add3A_927] : memref<18432xf32, #tpu.memory_space<vmem>>[vector<16xi32>], vector<16xf32>,
          %broadcast_in_dim3A_929 = arith.constant true
          %broadcast_in_dim3A_930 = vector.broadcast %broadcast_in_dim3A_929 : i1 to vector<16xi1>
          %masked_cumsum3A_931 = tpu.scan <sum>, %gather3A_928 masked %broadcast_in_dim3A_930 : vector<16xf32>, vector<16xi1> -> vector<16xf32>
          %sub3A_932 = arith.constant 2.000000e-01 : f32
          %sub3A_933 = arith.subf %sub3A_932, %add3A_768 : f32
          %sub3A_934 = vector.broadcast %sub3A_933 : f32 to vector<16xf32>
          %sub3A_935 = arith.subf %sub3A_934, %masked_cumsum3A_931 : vector<16xf32>
          %add3A_936 = arith.addf %sub3A_935, %gather3A_928 : vector<16xf32>
          %max3A_937 = arith.constant 0.000000e+00 : f32
          %max3A_938 = vector.broadcast %max3A_937 : f32 to vector<16xf32>
          %max3A_939 = arith.maximumf %add3A_936, %max3A_938 : vector<16xf32>
          %min3A_940 = arith.minimumf %gather3A_928, %max3A_939 : vector<16xf32>
          %mul3A_941 = arith.mulf %min3A_940, %get3A_903 : vector<16xf32>
          %add3A_942 = arith.addf %add3A_765, %mul3A_941 : vector<16xf32>
          %slice3A_943 = vector.extract_strided_slice %masked_cumsum3A_931 {offsets = [15], sizes = [1], strides = [1]} : vector<16xf32> to vector<1xf32>
          %squeeze3A_944 = vector.extract %slice3A_943[0] : f32 from vector<1xf32>
          %add3A_945 = arith.addf %add3A_768, %squeeze3A_944 : f32
          %add3A_946 = arith.constant 4608 : i32
          %add3A_947 = vector.broadcast %add3A_946 : i32 to vector<16xi32>
          %add3A_948 = arith.addi %get3A_901, %add3A_947 : vector<16xi32>
          %gather3A_949 = tpu.vector_load_idx %arg6[%add3A_948] : memref<18432xf32, #tpu.memory_space<vmem>>[vector<16xi32>], vector<16xf32>,
          %broadcast_in_dim3A_950 = arith.constant true
          %broadcast_in_dim3A_951 = vector.broadcast %broadcast_in_dim3A_950 : i1 to vector<16xi1>
          %masked_cumsum3A_952 = tpu.scan <sum>, %gather3A_949 masked %broadcast_in_dim3A_951 : vector<16xf32>, vector<16xi1> -> vector<16xf32>
          %sub3A_953 = arith.constant 2.000000e-01 : f32
          %sub3A_954 = arith.subf %sub3A_953, %add3A_789 : f32
          %sub3A_955 = vector.broadcast %sub3A_954 : f32 to vector<16xf32>
          %sub3A_956 = arith.subf %sub3A_955, %masked_cumsum3A_952 : vector<16xf32>
          %add3A_957 = arith.addf %sub3A_956, %gather3A_949 : vector<16xf32>
          %max3A_958 = arith.constant 0.000000e+00 : f32
          %max3A_959 = vector.broadcast %max3A_958 : f32 to vector<16xf32>
          %max3A_960 = arith.maximumf %add3A_957, %max3A_959 : vector<16xf32>
          %min3A_961 = arith.minimumf %gather3A_949, %max3A_960 : vector<16xf32>
          %mul3A_962 = arith.mulf %min3A_961, %get3A_903 : vector<16xf32>
          %add3A_963 = arith.addf %add3A_786, %mul3A_962 : vector<16xf32>
          %slice3A_964 = vector.extract_strided_slice %masked_cumsum3A_952 {offsets = [15], sizes = [1], strides = [1]} : vector<16xf32> to vector<1xf32>
          %squeeze3A_965 = vector.extract %slice3A_964[0] : f32 from vector<1xf32>
          %add3A_966 = arith.addf %add3A_789, %squeeze3A_965 : f32
          %add3A_967 = arith.constant 6912 : i32
          %add3A_968 = vector.broadcast %add3A_967 : i32 to vector<16xi32>
          %add3A_969 = arith.addi %get3A_901, %add3A_968 : vector<16xi32>
          %gather3A_970 = tpu.vector_load_idx %arg6[%add3A_969] : memref<18432xf32, #tpu.memory_space<vmem>>[vector<16xi32>], vector<16xf32>,
          %broadcast_in_dim3A_971 = arith.constant true
          %broadcast_in_dim3A_972 = vector.broadcast %broadcast_in_dim3A_971 : i1 to vector<16xi1>
          %masked_cumsum3A_973 = tpu.scan <sum>, %gather3A_970 masked %broadcast_in_dim3A_972 : vector<16xf32>, vector<16xi1> -> vector<16xf32>
          %sub3A_974 = arith.constant 2.000000e-01 : f32
          %sub3A_975 = arith.subf %sub3A_974, %add3A_810 : f32
          %sub3A_976 = vector.broadcast %sub3A_975 : f32 to vector<16xf32>
          %sub3A_977 = arith.subf %sub3A_976, %masked_cumsum3A_973 : vector<16xf32>
          %add3A_978 = arith.addf %sub3A_977, %gather3A_970 : vector<16xf32>
          %max3A_979 = arith.constant 0.000000e+00 : f32
          %max3A_980 = vector.broadcast %max3A_979 : f32 to vector<16xf32>
          %max3A_981 = arith.maximumf %add3A_978, %max3A_980 : vector<16xf32>
          %min3A_982 = arith.minimumf %gather3A_970, %max3A_981 : vector<16xf32>
          %mul3A_983 = arith.mulf %min3A_982, %get3A_903 : vector<16xf32>
          %add3A_984 = arith.addf %add3A_807, %mul3A_983 : vector<16xf32>
          %slice3A_985 = vector.extract_strided_slice %masked_cumsum3A_973 {offsets = [15], sizes = [1], strides = [1]} : vector<16xf32> to vector<1xf32>
          %squeeze3A_986 = vector.extract %slice3A_985[0] : f32 from vector<1xf32>
          %add3A_987 = arith.addf %add3A_810, %squeeze3A_986 : f32
          %add3A_988 = arith.constant 9216 : i32
          %add3A_989 = vector.broadcast %add3A_988 : i32 to vector<16xi32>
          %add3A_990 = arith.addi %get3A_901, %add3A_989 : vector<16xi32>
          %gather3A_991 = tpu.vector_load_idx %arg6[%add3A_990] : memref<18432xf32, #tpu.memory_space<vmem>>[vector<16xi32>], vector<16xf32>,
          %broadcast_in_dim3A_992 = arith.constant true
          %broadcast_in_dim3A_993 = vector.broadcast %broadcast_in_dim3A_992 : i1 to vector<16xi1>
          %masked_cumsum3A_994 = tpu.scan <sum>, %gather3A_991 masked %broadcast_in_dim3A_993 : vector<16xf32>, vector<16xi1> -> vector<16xf32>
          %sub3A_995 = arith.constant 2.000000e-01 : f32
          %sub3A_996 = arith.subf %sub3A_995, %add3A_831 : f32
          %sub3A_997 = vector.broadcast %sub3A_996 : f32 to vector<16xf32>
          %sub3A_998 = arith.subf %sub3A_997, %masked_cumsum3A_994 : vector<16xf32>
          %add3A_999 = arith.addf %sub3A_998, %gather3A_991 : vector<16xf32>
          %max3A_1000 = arith.constant 0.000000e+00 : f32
          %max3A_1001 = vector.broadcast %max3A_1000 : f32 to vector<16xf32>
          %max3A_1002 = arith.maximumf %add3A_999, %max3A_1001 : vector<16xf32>
          %min3A_1003 = arith.minimumf %gather3A_991, %max3A_1002 : vector<16xf32>
          %mul3A_1004 = arith.mulf %min3A_1003, %get3A_903 : vector<16xf32>
          %add3A_1005 = arith.addf %add3A_828, %mul3A_1004 : vector<16xf32>
          %slice3A_1006 = vector.extract_strided_slice %masked_cumsum3A_994 {offsets = [15], sizes = [1], strides = [1]} : vector<16xf32> to vector<1xf32>
          %squeeze3A_1007 = vector.extract %slice3A_1006[0] : f32 from vector<1xf32>
          %add3A_1008 = arith.addf %add3A_831, %squeeze3A_1007 : f32
          %add3A_1009 = arith.constant 11520 : i32
          %add3A_1010 = vector.broadcast %add3A_1009 : i32 to vector<16xi32>
          %add3A_1011 = arith.addi %get3A_901, %add3A_1010 : vector<16xi32>
          %gather3A_1012 = tpu.vector_load_idx %arg6[%add3A_1011] : memref<18432xf32, #tpu.memory_space<vmem>>[vector<16xi32>], vector<16xf32>,
          %broadcast_in_dim3A_1013 = arith.constant true
          %broadcast_in_dim3A_1014 = vector.broadcast %broadcast_in_dim3A_1013 : i1 to vector<16xi1>
          %masked_cumsum3A_1015 = tpu.scan <sum>, %gather3A_1012 masked %broadcast_in_dim3A_1014 : vector<16xf32>, vector<16xi1> -> vector<16xf32>
          %sub3A_1016 = arith.constant 2.000000e-01 : f32
          %sub3A_1017 = arith.subf %sub3A_1016, %add3A_852 : f32
          %sub3A_1018 = vector.broadcast %sub3A_1017 : f32 to vector<16xf32>
          %sub3A_1019 = arith.subf %sub3A_1018, %masked_cumsum3A_1015 : vector<16xf32>
          %add3A_1020 = arith.addf %sub3A_1019, %gather3A_1012 : vector<16xf32>
          %max3A_1021 = arith.constant 0.000000e+00 : f32
          %max3A_1022 = vector.broadcast %max3A_1021 : f32 to vector<16xf32>
          %max3A_1023 = arith.maximumf %add3A_1020, %max3A_1022 : vector<16xf32>
          %min3A_1024 = arith.minimumf %gather3A_1012, %max3A_1023 : vector<16xf32>
          %mul3A_1025 = arith.mulf %min3A_1024, %get3A_903 : vector<16xf32>
          %add3A_1026 = arith.addf %add3A_849, %mul3A_1025 : vector<16xf32>
          %slice3A_1027 = vector.extract_strided_slice %masked_cumsum3A_1015 {offsets = [15], sizes = [1], strides = [1]} : vector<16xf32> to vector<1xf32>
          %squeeze3A_1028 = vector.extract %slice3A_1027[0] : f32 from vector<1xf32>
          %add3A_1029 = arith.addf %add3A_852, %squeeze3A_1028 : f32
          %add3A_1030 = arith.constant 13824 : i32
          %add3A_1031 = vector.broadcast %add3A_1030 : i32 to vector<16xi32>
          %add3A_1032 = arith.addi %get3A_901, %add3A_1031 : vector<16xi32>
          %gather3A_1033 = tpu.vector_load_idx %arg6[%add3A_1032] : memref<18432xf32, #tpu.memory_space<vmem>>[vector<16xi32>], vector<16xf32>,
          %broadcast_in_dim3A_1034 = arith.constant true
          %broadcast_in_dim3A_1035 = vector.broadcast %broadcast_in_dim3A_1034 : i1 to vector<16xi1>
          %masked_cumsum3A_1036 = tpu.scan <sum>, %gather3A_1033 masked %broadcast_in_dim3A_1035 : vector<16xf32>, vector<16xi1> -> vector<16xf32>
          %sub3A_1037 = arith.constant 2.000000e-01 : f32
          %sub3A_1038 = arith.subf %sub3A_1037, %add3A_873 : f32
          %sub3A_1039 = vector.broadcast %sub3A_1038 : f32 to vector<16xf32>
          %sub3A_1040 = arith.subf %sub3A_1039, %masked_cumsum3A_1036 : vector<16xf32>
          %add3A_1041 = arith.addf %sub3A_1040, %gather3A_1033 : vector<16xf32>
          %max3A_1042 = arith.constant 0.000000e+00 : f32
          %max3A_1043 = vector.broadcast %max3A_1042 : f32 to vector<16xf32>
          %max3A_1044 = arith.maximumf %add3A_1041, %max3A_1043 : vector<16xf32>
          %min3A_1045 = arith.minimumf %gather3A_1033, %max3A_1044 : vector<16xf32>
          %mul3A_1046 = arith.mulf %min3A_1045, %get3A_903 : vector<16xf32>
          %add3A_1047 = arith.addf %add3A_870, %mul3A_1046 : vector<16xf32>
          %slice3A_1048 = vector.extract_strided_slice %masked_cumsum3A_1036 {offsets = [15], sizes = [1], strides = [1]} : vector<16xf32> to vector<1xf32>
          %squeeze3A_1049 = vector.extract %slice3A_1048[0] : f32 from vector<1xf32>
          %add3A_1050 = arith.addf %add3A_873, %squeeze3A_1049 : f32
          %add3A_1051 = arith.constant 16128 : i32
          %add3A_1052 = vector.broadcast %add3A_1051 : i32 to vector<16xi32>
          %add3A_1053 = arith.addi %get3A_901, %add3A_1052 : vector<16xi32>
          %gather3A_1054 = tpu.vector_load_idx %arg6[%add3A_1053] : memref<18432xf32, #tpu.memory_space<vmem>>[vector<16xi32>], vector<16xf32>,
          %broadcast_in_dim3A_1055 = arith.constant true
          %broadcast_in_dim3A_1056 = vector.broadcast %broadcast_in_dim3A_1055 : i1 to vector<16xi1>
          %masked_cumsum3A_1057 = tpu.scan <sum>, %gather3A_1054 masked %broadcast_in_dim3A_1056 : vector<16xf32>, vector<16xi1> -> vector<16xf32>
          %sub3A_1058 = arith.constant 2.000000e-01 : f32
          %sub3A_1059 = arith.subf %sub3A_1058, %add3A_894 : f32
          %sub3A_1060 = vector.broadcast %sub3A_1059 : f32 to vector<16xf32>
          %sub3A_1061 = arith.subf %sub3A_1060, %masked_cumsum3A_1057 : vector<16xf32>
          %add3A_1062 = arith.addf %sub3A_1061, %gather3A_1054 : vector<16xf32>
          %max3A_1063 = arith.constant 0.000000e+00 : f32
          %max3A_1064 = vector.broadcast %max3A_1063 : f32 to vector<16xf32>
          %max3A_1065 = arith.maximumf %add3A_1062, %max3A_1064 : vector<16xf32>
          %min3A_1066 = arith.minimumf %gather3A_1054, %max3A_1065 : vector<16xf32>
          %mul3A_1067 = arith.mulf %min3A_1066, %get3A_903 : vector<16xf32>
          %add3A_1068 = arith.addf %add3A_891, %mul3A_1067 : vector<16xf32>
          %slice3A_1069 = vector.extract_strided_slice %masked_cumsum3A_1057 {offsets = [15], sizes = [1], strides = [1]} : vector<16xf32> to vector<1xf32>
          %squeeze3A_1070 = vector.extract %slice3A_1069[0] : f32 from vector<1xf32>
          %add3A_1071 = arith.addf %add3A_894, %squeeze3A_1070 : f32
          %add3A_1072 = arith.constant 1 : i32
          %add3A_1073 = arith.addi %add3A_896, %add3A_1072 : i32
          %mul3A_1074 = arith.constant 16 : i32
          %mul3A_1075 = arith.muli %add3A_1073, %mul3A_1074 : i32
          %add3A_1076 = arith.addi %mul3A_86, %mul3A_1075 : i32
          %get3A_1077 = arith.index_cast %add3A_1076 : i32 to index
          %get3A_1078 = tpu.vector_load %arg9[%get3A_1077] {strides = array<i32>} : memref<20736xi32, #tpu.memory_space<vmem>>, vector<16xi32>,
          %get3A_1079 = arith.index_cast %add3A_1076 : i32 to index
          %get3A_1080 = tpu.vector_load %arg10[%get3A_1079] {strides = array<i32>} : memref<20736xf32, #tpu.memory_space<vmem>>, vector<16xf32>,
          %add3A_1081 = arith.constant 0 : i32
          %add3A_1082 = vector.broadcast %add3A_1081 : i32 to vector<16xi32>
          %add3A_1083 = arith.addi %get3A_1078, %add3A_1082 : vector<16xi32>
          %gather3A_1084 = tpu.vector_load_idx %arg6[%add3A_1083] : memref<18432xf32, #tpu.memory_space<vmem>>[vector<16xi32>], vector<16xf32>,
          %broadcast_in_dim3A_1085 = arith.constant true
          %broadcast_in_dim3A_1086 = vector.broadcast %broadcast_in_dim3A_1085 : i1 to vector<16xi1>
          %masked_cumsum3A_1087 = tpu.scan <sum>, %gather3A_1084 masked %broadcast_in_dim3A_1086 : vector<16xf32>, vector<16xi1> -> vector<16xf32>
          %sub3A_1088 = arith.constant 2.000000e-01 : f32
          %sub3A_1089 = arith.subf %sub3A_1088, %add3A_924 : f32
          %sub3A_1090 = vector.broadcast %sub3A_1089 : f32 to vector<16xf32>
          %sub3A_1091 = arith.subf %sub3A_1090, %masked_cumsum3A_1087 : vector<16xf32>
          %add3A_1092 = arith.addf %sub3A_1091, %gather3A_1084 : vector<16xf32>
          %max3A_1093 = arith.constant 0.000000e+00 : f32
          %max3A_1094 = vector.broadcast %max3A_1093 : f32 to vector<16xf32>
          %max3A_1095 = arith.maximumf %add3A_1092, %max3A_1094 : vector<16xf32>
          %min3A_1096 = arith.minimumf %gather3A_1084, %max3A_1095 : vector<16xf32>
          %mul3A_1097 = arith.mulf %min3A_1096, %get3A_1080 : vector<16xf32>
          %add3A_1098 = arith.addf %add3A_921, %mul3A_1097 : vector<16xf32>
          %slice3A_1099 = vector.extract_strided_slice %masked_cumsum3A_1087 {offsets = [15], sizes = [1], strides = [1]} : vector<16xf32> to vector<1xf32>
          %squeeze3A_1100 = vector.extract %slice3A_1099[0] : f32 from vector<1xf32>
          %add3A_1101 = arith.addf %add3A_924, %squeeze3A_1100 : f32
          %add3A_1102 = arith.constant 2304 : i32
          %add3A_1103 = vector.broadcast %add3A_1102 : i32 to vector<16xi32>
          %add3A_1104 = arith.addi %get3A_1078, %add3A_1103 : vector<16xi32>
          %gather3A_1105 = tpu.vector_load_idx %arg6[%add3A_1104] : memref<18432xf32, #tpu.memory_space<vmem>>[vector<16xi32>], vector<16xf32>,
          %broadcast_in_dim3A_1106 = arith.constant true
          %broadcast_in_dim3A_1107 = vector.broadcast %broadcast_in_dim3A_1106 : i1 to vector<16xi1>
          %masked_cumsum3A_1108 = tpu.scan <sum>, %gather3A_1105 masked %broadcast_in_dim3A_1107 : vector<16xf32>, vector<16xi1> -> vector<16xf32>
          %sub3A_1109 = arith.constant 2.000000e-01 : f32
          %sub3A_1110 = arith.subf %sub3A_1109, %add3A_945 : f32
          %sub3A_1111 = vector.broadcast %sub3A_1110 : f32 to vector<16xf32>
          %sub3A_1112 = arith.subf %sub3A_1111, %masked_cumsum3A_1108 : vector<16xf32>
          %add3A_1113 = arith.addf %sub3A_1112, %gather3A_1105 : vector<16xf32>
          %max3A_1114 = arith.constant 0.000000e+00 : f32
          %max3A_1115 = vector.broadcast %max3A_1114 : f32 to vector<16xf32>
          %max3A_1116 = arith.maximumf %add3A_1113, %max3A_1115 : vector<16xf32>
          %min3A_1117 = arith.minimumf %gather3A_1105, %max3A_1116 : vector<16xf32>
          %mul3A_1118 = arith.mulf %min3A_1117, %get3A_1080 : vector<16xf32>
          %add3A_1119 = arith.addf %add3A_942, %mul3A_1118 : vector<16xf32>
          %slice3A_1120 = vector.extract_strided_slice %masked_cumsum3A_1108 {offsets = [15], sizes = [1], strides = [1]} : vector<16xf32> to vector<1xf32>
          %squeeze3A_1121 = vector.extract %slice3A_1120[0] : f32 from vector<1xf32>
          %add3A_1122 = arith.addf %add3A_945, %squeeze3A_1121 : f32
          %add3A_1123 = arith.constant 4608 : i32
          %add3A_1124 = vector.broadcast %add3A_1123 : i32 to vector<16xi32>
          %add3A_1125 = arith.addi %get3A_1078, %add3A_1124 : vector<16xi32>
          %gather3A_1126 = tpu.vector_load_idx %arg6[%add3A_1125] : memref<18432xf32, #tpu.memory_space<vmem>>[vector<16xi32>], vector<16xf32>,
          %broadcast_in_dim3A_1127 = arith.constant true
          %broadcast_in_dim3A_1128 = vector.broadcast %broadcast_in_dim3A_1127 : i1 to vector<16xi1>
          %masked_cumsum3A_1129 = tpu.scan <sum>, %gather3A_1126 masked %broadcast_in_dim3A_1128 : vector<16xf32>, vector<16xi1> -> vector<16xf32>
          %sub3A_1130 = arith.constant 2.000000e-01 : f32
          %sub3A_1131 = arith.subf %sub3A_1130, %add3A_966 : f32
          %sub3A_1132 = vector.broadcast %sub3A_1131 : f32 to vector<16xf32>
          %sub3A_1133 = arith.subf %sub3A_1132, %masked_cumsum3A_1129 : vector<16xf32>
          %add3A_1134 = arith.addf %sub3A_1133, %gather3A_1126 : vector<16xf32>
          %max3A_1135 = arith.constant 0.000000e+00 : f32
          %max3A_1136 = vector.broadcast %max3A_1135 : f32 to vector<16xf32>
          %max3A_1137 = arith.maximumf %add3A_1134, %max3A_1136 : vector<16xf32>
          %min3A_1138 = arith.minimumf %gather3A_1126, %max3A_1137 : vector<16xf32>
          %mul3A_1139 = arith.mulf %min3A_1138, %get3A_1080 : vector<16xf32>
          %add3A_1140 = arith.addf %add3A_963, %mul3A_1139 : vector<16xf32>
          %slice3A_1141 = vector.extract_strided_slice %masked_cumsum3A_1129 {offsets = [15], sizes = [1], strides = [1]} : vector<16xf32> to vector<1xf32>
          %squeeze3A_1142 = vector.extract %slice3A_1141[0] : f32 from vector<1xf32>
          %add3A_1143 = arith.addf %add3A_966, %squeeze3A_1142 : f32
          %add3A_1144 = arith.constant 6912 : i32
          %add3A_1145 = vector.broadcast %add3A_1144 : i32 to vector<16xi32>
          %add3A_1146 = arith.addi %get3A_1078, %add3A_1145 : vector<16xi32>
          %gather3A_1147 = tpu.vector_load_idx %arg6[%add3A_1146] : memref<18432xf32, #tpu.memory_space<vmem>>[vector<16xi32>], vector<16xf32>,
          %broadcast_in_dim3A_1148 = arith.constant true
          %broadcast_in_dim3A_1149 = vector.broadcast %broadcast_in_dim3A_1148 : i1 to vector<16xi1>
          %masked_cumsum3A_1150 = tpu.scan <sum>, %gather3A_1147 masked %broadcast_in_dim3A_1149 : vector<16xf32>, vector<16xi1> -> vector<16xf32>
          %sub3A_1151 = arith.constant 2.000000e-01 : f32
          %sub3A_1152 = arith.subf %sub3A_1151, %add3A_987 : f32
          %sub3A_1153 = vector.broadcast %sub3A_1152 : f32 to vector<16xf32>
          %sub3A_1154 = arith.subf %sub3A_1153, %masked_cumsum3A_1150 : vector<16xf32>
          %add3A_1155 = arith.addf %sub3A_1154, %gather3A_1147 : vector<16xf32>
          %max3A_1156 = arith.constant 0.000000e+00 : f32
          %max3A_1157 = vector.broadcast %max3A_1156 : f32 to vector<16xf32>
          %max3A_1158 = arith.maximumf %add3A_1155, %max3A_1157 : vector<16xf32>
          %min3A_1159 = arith.minimumf %gather3A_1147, %max3A_1158 : vector<16xf32>
          %mul3A_1160 = arith.mulf %min3A_1159, %get3A_1080 : vector<16xf32>
          %add3A_1161 = arith.addf %add3A_984, %mul3A_1160 : vector<16xf32>
          %slice3A_1162 = vector.extract_strided_slice %masked_cumsum3A_1150 {offsets = [15], sizes = [1], strides = [1]} : vector<16xf32> to vector<1xf32>
          %squeeze3A_1163 = vector.extract %slice3A_1162[0] : f32 from vector<1xf32>
          %add3A_1164 = arith.addf %add3A_987, %squeeze3A_1163 : f32
          %add3A_1165 = arith.constant 9216 : i32
          %add3A_1166 = vector.broadcast %add3A_1165 : i32 to vector<16xi32>
          %add3A_1167 = arith.addi %get3A_1078, %add3A_1166 : vector<16xi32>
          %gather3A_1168 = tpu.vector_load_idx %arg6[%add3A_1167] : memref<18432xf32, #tpu.memory_space<vmem>>[vector<16xi32>], vector<16xf32>,
          %broadcast_in_dim3A_1169 = arith.constant true
          %broadcast_in_dim3A_1170 = vector.broadcast %broadcast_in_dim3A_1169 : i1 to vector<16xi1>
          %masked_cumsum3A_1171 = tpu.scan <sum>, %gather3A_1168 masked %broadcast_in_dim3A_1170 : vector<16xf32>, vector<16xi1> -> vector<16xf32>
          %sub3A_1172 = arith.constant 2.000000e-01 : f32
          %sub3A_1173 = arith.subf %sub3A_1172, %add3A_1008 : f32
          %sub3A_1174 = vector.broadcast %sub3A_1173 : f32 to vector<16xf32>
          %sub3A_1175 = arith.subf %sub3A_1174, %masked_cumsum3A_1171 : vector<16xf32>
          %add3A_1176 = arith.addf %sub3A_1175, %gather3A_1168 : vector<16xf32>
          %max3A_1177 = arith.constant 0.000000e+00 : f32
          %max3A_1178 = vector.broadcast %max3A_1177 : f32 to vector<16xf32>
          %max3A_1179 = arith.maximumf %add3A_1176, %max3A_1178 : vector<16xf32>
          %min3A_1180 = arith.minimumf %gather3A_1168, %max3A_1179 : vector<16xf32>
          %mul3A_1181 = arith.mulf %min3A_1180, %get3A_1080 : vector<16xf32>
          %add3A_1182 = arith.addf %add3A_1005, %mul3A_1181 : vector<16xf32>
          %slice3A_1183 = vector.extract_strided_slice %masked_cumsum3A_1171 {offsets = [15], sizes = [1], strides = [1]} : vector<16xf32> to vector<1xf32>
          %squeeze3A_1184 = vector.extract %slice3A_1183[0] : f32 from vector<1xf32>
          %add3A_1185 = arith.addf %add3A_1008, %squeeze3A_1184 : f32
          %add3A_1186 = arith.constant 11520 : i32
          %add3A_1187 = vector.broadcast %add3A_1186 : i32 to vector<16xi32>
          %add3A_1188 = arith.addi %get3A_1078, %add3A_1187 : vector<16xi32>
          %gather3A_1189 = tpu.vector_load_idx %arg6[%add3A_1188] : memref<18432xf32, #tpu.memory_space<vmem>>[vector<16xi32>], vector<16xf32>,
          %broadcast_in_dim3A_1190 = arith.constant true
          %broadcast_in_dim3A_1191 = vector.broadcast %broadcast_in_dim3A_1190 : i1 to vector<16xi1>
          %masked_cumsum3A_1192 = tpu.scan <sum>, %gather3A_1189 masked %broadcast_in_dim3A_1191 : vector<16xf32>, vector<16xi1> -> vector<16xf32>
          %sub3A_1193 = arith.constant 2.000000e-01 : f32
          %sub3A_1194 = arith.subf %sub3A_1193, %add3A_1029 : f32
          %sub3A_1195 = vector.broadcast %sub3A_1194 : f32 to vector<16xf32>
          %sub3A_1196 = arith.subf %sub3A_1195, %masked_cumsum3A_1192 : vector<16xf32>
          %add3A_1197 = arith.addf %sub3A_1196, %gather3A_1189 : vector<16xf32>
          %max3A_1198 = arith.constant 0.000000e+00 : f32
          %max3A_1199 = vector.broadcast %max3A_1198 : f32 to vector<16xf32>
          %max3A_1200 = arith.maximumf %add3A_1197, %max3A_1199 : vector<16xf32>
          %min3A_1201 = arith.minimumf %gather3A_1189, %max3A_1200 : vector<16xf32>
          %mul3A_1202 = arith.mulf %min3A_1201, %get3A_1080 : vector<16xf32>
          %add3A_1203 = arith.addf %add3A_1026, %mul3A_1202 : vector<16xf32>
          %slice3A_1204 = vector.extract_strided_slice %masked_cumsum3A_1192 {offsets = [15], sizes = [1], strides = [1]} : vector<16xf32> to vector<1xf32>
          %squeeze3A_1205 = vector.extract %slice3A_1204[0] : f32 from vector<1xf32>
          %add3A_1206 = arith.addf %add3A_1029, %squeeze3A_1205 : f32
          %add3A_1207 = arith.constant 13824 : i32
          %add3A_1208 = vector.broadcast %add3A_1207 : i32 to vector<16xi32>
          %add3A_1209 = arith.addi %get3A_1078, %add3A_1208 : vector<16xi32>
          %gather3A_1210 = tpu.vector_load_idx %arg6[%add3A_1209] : memref<18432xf32, #tpu.memory_space<vmem>>[vector<16xi32>], vector<16xf32>,
          %broadcast_in_dim3A_1211 = arith.constant true
          %broadcast_in_dim3A_1212 = vector.broadcast %broadcast_in_dim3A_1211 : i1 to vector<16xi1>
          %masked_cumsum3A_1213 = tpu.scan <sum>, %gather3A_1210 masked %broadcast_in_dim3A_1212 : vector<16xf32>, vector<16xi1> -> vector<16xf32>
          %sub3A_1214 = arith.constant 2.000000e-01 : f32
          %sub3A_1215 = arith.subf %sub3A_1214, %add3A_1050 : f32
          %sub3A_1216 = vector.broadcast %sub3A_1215 : f32 to vector<16xf32>
          %sub3A_1217 = arith.subf %sub3A_1216, %masked_cumsum3A_1213 : vector<16xf32>
          %add3A_1218 = arith.addf %sub3A_1217, %gather3A_1210 : vector<16xf32>
          %max3A_1219 = arith.constant 0.000000e+00 : f32
          %max3A_1220 = vector.broadcast %max3A_1219 : f32 to vector<16xf32>
          %max3A_1221 = arith.maximumf %add3A_1218, %max3A_1220 : vector<16xf32>
          %min3A_1222 = arith.minimumf %gather3A_1210, %max3A_1221 : vector<16xf32>
          %mul3A_1223 = arith.mulf %min3A_1222, %get3A_1080 : vector<16xf32>
          %add3A_1224 = arith.addf %add3A_1047, %mul3A_1223 : vector<16xf32>
          %slice3A_1225 = vector.extract_strided_slice %masked_cumsum3A_1213 {offsets = [15], sizes = [1], strides = [1]} : vector<16xf32> to vector<1xf32>
          %squeeze3A_1226 = vector.extract %slice3A_1225[0] : f32 from vector<1xf32>
          %add3A_1227 = arith.addf %add3A_1050, %squeeze3A_1226 : f32
          %add3A_1228 = arith.constant 16128 : i32
          %add3A_1229 = vector.broadcast %add3A_1228 : i32 to vector<16xi32>
          %add3A_1230 = arith.addi %get3A_1078, %add3A_1229 : vector<16xi32>
          %gather3A_1231 = tpu.vector_load_idx %arg6[%add3A_1230] : memref<18432xf32, #tpu.memory_space<vmem>>[vector<16xi32>], vector<16xf32>,
          %broadcast_in_dim3A_1232 = arith.constant true
          %broadcast_in_dim3A_1233 = vector.broadcast %broadcast_in_dim3A_1232 : i1 to vector<16xi1>
          %masked_cumsum3A_1234 = tpu.scan <sum>, %gather3A_1231 masked %broadcast_in_dim3A_1233 : vector<16xf32>, vector<16xi1> -> vector<16xf32>
          %sub3A_1235 = arith.constant 2.000000e-01 : f32
          %sub3A_1236 = arith.subf %sub3A_1235, %add3A_1071 : f32
          %sub3A_1237 = vector.broadcast %sub3A_1236 : f32 to vector<16xf32>
          %sub3A_1238 = arith.subf %sub3A_1237, %masked_cumsum3A_1234 : vector<16xf32>
          %add3A_1239 = arith.addf %sub3A_1238, %gather3A_1231 : vector<16xf32>
          %max3A_1240 = arith.constant 0.000000e+00 : f32
          %max3A_1241 = vector.broadcast %max3A_1240 : f32 to vector<16xf32>
          %max3A_1242 = arith.maximumf %add3A_1239, %max3A_1241 : vector<16xf32>
          %min3A_1243 = arith.minimumf %gather3A_1231, %max3A_1242 : vector<16xf32>
          %mul3A_1244 = arith.mulf %min3A_1243, %get3A_1080 : vector<16xf32>
          %add3A_1245 = arith.addf %add3A_1068, %mul3A_1244 : vector<16xf32>
          %slice3A_1246 = vector.extract_strided_slice %masked_cumsum3A_1234 {offsets = [15], sizes = [1], strides = [1]} : vector<16xf32> to vector<1xf32>
          %squeeze3A_1247 = vector.extract %slice3A_1246[0] : f32 from vector<1xf32>
          %add3A_1248 = arith.addf %add3A_1071, %squeeze3A_1247 : f32
          %add3A_1249 = arith.constant 1 : i32
          %add3A_1250 = arith.addi %add3A_1073, %add3A_1249 : i32
          %mul3A_1251 = arith.constant 16 : i32
          %mul3A_1252 = arith.muli %add3A_1250, %mul3A_1251 : i32
          %add3A_1253 = arith.addi %mul3A_86, %mul3A_1252 : i32
          %get3A_1254 = arith.index_cast %add3A_1253 : i32 to index
          %get3A_1255 = tpu.vector_load %arg9[%get3A_1254] {strides = array<i32>} : memref<20736xi32, #tpu.memory_space<vmem>>, vector<16xi32>,
          %get3A_1256 = arith.index_cast %add3A_1253 : i32 to index
          %get3A_1257 = tpu.vector_load %arg10[%get3A_1256] {strides = array<i32>} : memref<20736xf32, #tpu.memory_space<vmem>>, vector<16xf32>,
          %add3A_1258 = arith.constant 0 : i32
          %add3A_1259 = vector.broadcast %add3A_1258 : i32 to vector<16xi32>
          %add3A_1260 = arith.addi %get3A_1255, %add3A_1259 : vector<16xi32>
          %gather3A_1261 = tpu.vector_load_idx %arg6[%add3A_1260] : memref<18432xf32, #tpu.memory_space<vmem>>[vector<16xi32>], vector<16xf32>,
          %broadcast_in_dim3A_1262 = arith.constant true
          %broadcast_in_dim3A_1263 = vector.broadcast %broadcast_in_dim3A_1262 : i1 to vector<16xi1>
          %masked_cumsum3A_1264 = tpu.scan <sum>, %gather3A_1261 masked %broadcast_in_dim3A_1263 : vector<16xf32>, vector<16xi1> -> vector<16xf32>
          %sub3A_1265 = arith.constant 2.000000e-01 : f32
          %sub3A_1266 = arith.subf %sub3A_1265, %add3A_1101 : f32
          %sub3A_1267 = vector.broadcast %sub3A_1266 : f32 to vector<16xf32>
          %sub3A_1268 = arith.subf %sub3A_1267, %masked_cumsum3A_1264 : vector<16xf32>
          %add3A_1269 = arith.addf %sub3A_1268, %gather3A_1261 : vector<16xf32>
          %max3A_1270 = arith.constant 0.000000e+00 : f32
          %max3A_1271 = vector.broadcast %max3A_1270 : f32 to vector<16xf32>
          %max3A_1272 = arith.maximumf %add3A_1269, %max3A_1271 : vector<16xf32>
          %min3A_1273 = arith.minimumf %gather3A_1261, %max3A_1272 : vector<16xf32>
          %mul3A_1274 = arith.mulf %min3A_1273, %get3A_1257 : vector<16xf32>
          %add3A_1275 = arith.addf %add3A_1098, %mul3A_1274 : vector<16xf32>
          %slice3A_1276 = vector.extract_strided_slice %masked_cumsum3A_1264 {offsets = [15], sizes = [1], strides = [1]} : vector<16xf32> to vector<1xf32>
          %squeeze3A_1277 = vector.extract %slice3A_1276[0] : f32 from vector<1xf32>
          %add3A_1278 = arith.addf %add3A_1101, %squeeze3A_1277 : f32
          %add3A_1279 = arith.constant 2304 : i32
          %add3A_1280 = vector.broadcast %add3A_1279 : i32 to vector<16xi32>
          %add3A_1281 = arith.addi %get3A_1255, %add3A_1280 : vector<16xi32>
          %gather3A_1282 = tpu.vector_load_idx %arg6[%add3A_1281] : memref<18432xf32, #tpu.memory_space<vmem>>[vector<16xi32>], vector<16xf32>,
          %broadcast_in_dim3A_1283 = arith.constant true
          %broadcast_in_dim3A_1284 = vector.broadcast %broadcast_in_dim3A_1283 : i1 to vector<16xi1>
          %masked_cumsum3A_1285 = tpu.scan <sum>, %gather3A_1282 masked %broadcast_in_dim3A_1284 : vector<16xf32>, vector<16xi1> -> vector<16xf32>
          %sub3A_1286 = arith.constant 2.000000e-01 : f32
          %sub3A_1287 = arith.subf %sub3A_1286, %add3A_1122 : f32
          %sub3A_1288 = vector.broadcast %sub3A_1287 : f32 to vector<16xf32>
          %sub3A_1289 = arith.subf %sub3A_1288, %masked_cumsum3A_1285 : vector<16xf32>
          %add3A_1290 = arith.addf %sub3A_1289, %gather3A_1282 : vector<16xf32>
          %max3A_1291 = arith.constant 0.000000e+00 : f32
          %max3A_1292 = vector.broadcast %max3A_1291 : f32 to vector<16xf32>
          %max3A_1293 = arith.maximumf %add3A_1290, %max3A_1292 : vector<16xf32>
          %min3A_1294 = arith.minimumf %gather3A_1282, %max3A_1293 : vector<16xf32>
          %mul3A_1295 = arith.mulf %min3A_1294, %get3A_1257 : vector<16xf32>
          %add3A_1296 = arith.addf %add3A_1119, %mul3A_1295 : vector<16xf32>
          %slice3A_1297 = vector.extract_strided_slice %masked_cumsum3A_1285 {offsets = [15], sizes = [1], strides = [1]} : vector<16xf32> to vector<1xf32>
          %squeeze3A_1298 = vector.extract %slice3A_1297[0] : f32 from vector<1xf32>
          %add3A_1299 = arith.addf %add3A_1122, %squeeze3A_1298 : f32
          %add3A_1300 = arith.constant 4608 : i32
          %add3A_1301 = vector.broadcast %add3A_1300 : i32 to vector<16xi32>
          %add3A_1302 = arith.addi %get3A_1255, %add3A_1301 : vector<16xi32>
          %gather3A_1303 = tpu.vector_load_idx %arg6[%add3A_1302] : memref<18432xf32, #tpu.memory_space<vmem>>[vector<16xi32>], vector<16xf32>,
          %broadcast_in_dim3A_1304 = arith.constant true
          %broadcast_in_dim3A_1305 = vector.broadcast %broadcast_in_dim3A_1304 : i1 to vector<16xi1>
          %masked_cumsum3A_1306 = tpu.scan <sum>, %gather3A_1303 masked %broadcast_in_dim3A_1305 : vector<16xf32>, vector<16xi1> -> vector<16xf32>
          %sub3A_1307 = arith.constant 2.000000e-01 : f32
          %sub3A_1308 = arith.subf %sub3A_1307, %add3A_1143 : f32
          %sub3A_1309 = vector.broadcast %sub3A_1308 : f32 to vector<16xf32>
          %sub3A_1310 = arith.subf %sub3A_1309, %masked_cumsum3A_1306 : vector<16xf32>
          %add3A_1311 = arith.addf %sub3A_1310, %gather3A_1303 : vector<16xf32>
          %max3A_1312 = arith.constant 0.000000e+00 : f32
          %max3A_1313 = vector.broadcast %max3A_1312 : f32 to vector<16xf32>
          %max3A_1314 = arith.maximumf %add3A_1311, %max3A_1313 : vector<16xf32>
          %min3A_1315 = arith.minimumf %gather3A_1303, %max3A_1314 : vector<16xf32>
          %mul3A_1316 = arith.mulf %min3A_1315, %get3A_1257 : vector<16xf32>
          %add3A_1317 = arith.addf %add3A_1140, %mul3A_1316 : vector<16xf32>
          %slice3A_1318 = vector.extract_strided_slice %masked_cumsum3A_1306 {offsets = [15], sizes = [1], strides = [1]} : vector<16xf32> to vector<1xf32>
          %squeeze3A_1319 = vector.extract %slice3A_1318[0] : f32 from vector<1xf32>
          %add3A_1320 = arith.addf %add3A_1143, %squeeze3A_1319 : f32
          %add3A_1321 = arith.constant 6912 : i32
          %add3A_1322 = vector.broadcast %add3A_1321 : i32 to vector<16xi32>
          %add3A_1323 = arith.addi %get3A_1255, %add3A_1322 : vector<16xi32>
          %gather3A_1324 = tpu.vector_load_idx %arg6[%add3A_1323] : memref<18432xf32, #tpu.memory_space<vmem>>[vector<16xi32>], vector<16xf32>,
          %broadcast_in_dim3A_1325 = arith.constant true
          %broadcast_in_dim3A_1326 = vector.broadcast %broadcast_in_dim3A_1325 : i1 to vector<16xi1>
          %masked_cumsum3A_1327 = tpu.scan <sum>, %gather3A_1324 masked %broadcast_in_dim3A_1326 : vector<16xf32>, vector<16xi1> -> vector<16xf32>
          %sub3A_1328 = arith.constant 2.000000e-01 : f32
          %sub3A_1329 = arith.subf %sub3A_1328, %add3A_1164 : f32
          %sub3A_1330 = vector.broadcast %sub3A_1329 : f32 to vector<16xf32>
          %sub3A_1331 = arith.subf %sub3A_1330, %masked_cumsum3A_1327 : vector<16xf32>
          %add3A_1332 = arith.addf %sub3A_1331, %gather3A_1324 : vector<16xf32>
          %max3A_1333 = arith.constant 0.000000e+00 : f32
          %max3A_1334 = vector.broadcast %max3A_1333 : f32 to vector<16xf32>
          %max3A_1335 = arith.maximumf %add3A_1332, %max3A_1334 : vector<16xf32>
          %min3A_1336 = arith.minimumf %gather3A_1324, %max3A_1335 : vector<16xf32>
          %mul3A_1337 = arith.mulf %min3A_1336, %get3A_1257 : vector<16xf32>
          %add3A_1338 = arith.addf %add3A_1161, %mul3A_1337 : vector<16xf32>
          %slice3A_1339 = vector.extract_strided_slice %masked_cumsum3A_1327 {offsets = [15], sizes = [1], strides = [1]} : vector<16xf32> to vector<1xf32>
          %squeeze3A_1340 = vector.extract %slice3A_1339[0] : f32 from vector<1xf32>
          %add3A_1341 = arith.addf %add3A_1164, %squeeze3A_1340 : f32
          %add3A_1342 = arith.constant 9216 : i32
          %add3A_1343 = vector.broadcast %add3A_1342 : i32 to vector<16xi32>
          %add3A_1344 = arith.addi %get3A_1255, %add3A_1343 : vector<16xi32>
          %gather3A_1345 = tpu.vector_load_idx %arg6[%add3A_1344] : memref<18432xf32, #tpu.memory_space<vmem>>[vector<16xi32>], vector<16xf32>,
          %broadcast_in_dim3A_1346 = arith.constant true
          %broadcast_in_dim3A_1347 = vector.broadcast %broadcast_in_dim3A_1346 : i1 to vector<16xi1>
          %masked_cumsum3A_1348 = tpu.scan <sum>, %gather3A_1345 masked %broadcast_in_dim3A_1347 : vector<16xf32>, vector<16xi1> -> vector<16xf32>
          %sub3A_1349 = arith.constant 2.000000e-01 : f32
          %sub3A_1350 = arith.subf %sub3A_1349, %add3A_1185 : f32
          %sub3A_1351 = vector.broadcast %sub3A_1350 : f32 to vector<16xf32>
          %sub3A_1352 = arith.subf %sub3A_1351, %masked_cumsum3A_1348 : vector<16xf32>
          %add3A_1353 = arith.addf %sub3A_1352, %gather3A_1345 : vector<16xf32>
          %max3A_1354 = arith.constant 0.000000e+00 : f32
          %max3A_1355 = vector.broadcast %max3A_1354 : f32 to vector<16xf32>
          %max3A_1356 = arith.maximumf %add3A_1353, %max3A_1355 : vector<16xf32>
          %min3A_1357 = arith.minimumf %gather3A_1345, %max3A_1356 : vector<16xf32>
          %mul3A_1358 = arith.mulf %min3A_1357, %get3A_1257 : vector<16xf32>
          %add3A_1359 = arith.addf %add3A_1182, %mul3A_1358 : vector<16xf32>
          %slice3A_1360 = vector.extract_strided_slice %masked_cumsum3A_1348 {offsets = [15], sizes = [1], strides = [1]} : vector<16xf32> to vector<1xf32>
          %squeeze3A_1361 = vector.extract %slice3A_1360[0] : f32 from vector<1xf32>
          %add3A_1362 = arith.addf %add3A_1185, %squeeze3A_1361 : f32
          %add3A_1363 = arith.constant 11520 : i32
          %add3A_1364 = vector.broadcast %add3A_1363 : i32 to vector<16xi32>
          %add3A_1365 = arith.addi %get3A_1255, %add3A_1364 : vector<16xi32>
          %gather3A_1366 = tpu.vector_load_idx %arg6[%add3A_1365] : memref<18432xf32, #tpu.memory_space<vmem>>[vector<16xi32>], vector<16xf32>,
          %broadcast_in_dim3A_1367 = arith.constant true
          %broadcast_in_dim3A_1368 = vector.broadcast %broadcast_in_dim3A_1367 : i1 to vector<16xi1>
          %masked_cumsum3A_1369 = tpu.scan <sum>, %gather3A_1366 masked %broadcast_in_dim3A_1368 : vector<16xf32>, vector<16xi1> -> vector<16xf32>
          %sub3A_1370 = arith.constant 2.000000e-01 : f32
          %sub3A_1371 = arith.subf %sub3A_1370, %add3A_1206 : f32
          %sub3A_1372 = vector.broadcast %sub3A_1371 : f32 to vector<16xf32>
          %sub3A_1373 = arith.subf %sub3A_1372, %masked_cumsum3A_1369 : vector<16xf32>
          %add3A_1374 = arith.addf %sub3A_1373, %gather3A_1366 : vector<16xf32>
          %max3A_1375 = arith.constant 0.000000e+00 : f32
          %max3A_1376 = vector.broadcast %max3A_1375 : f32 to vector<16xf32>
          %max3A_1377 = arith.maximumf %add3A_1374, %max3A_1376 : vector<16xf32>
          %min3A_1378 = arith.minimumf %gather3A_1366, %max3A_1377 : vector<16xf32>
          %mul3A_1379 = arith.mulf %min3A_1378, %get3A_1257 : vector<16xf32>
          %add3A_1380 = arith.addf %add3A_1203, %mul3A_1379 : vector<16xf32>
          %slice3A_1381 = vector.extract_strided_slice %masked_cumsum3A_1369 {offsets = [15], sizes = [1], strides = [1]} : vector<16xf32> to vector<1xf32>
          %squeeze3A_1382 = vector.extract %slice3A_1381[0] : f32 from vector<1xf32>
          %add3A_1383 = arith.addf %add3A_1206, %squeeze3A_1382 : f32
          %add3A_1384 = arith.constant 13824 : i32
          %add3A_1385 = vector.broadcast %add3A_1384 : i32 to vector<16xi32>
          %add3A_1386 = arith.addi %get3A_1255, %add3A_1385 : vector<16xi32>
          %gather3A_1387 = tpu.vector_load_idx %arg6[%add3A_1386] : memref<18432xf32, #tpu.memory_space<vmem>>[vector<16xi32>], vector<16xf32>,
          %broadcast_in_dim3A_1388 = arith.constant true
          %broadcast_in_dim3A_1389 = vector.broadcast %broadcast_in_dim3A_1388 : i1 to vector<16xi1>
          %masked_cumsum3A_1390 = tpu.scan <sum>, %gather3A_1387 masked %broadcast_in_dim3A_1389 : vector<16xf32>, vector<16xi1> -> vector<16xf32>
          %sub3A_1391 = arith.constant 2.000000e-01 : f32
          %sub3A_1392 = arith.subf %sub3A_1391, %add3A_1227 : f32
          %sub3A_1393 = vector.broadcast %sub3A_1392 : f32 to vector<16xf32>
          %sub3A_1394 = arith.subf %sub3A_1393, %masked_cumsum3A_1390 : vector<16xf32>
          %add3A_1395 = arith.addf %sub3A_1394, %gather3A_1387 : vector<16xf32>
          %max3A_1396 = arith.constant 0.000000e+00 : f32
          %max3A_1397 = vector.broadcast %max3A_1396 : f32 to vector<16xf32>
          %max3A_1398 = arith.maximumf %add3A_1395, %max3A_1397 : vector<16xf32>
          %min3A_1399 = arith.minimumf %gather3A_1387, %max3A_1398 : vector<16xf32>
          %mul3A_1400 = arith.mulf %min3A_1399, %get3A_1257 : vector<16xf32>
          %add3A_1401 = arith.addf %add3A_1224, %mul3A_1400 : vector<16xf32>
          %slice3A_1402 = vector.extract_strided_slice %masked_cumsum3A_1390 {offsets = [15], sizes = [1], strides = [1]} : vector<16xf32> to vector<1xf32>
          %squeeze3A_1403 = vector.extract %slice3A_1402[0] : f32 from vector<1xf32>
          %add3A_1404 = arith.addf %add3A_1227, %squeeze3A_1403 : f32
          %add3A_1405 = arith.constant 16128 : i32
          %add3A_1406 = vector.broadcast %add3A_1405 : i32 to vector<16xi32>
          %add3A_1407 = arith.addi %get3A_1255, %add3A_1406 : vector<16xi32>
          %gather3A_1408 = tpu.vector_load_idx %arg6[%add3A_1407] : memref<18432xf32, #tpu.memory_space<vmem>>[vector<16xi32>], vector<16xf32>,
          %broadcast_in_dim3A_1409 = arith.constant true
          %broadcast_in_dim3A_1410 = vector.broadcast %broadcast_in_dim3A_1409 : i1 to vector<16xi1>
          %masked_cumsum3A_1411 = tpu.scan <sum>, %gather3A_1408 masked %broadcast_in_dim3A_1410 : vector<16xf32>, vector<16xi1> -> vector<16xf32>
          %sub3A_1412 = arith.constant 2.000000e-01 : f32
          %sub3A_1413 = arith.subf %sub3A_1412, %add3A_1248 : f32
          %sub3A_1414 = vector.broadcast %sub3A_1413 : f32 to vector<16xf32>
          %sub3A_1415 = arith.subf %sub3A_1414, %masked_cumsum3A_1411 : vector<16xf32>
          %add3A_1416 = arith.addf %sub3A_1415, %gather3A_1408 : vector<16xf32>
          %max3A_1417 = arith.constant 0.000000e+00 : f32
          %max3A_1418 = vector.broadcast %max3A_1417 : f32 to vector<16xf32>
          %max3A_1419 = arith.maximumf %add3A_1416, %max3A_1418 : vector<16xf32>
          %min3A_1420 = arith.minimumf %gather3A_1408, %max3A_1419 : vector<16xf32>
          %mul3A_1421 = arith.mulf %min3A_1420, %get3A_1257 : vector<16xf32>
          %add3A_1422 = arith.addf %add3A_1245, %mul3A_1421 : vector<16xf32>
          %slice3A_1423 = vector.extract_strided_slice %masked_cumsum3A_1411 {offsets = [15], sizes = [1], strides = [1]} : vector<16xf32> to vector<1xf32>
          %squeeze3A_1424 = vector.extract %slice3A_1423[0] : f32 from vector<1xf32>
          %add3A_1425 = arith.addf %add3A_1248, %squeeze3A_1424 : f32
          %add3A_1426 = arith.constant 1 : i32
          %add3A_1427 = arith.addi %add3A_1250, %add3A_1426 : i32
          %mul3A_1428 = arith.constant 16 : i32
          %mul3A_1429 = arith.muli %add3A_1427, %mul3A_1428 : i32
          %add3A_1430 = arith.addi %mul3A_86, %mul3A_1429 : i32
          %get3A_1431 = arith.index_cast %add3A_1430 : i32 to index
          %get3A_1432 = tpu.vector_load %arg9[%get3A_1431] {strides = array<i32>} : memref<20736xi32, #tpu.memory_space<vmem>>, vector<16xi32>,
          %get3A_1433 = arith.index_cast %add3A_1430 : i32 to index
          %get3A_1434 = tpu.vector_load %arg10[%get3A_1433] {strides = array<i32>} : memref<20736xf32, #tpu.memory_space<vmem>>, vector<16xf32>,
          %add3A_1435 = arith.constant 0 : i32
          %add3A_1436 = vector.broadcast %add3A_1435 : i32 to vector<16xi32>
          %add3A_1437 = arith.addi %get3A_1432, %add3A_1436 : vector<16xi32>
          %gather3A_1438 = tpu.vector_load_idx %arg6[%add3A_1437] : memref<18432xf32, #tpu.memory_space<vmem>>[vector<16xi32>], vector<16xf32>,
          %broadcast_in_dim3A_1439 = arith.constant true
          %broadcast_in_dim3A_1440 = vector.broadcast %broadcast_in_dim3A_1439 : i1 to vector<16xi1>
          %masked_cumsum3A_1441 = tpu.scan <sum>, %gather3A_1438 masked %broadcast_in_dim3A_1440 : vector<16xf32>, vector<16xi1> -> vector<16xf32>
          %sub3A_1442 = arith.constant 2.000000e-01 : f32
          %sub3A_1443 = arith.subf %sub3A_1442, %add3A_1278 : f32
          %sub3A_1444 = vector.broadcast %sub3A_1443 : f32 to vector<16xf32>
          %sub3A_1445 = arith.subf %sub3A_1444, %masked_cumsum3A_1441 : vector<16xf32>
          %add3A_1446 = arith.addf %sub3A_1445, %gather3A_1438 : vector<16xf32>
          %max3A_1447 = arith.constant 0.000000e+00 : f32
          %max3A_1448 = vector.broadcast %max3A_1447 : f32 to vector<16xf32>
          %max3A_1449 = arith.maximumf %add3A_1446, %max3A_1448 : vector<16xf32>
          %min3A_1450 = arith.minimumf %gather3A_1438, %max3A_1449 : vector<16xf32>
          %mul3A_1451 = arith.mulf %min3A_1450, %get3A_1434 : vector<16xf32>
          %add3A_1452 = arith.addf %add3A_1275, %mul3A_1451 : vector<16xf32>
          %slice3A_1453 = vector.extract_strided_slice %masked_cumsum3A_1441 {offsets = [15], sizes = [1], strides = [1]} : vector<16xf32> to vector<1xf32>
          %squeeze3A_1454 = vector.extract %slice3A_1453[0] : f32 from vector<1xf32>
          %add3A_1455 = arith.addf %add3A_1278, %squeeze3A_1454 : f32
          %add3A_1456 = arith.constant 2304 : i32
          %add3A_1457 = vector.broadcast %add3A_1456 : i32 to vector<16xi32>
          %add3A_1458 = arith.addi %get3A_1432, %add3A_1457 : vector<16xi32>
          %gather3A_1459 = tpu.vector_load_idx %arg6[%add3A_1458] : memref<18432xf32, #tpu.memory_space<vmem>>[vector<16xi32>], vector<16xf32>,
          %broadcast_in_dim3A_1460 = arith.constant true
          %broadcast_in_dim3A_1461 = vector.broadcast %broadcast_in_dim3A_1460 : i1 to vector<16xi1>
          %masked_cumsum3A_1462 = tpu.scan <sum>, %gather3A_1459 masked %broadcast_in_dim3A_1461 : vector<16xf32>, vector<16xi1> -> vector<16xf32>
          %sub3A_1463 = arith.constant 2.000000e-01 : f32
          %sub3A_1464 = arith.subf %sub3A_1463, %add3A_1299 : f32
          %sub3A_1465 = vector.broadcast %sub3A_1464 : f32 to vector<16xf32>
          %sub3A_1466 = arith.subf %sub3A_1465, %masked_cumsum3A_1462 : vector<16xf32>
          %add3A_1467 = arith.addf %sub3A_1466, %gather3A_1459 : vector<16xf32>
          %max3A_1468 = arith.constant 0.000000e+00 : f32
          %max3A_1469 = vector.broadcast %max3A_1468 : f32 to vector<16xf32>
          %max3A_1470 = arith.maximumf %add3A_1467, %max3A_1469 : vector<16xf32>
          %min3A_1471 = arith.minimumf %gather3A_1459, %max3A_1470 : vector<16xf32>
          %mul3A_1472 = arith.mulf %min3A_1471, %get3A_1434 : vector<16xf32>
          %add3A_1473 = arith.addf %add3A_1296, %mul3A_1472 : vector<16xf32>
          %slice3A_1474 = vector.extract_strided_slice %masked_cumsum3A_1462 {offsets = [15], sizes = [1], strides = [1]} : vector<16xf32> to vector<1xf32>
          %squeeze3A_1475 = vector.extract %slice3A_1474[0] : f32 from vector<1xf32>
          %add3A_1476 = arith.addf %add3A_1299, %squeeze3A_1475 : f32
          %add3A_1477 = arith.constant 4608 : i32
          %add3A_1478 = vector.broadcast %add3A_1477 : i32 to vector<16xi32>
          %add3A_1479 = arith.addi %get3A_1432, %add3A_1478 : vector<16xi32>
          %gather3A_1480 = tpu.vector_load_idx %arg6[%add3A_1479] : memref<18432xf32, #tpu.memory_space<vmem>>[vector<16xi32>], vector<16xf32>,
          %broadcast_in_dim3A_1481 = arith.constant true
          %broadcast_in_dim3A_1482 = vector.broadcast %broadcast_in_dim3A_1481 : i1 to vector<16xi1>
          %masked_cumsum3A_1483 = tpu.scan <sum>, %gather3A_1480 masked %broadcast_in_dim3A_1482 : vector<16xf32>, vector<16xi1> -> vector<16xf32>
          %sub3A_1484 = arith.constant 2.000000e-01 : f32
          %sub3A_1485 = arith.subf %sub3A_1484, %add3A_1320 : f32
          %sub3A_1486 = vector.broadcast %sub3A_1485 : f32 to vector<16xf32>
          %sub3A_1487 = arith.subf %sub3A_1486, %masked_cumsum3A_1483 : vector<16xf32>
          %add3A_1488 = arith.addf %sub3A_1487, %gather3A_1480 : vector<16xf32>
          %max3A_1489 = arith.constant 0.000000e+00 : f32
          %max3A_1490 = vector.broadcast %max3A_1489 : f32 to vector<16xf32>
          %max3A_1491 = arith.maximumf %add3A_1488, %max3A_1490 : vector<16xf32>
          %min3A_1492 = arith.minimumf %gather3A_1480, %max3A_1491 : vector<16xf32>
          %mul3A_1493 = arith.mulf %min3A_1492, %get3A_1434 : vector<16xf32>
          %add3A_1494 = arith.addf %add3A_1317, %mul3A_1493 : vector<16xf32>
          %slice3A_1495 = vector.extract_strided_slice %masked_cumsum3A_1483 {offsets = [15], sizes = [1], strides = [1]} : vector<16xf32> to vector<1xf32>
          %squeeze3A_1496 = vector.extract %slice3A_1495[0] : f32 from vector<1xf32>
          %add3A_1497 = arith.addf %add3A_1320, %squeeze3A_1496 : f32
          %add3A_1498 = arith.constant 6912 : i32
          %add3A_1499 = vector.broadcast %add3A_1498 : i32 to vector<16xi32>
          %add3A_1500 = arith.addi %get3A_1432, %add3A_1499 : vector<16xi32>
          %gather3A_1501 = tpu.vector_load_idx %arg6[%add3A_1500] : memref<18432xf32, #tpu.memory_space<vmem>>[vector<16xi32>], vector<16xf32>,
          %broadcast_in_dim3A_1502 = arith.constant true
          %broadcast_in_dim3A_1503 = vector.broadcast %broadcast_in_dim3A_1502 : i1 to vector<16xi1>
          %masked_cumsum3A_1504 = tpu.scan <sum>, %gather3A_1501 masked %broadcast_in_dim3A_1503 : vector<16xf32>, vector<16xi1> -> vector<16xf32>
          %sub3A_1505 = arith.constant 2.000000e-01 : f32
          %sub3A_1506 = arith.subf %sub3A_1505, %add3A_1341 : f32
          %sub3A_1507 = vector.broadcast %sub3A_1506 : f32 to vector<16xf32>
          %sub3A_1508 = arith.subf %sub3A_1507, %masked_cumsum3A_1504 : vector<16xf32>
          %add3A_1509 = arith.addf %sub3A_1508, %gather3A_1501 : vector<16xf32>
          %max3A_1510 = arith.constant 0.000000e+00 : f32
          %max3A_1511 = vector.broadcast %max3A_1510 : f32 to vector<16xf32>
          %max3A_1512 = arith.maximumf %add3A_1509, %max3A_1511 : vector<16xf32>
          %min3A_1513 = arith.minimumf %gather3A_1501, %max3A_1512 : vector<16xf32>
          %mul3A_1514 = arith.mulf %min3A_1513, %get3A_1434 : vector<16xf32>
          %add3A_1515 = arith.addf %add3A_1338, %mul3A_1514 : vector<16xf32>
          %slice3A_1516 = vector.extract_strided_slice %masked_cumsum3A_1504 {offsets = [15], sizes = [1], strides = [1]} : vector<16xf32> to vector<1xf32>
          %squeeze3A_1517 = vector.extract %slice3A_1516[0] : f32 from vector<1xf32>
          %add3A_1518 = arith.addf %add3A_1341, %squeeze3A_1517 : f32
          %add3A_1519 = arith.constant 9216 : i32
          %add3A_1520 = vector.broadcast %add3A_1519 : i32 to vector<16xi32>
          %add3A_1521 = arith.addi %get3A_1432, %add3A_1520 : vector<16xi32>
          %gather3A_1522 = tpu.vector_load_idx %arg6[%add3A_1521] : memref<18432xf32, #tpu.memory_space<vmem>>[vector<16xi32>], vector<16xf32>,
          %broadcast_in_dim3A_1523 = arith.constant true
          %broadcast_in_dim3A_1524 = vector.broadcast %broadcast_in_dim3A_1523 : i1 to vector<16xi1>
          %masked_cumsum3A_1525 = tpu.scan <sum>, %gather3A_1522 masked %broadcast_in_dim3A_1524 : vector<16xf32>, vector<16xi1> -> vector<16xf32>
          %sub3A_1526 = arith.constant 2.000000e-01 : f32
          %sub3A_1527 = arith.subf %sub3A_1526, %add3A_1362 : f32
          %sub3A_1528 = vector.broadcast %sub3A_1527 : f32 to vector<16xf32>
          %sub3A_1529 = arith.subf %sub3A_1528, %masked_cumsum3A_1525 : vector<16xf32>
          %add3A_1530 = arith.addf %sub3A_1529, %gather3A_1522 : vector<16xf32>
          %max3A_1531 = arith.constant 0.000000e+00 : f32
          %max3A_1532 = vector.broadcast %max3A_1531 : f32 to vector<16xf32>
          %max3A_1533 = arith.maximumf %add3A_1530, %max3A_1532 : vector<16xf32>
          %min3A_1534 = arith.minimumf %gather3A_1522, %max3A_1533 : vector<16xf32>
          %mul3A_1535 = arith.mulf %min3A_1534, %get3A_1434 : vector<16xf32>
          %add3A_1536 = arith.addf %add3A_1359, %mul3A_1535 : vector<16xf32>
          %slice3A_1537 = vector.extract_strided_slice %masked_cumsum3A_1525 {offsets = [15], sizes = [1], strides = [1]} : vector<16xf32> to vector<1xf32>
          %squeeze3A_1538 = vector.extract %slice3A_1537[0] : f32 from vector<1xf32>
          %add3A_1539 = arith.addf %add3A_1362, %squeeze3A_1538 : f32
          %add3A_1540 = arith.constant 11520 : i32
          %add3A_1541 = vector.broadcast %add3A_1540 : i32 to vector<16xi32>
          %add3A_1542 = arith.addi %get3A_1432, %add3A_1541 : vector<16xi32>
          %gather3A_1543 = tpu.vector_load_idx %arg6[%add3A_1542] : memref<18432xf32, #tpu.memory_space<vmem>>[vector<16xi32>], vector<16xf32>,
          %broadcast_in_dim3A_1544 = arith.constant true
          %broadcast_in_dim3A_1545 = vector.broadcast %broadcast_in_dim3A_1544 : i1 to vector<16xi1>
          %masked_cumsum3A_1546 = tpu.scan <sum>, %gather3A_1543 masked %broadcast_in_dim3A_1545 : vector<16xf32>, vector<16xi1> -> vector<16xf32>
          %sub3A_1547 = arith.constant 2.000000e-01 : f32
          %sub3A_1548 = arith.subf %sub3A_1547, %add3A_1383 : f32
          %sub3A_1549 = vector.broadcast %sub3A_1548 : f32 to vector<16xf32>
          %sub3A_1550 = arith.subf %sub3A_1549, %masked_cumsum3A_1546 : vector<16xf32>
          %add3A_1551 = arith.addf %sub3A_1550, %gather3A_1543 : vector<16xf32>
          %max3A_1552 = arith.constant 0.000000e+00 : f32
          %max3A_1553 = vector.broadcast %max3A_1552 : f32 to vector<16xf32>
          %max3A_1554 = arith.maximumf %add3A_1551, %max3A_1553 : vector<16xf32>
          %min3A_1555 = arith.minimumf %gather3A_1543, %max3A_1554 : vector<16xf32>
          %mul3A_1556 = arith.mulf %min3A_1555, %get3A_1434 : vector<16xf32>
          %add3A_1557 = arith.addf %add3A_1380, %mul3A_1556 : vector<16xf32>
          %slice3A_1558 = vector.extract_strided_slice %masked_cumsum3A_1546 {offsets = [15], sizes = [1], strides = [1]} : vector<16xf32> to vector<1xf32>
          %squeeze3A_1559 = vector.extract %slice3A_1558[0] : f32 from vector<1xf32>
          %add3A_1560 = arith.addf %add3A_1383, %squeeze3A_1559 : f32
          %add3A_1561 = arith.constant 13824 : i32
          %add3A_1562 = vector.broadcast %add3A_1561 : i32 to vector<16xi32>
          %add3A_1563 = arith.addi %get3A_1432, %add3A_1562 : vector<16xi32>
          %gather3A_1564 = tpu.vector_load_idx %arg6[%add3A_1563] : memref<18432xf32, #tpu.memory_space<vmem>>[vector<16xi32>], vector<16xf32>,
          %broadcast_in_dim3A_1565 = arith.constant true
          %broadcast_in_dim3A_1566 = vector.broadcast %broadcast_in_dim3A_1565 : i1 to vector<16xi1>
          %masked_cumsum3A_1567 = tpu.scan <sum>, %gather3A_1564 masked %broadcast_in_dim3A_1566 : vector<16xf32>, vector<16xi1> -> vector<16xf32>
          %sub3A_1568 = arith.constant 2.000000e-01 : f32
          %sub3A_1569 = arith.subf %sub3A_1568, %add3A_1404 : f32
          %sub3A_1570 = vector.broadcast %sub3A_1569 : f32 to vector<16xf32>
          %sub3A_1571 = arith.subf %sub3A_1570, %masked_cumsum3A_1567 : vector<16xf32>
          %add3A_1572 = arith.addf %sub3A_1571, %gather3A_1564 : vector<16xf32>
          %max3A_1573 = arith.constant 0.000000e+00 : f32
          %max3A_1574 = vector.broadcast %max3A_1573 : f32 to vector<16xf32>
          %max3A_1575 = arith.maximumf %add3A_1572, %max3A_1574 : vector<16xf32>
          %min3A_1576 = arith.minimumf %gather3A_1564, %max3A_1575 : vector<16xf32>
          %mul3A_1577 = arith.mulf %min3A_1576, %get3A_1434 : vector<16xf32>
          %add3A_1578 = arith.addf %add3A_1401, %mul3A_1577 : vector<16xf32>
          %slice3A_1579 = vector.extract_strided_slice %masked_cumsum3A_1567 {offsets = [15], sizes = [1], strides = [1]} : vector<16xf32> to vector<1xf32>
          %squeeze3A_1580 = vector.extract %slice3A_1579[0] : f32 from vector<1xf32>
          %add3A_1581 = arith.addf %add3A_1404, %squeeze3A_1580 : f32
          %add3A_1582 = arith.constant 16128 : i32
          %add3A_1583 = vector.broadcast %add3A_1582 : i32 to vector<16xi32>
          %add3A_1584 = arith.addi %get3A_1432, %add3A_1583 : vector<16xi32>
          %gather3A_1585 = tpu.vector_load_idx %arg6[%add3A_1584] : memref<18432xf32, #tpu.memory_space<vmem>>[vector<16xi32>], vector<16xf32>,
          %broadcast_in_dim3A_1586 = arith.constant true
          %broadcast_in_dim3A_1587 = vector.broadcast %broadcast_in_dim3A_1586 : i1 to vector<16xi1>
          %masked_cumsum3A_1588 = tpu.scan <sum>, %gather3A_1585 masked %broadcast_in_dim3A_1587 : vector<16xf32>, vector<16xi1> -> vector<16xf32>
          %sub3A_1589 = arith.constant 2.000000e-01 : f32
          %sub3A_1590 = arith.subf %sub3A_1589, %add3A_1425 : f32
          %sub3A_1591 = vector.broadcast %sub3A_1590 : f32 to vector<16xf32>
          %sub3A_1592 = arith.subf %sub3A_1591, %masked_cumsum3A_1588 : vector<16xf32>
          %add3A_1593 = arith.addf %sub3A_1592, %gather3A_1585 : vector<16xf32>
          %max3A_1594 = arith.constant 0.000000e+00 : f32
          %max3A_1595 = vector.broadcast %max3A_1594 : f32 to vector<16xf32>
          %max3A_1596 = arith.maximumf %add3A_1593, %max3A_1595 : vector<16xf32>
          %min3A_1597 = arith.minimumf %gather3A_1585, %max3A_1596 : vector<16xf32>
          %mul3A_1598 = arith.mulf %min3A_1597, %get3A_1434 : vector<16xf32>
          %add3A_1599 = arith.addf %add3A_1422, %mul3A_1598 : vector<16xf32>
          %slice3A_1600 = vector.extract_strided_slice %masked_cumsum3A_1588 {offsets = [15], sizes = [1], strides = [1]} : vector<16xf32> to vector<1xf32>
          %squeeze3A_1601 = vector.extract %slice3A_1600[0] : f32 from vector<1xf32>
          %add3A_1602 = arith.addf %add3A_1425, %squeeze3A_1601 : f32
          %add3A_1603 = arith.constant 1 : i32
          %add3A_1604 = arith.addi %add3A_1427, %add3A_1603 : i32
          scf.yield %add3A_1604, %add3A_1455, %add3A_1476, %add3A_1497, %add3A_1518, %add3A_1539, %add3A_1560, %add3A_1581, %add3A_1602, %add3A_1452, %add3A_1473, %add3A_1494, %add3A_1515, %add3A_1536, %add3A_1557, %add3A_1578, %add3A_1599 : i32, f32, f32, f32, f32, f32, f32, f32, f32, vector<16xf32>, vector<16xf32>, vector<16xf32>, vector<16xf32>, vector<16xf32>, vector<16xf32>, vector<16xf32>, vector<16xf32>
        }
        %mul3A_97 = arith.constant 9 : i32
        %mul3A_98 = arith.muli %add3A_74, %mul3A_97 : i32
        %add3A_99 = arith.addi %mul3A_98, %scan3A_83 : i32
        %reduce_sum3A = arith.constant true
        %reduce_sum3A_100 = vector.broadcast %reduce_sum3A : i1 to vector<16xi1>
        %reduce_sum3A_101 = tpu.scan <sum>, %while3A_96#9 masked %reduce_sum3A_100 : vector<16xf32>, vector<16xi1> -> vector<16xf32>
        %reduce_sum3A_102 = vector.extract %reduce_sum3A_101[15] : f32 from vector<16xf32>
        %mul3A_103 = arith.constant 5.000000e+00 : f32
        %mul3A_104 = arith.mulf %reduce_sum3A_102, %mul3A_103 : f32
        %add3A_105 = arith.constant 0 : i32
        %add3A_106 = arith.addi %add3A_105, %add3A_99 : i32
        %broadcast_in_dim3A_107 = vector.broadcast %add3A_106 : i32 to vector<16xi32>
        %broadcast_in_dim3A_108 = vector.broadcast %mul3A_104 : f32 to vector<16xf32>
        tpu.vector_store_idx %arg11[%broadcast_in_dim3A_107], %broadcast_in_dim3A_108 masked %eq3A_4 : memref<576xf32, #tpu.memory_space<vmem>>[vector<16xi32>], vector<16xf32>, vector<16xi1>
        %reduce_sum3A_109 = arith.constant true
        %reduce_sum3A_110 = vector.broadcast %reduce_sum3A_109 : i1 to vector<16xi1>
        %reduce_sum3A_111 = tpu.scan <sum>, %while3A_96#10 masked %reduce_sum3A_110 : vector<16xf32>, vector<16xi1> -> vector<16xf32>
        %reduce_sum3A_112 = vector.extract %reduce_sum3A_111[15] : f32 from vector<16xf32>
        %mul3A_113 = arith.constant 5.000000e+00 : f32
        %mul3A_114 = arith.mulf %reduce_sum3A_112, %mul3A_113 : f32
        %add3A_115 = arith.constant 72 : i32
        %add3A_116 = arith.addi %add3A_115, %add3A_99 : i32
        %broadcast_in_dim3A_117 = vector.broadcast %add3A_116 : i32 to vector<16xi32>
        %broadcast_in_dim3A_118 = vector.broadcast %mul3A_114 : f32 to vector<16xf32>
        tpu.vector_store_idx %arg11[%broadcast_in_dim3A_117], %broadcast_in_dim3A_118 masked %eq3A_4 : memref<576xf32, #tpu.memory_space<vmem>>[vector<16xi32>], vector<16xf32>, vector<16xi1>
        %reduce_sum3A_119 = arith.constant true
        %reduce_sum3A_120 = vector.broadcast %reduce_sum3A_119 : i1 to vector<16xi1>
        %reduce_sum3A_121 = tpu.scan <sum>, %while3A_96#11 masked %reduce_sum3A_120 : vector<16xf32>, vector<16xi1> -> vector<16xf32>
        %reduce_sum3A_122 = vector.extract %reduce_sum3A_121[15] : f32 from vector<16xf32>
        %mul3A_123 = arith.constant 5.000000e+00 : f32
        %mul3A_124 = arith.mulf %reduce_sum3A_122, %mul3A_123 : f32
        %add3A_125 = arith.constant 144 : i32
        %add3A_126 = arith.addi %add3A_125, %add3A_99 : i32
        %broadcast_in_dim3A_127 = vector.broadcast %add3A_126 : i32 to vector<16xi32>
        %broadcast_in_dim3A_128 = vector.broadcast %mul3A_124 : f32 to vector<16xf32>
        tpu.vector_store_idx %arg11[%broadcast_in_dim3A_127], %broadcast_in_dim3A_128 masked %eq3A_4 : memref<576xf32, #tpu.memory_space<vmem>>[vector<16xi32>], vector<16xf32>, vector<16xi1>
        %reduce_sum3A_129 = arith.constant true
        %reduce_sum3A_130 = vector.broadcast %reduce_sum3A_129 : i1 to vector<16xi1>
        %reduce_sum3A_131 = tpu.scan <sum>, %while3A_96#12 masked %reduce_sum3A_130 : vector<16xf32>, vector<16xi1> -> vector<16xf32>
        %reduce_sum3A_132 = vector.extract %reduce_sum3A_131[15] : f32 from vector<16xf32>
        %mul3A_133 = arith.constant 5.000000e+00 : f32
        %mul3A_134 = arith.mulf %reduce_sum3A_132, %mul3A_133 : f32
        %add3A_135 = arith.constant 216 : i32
        %add3A_136 = arith.addi %add3A_135, %add3A_99 : i32
        %broadcast_in_dim3A_137 = vector.broadcast %add3A_136 : i32 to vector<16xi32>
        %broadcast_in_dim3A_138 = vector.broadcast %mul3A_134 : f32 to vector<16xf32>
        tpu.vector_store_idx %arg11[%broadcast_in_dim3A_137], %broadcast_in_dim3A_138 masked %eq3A_4 : memref<576xf32, #tpu.memory_space<vmem>>[vector<16xi32>], vector<16xf32>, vector<16xi1>
        %reduce_sum3A_139 = arith.constant true
        %reduce_sum3A_140 = vector.broadcast %reduce_sum3A_139 : i1 to vector<16xi1>
        %reduce_sum3A_141 = tpu.scan <sum>, %while3A_96#13 masked %reduce_sum3A_140 : vector<16xf32>, vector<16xi1> -> vector<16xf32>
        %reduce_sum3A_142 = vector.extract %reduce_sum3A_141[15] : f32 from vector<16xf32>
        %mul3A_143 = arith.constant 5.000000e+00 : f32
        %mul3A_144 = arith.mulf %reduce_sum3A_142, %mul3A_143 : f32
        %add3A_145 = arith.constant 288 : i32
        %add3A_146 = arith.addi %add3A_145, %add3A_99 : i32
        %broadcast_in_dim3A_147 = vector.broadcast %add3A_146 : i32 to vector<16xi32>
        %broadcast_in_dim3A_148 = vector.broadcast %mul3A_144 : f32 to vector<16xf32>
        tpu.vector_store_idx %arg11[%broadcast_in_dim3A_147], %broadcast_in_dim3A_148 masked %eq3A_4 : memref<576xf32, #tpu.memory_space<vmem>>[vector<16xi32>], vector<16xf32>, vector<16xi1>
        %reduce_sum3A_149 = arith.constant true
        %reduce_sum3A_150 = vector.broadcast %reduce_sum3A_149 : i1 to vector<16xi1>
        %reduce_sum3A_151 = tpu.scan <sum>, %while3A_96#14 masked %reduce_sum3A_150 : vector<16xf32>, vector<16xi1> -> vector<16xf32>
        %reduce_sum3A_152 = vector.extract %reduce_sum3A_151[15] : f32 from vector<16xf32>
        %mul3A_153 = arith.constant 5.000000e+00 : f32
        %mul3A_154 = arith.mulf %reduce_sum3A_152, %mul3A_153 : f32
        %add3A_155 = arith.constant 360 : i32
        %add3A_156 = arith.addi %add3A_155, %add3A_99 : i32
        %broadcast_in_dim3A_157 = vector.broadcast %add3A_156 : i32 to vector<16xi32>
        %broadcast_in_dim3A_158 = vector.broadcast %mul3A_154 : f32 to vector<16xf32>
        tpu.vector_store_idx %arg11[%broadcast_in_dim3A_157], %broadcast_in_dim3A_158 masked %eq3A_4 : memref<576xf32, #tpu.memory_space<vmem>>[vector<16xi32>], vector<16xf32>, vector<16xi1>
        %reduce_sum3A_159 = arith.constant true
        %reduce_sum3A_160 = vector.broadcast %reduce_sum3A_159 : i1 to vector<16xi1>
        %reduce_sum3A_161 = tpu.scan <sum>, %while3A_96#15 masked %reduce_sum3A_160 : vector<16xf32>, vector<16xi1> -> vector<16xf32>
        %reduce_sum3A_162 = vector.extract %reduce_sum3A_161[15] : f32 from vector<16xf32>
        %mul3A_163 = arith.constant 5.000000e+00 : f32
        %mul3A_164 = arith.mulf %reduce_sum3A_162, %mul3A_163 : f32
        %add3A_165 = arith.constant 432 : i32
        %add3A_166 = arith.addi %add3A_165, %add3A_99 : i32
        %broadcast_in_dim3A_167 = vector.broadcast %add3A_166 : i32 to vector<16xi32>
        %broadcast_in_dim3A_168 = vector.broadcast %mul3A_164 : f32 to vector<16xf32>
        tpu.vector_store_idx %arg11[%broadcast_in_dim3A_167], %broadcast_in_dim3A_168 masked %eq3A_4 : memref<576xf32, #tpu.memory_space<vmem>>[vector<16xi32>], vector<16xf32>, vector<16xi1>
        %reduce_sum3A_169 = arith.constant true
        %reduce_sum3A_170 = vector.broadcast %reduce_sum3A_169 : i1 to vector<16xi1>
        %reduce_sum3A_171 = tpu.scan <sum>, %while3A_96#16 masked %reduce_sum3A_170 : vector<16xf32>, vector<16xi1> -> vector<16xf32>
        %reduce_sum3A_172 = vector.extract %reduce_sum3A_171[15] : f32 from vector<16xf32>
        %mul3A_173 = arith.constant 5.000000e+00 : f32
        %mul3A_174 = arith.mulf %reduce_sum3A_172, %mul3A_173 : f32
        %add3A_175 = arith.constant 504 : i32
        %add3A_176 = arith.addi %add3A_175, %add3A_99 : i32
        %broadcast_in_dim3A_177 = vector.broadcast %add3A_176 : i32 to vector<16xi32>
        %broadcast_in_dim3A_178 = vector.broadcast %mul3A_174 : f32 to vector<16xf32>
        tpu.vector_store_idx %arg11[%broadcast_in_dim3A_177], %broadcast_in_dim3A_178 masked %eq3A_4 : memref<576xf32, #tpu.memory_space<vmem>>[vector<16xi32>], vector<16xf32>, vector<16xi1>
        %scan3A_179 = arith.constant 0 : i32
        scf.yield %scan3A_179 : i32
      }
      %scan3A_81 = arith.constant 9 : i32
      %scan3A_82 = arith.constant 0 : i32
      scf.yield %scan3A_82 : i32
    }
    %scan3A_17 = arith.constant 4 : i32
    %add3A_18 = arith.constant 0 : i32
    %add3A_19 = arith.addi %add3A_18, %mul3A_2 : i32
    "tpu.region"() ({
      %run_scoped3A = tpu.sem_alloc : memref<!tpu.dma_semaphore, #tpu.memory_space<semaphore_mem>>
      %dma_start3A_34 = arith.constant 0 : i32
      %dma_start3A_35 = tpu.memref_slice %arg11[%dma_start3A_34] : memref<576xf32, #tpu.memory_space<vmem>> -> memref<72xf32, #tpu.memory_space<vmem>>
      %dma_start3A_36 = tpu.memref_slice %arg5[%add3A_19] : memref<18432xf32, #tpu.memory_space<hbm>> -> memref<72xf32, #tpu.memory_space<hbm>>
      %dma_start3A_37 = tpu.memref_slice %arg5[%add3A_19] : memref<18432xf32, #tpu.memory_space<hbm>> -> memref<72xf32, #tpu.memory_space<hbm>>
      %dma_start3A_38 = arith.constant 0 : i32
      %dma_start3A_39 = tpu.memref_slice %arg11[%dma_start3A_38] : memref<576xf32, #tpu.memory_space<vmem>> -> memref<72xf32, #tpu.memory_space<vmem>>
      tpu.enqueue_dma source(%dma_start3A_39 : memref<72xf32, #tpu.memory_space<vmem>>) target(%dma_start3A_37 : memref<72xf32, #tpu.memory_space<hbm>>) target_semaphore(%run_scoped3A : memref<!tpu.dma_semaphore, #tpu.memory_space<semaphore_mem>>)
      %dma_wait3A = arith.constant 0 : i32
      %dma_wait3A_40 = tpu.memref_slice %arg11[%dma_wait3A] : memref<576xf32, #tpu.memory_space<vmem>> -> memref<72xf32, #tpu.memory_space<vmem>>
      %dma_wait3A_41 = tpu.memref_slice %arg5[%add3A_19] : memref<18432xf32, #tpu.memory_space<hbm>> -> memref<72xf32, #tpu.memory_space<hbm>>
      %dma_wait3A_42 = tpu.memref_slice %arg5[%add3A_19] : memref<18432xf32, #tpu.memory_space<hbm>> -> memref<72xf32, #tpu.memory_space<hbm>>
      %dma_wait3A_43 = arith.constant 0 : i32
      %dma_wait3A_44 = tpu.memref_slice %arg11[%dma_wait3A_43] : memref<576xf32, #tpu.memory_space<vmem>> -> memref<72xf32, #tpu.memory_space<vmem>>
      tpu.wait_dma2 semaphore(%run_scoped3A : memref<!tpu.dma_semaphore, #tpu.memory_space<semaphore_mem>>) src(%dma_wait3A_44 : memref<72xf32, #tpu.memory_space<vmem>>) dst(%dma_wait3A_42 : memref<72xf32, #tpu.memory_space<hbm>>)
      tpu.yield
    }) : () -> ()
    %add3A_20 = arith.constant 2304 : i32
    %add3A_21 = arith.addi %add3A_20, %mul3A_2 : i32
    "tpu.region"() ({
      %run_scoped3A = tpu.sem_alloc : memref<!tpu.dma_semaphore, #tpu.memory_space<semaphore_mem>>
      %dma_start3A_34 = arith.constant 72 : i32
      %dma_start3A_35 = tpu.memref_slice %arg11[%dma_start3A_34] : memref<576xf32, #tpu.memory_space<vmem>> -> memref<72xf32, #tpu.memory_space<vmem>>
      %dma_start3A_36 = tpu.memref_slice %arg5[%add3A_21] : memref<18432xf32, #tpu.memory_space<hbm>> -> memref<72xf32, #tpu.memory_space<hbm>>
      %dma_start3A_37 = tpu.memref_slice %arg5[%add3A_21] : memref<18432xf32, #tpu.memory_space<hbm>> -> memref<72xf32, #tpu.memory_space<hbm>>
      %dma_start3A_38 = arith.constant 72 : i32
      %dma_start3A_39 = tpu.memref_slice %arg11[%dma_start3A_38] : memref<576xf32, #tpu.memory_space<vmem>> -> memref<72xf32, #tpu.memory_space<vmem>>
      tpu.enqueue_dma source(%dma_start3A_39 : memref<72xf32, #tpu.memory_space<vmem>>) target(%dma_start3A_37 : memref<72xf32, #tpu.memory_space<hbm>>) target_semaphore(%run_scoped3A : memref<!tpu.dma_semaphore, #tpu.memory_space<semaphore_mem>>)
      %dma_wait3A = arith.constant 72 : i32
      %dma_wait3A_40 = tpu.memref_slice %arg11[%dma_wait3A] : memref<576xf32, #tpu.memory_space<vmem>> -> memref<72xf32, #tpu.memory_space<vmem>>
      %dma_wait3A_41 = tpu.memref_slice %arg5[%add3A_21] : memref<18432xf32, #tpu.memory_space<hbm>> -> memref<72xf32, #tpu.memory_space<hbm>>
      %dma_wait3A_42 = tpu.memref_slice %arg5[%add3A_21] : memref<18432xf32, #tpu.memory_space<hbm>> -> memref<72xf32, #tpu.memory_space<hbm>>
      %dma_wait3A_43 = arith.constant 72 : i32
      %dma_wait3A_44 = tpu.memref_slice %arg11[%dma_wait3A_43] : memref<576xf32, #tpu.memory_space<vmem>> -> memref<72xf32, #tpu.memory_space<vmem>>
      tpu.wait_dma2 semaphore(%run_scoped3A : memref<!tpu.dma_semaphore, #tpu.memory_space<semaphore_mem>>) src(%dma_wait3A_44 : memref<72xf32, #tpu.memory_space<vmem>>) dst(%dma_wait3A_42 : memref<72xf32, #tpu.memory_space<hbm>>)
      tpu.yield
    }) : () -> ()
    %add3A_22 = arith.constant 4608 : i32
    %add3A_23 = arith.addi %add3A_22, %mul3A_2 : i32
    "tpu.region"() ({
      %run_scoped3A = tpu.sem_alloc : memref<!tpu.dma_semaphore, #tpu.memory_space<semaphore_mem>>
      %dma_start3A_34 = arith.constant 144 : i32
      %dma_start3A_35 = tpu.memref_slice %arg11[%dma_start3A_34] : memref<576xf32, #tpu.memory_space<vmem>> -> memref<72xf32, #tpu.memory_space<vmem>>
      %dma_start3A_36 = tpu.memref_slice %arg5[%add3A_23] : memref<18432xf32, #tpu.memory_space<hbm>> -> memref<72xf32, #tpu.memory_space<hbm>>
      %dma_start3A_37 = tpu.memref_slice %arg5[%add3A_23] : memref<18432xf32, #tpu.memory_space<hbm>> -> memref<72xf32, #tpu.memory_space<hbm>>
      %dma_start3A_38 = arith.constant 144 : i32
      %dma_start3A_39 = tpu.memref_slice %arg11[%dma_start3A_38] : memref<576xf32, #tpu.memory_space<vmem>> -> memref<72xf32, #tpu.memory_space<vmem>>
      tpu.enqueue_dma source(%dma_start3A_39 : memref<72xf32, #tpu.memory_space<vmem>>) target(%dma_start3A_37 : memref<72xf32, #tpu.memory_space<hbm>>) target_semaphore(%run_scoped3A : memref<!tpu.dma_semaphore, #tpu.memory_space<semaphore_mem>>)
      %dma_wait3A = arith.constant 144 : i32
      %dma_wait3A_40 = tpu.memref_slice %arg11[%dma_wait3A] : memref<576xf32, #tpu.memory_space<vmem>> -> memref<72xf32, #tpu.memory_space<vmem>>
      %dma_wait3A_41 = tpu.memref_slice %arg5[%add3A_23] : memref<18432xf32, #tpu.memory_space<hbm>> -> memref<72xf32, #tpu.memory_space<hbm>>
      %dma_wait3A_42 = tpu.memref_slice %arg5[%add3A_23] : memref<18432xf32, #tpu.memory_space<hbm>> -> memref<72xf32, #tpu.memory_space<hbm>>
      %dma_wait3A_43 = arith.constant 144 : i32
      %dma_wait3A_44 = tpu.memref_slice %arg11[%dma_wait3A_43] : memref<576xf32, #tpu.memory_space<vmem>> -> memref<72xf32, #tpu.memory_space<vmem>>
      tpu.wait_dma2 semaphore(%run_scoped3A : memref<!tpu.dma_semaphore, #tpu.memory_space<semaphore_mem>>) src(%dma_wait3A_44 : memref<72xf32, #tpu.memory_space<vmem>>) dst(%dma_wait3A_42 : memref<72xf32, #tpu.memory_space<hbm>>)
      tpu.yield
    }) : () -> ()
    %add3A_24 = arith.constant 6912 : i32
    %add3A_25 = arith.addi %add3A_24, %mul3A_2 : i32
    "tpu.region"() ({
      %run_scoped3A = tpu.sem_alloc : memref<!tpu.dma_semaphore, #tpu.memory_space<semaphore_mem>>
      %dma_start3A_34 = arith.constant 216 : i32
      %dma_start3A_35 = tpu.memref_slice %arg11[%dma_start3A_34] : memref<576xf32, #tpu.memory_space<vmem>> -> memref<72xf32, #tpu.memory_space<vmem>>
      %dma_start3A_36 = tpu.memref_slice %arg5[%add3A_25] : memref<18432xf32, #tpu.memory_space<hbm>> -> memref<72xf32, #tpu.memory_space<hbm>>
      %dma_start3A_37 = tpu.memref_slice %arg5[%add3A_25] : memref<18432xf32, #tpu.memory_space<hbm>> -> memref<72xf32, #tpu.memory_space<hbm>>
      %dma_start3A_38 = arith.constant 216 : i32
      %dma_start3A_39 = tpu.memref_slice %arg11[%dma_start3A_38] : memref<576xf32, #tpu.memory_space<vmem>> -> memref<72xf32, #tpu.memory_space<vmem>>
      tpu.enqueue_dma source(%dma_start3A_39 : memref<72xf32, #tpu.memory_space<vmem>>) target(%dma_start3A_37 : memref<72xf32, #tpu.memory_space<hbm>>) target_semaphore(%run_scoped3A : memref<!tpu.dma_semaphore, #tpu.memory_space<semaphore_mem>>)
      %dma_wait3A = arith.constant 216 : i32
      %dma_wait3A_40 = tpu.memref_slice %arg11[%dma_wait3A] : memref<576xf32, #tpu.memory_space<vmem>> -> memref<72xf32, #tpu.memory_space<vmem>>
      %dma_wait3A_41 = tpu.memref_slice %arg5[%add3A_25] : memref<18432xf32, #tpu.memory_space<hbm>> -> memref<72xf32, #tpu.memory_space<hbm>>
      %dma_wait3A_42 = tpu.memref_slice %arg5[%add3A_25] : memref<18432xf32, #tpu.memory_space<hbm>> -> memref<72xf32, #tpu.memory_space<hbm>>
      %dma_wait3A_43 = arith.constant 216 : i32
      %dma_wait3A_44 = tpu.memref_slice %arg11[%dma_wait3A_43] : memref<576xf32, #tpu.memory_space<vmem>> -> memref<72xf32, #tpu.memory_space<vmem>>
      tpu.wait_dma2 semaphore(%run_scoped3A : memref<!tpu.dma_semaphore, #tpu.memory_space<semaphore_mem>>) src(%dma_wait3A_44 : memref<72xf32, #tpu.memory_space<vmem>>) dst(%dma_wait3A_42 : memref<72xf32, #tpu.memory_space<hbm>>)
      tpu.yield
    }) : () -> ()
    %add3A_26 = arith.constant 9216 : i32
    %add3A_27 = arith.addi %add3A_26, %mul3A_2 : i32
    "tpu.region"() ({
      %run_scoped3A = tpu.sem_alloc : memref<!tpu.dma_semaphore, #tpu.memory_space<semaphore_mem>>
      %dma_start3A_34 = arith.constant 288 : i32
      %dma_start3A_35 = tpu.memref_slice %arg11[%dma_start3A_34] : memref<576xf32, #tpu.memory_space<vmem>> -> memref<72xf32, #tpu.memory_space<vmem>>
      %dma_start3A_36 = tpu.memref_slice %arg5[%add3A_27] : memref<18432xf32, #tpu.memory_space<hbm>> -> memref<72xf32, #tpu.memory_space<hbm>>
      %dma_start3A_37 = tpu.memref_slice %arg5[%add3A_27] : memref<18432xf32, #tpu.memory_space<hbm>> -> memref<72xf32, #tpu.memory_space<hbm>>
      %dma_start3A_38 = arith.constant 288 : i32
      %dma_start3A_39 = tpu.memref_slice %arg11[%dma_start3A_38] : memref<576xf32, #tpu.memory_space<vmem>> -> memref<72xf32, #tpu.memory_space<vmem>>
      tpu.enqueue_dma source(%dma_start3A_39 : memref<72xf32, #tpu.memory_space<vmem>>) target(%dma_start3A_37 : memref<72xf32, #tpu.memory_space<hbm>>) target_semaphore(%run_scoped3A : memref<!tpu.dma_semaphore, #tpu.memory_space<semaphore_mem>>)
      %dma_wait3A = arith.constant 288 : i32
      %dma_wait3A_40 = tpu.memref_slice %arg11[%dma_wait3A] : memref<576xf32, #tpu.memory_space<vmem>> -> memref<72xf32, #tpu.memory_space<vmem>>
      %dma_wait3A_41 = tpu.memref_slice %arg5[%add3A_27] : memref<18432xf32, #tpu.memory_space<hbm>> -> memref<72xf32, #tpu.memory_space<hbm>>
      %dma_wait3A_42 = tpu.memref_slice %arg5[%add3A_27] : memref<18432xf32, #tpu.memory_space<hbm>> -> memref<72xf32, #tpu.memory_space<hbm>>
      %dma_wait3A_43 = arith.constant 288 : i32
      %dma_wait3A_44 = tpu.memref_slice %arg11[%dma_wait3A_43] : memref<576xf32, #tpu.memory_space<vmem>> -> memref<72xf32, #tpu.memory_space<vmem>>
      tpu.wait_dma2 semaphore(%run_scoped3A : memref<!tpu.dma_semaphore, #tpu.memory_space<semaphore_mem>>) src(%dma_wait3A_44 : memref<72xf32, #tpu.memory_space<vmem>>) dst(%dma_wait3A_42 : memref<72xf32, #tpu.memory_space<hbm>>)
      tpu.yield
    }) : () -> ()
    %add3A_28 = arith.constant 11520 : i32
    %add3A_29 = arith.addi %add3A_28, %mul3A_2 : i32
    "tpu.region"() ({
      %run_scoped3A = tpu.sem_alloc : memref<!tpu.dma_semaphore, #tpu.memory_space<semaphore_mem>>
      %dma_start3A_34 = arith.constant 360 : i32
      %dma_start3A_35 = tpu.memref_slice %arg11[%dma_start3A_34] : memref<576xf32, #tpu.memory_space<vmem>> -> memref<72xf32, #tpu.memory_space<vmem>>
      %dma_start3A_36 = tpu.memref_slice %arg5[%add3A_29] : memref<18432xf32, #tpu.memory_space<hbm>> -> memref<72xf32, #tpu.memory_space<hbm>>
      %dma_start3A_37 = tpu.memref_slice %arg5[%add3A_29] : memref<18432xf32, #tpu.memory_space<hbm>> -> memref<72xf32, #tpu.memory_space<hbm>>
      %dma_start3A_38 = arith.constant 360 : i32
      %dma_start3A_39 = tpu.memref_slice %arg11[%dma_start3A_38] : memref<576xf32, #tpu.memory_space<vmem>> -> memref<72xf32, #tpu.memory_space<vmem>>
      tpu.enqueue_dma source(%dma_start3A_39 : memref<72xf32, #tpu.memory_space<vmem>>) target(%dma_start3A_37 : memref<72xf32, #tpu.memory_space<hbm>>) target_semaphore(%run_scoped3A : memref<!tpu.dma_semaphore, #tpu.memory_space<semaphore_mem>>)
      %dma_wait3A = arith.constant 360 : i32
      %dma_wait3A_40 = tpu.memref_slice %arg11[%dma_wait3A] : memref<576xf32, #tpu.memory_space<vmem>> -> memref<72xf32, #tpu.memory_space<vmem>>
      %dma_wait3A_41 = tpu.memref_slice %arg5[%add3A_29] : memref<18432xf32, #tpu.memory_space<hbm>> -> memref<72xf32, #tpu.memory_space<hbm>>
      %dma_wait3A_42 = tpu.memref_slice %arg5[%add3A_29] : memref<18432xf32, #tpu.memory_space<hbm>> -> memref<72xf32, #tpu.memory_space<hbm>>
      %dma_wait3A_43 = arith.constant 360 : i32
      %dma_wait3A_44 = tpu.memref_slice %arg11[%dma_wait3A_43] : memref<576xf32, #tpu.memory_space<vmem>> -> memref<72xf32, #tpu.memory_space<vmem>>
      tpu.wait_dma2 semaphore(%run_scoped3A : memref<!tpu.dma_semaphore, #tpu.memory_space<semaphore_mem>>) src(%dma_wait3A_44 : memref<72xf32, #tpu.memory_space<vmem>>) dst(%dma_wait3A_42 : memref<72xf32, #tpu.memory_space<hbm>>)
      tpu.yield
    }) : () -> ()
    %add3A_30 = arith.constant 13824 : i32
    %add3A_31 = arith.addi %add3A_30, %mul3A_2 : i32
    "tpu.region"() ({
      %run_scoped3A = tpu.sem_alloc : memref<!tpu.dma_semaphore, #tpu.memory_space<semaphore_mem>>
      %dma_start3A_34 = arith.constant 432 : i32
      %dma_start3A_35 = tpu.memref_slice %arg11[%dma_start3A_34] : memref<576xf32, #tpu.memory_space<vmem>> -> memref<72xf32, #tpu.memory_space<vmem>>
      %dma_start3A_36 = tpu.memref_slice %arg5[%add3A_31] : memref<18432xf32, #tpu.memory_space<hbm>> -> memref<72xf32, #tpu.memory_space<hbm>>
      %dma_start3A_37 = tpu.memref_slice %arg5[%add3A_31] : memref<18432xf32, #tpu.memory_space<hbm>> -> memref<72xf32, #tpu.memory_space<hbm>>
      %dma_start3A_38 = arith.constant 432 : i32
      %dma_start3A_39 = tpu.memref_slice %arg11[%dma_start3A_38] : memref<576xf32, #tpu.memory_space<vmem>> -> memref<72xf32, #tpu.memory_space<vmem>>
      tpu.enqueue_dma source(%dma_start3A_39 : memref<72xf32, #tpu.memory_space<vmem>>) target(%dma_start3A_37 : memref<72xf32, #tpu.memory_space<hbm>>) target_semaphore(%run_scoped3A : memref<!tpu.dma_semaphore, #tpu.memory_space<semaphore_mem>>)
      %dma_wait3A = arith.constant 432 : i32
      %dma_wait3A_40 = tpu.memref_slice %arg11[%dma_wait3A] : memref<576xf32, #tpu.memory_space<vmem>> -> memref<72xf32, #tpu.memory_space<vmem>>
      %dma_wait3A_41 = tpu.memref_slice %arg5[%add3A_31] : memref<18432xf32, #tpu.memory_space<hbm>> -> memref<72xf32, #tpu.memory_space<hbm>>
      %dma_wait3A_42 = tpu.memref_slice %arg5[%add3A_31] : memref<18432xf32, #tpu.memory_space<hbm>> -> memref<72xf32, #tpu.memory_space<hbm>>
      %dma_wait3A_43 = arith.constant 432 : i32
      %dma_wait3A_44 = tpu.memref_slice %arg11[%dma_wait3A_43] : memref<576xf32, #tpu.memory_space<vmem>> -> memref<72xf32, #tpu.memory_space<vmem>>
      tpu.wait_dma2 semaphore(%run_scoped3A : memref<!tpu.dma_semaphore, #tpu.memory_space<semaphore_mem>>) src(%dma_wait3A_44 : memref<72xf32, #tpu.memory_space<vmem>>) dst(%dma_wait3A_42 : memref<72xf32, #tpu.memory_space<hbm>>)
      tpu.yield
    }) : () -> ()
    %add3A_32 = arith.constant 16128 : i32
    %add3A_33 = arith.addi %add3A_32, %mul3A_2 : i32
    "tpu.region"() ({
      %run_scoped3A = tpu.sem_alloc : memref<!tpu.dma_semaphore, #tpu.memory_space<semaphore_mem>>
      %dma_start3A_34 = arith.constant 504 : i32
      %dma_start3A_35 = tpu.memref_slice %arg11[%dma_start3A_34] : memref<576xf32, #tpu.memory_space<vmem>> -> memref<72xf32, #tpu.memory_space<vmem>>
      %dma_start3A_36 = tpu.memref_slice %arg5[%add3A_33] : memref<18432xf32, #tpu.memory_space<hbm>> -> memref<72xf32, #tpu.memory_space<hbm>>
      %dma_start3A_37 = tpu.memref_slice %arg5[%add3A_33] : memref<18432xf32, #tpu.memory_space<hbm>> -> memref<72xf32, #tpu.memory_space<hbm>>
      %dma_start3A_38 = arith.constant 504 : i32
      %dma_start3A_39 = tpu.memref_slice %arg11[%dma_start3A_38] : memref<576xf32, #tpu.memory_space<vmem>> -> memref<72xf32, #tpu.memory_space<vmem>>
      tpu.enqueue_dma source(%dma_start3A_39 : memref<72xf32, #tpu.memory_space<vmem>>) target(%dma_start3A_37 : memref<72xf32, #tpu.memory_space<hbm>>) target_semaphore(%run_scoped3A : memref<!tpu.dma_semaphore, #tpu.memory_space<semaphore_mem>>)
      %dma_wait3A = arith.constant 504 : i32
      %dma_wait3A_40 = tpu.memref_slice %arg11[%dma_wait3A] : memref<576xf32, #tpu.memory_space<vmem>> -> memref<72xf32, #tpu.memory_space<vmem>>
      %dma_wait3A_41 = tpu.memref_slice %arg5[%add3A_33] : memref<18432xf32, #tpu.memory_space<hbm>> -> memref<72xf32, #tpu.memory_space<hbm>>
      %dma_wait3A_42 = tpu.memref_slice %arg5[%add3A_33] : memref<18432xf32, #tpu.memory_space<hbm>> -> memref<72xf32, #tpu.memory_space<hbm>>
      %dma_wait3A_43 = arith.constant 504 : i32
      %dma_wait3A_44 = tpu.memref_slice %arg11[%dma_wait3A_43] : memref<576xf32, #tpu.memory_space<vmem>> -> memref<72xf32, #tpu.memory_space<vmem>>
      tpu.wait_dma2 semaphore(%run_scoped3A : memref<!tpu.dma_semaphore, #tpu.memory_space<semaphore_mem>>) src(%dma_wait3A_44 : memref<72xf32, #tpu.memory_space<vmem>>) dst(%dma_wait3A_42 : memref<72xf32, #tpu.memory_space<hbm>>)
      tpu.yield
    }) : () -> ()
    return
  }
}

module attributes {stable_mosaic.version = 14 : i64} {
  func.func @_weights_body(%arg0: memref<8x2304xf32, #tpu.memory_space<vmem>>, %arg1: memref<8x2304xf32, #tpu.memory_space<vmem>>) attributes {dimension_semantics = [], scalar_prefetch = 0 : i64, scratch_operands = 0 : i64, tpu.core_type = #tpu.core_type<tc>} {
    %get3A = arith.constant 0 : index
    %get3A_0 = arith.constant 0 : index
    %get3A_1 = vector.load %arg0[%get3A, %get3A_0] : memref<8x2304xf32, #tpu.memory_space<vmem>>, vector<8x2304xf32>
    %max3A = arith.constant 0.000000e+00 : f32
    %max3A_2 = vector.broadcast %max3A : f32 to vector<8x2304xf32>
    %max3A_3 = arith.maximumf %get3A_1, %max3A_2 : vector<8x2304xf32>
    %abs3A = math.absf %get3A_1 : vector<8x2304xf32>
    %neg3A = arith.constant 0.000000e+00 : f32
    %neg3A_4 = vector.broadcast %neg3A : f32 to vector<8x2304xf32>
    %neg3A_5 = arith.subf %neg3A_4, %abs3A : vector<8x2304xf32>
    %exp3A = math.exp %neg3A_5 : vector<8x2304xf32>
    %add3A = arith.constant 1.000000e+00 : f32
    %add3A_6 = vector.broadcast %add3A : f32 to vector<8x2304xf32>
    %add3A_7 = arith.addf %add3A_6, %exp3A : vector<8x2304xf32>
    %log3A = math.log %add3A_7 : vector<8x2304xf32>
    %add3A_8 = arith.addf %max3A_3, %log3A : vector<8x2304xf32>
    %reduce_sum3A = arith.constant dense<0.000000e+00> : vector<8xf32>
    %reduce_sum3A_9 = vector.multi_reduction <add>, %add3A_8, %reduce_sum3A [1] : vector<8x2304xf32> to vector<8xf32>
    %broadcast_in_dim3A = vector.shape_cast %reduce_sum3A_9 : vector<8xf32> to vector<8x1xf32>
    %div3A = vector.broadcast %broadcast_in_dim3A : vector<8x1xf32> to vector<8x2304xf32>
    %div3A_10 = arith.divf %add3A_8, %div3A : vector<8x2304xf32>
    %swap3A = arith.constant 0 : index
    %swap3A_11 = arith.constant 0 : index
    %swap3A_12 = vector.load %arg1[%swap3A, %swap3A_11] : memref<8x2304xf32, #tpu.memory_space<vmem>>, vector<8x2304xf32>
    tpu.vector_store %arg1[%swap3A, %swap3A_11], %div3A_10 {strides = array<i32>} : memref<8x2304xf32, #tpu.memory_space<vmem>>, vector<8x2304xf32>,
    return
  }
}

module attributes {stable_mosaic.version = 14 : i64} {
  func.func @_post_body(%arg0: memref<8x2304xf32, #tpu.memory_space<vmem>>, %arg1: memref<25x50xf32, #tpu.memory_space<vmem>>, %arg2: memref<25x50xf32, #tpu.memory_space<vmem>>, %arg3: memref<1x50xf32, #tpu.memory_space<vmem>>, %arg4: memref<50x10xf32, #tpu.memory_space<vmem>>, %arg5: memref<1x10xf32, #tpu.memory_space<vmem>>, %arg6: memref<8x10xf32, #tpu.memory_space<vmem>>, %arg7: memref<1x50xf32, #tpu.memory_space<vmem>>) attributes {dimension_semantics = [], scalar_prefetch = 0 : i64, scratch_operands = 0 : i64, tpu.core_type = #tpu.core_type<tc>} {
    %get3A = arith.constant 0 : index
    %get3A_0 = arith.constant 0 : index
    %get3A_1 = vector.load %arg0[%get3A, %get3A_0] : memref<8x2304xf32, #tpu.memory_space<vmem>>, vector<8x2304xf32>
    %max3A = arith.constant 9.99999996E-13 : f32
    %max3A_2 = vector.broadcast %max3A : f32 to vector<8x2304xf32>
    %max3A_3 = arith.maximumf %get3A_1, %max3A_2 : vector<8x2304xf32>
    %sqrt3A = math.sqrt %max3A_3 : vector<8x2304xf32>
    %reduce_min3A = arith.constant dense<0x7F800000> : vector<8xf32>
    %reduce_min3A_4 = vector.multi_reduction <minimumf>, %sqrt3A, %reduce_min3A [1] : vector<8x2304xf32> to vector<8xf32>
    %broadcast_in_dim3A = vector.shape_cast %reduce_min3A_4 : vector<8xf32> to vector<8x1xf32>
    %reduce_max3A = arith.constant dense<0xFF800000> : vector<8xf32>
    %reduce_max3A_5 = vector.multi_reduction <maximumf>, %sqrt3A, %reduce_max3A [1] : vector<8x2304xf32> to vector<8xf32>
    %broadcast_in_dim3A_6 = vector.shape_cast %reduce_max3A_5 : vector<8xf32> to vector<8x1xf32>
    %iota3A = tpu.iota {dimensions = array<i32: 0>} : vector<25x1xi32>
    %convert_element_type3A = arith.sitofp %iota3A : vector<25x1xi32> to vector<25x1xf32>
    %mul3A = arith.constant 0.0416666679 : f32
    %mul3A_7 = vector.broadcast %mul3A : f32 to vector<25x1xf32>
    %mul3A_8 = arith.mulf %convert_element_type3A, %mul3A_7 : vector<25x1xf32>
    %iota3A_9 = tpu.iota {dimensions = array<i32: 1>} : vector<25x2304xi32>
    %slice3A = vector.extract_strided_slice %broadcast_in_dim3A {offsets = [0, 0], sizes = [1, 1], strides = [1, 1]} : vector<8x1xf32> to vector<1x1xf32>
    %squeeze3A = vector.extract %slice3A[0, 0] : f32 from vector<1x1xf32>
    %slice3A_10 = vector.extract_strided_slice %broadcast_in_dim3A_6 {offsets = [0, 0], sizes = [1, 1], strides = [1, 1]} : vector<8x1xf32> to vector<1x1xf32>
    %squeeze3A_11 = vector.extract %slice3A_10[0, 0] : f32 from vector<1x1xf32>
    %slice3A_12 = vector.extract_strided_slice %broadcast_in_dim3A {offsets = [0, 0], sizes = [1, 1], strides = [1, 1]} : vector<8x1xf32> to vector<1x1xf32>
    %squeeze3A_13 = vector.extract %slice3A_12[0, 0] : f32 from vector<1x1xf32>
    %sub3A = arith.subf %squeeze3A_11, %squeeze3A_13 : f32
    %mul3A_14 = vector.broadcast %sub3A : f32 to vector<25x1xf32>
    %mul3A_15 = arith.mulf %mul3A_14, %mul3A_8 : vector<25x1xf32>
    %add3A = vector.broadcast %squeeze3A : f32 to vector<25x1xf32>
    %add3A_16 = arith.addf %add3A, %mul3A_15 : vector<25x1xf32>
    %slice3A_17 = vector.extract_strided_slice %sqrt3A {offsets = [0, 0], sizes = [1, 2304], strides = [1, 1]} : vector<8x2304xf32> to vector<1x2304xf32>
    %sub3A_18 = vector.broadcast %add3A_16 : vector<25x1xf32> to vector<25x2304xf32>
    %sub3A_19 = vector.broadcast %slice3A_17 : vector<1x2304xf32> to vector<25x2304xf32>
    %sub3A_20 = arith.subf %sub3A_18, %sub3A_19 : vector<25x2304xf32>
    %slice3A_21 = vector.extract_strided_slice %broadcast_in_dim3A_6 {offsets = [0, 0], sizes = [1, 1], strides = [1, 1]} : vector<8x1xf32> to vector<1x1xf32>
    %squeeze3A_22 = vector.extract %slice3A_21[0, 0] : f32 from vector<1x1xf32>
    %sub3A_23 = vector.broadcast %squeeze3A_22 : f32 to vector<25x1xf32>
    %sub3A_24 = arith.subf %sub3A_23, %add3A_16 : vector<25x1xf32>
    %min3A = vector.broadcast %sub3A_24 : vector<25x1xf32> to vector<25x2304xf32>
    %min3A_25 = arith.minimumf %sub3A_20, %min3A : vector<25x2304xf32>
    %max3A_26 = arith.constant 0.000000e+00 : f32
    %max3A_27 = vector.broadcast %max3A_26 : f32 to vector<25x2304xf32>
    %max3A_28 = arith.maximumf %max3A_27, %min3A_25 : vector<25x2304xf32>
    %reduce_max3A_29 = arith.constant dense<0xFF800000> : vector<25xf32>
    %reduce_max3A_30 = vector.multi_reduction <maximumf>, %max3A_28, %reduce_max3A_29 [1] : vector<25x2304xf32> to vector<25xf32>
    %broadcast_in_dim3A_31 = vector.shape_cast %reduce_max3A_30 : vector<25xf32> to vector<25x1xf32>
    %ge3A = vector.broadcast %broadcast_in_dim3A_31 : vector<25x1xf32> to vector<25x2304xf32>
    %ge3A_32 = arith.cmpf oge, %max3A_28, %ge3A : vector<25x2304xf32>
    %jit3A = arith.constant 2304 : i32
    %broadcast_in_dim3A_33 = vector.broadcast %jit3A : i32 to vector<25x2304xi32>
    %select_n3A = arith.select %ge3A_32, %iota3A_9, %broadcast_in_dim3A_33 : vector<25x2304xi1>, vector<25x2304xi32>
    %reduce_min3A_34 = arith.constant dense<2147483647> : vector<25xi32>
    %reduce_min3A_35 = vector.multi_reduction <minsi>, %select_n3A, %reduce_min3A_34 [1] : vector<25x2304xi32> to vector<25xi32>
    %broadcast_in_dim3A_36 = vector.shape_cast %reduce_min3A_35 : vector<25xi32> to vector<25x1xi32>
    %eq3A = vector.broadcast %broadcast_in_dim3A_36 : vector<25x1xi32> to vector<25x2304xi32>
    %eq3A_37 = arith.cmpi eq, %iota3A_9, %eq3A : vector<25x2304xi32>
    %neg3A = arith.constant 0.000000e+00 : f32
    %neg3A_38 = arith.constant 3.400000e+38 : f32
    %neg3A_39 = arith.subf %neg3A, %neg3A_38 : f32
    %broadcast_in_dim3A_40 = vector.broadcast %neg3A_39 : f32 to vector<25x2304xf32>
    %select_n3A_41 = arith.select %eq3A_37, %broadcast_in_dim3A_40, %max3A_28 : vector<25x2304xi1>, vector<25x2304xf32>
    %reduce_max3A_42 = arith.constant dense<0xFF800000> : vector<25xf32>
    %reduce_max3A_43 = vector.multi_reduction <maximumf>, %select_n3A_41, %reduce_max3A_42 [1] : vector<25x2304xf32> to vector<25xf32>
    %broadcast_in_dim3A_44 = vector.shape_cast %reduce_max3A_43 : vector<25xf32> to vector<25x1xf32>
    %slice3A_45 = vector.extract_strided_slice %broadcast_in_dim3A {offsets = [1, 0], sizes = [1, 1], strides = [1, 1]} : vector<8x1xf32> to vector<1x1xf32>
    %squeeze3A_46 = vector.extract %slice3A_45[0, 0] : f32 from vector<1x1xf32>
    %slice3A_47 = vector.extract_strided_slice %broadcast_in_dim3A_6 {offsets = [1, 0], sizes = [1, 1], strides = [1, 1]} : vector<8x1xf32> to vector<1x1xf32>
    %squeeze3A_48 = vector.extract %slice3A_47[0, 0] : f32 from vector<1x1xf32>
    %slice3A_49 = vector.extract_strided_slice %broadcast_in_dim3A {offsets = [1, 0], sizes = [1, 1], strides = [1, 1]} : vector<8x1xf32> to vector<1x1xf32>
    %squeeze3A_50 = vector.extract %slice3A_49[0, 0] : f32 from vector<1x1xf32>
    %sub3A_51 = arith.subf %squeeze3A_48, %squeeze3A_50 : f32
    %mul3A_52 = vector.broadcast %sub3A_51 : f32 to vector<25x1xf32>
    %mul3A_53 = arith.mulf %mul3A_52, %mul3A_8 : vector<25x1xf32>
    %add3A_54 = vector.broadcast %squeeze3A_46 : f32 to vector<25x1xf32>
    %add3A_55 = arith.addf %add3A_54, %mul3A_53 : vector<25x1xf32>
    %slice3A_56 = vector.extract_strided_slice %sqrt3A {offsets = [1, 0], sizes = [1, 2304], strides = [1, 1]} : vector<8x2304xf32> to vector<1x2304xf32>
    %sub3A_57 = vector.broadcast %add3A_55 : vector<25x1xf32> to vector<25x2304xf32>
    %sub3A_58 = vector.broadcast %slice3A_56 : vector<1x2304xf32> to vector<25x2304xf32>
    %sub3A_59 = arith.subf %sub3A_57, %sub3A_58 : vector<25x2304xf32>
    %slice3A_60 = vector.extract_strided_slice %broadcast_in_dim3A_6 {offsets = [1, 0], sizes = [1, 1], strides = [1, 1]} : vector<8x1xf32> to vector<1x1xf32>
    %squeeze3A_61 = vector.extract %slice3A_60[0, 0] : f32 from vector<1x1xf32>
    %sub3A_62 = vector.broadcast %squeeze3A_61 : f32 to vector<25x1xf32>
    %sub3A_63 = arith.subf %sub3A_62, %add3A_55 : vector<25x1xf32>
    %min3A_64 = vector.broadcast %sub3A_63 : vector<25x1xf32> to vector<25x2304xf32>
    %min3A_65 = arith.minimumf %sub3A_59, %min3A_64 : vector<25x2304xf32>
    %max3A_66 = arith.constant 0.000000e+00 : f32
    %max3A_67 = vector.broadcast %max3A_66 : f32 to vector<25x2304xf32>
    %max3A_68 = arith.maximumf %max3A_67, %min3A_65 : vector<25x2304xf32>
    %reduce_max3A_69 = arith.constant dense<0xFF800000> : vector<25xf32>
    %reduce_max3A_70 = vector.multi_reduction <maximumf>, %max3A_68, %reduce_max3A_69 [1] : vector<25x2304xf32> to vector<25xf32>
    %broadcast_in_dim3A_71 = vector.shape_cast %reduce_max3A_70 : vector<25xf32> to vector<25x1xf32>
    %ge3A_72 = vector.broadcast %broadcast_in_dim3A_71 : vector<25x1xf32> to vector<25x2304xf32>
    %ge3A_73 = arith.cmpf oge, %max3A_68, %ge3A_72 : vector<25x2304xf32>
    %jit3A_74 = arith.constant 2304 : i32
    %broadcast_in_dim3A_75 = vector.broadcast %jit3A_74 : i32 to vector<25x2304xi32>
    %select_n3A_76 = arith.select %ge3A_73, %iota3A_9, %broadcast_in_dim3A_75 : vector<25x2304xi1>, vector<25x2304xi32>
    %reduce_min3A_77 = arith.constant dense<2147483647> : vector<25xi32>
    %reduce_min3A_78 = vector.multi_reduction <minsi>, %select_n3A_76, %reduce_min3A_77 [1] : vector<25x2304xi32> to vector<25xi32>
    %broadcast_in_dim3A_79 = vector.shape_cast %reduce_min3A_78 : vector<25xi32> to vector<25x1xi32>
    %eq3A_80 = vector.broadcast %broadcast_in_dim3A_79 : vector<25x1xi32> to vector<25x2304xi32>
    %eq3A_81 = arith.cmpi eq, %iota3A_9, %eq3A_80 : vector<25x2304xi32>
    %neg3A_82 = arith.constant 0.000000e+00 : f32
    %neg3A_83 = arith.constant 3.400000e+38 : f32
    %neg3A_84 = arith.subf %neg3A_82, %neg3A_83 : f32
    %broadcast_in_dim3A_85 = vector.broadcast %neg3A_84 : f32 to vector<25x2304xf32>
    %select_n3A_86 = arith.select %eq3A_81, %broadcast_in_dim3A_85, %max3A_68 : vector<25x2304xi1>, vector<25x2304xf32>
    %reduce_max3A_87 = arith.constant dense<0xFF800000> : vector<25xf32>
    %reduce_max3A_88 = vector.multi_reduction <maximumf>, %select_n3A_86, %reduce_max3A_87 [1] : vector<25x2304xf32> to vector<25xf32>
    %broadcast_in_dim3A_89 = vector.shape_cast %reduce_max3A_88 : vector<25xf32> to vector<25x1xf32>
    %slice3A_90 = vector.extract_strided_slice %broadcast_in_dim3A {offsets = [2, 0], sizes = [1, 1], strides = [1, 1]} : vector<8x1xf32> to vector<1x1xf32>
    %squeeze3A_91 = vector.extract %slice3A_90[0, 0] : f32 from vector<1x1xf32>
    %slice3A_92 = vector.extract_strided_slice %broadcast_in_dim3A_6 {offsets = [2, 0], sizes = [1, 1], strides = [1, 1]} : vector<8x1xf32> to vector<1x1xf32>
    %squeeze3A_93 = vector.extract %slice3A_92[0, 0] : f32 from vector<1x1xf32>
    %slice3A_94 = vector.extract_strided_slice %broadcast_in_dim3A {offsets = [2, 0], sizes = [1, 1], strides = [1, 1]} : vector<8x1xf32> to vector<1x1xf32>
    %squeeze3A_95 = vector.extract %slice3A_94[0, 0] : f32 from vector<1x1xf32>
    %sub3A_96 = arith.subf %squeeze3A_93, %squeeze3A_95 : f32
    %mul3A_97 = vector.broadcast %sub3A_96 : f32 to vector<25x1xf32>
    %mul3A_98 = arith.mulf %mul3A_97, %mul3A_8 : vector<25x1xf32>
    %add3A_99 = vector.broadcast %squeeze3A_91 : f32 to vector<25x1xf32>
    %add3A_100 = arith.addf %add3A_99, %mul3A_98 : vector<25x1xf32>
    %slice3A_101 = vector.extract_strided_slice %sqrt3A {offsets = [2, 0], sizes = [1, 2304], strides = [1, 1]} : vector<8x2304xf32> to vector<1x2304xf32>
    %sub3A_102 = vector.broadcast %add3A_100 : vector<25x1xf32> to vector<25x2304xf32>
    %sub3A_103 = vector.broadcast %slice3A_101 : vector<1x2304xf32> to vector<25x2304xf32>
    %sub3A_104 = arith.subf %sub3A_102, %sub3A_103 : vector<25x2304xf32>
    %slice3A_105 = vector.extract_strided_slice %broadcast_in_dim3A_6 {offsets = [2, 0], sizes = [1, 1], strides = [1, 1]} : vector<8x1xf32> to vector<1x1xf32>
    %squeeze3A_106 = vector.extract %slice3A_105[0, 0] : f32 from vector<1x1xf32>
    %sub3A_107 = vector.broadcast %squeeze3A_106 : f32 to vector<25x1xf32>
    %sub3A_108 = arith.subf %sub3A_107, %add3A_100 : vector<25x1xf32>
    %min3A_109 = vector.broadcast %sub3A_108 : vector<25x1xf32> to vector<25x2304xf32>
    %min3A_110 = arith.minimumf %sub3A_104, %min3A_109 : vector<25x2304xf32>
    %max3A_111 = arith.constant 0.000000e+00 : f32
    %max3A_112 = vector.broadcast %max3A_111 : f32 to vector<25x2304xf32>
    %max3A_113 = arith.maximumf %max3A_112, %min3A_110 : vector<25x2304xf32>
    %reduce_max3A_114 = arith.constant dense<0xFF800000> : vector<25xf32>
    %reduce_max3A_115 = vector.multi_reduction <maximumf>, %max3A_113, %reduce_max3A_114 [1] : vector<25x2304xf32> to vector<25xf32>
    %broadcast_in_dim3A_116 = vector.shape_cast %reduce_max3A_115 : vector<25xf32> to vector<25x1xf32>
    %ge3A_117 = vector.broadcast %broadcast_in_dim3A_116 : vector<25x1xf32> to vector<25x2304xf32>
    %ge3A_118 = arith.cmpf oge, %max3A_113, %ge3A_117 : vector<25x2304xf32>
    %jit3A_119 = arith.constant 2304 : i32
    %broadcast_in_dim3A_120 = vector.broadcast %jit3A_119 : i32 to vector<25x2304xi32>
    %select_n3A_121 = arith.select %ge3A_118, %iota3A_9, %broadcast_in_dim3A_120 : vector<25x2304xi1>, vector<25x2304xi32>
    %reduce_min3A_122 = arith.constant dense<2147483647> : vector<25xi32>
    %reduce_min3A_123 = vector.multi_reduction <minsi>, %select_n3A_121, %reduce_min3A_122 [1] : vector<25x2304xi32> to vector<25xi32>
    %broadcast_in_dim3A_124 = vector.shape_cast %reduce_min3A_123 : vector<25xi32> to vector<25x1xi32>
    %eq3A_125 = vector.broadcast %broadcast_in_dim3A_124 : vector<25x1xi32> to vector<25x2304xi32>
    %eq3A_126 = arith.cmpi eq, %iota3A_9, %eq3A_125 : vector<25x2304xi32>
    %neg3A_127 = arith.constant 0.000000e+00 : f32
    %neg3A_128 = arith.constant 3.400000e+38 : f32
    %neg3A_129 = arith.subf %neg3A_127, %neg3A_128 : f32
    %broadcast_in_dim3A_130 = vector.broadcast %neg3A_129 : f32 to vector<25x2304xf32>
    %select_n3A_131 = arith.select %eq3A_126, %broadcast_in_dim3A_130, %max3A_113 : vector<25x2304xi1>, vector<25x2304xf32>
    %reduce_max3A_132 = arith.constant dense<0xFF800000> : vector<25xf32>
    %reduce_max3A_133 = vector.multi_reduction <maximumf>, %select_n3A_131, %reduce_max3A_132 [1] : vector<25x2304xf32> to vector<25xf32>
    %broadcast_in_dim3A_134 = vector.shape_cast %reduce_max3A_133 : vector<25xf32> to vector<25x1xf32>
    %slice3A_135 = vector.extract_strided_slice %broadcast_in_dim3A {offsets = [3, 0], sizes = [1, 1], strides = [1, 1]} : vector<8x1xf32> to vector<1x1xf32>
    %squeeze3A_136 = vector.extract %slice3A_135[0, 0] : f32 from vector<1x1xf32>
    %slice3A_137 = vector.extract_strided_slice %broadcast_in_dim3A_6 {offsets = [3, 0], sizes = [1, 1], strides = [1, 1]} : vector<8x1xf32> to vector<1x1xf32>
    %squeeze3A_138 = vector.extract %slice3A_137[0, 0] : f32 from vector<1x1xf32>
    %slice3A_139 = vector.extract_strided_slice %broadcast_in_dim3A {offsets = [3, 0], sizes = [1, 1], strides = [1, 1]} : vector<8x1xf32> to vector<1x1xf32>
    %squeeze3A_140 = vector.extract %slice3A_139[0, 0] : f32 from vector<1x1xf32>
    %sub3A_141 = arith.subf %squeeze3A_138, %squeeze3A_140 : f32
    %mul3A_142 = vector.broadcast %sub3A_141 : f32 to vector<25x1xf32>
    %mul3A_143 = arith.mulf %mul3A_142, %mul3A_8 : vector<25x1xf32>
    %add3A_144 = vector.broadcast %squeeze3A_136 : f32 to vector<25x1xf32>
    %add3A_145 = arith.addf %add3A_144, %mul3A_143 : vector<25x1xf32>
    %slice3A_146 = vector.extract_strided_slice %sqrt3A {offsets = [3, 0], sizes = [1, 2304], strides = [1, 1]} : vector<8x2304xf32> to vector<1x2304xf32>
    %sub3A_147 = vector.broadcast %add3A_145 : vector<25x1xf32> to vector<25x2304xf32>
    %sub3A_148 = vector.broadcast %slice3A_146 : vector<1x2304xf32> to vector<25x2304xf32>
    %sub3A_149 = arith.subf %sub3A_147, %sub3A_148 : vector<25x2304xf32>
    %slice3A_150 = vector.extract_strided_slice %broadcast_in_dim3A_6 {offsets = [3, 0], sizes = [1, 1], strides = [1, 1]} : vector<8x1xf32> to vector<1x1xf32>
    %squeeze3A_151 = vector.extract %slice3A_150[0, 0] : f32 from vector<1x1xf32>
    %sub3A_152 = vector.broadcast %squeeze3A_151 : f32 to vector<25x1xf32>
    %sub3A_153 = arith.subf %sub3A_152, %add3A_145 : vector<25x1xf32>
    %min3A_154 = vector.broadcast %sub3A_153 : vector<25x1xf32> to vector<25x2304xf32>
    %min3A_155 = arith.minimumf %sub3A_149, %min3A_154 : vector<25x2304xf32>
    %max3A_156 = arith.constant 0.000000e+00 : f32
    %max3A_157 = vector.broadcast %max3A_156 : f32 to vector<25x2304xf32>
    %max3A_158 = arith.maximumf %max3A_157, %min3A_155 : vector<25x2304xf32>
    %reduce_max3A_159 = arith.constant dense<0xFF800000> : vector<25xf32>
    %reduce_max3A_160 = vector.multi_reduction <maximumf>, %max3A_158, %reduce_max3A_159 [1] : vector<25x2304xf32> to vector<25xf32>
    %broadcast_in_dim3A_161 = vector.shape_cast %reduce_max3A_160 : vector<25xf32> to vector<25x1xf32>
    %ge3A_162 = vector.broadcast %broadcast_in_dim3A_161 : vector<25x1xf32> to vector<25x2304xf32>
    %ge3A_163 = arith.cmpf oge, %max3A_158, %ge3A_162 : vector<25x2304xf32>
    %jit3A_164 = arith.constant 2304 : i32
    %broadcast_in_dim3A_165 = vector.broadcast %jit3A_164 : i32 to vector<25x2304xi32>
    %select_n3A_166 = arith.select %ge3A_163, %iota3A_9, %broadcast_in_dim3A_165 : vector<25x2304xi1>, vector<25x2304xi32>
    %reduce_min3A_167 = arith.constant dense<2147483647> : vector<25xi32>
    %reduce_min3A_168 = vector.multi_reduction <minsi>, %select_n3A_166, %reduce_min3A_167 [1] : vector<25x2304xi32> to vector<25xi32>
    %broadcast_in_dim3A_169 = vector.shape_cast %reduce_min3A_168 : vector<25xi32> to vector<25x1xi32>
    %eq3A_170 = vector.broadcast %broadcast_in_dim3A_169 : vector<25x1xi32> to vector<25x2304xi32>
    %eq3A_171 = arith.cmpi eq, %iota3A_9, %eq3A_170 : vector<25x2304xi32>
    %neg3A_172 = arith.constant 0.000000e+00 : f32
    %neg3A_173 = arith.constant 3.400000e+38 : f32
    %neg3A_174 = arith.subf %neg3A_172, %neg3A_173 : f32
    %broadcast_in_dim3A_175 = vector.broadcast %neg3A_174 : f32 to vector<25x2304xf32>
    %select_n3A_176 = arith.select %eq3A_171, %broadcast_in_dim3A_175, %max3A_158 : vector<25x2304xi1>, vector<25x2304xf32>
    %reduce_max3A_177 = arith.constant dense<0xFF800000> : vector<25xf32>
    %reduce_max3A_178 = vector.multi_reduction <maximumf>, %select_n3A_176, %reduce_max3A_177 [1] : vector<25x2304xf32> to vector<25xf32>
    %broadcast_in_dim3A_179 = vector.shape_cast %reduce_max3A_178 : vector<25xf32> to vector<25x1xf32>
    %slice3A_180 = vector.extract_strided_slice %broadcast_in_dim3A {offsets = [4, 0], sizes = [1, 1], strides = [1, 1]} : vector<8x1xf32> to vector<1x1xf32>
    %squeeze3A_181 = vector.extract %slice3A_180[0, 0] : f32 from vector<1x1xf32>
    %slice3A_182 = vector.extract_strided_slice %broadcast_in_dim3A_6 {offsets = [4, 0], sizes = [1, 1], strides = [1, 1]} : vector<8x1xf32> to vector<1x1xf32>
    %squeeze3A_183 = vector.extract %slice3A_182[0, 0] : f32 from vector<1x1xf32>
    %slice3A_184 = vector.extract_strided_slice %broadcast_in_dim3A {offsets = [4, 0], sizes = [1, 1], strides = [1, 1]} : vector<8x1xf32> to vector<1x1xf32>
    %squeeze3A_185 = vector.extract %slice3A_184[0, 0] : f32 from vector<1x1xf32>
    %sub3A_186 = arith.subf %squeeze3A_183, %squeeze3A_185 : f32
    %mul3A_187 = vector.broadcast %sub3A_186 : f32 to vector<25x1xf32>
    %mul3A_188 = arith.mulf %mul3A_187, %mul3A_8 : vector<25x1xf32>
    %add3A_189 = vector.broadcast %squeeze3A_181 : f32 to vector<25x1xf32>
    %add3A_190 = arith.addf %add3A_189, %mul3A_188 : vector<25x1xf32>
    %slice3A_191 = vector.extract_strided_slice %sqrt3A {offsets = [4, 0], sizes = [1, 2304], strides = [1, 1]} : vector<8x2304xf32> to vector<1x2304xf32>
    %sub3A_192 = vector.broadcast %add3A_190 : vector<25x1xf32> to vector<25x2304xf32>
    %sub3A_193 = vector.broadcast %slice3A_191 : vector<1x2304xf32> to vector<25x2304xf32>
    %sub3A_194 = arith.subf %sub3A_192, %sub3A_193 : vector<25x2304xf32>
    %slice3A_195 = vector.extract_strided_slice %broadcast_in_dim3A_6 {offsets = [4, 0], sizes = [1, 1], strides = [1, 1]} : vector<8x1xf32> to vector<1x1xf32>
    %squeeze3A_196 = vector.extract %slice3A_195[0, 0] : f32 from vector<1x1xf32>
    %sub3A_197 = vector.broadcast %squeeze3A_196 : f32 to vector<25x1xf32>
    %sub3A_198 = arith.subf %sub3A_197, %add3A_190 : vector<25x1xf32>
    %min3A_199 = vector.broadcast %sub3A_198 : vector<25x1xf32> to vector<25x2304xf32>
    %min3A_200 = arith.minimumf %sub3A_194, %min3A_199 : vector<25x2304xf32>
    %max3A_201 = arith.constant 0.000000e+00 : f32
    %max3A_202 = vector.broadcast %max3A_201 : f32 to vector<25x2304xf32>
    %max3A_203 = arith.maximumf %max3A_202, %min3A_200 : vector<25x2304xf32>
    %reduce_max3A_204 = arith.constant dense<0xFF800000> : vector<25xf32>
    %reduce_max3A_205 = vector.multi_reduction <maximumf>, %max3A_203, %reduce_max3A_204 [1] : vector<25x2304xf32> to vector<25xf32>
    %broadcast_in_dim3A_206 = vector.shape_cast %reduce_max3A_205 : vector<25xf32> to vector<25x1xf32>
    %ge3A_207 = vector.broadcast %broadcast_in_dim3A_206 : vector<25x1xf32> to vector<25x2304xf32>
    %ge3A_208 = arith.cmpf oge, %max3A_203, %ge3A_207 : vector<25x2304xf32>
    %jit3A_209 = arith.constant 2304 : i32
    %broadcast_in_dim3A_210 = vector.broadcast %jit3A_209 : i32 to vector<25x2304xi32>
    %select_n3A_211 = arith.select %ge3A_208, %iota3A_9, %broadcast_in_dim3A_210 : vector<25x2304xi1>, vector<25x2304xi32>
    %reduce_min3A_212 = arith.constant dense<2147483647> : vector<25xi32>
    %reduce_min3A_213 = vector.multi_reduction <minsi>, %select_n3A_211, %reduce_min3A_212 [1] : vector<25x2304xi32> to vector<25xi32>
    %broadcast_in_dim3A_214 = vector.shape_cast %reduce_min3A_213 : vector<25xi32> to vector<25x1xi32>
    %eq3A_215 = vector.broadcast %broadcast_in_dim3A_214 : vector<25x1xi32> to vector<25x2304xi32>
    %eq3A_216 = arith.cmpi eq, %iota3A_9, %eq3A_215 : vector<25x2304xi32>
    %neg3A_217 = arith.constant 0.000000e+00 : f32
    %neg3A_218 = arith.constant 3.400000e+38 : f32
    %neg3A_219 = arith.subf %neg3A_217, %neg3A_218 : f32
    %broadcast_in_dim3A_220 = vector.broadcast %neg3A_219 : f32 to vector<25x2304xf32>
    %select_n3A_221 = arith.select %eq3A_216, %broadcast_in_dim3A_220, %max3A_203 : vector<25x2304xi1>, vector<25x2304xf32>
    %reduce_max3A_222 = arith.constant dense<0xFF800000> : vector<25xf32>
    %reduce_max3A_223 = vector.multi_reduction <maximumf>, %select_n3A_221, %reduce_max3A_222 [1] : vector<25x2304xf32> to vector<25xf32>
    %broadcast_in_dim3A_224 = vector.shape_cast %reduce_max3A_223 : vector<25xf32> to vector<25x1xf32>
    %slice3A_225 = vector.extract_strided_slice %broadcast_in_dim3A {offsets = [5, 0], sizes = [1, 1], strides = [1, 1]} : vector<8x1xf32> to vector<1x1xf32>
    %squeeze3A_226 = vector.extract %slice3A_225[0, 0] : f32 from vector<1x1xf32>
    %slice3A_227 = vector.extract_strided_slice %broadcast_in_dim3A_6 {offsets = [5, 0], sizes = [1, 1], strides = [1, 1]} : vector<8x1xf32> to vector<1x1xf32>
    %squeeze3A_228 = vector.extract %slice3A_227[0, 0] : f32 from vector<1x1xf32>
    %slice3A_229 = vector.extract_strided_slice %broadcast_in_dim3A {offsets = [5, 0], sizes = [1, 1], strides = [1, 1]} : vector<8x1xf32> to vector<1x1xf32>
    %squeeze3A_230 = vector.extract %slice3A_229[0, 0] : f32 from vector<1x1xf32>
    %sub3A_231 = arith.subf %squeeze3A_228, %squeeze3A_230 : f32
    %mul3A_232 = vector.broadcast %sub3A_231 : f32 to vector<25x1xf32>
    %mul3A_233 = arith.mulf %mul3A_232, %mul3A_8 : vector<25x1xf32>
    %add3A_234 = vector.broadcast %squeeze3A_226 : f32 to vector<25x1xf32>
    %add3A_235 = arith.addf %add3A_234, %mul3A_233 : vector<25x1xf32>
    %slice3A_236 = vector.extract_strided_slice %sqrt3A {offsets = [5, 0], sizes = [1, 2304], strides = [1, 1]} : vector<8x2304xf32> to vector<1x2304xf32>
    %sub3A_237 = vector.broadcast %add3A_235 : vector<25x1xf32> to vector<25x2304xf32>
    %sub3A_238 = vector.broadcast %slice3A_236 : vector<1x2304xf32> to vector<25x2304xf32>
    %sub3A_239 = arith.subf %sub3A_237, %sub3A_238 : vector<25x2304xf32>
    %slice3A_240 = vector.extract_strided_slice %broadcast_in_dim3A_6 {offsets = [5, 0], sizes = [1, 1], strides = [1, 1]} : vector<8x1xf32> to vector<1x1xf32>
    %squeeze3A_241 = vector.extract %slice3A_240[0, 0] : f32 from vector<1x1xf32>
    %sub3A_242 = vector.broadcast %squeeze3A_241 : f32 to vector<25x1xf32>
    %sub3A_243 = arith.subf %sub3A_242, %add3A_235 : vector<25x1xf32>
    %min3A_244 = vector.broadcast %sub3A_243 : vector<25x1xf32> to vector<25x2304xf32>
    %min3A_245 = arith.minimumf %sub3A_239, %min3A_244 : vector<25x2304xf32>
    %max3A_246 = arith.constant 0.000000e+00 : f32
    %max3A_247 = vector.broadcast %max3A_246 : f32 to vector<25x2304xf32>
    %max3A_248 = arith.maximumf %max3A_247, %min3A_245 : vector<25x2304xf32>
    %reduce_max3A_249 = arith.constant dense<0xFF800000> : vector<25xf32>
    %reduce_max3A_250 = vector.multi_reduction <maximumf>, %max3A_248, %reduce_max3A_249 [1] : vector<25x2304xf32> to vector<25xf32>
    %broadcast_in_dim3A_251 = vector.shape_cast %reduce_max3A_250 : vector<25xf32> to vector<25x1xf32>
    %ge3A_252 = vector.broadcast %broadcast_in_dim3A_251 : vector<25x1xf32> to vector<25x2304xf32>
    %ge3A_253 = arith.cmpf oge, %max3A_248, %ge3A_252 : vector<25x2304xf32>
    %jit3A_254 = arith.constant 2304 : i32
    %broadcast_in_dim3A_255 = vector.broadcast %jit3A_254 : i32 to vector<25x2304xi32>
    %select_n3A_256 = arith.select %ge3A_253, %iota3A_9, %broadcast_in_dim3A_255 : vector<25x2304xi1>, vector<25x2304xi32>
    %reduce_min3A_257 = arith.constant dense<2147483647> : vector<25xi32>
    %reduce_min3A_258 = vector.multi_reduction <minsi>, %select_n3A_256, %reduce_min3A_257 [1] : vector<25x2304xi32> to vector<25xi32>
    %broadcast_in_dim3A_259 = vector.shape_cast %reduce_min3A_258 : vector<25xi32> to vector<25x1xi32>
    %eq3A_260 = vector.broadcast %broadcast_in_dim3A_259 : vector<25x1xi32> to vector<25x2304xi32>
    %eq3A_261 = arith.cmpi eq, %iota3A_9, %eq3A_260 : vector<25x2304xi32>
    %neg3A_262 = arith.constant 0.000000e+00 : f32
    %neg3A_263 = arith.constant 3.400000e+38 : f32
    %neg3A_264 = arith.subf %neg3A_262, %neg3A_263 : f32
    %broadcast_in_dim3A_265 = vector.broadcast %neg3A_264 : f32 to vector<25x2304xf32>
    %select_n3A_266 = arith.select %eq3A_261, %broadcast_in_dim3A_265, %max3A_248 : vector<25x2304xi1>, vector<25x2304xf32>
    %reduce_max3A_267 = arith.constant dense<0xFF800000> : vector<25xf32>
    %reduce_max3A_268 = vector.multi_reduction <maximumf>, %select_n3A_266, %reduce_max3A_267 [1] : vector<25x2304xf32> to vector<25xf32>
    %broadcast_in_dim3A_269 = vector.shape_cast %reduce_max3A_268 : vector<25xf32> to vector<25x1xf32>
    %slice3A_270 = vector.extract_strided_slice %broadcast_in_dim3A {offsets = [6, 0], sizes = [1, 1], strides = [1, 1]} : vector<8x1xf32> to vector<1x1xf32>
    %squeeze3A_271 = vector.extract %slice3A_270[0, 0] : f32 from vector<1x1xf32>
    %slice3A_272 = vector.extract_strided_slice %broadcast_in_dim3A_6 {offsets = [6, 0], sizes = [1, 1], strides = [1, 1]} : vector<8x1xf32> to vector<1x1xf32>
    %squeeze3A_273 = vector.extract %slice3A_272[0, 0] : f32 from vector<1x1xf32>
    %slice3A_274 = vector.extract_strided_slice %broadcast_in_dim3A {offsets = [6, 0], sizes = [1, 1], strides = [1, 1]} : vector<8x1xf32> to vector<1x1xf32>
    %squeeze3A_275 = vector.extract %slice3A_274[0, 0] : f32 from vector<1x1xf32>
    %sub3A_276 = arith.subf %squeeze3A_273, %squeeze3A_275 : f32
    %mul3A_277 = vector.broadcast %sub3A_276 : f32 to vector<25x1xf32>
    %mul3A_278 = arith.mulf %mul3A_277, %mul3A_8 : vector<25x1xf32>
    %add3A_279 = vector.broadcast %squeeze3A_271 : f32 to vector<25x1xf32>
    %add3A_280 = arith.addf %add3A_279, %mul3A_278 : vector<25x1xf32>
    %slice3A_281 = vector.extract_strided_slice %sqrt3A {offsets = [6, 0], sizes = [1, 2304], strides = [1, 1]} : vector<8x2304xf32> to vector<1x2304xf32>
    %sub3A_282 = vector.broadcast %add3A_280 : vector<25x1xf32> to vector<25x2304xf32>
    %sub3A_283 = vector.broadcast %slice3A_281 : vector<1x2304xf32> to vector<25x2304xf32>
    %sub3A_284 = arith.subf %sub3A_282, %sub3A_283 : vector<25x2304xf32>
    %slice3A_285 = vector.extract_strided_slice %broadcast_in_dim3A_6 {offsets = [6, 0], sizes = [1, 1], strides = [1, 1]} : vector<8x1xf32> to vector<1x1xf32>
    %squeeze3A_286 = vector.extract %slice3A_285[0, 0] : f32 from vector<1x1xf32>
    %sub3A_287 = vector.broadcast %squeeze3A_286 : f32 to vector<25x1xf32>
    %sub3A_288 = arith.subf %sub3A_287, %add3A_280 : vector<25x1xf32>
    %min3A_289 = vector.broadcast %sub3A_288 : vector<25x1xf32> to vector<25x2304xf32>
    %min3A_290 = arith.minimumf %sub3A_284, %min3A_289 : vector<25x2304xf32>
    %max3A_291 = arith.constant 0.000000e+00 : f32
    %max3A_292 = vector.broadcast %max3A_291 : f32 to vector<25x2304xf32>
    %max3A_293 = arith.maximumf %max3A_292, %min3A_290 : vector<25x2304xf32>
    %reduce_max3A_294 = arith.constant dense<0xFF800000> : vector<25xf32>
    %reduce_max3A_295 = vector.multi_reduction <maximumf>, %max3A_293, %reduce_max3A_294 [1] : vector<25x2304xf32> to vector<25xf32>
    %broadcast_in_dim3A_296 = vector.shape_cast %reduce_max3A_295 : vector<25xf32> to vector<25x1xf32>
    %ge3A_297 = vector.broadcast %broadcast_in_dim3A_296 : vector<25x1xf32> to vector<25x2304xf32>
    %ge3A_298 = arith.cmpf oge, %max3A_293, %ge3A_297 : vector<25x2304xf32>
    %jit3A_299 = arith.constant 2304 : i32
    %broadcast_in_dim3A_300 = vector.broadcast %jit3A_299 : i32 to vector<25x2304xi32>
    %select_n3A_301 = arith.select %ge3A_298, %iota3A_9, %broadcast_in_dim3A_300 : vector<25x2304xi1>, vector<25x2304xi32>
    %reduce_min3A_302 = arith.constant dense<2147483647> : vector<25xi32>
    %reduce_min3A_303 = vector.multi_reduction <minsi>, %select_n3A_301, %reduce_min3A_302 [1] : vector<25x2304xi32> to vector<25xi32>
    %broadcast_in_dim3A_304 = vector.shape_cast %reduce_min3A_303 : vector<25xi32> to vector<25x1xi32>
    %eq3A_305 = vector.broadcast %broadcast_in_dim3A_304 : vector<25x1xi32> to vector<25x2304xi32>
    %eq3A_306 = arith.cmpi eq, %iota3A_9, %eq3A_305 : vector<25x2304xi32>
    %neg3A_307 = arith.constant 0.000000e+00 : f32
    %neg3A_308 = arith.constant 3.400000e+38 : f32
    %neg3A_309 = arith.subf %neg3A_307, %neg3A_308 : f32
    %broadcast_in_dim3A_310 = vector.broadcast %neg3A_309 : f32 to vector<25x2304xf32>
    %select_n3A_311 = arith.select %eq3A_306, %broadcast_in_dim3A_310, %max3A_293 : vector<25x2304xi1>, vector<25x2304xf32>
    %reduce_max3A_312 = arith.constant dense<0xFF800000> : vector<25xf32>
    %reduce_max3A_313 = vector.multi_reduction <maximumf>, %select_n3A_311, %reduce_max3A_312 [1] : vector<25x2304xf32> to vector<25xf32>
    %broadcast_in_dim3A_314 = vector.shape_cast %reduce_max3A_313 : vector<25xf32> to vector<25x1xf32>
    %slice3A_315 = vector.extract_strided_slice %broadcast_in_dim3A {offsets = [7, 0], sizes = [1, 1], strides = [1, 1]} : vector<8x1xf32> to vector<1x1xf32>
    %squeeze3A_316 = vector.extract %slice3A_315[0, 0] : f32 from vector<1x1xf32>
    %slice3A_317 = vector.extract_strided_slice %broadcast_in_dim3A_6 {offsets = [7, 0], sizes = [1, 1], strides = [1, 1]} : vector<8x1xf32> to vector<1x1xf32>
    %squeeze3A_318 = vector.extract %slice3A_317[0, 0] : f32 from vector<1x1xf32>
    %slice3A_319 = vector.extract_strided_slice %broadcast_in_dim3A {offsets = [7, 0], sizes = [1, 1], strides = [1, 1]} : vector<8x1xf32> to vector<1x1xf32>
    %squeeze3A_320 = vector.extract %slice3A_319[0, 0] : f32 from vector<1x1xf32>
    %sub3A_321 = arith.subf %squeeze3A_318, %squeeze3A_320 : f32
    %mul3A_322 = vector.broadcast %sub3A_321 : f32 to vector<25x1xf32>
    %mul3A_323 = arith.mulf %mul3A_322, %mul3A_8 : vector<25x1xf32>
    %add3A_324 = vector.broadcast %squeeze3A_316 : f32 to vector<25x1xf32>
    %add3A_325 = arith.addf %add3A_324, %mul3A_323 : vector<25x1xf32>
    %slice3A_326 = vector.extract_strided_slice %sqrt3A {offsets = [7, 0], sizes = [1, 2304], strides = [1, 1]} : vector<8x2304xf32> to vector<1x2304xf32>
    %sub3A_327 = vector.broadcast %add3A_325 : vector<25x1xf32> to vector<25x2304xf32>
    %sub3A_328 = vector.broadcast %slice3A_326 : vector<1x2304xf32> to vector<25x2304xf32>
    %sub3A_329 = arith.subf %sub3A_327, %sub3A_328 : vector<25x2304xf32>
    %slice3A_330 = vector.extract_strided_slice %broadcast_in_dim3A_6 {offsets = [7, 0], sizes = [1, 1], strides = [1, 1]} : vector<8x1xf32> to vector<1x1xf32>
    %squeeze3A_331 = vector.extract %slice3A_330[0, 0] : f32 from vector<1x1xf32>
    %sub3A_332 = vector.broadcast %squeeze3A_331 : f32 to vector<25x1xf32>
    %sub3A_333 = arith.subf %sub3A_332, %add3A_325 : vector<25x1xf32>
    %min3A_334 = vector.broadcast %sub3A_333 : vector<25x1xf32> to vector<25x2304xf32>
    %min3A_335 = arith.minimumf %sub3A_329, %min3A_334 : vector<25x2304xf32>
    %max3A_336 = arith.constant 0.000000e+00 : f32
    %max3A_337 = vector.broadcast %max3A_336 : f32 to vector<25x2304xf32>
    %max3A_338 = arith.maximumf %max3A_337, %min3A_335 : vector<25x2304xf32>
    %reduce_max3A_339 = arith.constant dense<0xFF800000> : vector<25xf32>
    %reduce_max3A_340 = vector.multi_reduction <maximumf>, %max3A_338, %reduce_max3A_339 [1] : vector<25x2304xf32> to vector<25xf32>
    %broadcast_in_dim3A_341 = vector.shape_cast %reduce_max3A_340 : vector<25xf32> to vector<25x1xf32>
    %ge3A_342 = vector.broadcast %broadcast_in_dim3A_341 : vector<25x1xf32> to vector<25x2304xf32>
    %ge3A_343 = arith.cmpf oge, %max3A_338, %ge3A_342 : vector<25x2304xf32>
    %jit3A_344 = arith.constant 2304 : i32
    %broadcast_in_dim3A_345 = vector.broadcast %jit3A_344 : i32 to vector<25x2304xi32>
    %select_n3A_346 = arith.select %ge3A_343, %iota3A_9, %broadcast_in_dim3A_345 : vector<25x2304xi1>, vector<25x2304xi32>
    %reduce_min3A_347 = arith.constant dense<2147483647> : vector<25xi32>
    %reduce_min3A_348 = vector.multi_reduction <minsi>, %select_n3A_346, %reduce_min3A_347 [1] : vector<25x2304xi32> to vector<25xi32>
    %broadcast_in_dim3A_349 = vector.shape_cast %reduce_min3A_348 : vector<25xi32> to vector<25x1xi32>
    %eq3A_350 = vector.broadcast %broadcast_in_dim3A_349 : vector<25x1xi32> to vector<25x2304xi32>
    %eq3A_351 = arith.cmpi eq, %iota3A_9, %eq3A_350 : vector<25x2304xi32>
    %neg3A_352 = arith.constant 0.000000e+00 : f32
    %neg3A_353 = arith.constant 3.400000e+38 : f32
    %neg3A_354 = arith.subf %neg3A_352, %neg3A_353 : f32
    %broadcast_in_dim3A_355 = vector.broadcast %neg3A_354 : f32 to vector<25x2304xf32>
    %select_n3A_356 = arith.select %eq3A_351, %broadcast_in_dim3A_355, %max3A_338 : vector<25x2304xi1>, vector<25x2304xf32>
    %reduce_max3A_357 = arith.constant dense<0xFF800000> : vector<25xf32>
    %reduce_max3A_358 = vector.multi_reduction <maximumf>, %select_n3A_356, %reduce_max3A_357 [1] : vector<25x2304xf32> to vector<25xf32>
    %broadcast_in_dim3A_359 = vector.shape_cast %reduce_max3A_358 : vector<25xf32> to vector<25x1xf32>
    %concatenate3A = tpu.concatenate %broadcast_in_dim3A_31, %broadcast_in_dim3A_71, %broadcast_in_dim3A_116, %broadcast_in_dim3A_161, %broadcast_in_dim3A_206, %broadcast_in_dim3A_251, %broadcast_in_dim3A_296, %broadcast_in_dim3A_341 in 1 : vector<25x1xf32>, vector<25x1xf32>, vector<25x1xf32>, vector<25x1xf32>, vector<25x1xf32>, vector<25x1xf32>, vector<25x1xf32>, vector<25x1xf32> -> vector<25x8xf32>
    %concatenate3A_360 = tpu.concatenate %broadcast_in_dim3A_44, %broadcast_in_dim3A_89, %broadcast_in_dim3A_134, %broadcast_in_dim3A_179, %broadcast_in_dim3A_224, %broadcast_in_dim3A_269, %broadcast_in_dim3A_314, %broadcast_in_dim3A_359 in 1 : vector<25x1xf32>, vector<25x1xf32>, vector<25x1xf32>, vector<25x1xf32>, vector<25x1xf32>, vector<25x1xf32>, vector<25x1xf32>, vector<25x1xf32> -> vector<25x8xf32>
    %get3A_361 = arith.constant 0 : index
    %get3A_362 = arith.constant 0 : index
    %get3A_363 = vector.load %arg1[%get3A_361, %get3A_362] : memref<25x50xf32, #tpu.memory_space<vmem>>, vector<25x50xf32>
    %dot_general3A = arith.constant dense<0.000000e+00> : vector<8x50xf32>
    %dot_general3A_364 = tpu.matmul %concatenate3A, %get3A_363, %dot_general3A {dimension_numbers = #tpu.dot_dimension_numbers<[0], [0], [1], [1], [0, 1, 1, 1], [], []>, transpose_lhs_hint = false} : vector<25x8xf32>, vector<25x50xf32>, vector<8x50xf32> -> vector<8x50xf32>
    %get3A_365 = arith.constant 0 : index
    %get3A_366 = arith.constant 0 : index
    %get3A_367 = vector.load %arg2[%get3A_365, %get3A_366] : memref<25x50xf32, #tpu.memory_space<vmem>>, vector<25x50xf32>
    %dot_general3A_368 = arith.constant dense<0.000000e+00> : vector<8x50xf32>
    %dot_general3A_369 = tpu.matmul %concatenate3A_360, %get3A_367, %dot_general3A_368 {dimension_numbers = #tpu.dot_dimension_numbers<[0], [0], [1], [1], [0, 1, 1, 1], [], []>, transpose_lhs_hint = false} : vector<25x8xf32>, vector<25x50xf32>, vector<8x50xf32> -> vector<8x50xf32>
    %add3A_370 = arith.addf %dot_general3A_364, %dot_general3A_369 : vector<8x50xf32>
    %get3A_371 = arith.constant 0 : index
    %get3A_372 = arith.constant 0 : index
    %get3A_373 = vector.load %arg3[%get3A_371, %get3A_372] : memref<1x50xf32, #tpu.memory_space<vmem>>, vector<1x50xf32>
    %add3A_374 = vector.broadcast %get3A_373 : vector<1x50xf32> to vector<8x50xf32>
    %add3A_375 = arith.addf %add3A_370, %add3A_374 : vector<8x50xf32>
    %abs3A = math.absf %add3A_375 : vector<8x50xf32>
    %reduce_sum3A = arith.constant dense<0.000000e+00> : vector<50xf32>
    %reduce_sum3A_376 = vector.multi_reduction <add>, %abs3A, %reduce_sum3A [0] : vector<8x50xf32> to vector<50xf32>
    %broadcast_in_dim3A_377 = vector.shape_cast %reduce_sum3A_376 : vector<50xf32> to vector<1x50xf32>
    %swap3A = arith.constant 0 : index
    %swap3A_378 = arith.constant 0 : index
    %swap3A_379 = vector.load %arg7[%swap3A, %swap3A_378] : memref<1x50xf32, #tpu.memory_space<vmem>>, vector<1x50xf32>
    tpu.vector_store %arg7[%swap3A, %swap3A_378], %broadcast_in_dim3A_377 {strides = array<i32>} : memref<1x50xf32, #tpu.memory_space<vmem>>, vector<1x50xf32>,
    %max3A_380 = arith.constant 0.000000e+00 : f32
    %max3A_381 = vector.broadcast %max3A_380 : f32 to vector<8x50xf32>
    %max3A_382 = arith.maximumf %add3A_375, %max3A_381 : vector<8x50xf32>
    %get3A_383 = arith.constant 0 : index
    %get3A_384 = arith.constant 0 : index
    %get3A_385 = vector.load %arg4[%get3A_383, %get3A_384] : memref<50x10xf32, #tpu.memory_space<vmem>>, vector<50x10xf32>
    %dot_general3A_386 = arith.constant dense<0.000000e+00> : vector<8x10xf32>
    %dot_general3A_387 = tpu.matmul %max3A_382, %get3A_385, %dot_general3A_386 {dimension_numbers = #tpu.dot_dimension_numbers<[1], [0], [0], [1], [0, 0, 1, 1], [], []>, transpose_lhs_hint = false} : vector<8x50xf32>, vector<50x10xf32>, vector<8x10xf32> -> vector<8x10xf32>
    %get3A_388 = arith.constant 0 : index
    %get3A_389 = arith.constant 0 : index
    %get3A_390 = vector.load %arg5[%get3A_388, %get3A_389] : memref<1x10xf32, #tpu.memory_space<vmem>>, vector<1x10xf32>
    %add3A_391 = vector.broadcast %get3A_390 : vector<1x10xf32> to vector<8x10xf32>
    %add3A_392 = arith.addf %dot_general3A_387, %add3A_391 : vector<8x10xf32>
    %swap3A_393 = arith.constant 0 : index
    %swap3A_394 = arith.constant 0 : index
    %swap3A_395 = vector.load %arg6[%swap3A_393, %swap3A_394] : memref<8x10xf32, #tpu.memory_space<vmem>>, vector<8x10xf32>
    tpu.vector_store %arg6[%swap3A_393, %swap3A_394], %add3A_392 {strides = array<i32>} : memref<8x10xf32, #tpu.memory_space<vmem>>, vector<8x10xf32>,
    return
  }
}

</mosaic_0001>

<sc_bundles>
// kernel: _run.5.cloned.1.call-start
scs
__scs_entry_jumppad:
0x0: {  	(pc) =	sbr.rel $0x88, $3  }
0x1: {  	(tag) =	ssettag $0x0;
	lr =	simm.s32 $0x1  }
0x2: {  	[smem:$0x3F9C] =	sst lr;
	_ =	strace $0xD0000000  }
0x3: {  	_ = 	snop  }
0x4: {  	_ = 	snop  }
0x5: {  	_ = 	snop  }
0x6: {  	_ = 	snop  }
0x7: {  	_ = 	snop  }
__scs_overlays_trampoline_lowered:
0x8: {  	[smem:$0x3FAB] =	sst s0  }
0x9: {  	[smem:$0x3FAC] =	sst s1  }
0xa: {  	[smem:$0x3FAD] =	sst s2  }
0xb: {  	[smem:$0x3FAE] =	sst s3  }
0xc: {  	[smem:$0x3FAF] =	sst s4  }
0xd: {  	[smem:$0x3FB0] =	sst s5  }
0xe: {  	[smem:$0x3FB1] =	sst s6  }
0xf: {  	[smem:$0x3FB2] =	sst s7  }
0x10: {  	[smem:$0x3FB3] =	sst s8  }
0x11: {  	[smem:$0x3FB4] =	sst s9;
	s0 =	simm.s32 @!p0 $0x0  }
0x12: {  	s1 =	sld [smem:$0x3F9A];
	s0 =	simm.s32 @p0 $0x1  }
0x13: {  	[smem:$0x3FB5] =	sst s0;
	s0 =	simm.s32 @!p1 $0x0  }
0x14: {  	s2 =	sld [smem:$0x3F99];
	s0 =	simm.s32 @p1 $0x1  }
0x15: {  	[smem:$0x3FB6] =	sst s0;
	s0 =	simm.s32 @!p2 $0x0  }
0x16: {  	s3 =	sld [smem:$0x3FDB];
	s0 =	simm.s32 @p2 $0x1  }
0x17: {  	s4 =	simm.s32 $0x1BF5;
	[smem:$0x3FB8] =	sst s0  }
0x18: {  	s0 =	sld [smem:$0x3F9B];
	_ =	swait.ge [sflag:s4], $0x0  }
0x19: {  	s7 =	sld [smem:$0x3F9C]  }
0x1a: {  	s8 =	sadd.s32 $0xFFFFE003, lr  }
0x1b: {  	s9 =	sadd.s32 $0xFFFFFEF7, lr;
	s5 =	simm.s32 $0xFFFFFFFF;
	p2 =	slt.u32 s8, $0xFFFFF086  }
0x1c: {  	p1 =	slt.u32 s9, $0xF7A;
	s5 =	simm.s32 @!p2 $0x0  }
0x1d: {  	s5 =	simm.s32 @p1 $0x1;
	p0 =	seq.s32 s7, s2  }
0x1e: {  	s7 =	smul.u32 @!p0 $0xF7A, s2;
	p2 =	seq.s32 @!p0 s5, $0x0  }
0x1f: {  	s9 =	smul.u32 $0xF7A, s1;
	s8 =	simm.s32 @!p0 $0x1BF5;
	p2 =	por !p2, p0  }
0x20: {  	[sflag:s8] =	ssyncset.s32 @!p0 $0xFFFFF086;
	s6 =	sadd.s32 @!p0 s3, s7;
	s7 =	simm.s32 @!p0 $0x108  }
0x21: {  	s3 =	sadd.s32 s3, s9;
	s6 =	sadd.s32 @!p0 $0x88, s6;
	s7 =	simm.s32 @p2 $0x1082  }
0x22: {  	[simem:s7], [sflag:s8] =	dma.local @!p0 [hbm:s6], $0xF7A  }
0x23: {  	s9 =	sor.u32 $0xD0000000, s2;
	s6 =	simm.s32 $0x108;
	_ =	swait.ge @!p0 [sflag:s8], $0x0  }
0x24: {  	s3 =	sadd.s32 $0x88, s3;
	s6 =	simm.s32 @!p1 $0x1082;
	[sflag:s4] =	ssyncset.s32 $0xFFFFF086  }
0x25: {  	[simem:s6], [sflag:s4] =	dma.local [hbm:s3], $0xF7A  }
0x26: {  	[smem:$0x3F9C] =	sst s1;
	(tag) =	ssettag s2;
	_ =	strace s9  }
0x27: {  	s1 =	sld [smem:$0x3FAC]  }
0x28: {  	s2 =	sld [smem:$0x3FAD]  }
0x29: {  	s4 =	sld [smem:$0x3FAF]  }
0x2a: {  	p0 =	seq.s32 s5, $0x0;
	s5 =	sld [smem:$0x3FB0]  }
0x2b: {  	s6 =	sld [smem:$0x3FB1]  }
0x2c: {  	s7 =	sld [smem:$0x3FB2]  }
0x2d: {  	s3 =	simm.s32 $0x108;
	s8 =	sld [smem:$0x3FB3]  }
0x2e: {  	s3 =	simm.s32 @!p0 $0x1082;
	s9 =	sld [smem:$0x3FB4]  }
0x2f: {  	lr =	sadd.s32 s0, s3;
	s0 =	sld [smem:$0x3FAB]  }
0x30: {  	s3 =	sld [smem:$0x3FAE]  }
0x31: {  	[smem:$0x3FB7] =	sst s10  }
0x32: {  	s10 =	sld [smem:$0x3FB5];
	_ =	sdelay $0x3  }
0x33: {  	p0 =	seq.s32 s10, $0x1;
	s10 =	sld [smem:$0x3FB7];
	_ =	sdelay $0x3  }
0x34: {  	[smem:$0x3FB7] =	sst s10  }
0x35: {  	s10 =	sld [smem:$0x3FB6];
	_ =	sdelay $0x3  }
0x36: {  	p1 =	seq.s32 s10, $0x1;
	s10 =	sld [smem:$0x3FB7];
	_ =	sdelay $0x3  }
0x37: {  	[smem:$0x3FB7] =	sst s10  }
0x38: {  	s10 =	sld [smem:$0x3FB8]  }
0x39: {  	_ = 	snop;
	(pc) =	sbr.ind lr, $3  }
0x3a: {  	_ = 	snop  }
0x3b: {  	_ = 	snop  }
0x3c: {  	p2 =	seq.s32 s10, $0x1;
	s10 =	sld [smem:$0x3FB7]  }
0x3d: {  	_ =	shalt  }
0x3e: {  	_ =	shalt  }
0x3f: {  	_ =	shalt  }
0x40: {  	_ =	shalt  }
0x41: {  	_ =	shalt  }
0x42: {  	_ =	shalt  }
0x43: {  	_ =	shalt  }
0x44: {  	_ =	shalt  }
0x45: {  	_ =	shalt  }
0x46: {  	_ =	shalt  }
0x47: {  	_ =	shalt  }
0x48: {  	_ =	shalt  }
0x49: {  	_ =	shalt  }
0x4a: {  	_ =	shalt  }
0x4b: {  	_ =	shalt  }
0x4c: {  	_ =	shalt  }
0x4d: {  	_ =	shalt  }
0x4e: {  	_ =	shalt  }
0x4f: {  	_ =	shalt  }
0x50: {  	_ =	shalt  }
0x51: {  	_ =	shalt  }
0x52: {  	_ =	shalt  }
0x53: {  	_ =	shalt  }
0x54: {  	_ =	shalt  }
0x55: {  	_ =	shalt  }
0x56: {  	_ =	shalt  }
0x57: {  	_ =	shalt  }
0x58: {  	_ =	shalt  }
0x59: {  	_ =	shalt  }
0x5a: {  	_ =	shalt  }
0x5b: {  	_ =	shalt  }
0x5c: {  	_ =	shalt  }
0x5d: {  	_ =	shalt  }
0x5e: {  	_ =	shalt  }
0x5f: {  	_ =	shalt  }
0x60: {  	_ =	shalt  }
0x61: {  	_ =	shalt  }
0x62: {  	_ =	shalt  }
0x63: {  	_ =	shalt  }
0x64: {  	_ =	shalt  }
0x65: {  	_ =	shalt  }
0x66: {  	_ =	shalt  }
0x67: {  	_ =	shalt  }
0x68: {  	_ =	shalt  }
0x69: {  	_ =	shalt  }
0x6a: {  	_ =	shalt  }
0x6b: {  	_ =	shalt  }
0x6c: {  	_ =	shalt  }
0x6d: {  	_ =	shalt  }
0x6e: {  	_ =	shalt  }
0x6f: {  	_ =	shalt  }
0x70: {  	_ =	shalt  }
0x71: {  	_ =	shalt  }
0x72: {  	_ =	shalt  }
0x73: {  	_ =	shalt  }
0x74: {  	_ =	shalt  }
0x75: {  	_ =	shalt  }
0x76: {  	_ =	shalt  }
0x77: {  	_ =	shalt  }
0x78: {  	_ =	shalt  }
0x79: {  	_ =	shalt  }
0x7a: {  	_ =	shalt  }
0x7b: {  	_ =	shalt  }
0x7c: {  	_ =	shalt  }
0x7d: {  	_ =	shalt  }
0x7e: {  	_ =	shalt  }
0x7f: {  	_ =	shalt  }
0x80: {  	_ =	shalt  }
0x81: {  	_ =	shalt  }
0x82: {  	_ =	shalt  }
0x83: {  	_ =	shalt  }
0x84: {  	_ =	shalt  }
0x85: {  	_ =	shalt  }
0x86: {  	_ =	shalt  }
0x87: {  	_ =	shalt  }
.Lfunc_end0:
.L_simem_size_0:
called_computation_lowered:
.L_overlay_start_0:
0x88: {  	s2 =	sld [smem:$0x3FD9]  }
0x89: {  	s3 =	sld [smem:$0x3FFE];
	_ =	sdelay $0x1  }
0x8a: {  	s1 =	srdreg.scid  }
0x8b: {  	s0 =	sand.u32 $0x1, s1  }
0x8c: {  	s16 =	sshll.u32 s0, $0xA;
	s2 =	sadd.s32 s3, s2  }
0x8d: {  	s2 =	sadd.s32 s2, s16  }
0x8e: {  	[smem:$0x3FC3] =	sst s2  }
0x8f: {  	_ = 	snop  }
0x90: {  	(tm) =	ssettm $0x1  }
0x91: {  	s17 =	sld [smem:$0x3FFB];
	_ =	sdelay $0x3  }
0x92: {  	_ =	strace s17  }
0x93: {  	s2 =	sld [smem:$0x3FFC];
	_ =	sdelay $0x3  }
0x94: {  	_ =	strace s2  }
0x95: {  	s2 =	sld [smem:$0x3FFD];
	_ =	sdelay $0x3  }
0x96: {  	_ =	strace s2  }
0x97: {  	_ =	strace $0x8FFFFFFF  }
0x98: {  	s18 =	sld [smem:$0x3FDB];
	_ =	sdelay $0x1  }
0x99: {  	s19 =	simm.s32 $_scs_section_size  }
0x9a: {  	s4 =	simm.s32 $_size__tile_overlayer_lowered;
	s5 =	simm.s32 $_tile_overlayer_lowered  }
0x9b: {  	s22 =	simm.s32 $0x1BFF;
	s21 =	sshll.u32 s5, $0x1;
	s2 =	sadd.s32 s19, s18  }
0x9c: {  	s6 =	simm.s32 $0x0;
	s20 =	sshll.u32 s4, $0x1;
	s4 =	sadd.s32 s21, s2  }
0x9d: {  	[timem:s6], [sflag:s22] =	dma.local [hbm:s4], s20  }
0x9e: {  	_ =	swait.ge [sflag:s22], s20  }
0x9f: {  	s3 =	ssub.s32 $0x0, s20;
	[sflag:s22] =	ssyncset.done $0x0  }
0xa0: {  	[sflag:s22] =	ssyncadd.s32 s3;
	_ =	sdelay $0x1  }
0xa1: {  	s23 =	simm.s32 $0x1B8B  }
0xa2: {  	_ =	swait.ge [sflag:s23], $0x1  }
0xa3: {  	[sflag:s23] =	ssyncset.done $0x0  }
0xa4: {  	s25 =	simm.s32 $0x1B8E;
	s24 =	sld [smem:$0x3FFE];
	[sflag:s23] =	ssyncadd.s32 $0xFFFFFFFF  }
0xa5: {  	s26 =	simm.s32 $execute0_lowered;
	[smem:$0x3FD2] =	sst s25  }
0xa6: {  	s4 =	sshll.u32 s26, $0x1;
	_ =	strace $0x80000046;
	[dreg:$0x1] =	wrdreg $0xFFFFFFFF  }
0xa7: {  	s28 =	simm.s32 $_size_execute0_lowered;
	s2 =	sadd.s32 s2, s4;
	[dreg:$0x0] =	wrdreg $0x0  }
0xa8: {  	s4 =	sshll.u32 s28, $0x1;
	[dreg:$0x2] =	wrdreg s2  }
0xa9: {  	[dreg:$0x3] =	wrdreg s4  }
0xaa: {  	[dreg:$0x4] =	wrdreg $0xC0  }
0xab: {  	_ =	task [dreg:s6], $0x5FFFF  }
0xac: {  	[dreg:$0x1] =	wrdreg $0xFFFFFFFF  }
0xad: {  	[dreg:$0x0] =	wrdreg $0x60  }
0xae: {  	[dreg:$0x2] =	wrdreg s24  }
0xaf: {  	[dreg:$0x3] =	wrdreg $0x9  }
0xb0: {  	_ =	task.clear_ibuf [dreg:s6], $0x4FFFF;
	_ =	strace $0x90000046  }
0xb1: {  	s29 =	simm.s32 $0x9;
	_ =	strace $0x80000048  }
0xb2: {  	_ =	swait.ge [sflag:s29], $0x1  }
0xb3: {  	[sflag:s29] =	ssyncadd.s32 $0xFFFFFFFF  }
0xb4: {  	_ =	strace $0x90000048  }
0xb5: {  	_ =	sfence  }
0xb6: {  	s30 =	sld [smem:$0x0];
	_ =	sdelay $0x2  }
0xb7: {  	s31 =	sshll.u32 s1, $0xD;
	s1 =	sshrl.u32 s1, $0x2  }
0xb8: {  	s3 =	sand.u32 $0x4000, s31;
	s1 =	sadd.s32 s1, s30  }
0xb9: {  	s0 =	sor.u32 s3, s0;
	s1 =	sshll.u32 s1, $0x11  }
0xba: {  	s0 =	sor.u32 s1, s0  }
0xbb: {  	s0 =	sadd.s32 $0x8F2B, s0  }
0xbc: {  	[sflag:s0] =	ssyncadd.remote.s32 $0x1  }
0xbd: {  	_ =	sfence.sel $0xFFFF  }
0xbe: {  	[dreg:$0x0] =	wrdreg $0xFFFFFFFF;
	(pc) =	sbr.abs _section_cstart, $3  }
0xbf: {  	[dreg:$0x1] =	wrdreg $0xFFFFFFFF  }
0xc0: {  	_ =	task.clear_ibuf [dreg:s6], $0x2FFFF;
	_ =	strace $0x9FFFFFFF  }
0xc1: {  	(tm) =	ssettm $0x7FFFFFFF  }
tec
execute0_lowered:
.L_overlay_start_1:
0x0: {  	(tag) =	ssettag $0x1  }
0x1: {  	s0 =	srdreg.scid;
	s2 =	stileid.u32  }
0x2: {  	s0 =	sand.u32 $0x1, s0;
	s3 =	sshll.u32 s2, $0x1  }
0x3: {  	s1 =	rddreg [dreg:$0x0];
	s2 =	simm.s32 $0x0;
	s4 =	sor.u32 s0, s3  }
0x4: {  	s5 =	sadd.s32 $0x1200, s1;
	[smem:$0x7FF] =	sst s2;
	s3 =	smul.u32 $0x48, s4  }
0x5: {  	s0 =	ssub.s32 $0x2, s0;
	_ =	strace $0x80000047;
	s4 =	smul.u32 $0x5100, s4  }
0x6: {  	[dreg:$0x2] =	wrdreg s5;
	s5 =	sadd.s32 $0x1C00, s1;
	s8 =	sshrl.u32 s0, $0x1  }
0x7: {  	s6 =	sadd.s32 $0xA3C00, s1;
	s0 =	ssub.s32 s0, s8;
	s26 =	sadd.s32 s5, s4  }
0x8: {  	s7 =	sshrl.u32 s3, $0x3;
	s4 =	sadd.s32 s6, s4;
	[dreg:$0x6] =	wrdreg s26  }
0x9: {  	s0 =	smax.u32 s0, $0x1;
	s1 =	sadd.s32 s7, s1;
	[dreg:$0x9] =	wrdreg s4  }
0xa: {  	[dreg:$0xd] =	wrdreg s0;
	s9 =	sadd.s32 $0x145C00, s1  }
0xb: {  	s24 =	sadd.s32 $0x145D20, s1;
	[dreg:$0x3] =	wrdreg s9  }
0xc: {  	s25 =	sadd.s32 $0x145E40, s1;
	[dreg:$0x4] =	wrdreg s24  }
0xd: {  	s28 =	sadd.s32 $0x145F60, s1;
	[dreg:$0x5] =	wrdreg s25  }
0xe: {  	s29 =	sadd.s32 $0x146080, s1;
	[dreg:$0x7] =	wrdreg s28  }
0xf: {  	s22 =	simm.s32 $0xEA00;
	s30 =	sadd.s32 $0x1461A0, s1;
	[dreg:$0x8] =	wrdreg s29  }
0x10: {  	s23 =	simm.s32 $0x13B00;
	s31 =	sadd.s32 $0x1462C0, s1;
	[dreg:$0xa] =	wrdreg s30  }
0x11: {  	s7 =	sadd.s32 $0x12, s3;
	s1 =	sadd.s32 $0x1463E0, s1;
	[dreg:$0xb] =	wrdreg s31  }
0x12: {  	s26 =	simm.s32 $0x2;
	s4 =	simm.s32 $0x0;
	[dreg:$0xc] =	wrdreg s1  }
0x13: {  	s1 =	simm.s32 $0x3;
	s24 =	simm.s32 $0x1;
	s25 =	simm.s32 $0x18C00  }
.LBB2_1:
0x14: {  	[dreg:$0xe] =	wrdreg s4  }
0x15: {  	s0 =	rddreg [dreg:$0x2]  }
0x16: {  	[tilespmem:s2], [sflag:$0x3] =	stream.linear.gather [hbm4b:s0+s2], $0x4800, $0x38;
	[tilespmem:$0x18E80] =	vst v63  }
0x17: {  	_ =	swait.ge [sflag:s1], $0x4800  }
0x18: {  	[sflag:s1] =	ssyncset.done $0x0  }
0x19: {  	s29 =	simm.s32 $0x4800;
	s21 =	rddreg [dreg:$0x6];
	[sflag:s1] =	ssyncadd.s32 $0xFFFFB800  }
0x1a: {  	[tilespmem:s29], [sflag:$0x1] =	stream.linear.gather [hbm4b:s21+s2], $0x5100, $0x38;
	[tilespmem:$0x18E80] =	vst v63  }
0x1b: {  	s31 =	simm.s32 $0x9900;
	s28 =	simm.s32 $0x0;
	s30 =	rddreg [dreg:$0x9]  }
0x1c: {  	[tilespmem:s31], [sflag:$0x1] =	stream.linear.gather [hbm4b:s30+s2], $0x5100, $0x38;
	[tilespmem:$0x18E80] =	vst v63  }
.LBB2_2:
0x1d: {  	s30 =	smul.u32 $0x12, s28;
	_ =	sdelay $0x1  }
0x1e: {  	s29 =	sadd.s32 $0x9, s30  }
0x1f: {  	s0 =	sadd.s32 s3, s29  }
0x20: {  	s0 =	smul.u32 $0x120, s0;
	_ =	sdelay $0x1  }
0x21: {  	s31 =	simm.s32 $0x0;
	s1 =	sadd.s32 s5, s0  }
0x22: {  	[tilespmem:s22], [sflag:$0x2] =	stream.linear.gather [hbm4b:s1+s31], $0x5100, $0x38;
	[tilespmem:$0x18E80] =	vst v63  }
0x23: {  	s0 =	sadd.s32 s6, s0  }
0x24: {  	[tilespmem:s23], [sflag:$0x2] =	stream.linear.gather [hbm4b:s0+s31], $0x5100, $0x38;
	[tilespmem:$0x18E80] =	vst v63  }
0x25: {  	_ =	swait.ge [sflag:s24], $0x5100  }
0x26: {  	[sflag:s24] =	ssyncset.done $0x0  }
0x27: {  	[sflag:s24] =	ssyncadd.s32 $0xFFFFAF00  }
0x28: {  	_ =	swait.ge [sflag:s24], $0x5100  }
0x29: {  	[sflag:s24] =	ssyncset.done $0x0  }
0x2a: {  	s4 =	simm.s32 $0x9940;
	s20 =	simm.s32 $0x4840;
	[sflag:s24] =	ssyncadd.s32 $0xFFFFAF00  }
.LBB2_3:
0x2b: {  	s9 =	simm.f32 $0.0e+00;
	s10 =	simm.f32 $0.0e+00  }
0x2c: {  	v0 =	vimm.f32 $0.0e+00;
	v1 =	vimm.f32 $0.0e+00;
	s11 =	simm.f32 $0.0e+00;
	s12 =	simm.f32 $0.0e+00;
	s13 =	simm.f32 $0.0e+00  }
0x2d: {  	v2 =	vimm.f32 $0.0e+00;
	v3 =	vimm.f32 $0.0e+00;
	v4 =	vimm.f32 $0.0e+00;
	s14 =	simm.f32 $0.0e+00;
	s0 =	smov.u32 s20;
	s1 =	smov.u32 s4  }
0x2e: {  	v5 =	vimm.f32 $0.0e+00;
	v6 =	vimm.f32 $0.0e+00;
	v7 =	vimm.f32 $0.0e+00;
	s15 =	simm.f32 $0.0e+00;
	s16 =	simm.f32 $0.0e+00;
	s8 =	simm.s32 $0x0  }
.LBB2_4:
0x2f: {  	v8 =	vld [tilespmem:s0+$0xFFFFFFC0];
	_ =	sdelay $0x5  }
0x30: {  	v9 =	vadd.s32 $0x900, v8  }
0x31: {  	v11 =	vadd.s32 $0x1200, v8  }
0x32: {  	v10 =	vld.idx.msk [tilespmem:v8+s2+$0x0], $0xffff  }
0x33: {  	v12 =	vadd.s32 $0x1B00, v8;
	_ =	sdelay $0x1  }
0x34: {  	v9 =	vld.idx.msk [tilespmem:v9+s2+$0x0], $0xffff  }
0x35: {  	v11 =	vld.idx.msk [tilespmem:v11+s2+$0x0], $0xffff  }
0x36: {  	v13 =	vadd.s32 $0x2400, v8;
	(xrf2) =	vadd.scan.msk.f32 $0xffff, v10  }
0x37: {  	v12 =	vld.idx.msk [tilespmem:v12+s2+$0x0], $0xffff;
	_ =	sdelay $0x1  }
0x38: {  	(xrf2) =	vadd.scan.msk.f32 $0xffff, v9  }
0x39: {  	v14 =	vadd.s32 $0x2D00, v8;
	(xrf2) =	vadd.scan.msk.f32 $0xffff, v11  }
0x3a: {  	v13 =	vld.idx.msk [tilespmem:v13+s2+$0x0], $0xffff  }
0x3b: {  	v15 =	vadd.s32 $0x3600, v8;
	(xrf2) =	vadd.scan.msk.f32 $0xffff, v12  }
0x3c: {  	v16 =	vld [tilespmem:s0+$0xFFFFFFD0]  }
0x3d: {  	v8 =	vadd.s32 $0x3F00, v8  }
0x3e: {  	v14 =	vld.idx.msk [tilespmem:v14+s2+$0x0], $0xffff  }
0x3f: {  	(xrf2) =	vadd.scan.msk.f32 $0xffff, v13;
	v17, _, _ =	vpop (xrf2)  }
0x40: {  	v15 =	vld.idx.msk [tilespmem:v15+s2+$0x0], $0xffff;
	(v2sf) =	vpush v17, $0xF  }
0x41: {  	v26 =	vld [tilespmem:s0+$0xFFFFFFE0];
	v21 =	vadd.s32 $0x900, v16  }
0x42: {  	s17 =	ssub.f32 $2.000000030e-01, s16;
	v8 =	vld.idx.msk [tilespmem:v8+s2+$0x0], $0xffff;
	v30, _, _ =	vpop (xrf2)  }
0x43: {  	(xrf2) =	vadd.scan.msk.f32 $0xffff, v14;
	(v2sf) =	vpush v30, $0xF;
	v31, _, _ =	vpop (xrf2)  }
0x44: {  	v23 =	vadd.s32 $0x1200, v16;
	v22 =	vld.idx.msk [tilespmem:v16+s2+$0x0], $0xffff;
	v18 =	vsub.f32 s17, v17;
	(v2sf) =	vpush v31, $0xF  }
0x45: {  	s21 =	ssub.f32 $2.000000030e-01, s15;
	v19 =	vld [tilespmem:s1+$0xFFFFFFC0];
	v24 =	vadd.s32 $0x1B00, v16;
	v43 =	vadd.s32 $0x2400, v16;
	(xrf2) =	vadd.scan.msk.f32 $0xffff, v15;
	v33, _, _ =	vpop (xrf2)  }
0x46: {  	s18 =	ssub.f32 $2.000000030e-01, s14;
	v46 =	vadd.s32 $0x2D00, v16;
	v21 =	vld.idx.msk [tilespmem:v21+s2+$0x0], $0xffff;
	v18 =	vadd.f32 v18, v10;
	(v2sf) =	vpush v33, $0xF  }
0x47: {  	s19 =	ssub.f32 $2.000000030e-01, s13;
	v51 =	vadd.s32 $0x3600, v16;
	v62 =	vadd.s32 $0x900, v26;
	v20 =	vsub.f32 s21, v30;
	(xrf2) =	vadd.scan.msk.f32 $0xffff, v8  }
0x48: {  	v16 =	vadd.s32 $0x3F00, v16;
	v32 =	vsub.f32 s18, v31;
	s18 =	ssub.f32 $2.000000030e-01, s12;
	v18 =	vmax.f32 v18, $0.0e+00  }
0x49: {  	v41 =	vld.idx.msk [tilespmem:v23+s2+$0x0], $0xffff;
	v20 =	vadd.f32 v20, v9;
	v34 =	vsub.f32 s19, v33;
	v35, _, _ =	vpop (xrf2);
	(xrf2) =	vadd.scan.msk.f32 $0xffff, v22;
	v33 =	vadd.s32 $0x1B00, v26  }
0x4a: {  	v24 =	vld.idx.msk [tilespmem:v24+s2+$0x0], $0xffff;
	v10 =	vmin.f32 v10, v18;
	v18 =	vadd.f32 v32, v11;
	v25 =	vsub.f32 s18, v35  }
0x4b: {  	(xrf2) =	vadd.scan.msk.f32 $0xffff, v21;
	(v2sf) =	vpush v35, $0xF;
	v32 =	vadd.s32 $0x1200, v26;
	v10 =	vmul.f32 v10, v19  }
0x4c: {  	v20 =	vmax.f32 v20, $0.0e+00;
	v37 =	vadd.f32 v34, v12;
	v34 =	vadd.s32 $0x2400, v26  }
0x4d: {  	s21 =	ssub.f32 $2.000000030e-01, s11;
	v9 =	vmin.f32 v9, v20;
	v36 =	vmax.f32 v18, $0.0e+00;
	v39 =	vadd.f32 v25, v13;
	v40, _, _ =	vpop (xrf2)  }
0x4e: {  	s18 =	ssub.f32 $2.000000030e-01, s10;
	v9 =	vmul.f32 v9, v19;
	v7 =	vadd.f32 v10, v7;
	(xrf2) =	vadd.scan.msk.f32 $0xffff, v41;
	(v2sf) =	vpush v40, $0xF  }
0x4f: {  	v38 =	vmin.f32 v11, v36;
	v18 =	vmax.f32 v37, $0.0e+00;
	v42 =	vsub.f32 s21, v40;
	v45, _, _ =	vpop (xrf2);
	s21 =	ssub.f32 $2.000000030e-01, s9;
	(xrf2) =	vadd.scan.msk.f32 $0xffff, v24;
	s19 =	spop (v2sf)  }
0x50: {  	v12 =	vmin.f32 v12, v18;
	v6 =	vadd.f32 v9, v6;
	(v2sf) =	vpush v45, $0xF;
	s16 =	sadd.f32 s19, s16  }
0x51: {  	v9 =	vmul.f32 v38, v19;
	v47 =	vsub.f32 s18, v45;
	v50, _, _ =	vpop (xrf2);
	v44 =	vadd.f32 v42, v14  }
0x52: {  	v10 =	vmax.f32 v39, $0.0e+00;
	v18 =	vld.idx.msk [tilespmem:v43+s2+$0x0], $0xffff;
	v52 =	vsub.f32 s21, v50;
	(v2sf) =	vpush v50, $0xF;
	s18 =	spop (v2sf);
	s21 =	ssub.f32 $2.000000030e-01, s16  }
0x53: {  	v54 =	vld.idx.msk [tilespmem:v46+s2+$0x0], $0xffff;
	v10 =	vmin.f32 v13, v10;
	v48 =	vmul.f32 v12, v19;
	v5 =	vadd.f32 v9, v5;
	v56, _, _ =	vpop (xrf2);
	s18 =	sadd.f32 s18, s15;
	s19 =	spop (v2sf)  }
0x54: {  	v11 =	vadd.f32 v47, v15;
	(v2sf) =	vpush v56, $0xF;
	v49 =	vmax.f32 v44, $0.0e+00;
	s14 =	sadd.f32 s19, s14  }
0x55: {  	v58 =	vld.idx.msk [tilespmem:v51+s2+$0x0], $0xffff;
	v60, _, _ =	vpop (xrf2);
	v55 =	vadd.f32 v52, v8;
	v53 =	vmin.f32 v14, v49;
	v57 =	vsub.f32 s21, v56;
	s17 =	ssub.f32 $2.000000030e-01, s18;
	s21 =	spop (v2sf)  }
0x56: {  	v29 =	vld.idx.msk [tilespmem:v26+s2+$0x0], $0xffff;
	(v2sf) =	vpush v60, $0xF;
	v11 =	vmax.f32 v11, $0.0e+00;
	v9 =	vmul.f32 v53, v19;
	s13 =	sadd.f32 s21, s13  }
0x57: {  	v61 =	vld.idx.msk [tilespmem:v16+s2+$0x0], $0xffff;
	v4 =	vadd.f32 v48, v4;
	(xrf2) =	vadd.scan.msk.f32 $0xffff, v18;
	v11 =	vmin.f32 v15, v11;
	v12 =	vmax.f32 v55, $0.0e+00;
	s19 =	ssub.f32 $2.000000030e-01, s14  }
0x58: {  	(xrf2) =	vadd.scan.msk.f32 $0xffff, v54;
	v11 =	vmul.f32 v11, v19;
	v9 =	vadd.f32 v9, v2;
	v2, _, _ =	vpop (xrf2);
	v59 =	vadd.f32 v57, v22;
	s21 =	ssub.f32 $2.000000030e-01, s13  }
0x59: {  	v63 =	vld [tilespmem:s1+$0xFFFFFFD0];
	v8 =	vmin.f32 v8, v12;
	v28 =	vsub.f32 s17, v60;
	v31, _, _ =	vpop (xrf2);
	(v2sf) =	vpush v2, $0xF  }
0x5a: {  	v16 =	vld.idx.msk [tilespmem:v62+s2+$0x0], $0xffff;
	v8 =	vmul.f32 v8, v19;
	(xrf2) =	vadd.scan.msk.f32 $0xffff, v58;
	v30 =	vsub.f32 s19, v2;
	v2 =	vsub.f32 s21, v31  }
0x5b: {  	v10 =	vmul.f32 v10, v19;
	v11 =	vadd.f32 v11, v1;
	v1 =	vadd.f32 v28, v21  }
0x5c: {  	v8 =	vadd.f32 v8, v0;
	s17 =	spop (v2sf);
	(xrf2) =	vadd.scan.msk.f32 $0xffff, v61;
	v0 =	vmax.f32 v59, $0.0e+00;
	v2 =	vadd.f32 v2, v24  }
0x5d: {  	s17 =	sadd.f32 s17, s12;
	(xrf2) =	vadd.scan.msk.f32 $0xffff, v29;
	v0 =	vmin.f32 v22, v0;
	v12 =	vadd.f32 v30, v41;
	v1 =	vmax.f32 v1, $0.0e+00;
	s19 =	spop (v2sf)  }
0x5e: {  	v0 =	vmul.f32 v0, v63;
	v1 =	vmin.f32 v21, v1;
	s15 =	sadd.f32 s19, s11;
	v2 =	vmax.f32 v2, $0.0e+00  }
0x5f: {  	(xrf2) =	vadd.scan.msk.f32 $0xffff, v16;
	v12 =	vmax.f32 v12, $0.0e+00;
	(v2sf) =	vpush v31, $0xF;
	v1 =	vmul.f32 v1, v63;
	s11 =	ssub.f32 $2.000000030e-01, s17;
	s21 =	spop (v2sf)  }
0x60: {  	v35 =	vld.idx.msk [tilespmem:v32+s2+$0x0], $0xffff;
	v3 =	vadd.f32 v10, v3;
	v7 =	vadd.f32 v0, v7;
	v0 =	vmin.f32 v41, v12;
	s10 =	sadd.f32 s21, s10  }
0x61: {  	v0 =	vmul.f32 v0, v63;
	s21 =	spop (v2sf);
	v6 =	vadd.f32 v1, v6;
	v1 =	vmin.f32 v24, v2;
	s19 =	ssub.f32 $2.000000030e-01, s15;
	v2, _, _ =	vpop (xrf2)  }
0x62: {  	s21 =	sadd.f32 s21, s9;
	v36 =	vsub.f32 s11, v2;
	(v2sf) =	vpush v2, $0xF;
	v2, _, _ =	vpop (xrf2)  }
0x63: {  	v37 =	vadd.s32 $0x2D00, v26;
	v21 =	vld.idx.msk [tilespmem:v33+s2+$0x0], $0xffff;
	v5 =	vadd.f32 v0, v5;
	s12 =	ssub.f32 $2.000000030e-01, s10;
	s11 =	spop (v2sf);
	(v2sf) =	vpush v2, $0xF  }
0x64: {  	v19 =	vld.idx.msk [tilespmem:v34+s2+$0x0], $0xffff;
	v1 =	vmul.f32 v1, v63;
	v38 =	vsub.f32 s19, v2;
	v39, _, _ =	vpop (xrf2);
	s9 =	sadd.f32 s11, s16;
	v0 =	vadd.f32 v36, v18  }
0x65: {  	v40 =	vadd.s32 $0x3600, v26;
	(xrf2) =	vadd.scan.msk.f32 $0xffff, v35;
	s16 =	ssub.f32 $2.000000030e-01, s21;
	v41 =	vsub.f32 s12, v39;
	(v2sf) =	vpush v39, $0xF;
	s12 =	spop (v2sf)  }
0x66: {  	v43 =	vadd.s32 $0x3F00, v26;
	v4 =	vadd.f32 v1, v4;
	v2 =	vld [tilespmem:s0+$0xFFFFFFF0];
	v42, _, _ =	vpop (xrf2);
	v1 =	vadd.f32 v38, v54;
	s11 =	sadd.f32 s12, s18  }
0x67: {  	(v2sf) =	vpush v42, $0xF;
	v44, _, _ =	vpop (xrf2);
	v45 =	vsub.f32 s16, v42;
	s18 =	ssub.f32 $2.000000030e-01, s9;
	v0 =	vmax.f32 v0, $0.0e+00  }
0x68: {  	(xrf2) =	vadd.scan.msk.f32 $0xffff, v21;
	v24 =	vadd.f32 v41, v58;
	(v2sf) =	vpush v44, $0xF;
	v0 =	vmin.f32 v18, v0  }
0x69: {  	(xrf2) =	vadd.scan.msk.f32 $0xffff, v19;
	v47, _, _ =	vpop (xrf2);
	v18 =	vld.idx.msk [tilespmem:v37+s2+$0x0], $0xffff;
	v1 =	vmax.f32 v1, $0.0e+00;
	v10 =	vadd.f32 v45, v61;
	v46 =	vsub.f32 s18, v44  }
0x6a: {  	v20 =	vld.idx.msk [tilespmem:v40+s2+$0x0], $0xffff;
	(v2sf) =	vpush v47, $0xF;
	v0 =	vmul.f32 v0, v63;
	v1 =	vmin.f32 v54, v1  }
0x6b: {  	s19 =	spop (v2sf);
	s16 =	ssub.f32 $2.000000030e-01, s11;
	v50 =	vadd.s32 $0x900, v2;
	v60 =	vadd.s32 $0x1200, v2;
	v28 =	vadd.s32 $0x2400, v2  }
0x6c: {  	v22 =	vld.idx.msk [tilespmem:v43+s2+$0x0], $0xffff;
	s12 =	sadd.f32 s19, s14;
	v33 =	vadd.s32 $0x2D00, v2;
	v10 =	vmax.f32 v10, $0.0e+00;
	v23 =	vadd.f32 v46, v29  }
0x6d: {  	v3 =	vadd.f32 v0, v3;
	v0 =	vmul.f32 v1, v63;
	v1 =	vmax.f32 v24, $0.0e+00  }
0x6e: {  	v49 =	vsub.f32 s16, v47;
	s19 =	ssub.f32 $2.000000030e-01, s12;
	v10 =	vmin.f32 v61, v10;
	v14 =	vmin.f32 v58, v1;
	v25 =	vld.idx.msk [tilespmem:v2+s2+$0x0], $0xffff;
	s18 =	spop (v2sf);
	(xrf2) =	vadd.scan.msk.f32 $0xffff, v18  }
0x6f: {  	v1 =	vld [tilespmem:s1+$0xFFFFFFE0];
	v10 =	vmul.f32 v10, v63;
	v0 =	vadd.f32 v0, v9;
	v48 =	vmul.f32 v14, v63;
	s14 =	sadd.f32 s18, s13;
	v52, _, _ =	vpop (xrf2);
	(xrf2) =	vadd.scan.msk.f32 $0xffff, v20  }
0x70: {  	v51 =	vmax.f32 v23, $0.0e+00;
	v14 =	vadd.f32 v49, v16;
	v54 =	vsub.f32 s19, v52  }
0x71: {  	v63 =	vadd.s32 $0x1B00, v2;
	v9 =	vadd.f32 v48, v11;
	v11 =	vmin.f32 v29, v51;
	s19 =	ssub.f32 $2.000000030e-01, s14;
	(xrf2) =	vadd.scan.msk.f32 $0xffff, v22;
	s18 =	spop (v2sf)  }
0x72: {  	v59 =	vld.idx.msk [tilespmem:v50+s2+$0x0], $0xffff;
	v53 =	vmax.f32 v14, $0.0e+00;
	(v2sf) =	vpush v52, $0xF;
	v58, _, _ =	vpop (xrf2);
	v57 =	vadd.f32 v54, v35;
	s16 =	sadd.f32 s18, s17;
	s17 =	spop (v2sf)  }
0x73: {  	v56 =	vmin.f32 v16, v53;
	v62, _, _ =	vpop (xrf2);
	(xrf2) =	vadd.scan.msk.f32 $0xffff, v25;
	v61 =	vsub.f32 s19, v58;
	(v2sf) =	vpush v58, $0xF;
	s13 =	sadd.f32 s17, s15  }
0x74: {  	v55 =	vmul.f32 v11, v1;
	(v2sf) =	vpush v62, $0xF;
	v26 =	vmax.f32 v57, $0.0e+00;
	s19 =	spop (v2sf);
	s17 =	ssub.f32 $2.000000030e-01, s16  }
0x75: {  	v36 =	vld.idx.msk [tilespmem:v28+s2+$0x0], $0xffff;
	v24 =	vmul.f32 v56, v1;
	v27 =	vadd.f32 v61, v21;
	v29 =	vmin.f32 v35, v26;
	s15 =	sadd.f32 s19, s10  }
0x76: {  	v37 =	vadd.s32 $0x3600, v2;
	v8 =	vadd.f32 v10, v8;
	v28 =	vld [tilespmem:s0+$0x0];
	s19 =	spop (v2sf);
	v10 =	vmul.f32 v29, v1;
	s18 =	ssub.f32 $2.000000030e-01, s13  }
0x77: {  	v16 =	vld.idx.msk [tilespmem:v60+s2+$0x0], $0xffff;
	v7 =	vadd.f32 v55, v7;
	v6 =	vadd.f32 v24, v6;
	(xrf2) =	vadd.scan.msk.f32 $0xffff, v59;
	v13 =	vmax.f32 v27, $0.0e+00;
	s10 =	sadd.f32 s19, s21  }
0x78: {  	s19 =	spop (v2sf);
	v13 =	vmin.f32 v21, v13;
	v21 =	vld.idx.msk [tilespmem:v63+s2+$0x0], $0xffff;
	v30 =	vsub.f32 s17, v62;
	v31, _, _ =	vpop (xrf2);
	s21 =	ssub.f32 $2.000000030e-01, s15;
	v5 =	vadd.f32 v10, v5  }
0x79: {  	s9 =	sadd.f32 s19, s9;
	v13 =	vmul.f32 v13, v1;
	v32 =	vsub.f32 s18, v31;
	(v2sf) =	vpush v31, $0xF;
	v34, _, _ =	vpop (xrf2)  }
0x7a: {  	s18 =	ssub.f32 $2.000000030e-01, s10;
	v11 =	vadd.f32 v30, v19;
	v35 =	vsub.f32 s21, v34  }
0x7b: {  	v43 =	vld.idx.msk [tilespmem:v33+s2+$0x0], $0xffff;
	v55 =	vadd.s32 $0x900, v28;
	(v2sf) =	vpush v34, $0xF;
	v4 =	vadd.f32 v13, v4;
	v39, _, _ =	vpop (xrf2)  }
0x7c: {  	v17 =	vld.idx.msk [tilespmem:v37+s2+$0x0], $0xffff;
	v27 =	vadd.s32 $0x3F00, v2;
	(xrf2) =	vadd.scan.msk.f32 $0xffff, v16;
	s21 =	ssub.f32 $2.000000030e-01, s9;
	v14 =	vadd.f32 v32, v18;
	v44 =	vsub.f32 s18, v39  }
0x7d: {  	s19 =	spop (v2sf);
	(v2sf) =	vpush v39, $0xF;
	v38 =	vmax.f32 v11, $0.0e+00;
	v41 =	vadd.f32 v35, v20;
	v42, _, _ =	vpop (xrf2);
	(xrf2) =	vadd.scan.msk.f32 $0xffff, v21  }
0x7e: {  	s11 =	sadd.f32 s19, s11;
	v10 =	vmin.f32 v19, v38;
	v40 =	vmax.f32 v14, $0.0e+00;
	v45 =	vsub.f32 s21, v42;
	(xrf2) =	vadd.scan.msk.f32 $0xffff, v36  }
0x7f: {  	v2 =	vld [tilespmem:s1+$0xFFFFFFF0];
	v47 =	vadd.f32 v44, v22;
	(v2sf) =	vpush v42, $0xF;
	v10 =	vmul.f32 v10, v1  }
0x80: {  	s17 =	ssub.f32 $2.000000030e-01, s11;
	v13 =	vmin.f32 v18, v40;
	v46 =	vmax.f32 v41, $0.0e+00;
	(xrf2) =	vadd.scan.msk.f32 $0xffff, v43;
	v48 =	vadd.f32 v45, v25  }
0x81: {  	v52, _, _ =	vpop (xrf2);
	v49 =	vmul.f32 v13, v1;
	v11 =	vmin.f32 v20, v46;
	s21 =	spop (v2sf);
	v50 =	vmax.f32 v47, $0.0e+00;
	(xrf2) =	vadd.scan.msk.f32 $0xffff, v17  }
0x82: {  	v54 =	vld.idx.msk [tilespmem:v27+s2+$0x0], $0xffff;
	v53 =	vsub.f32 s17, v52;
	(v2sf) =	vpush v52, $0xF;
	s12 =	sadd.f32 s21, s12;
	v51 =	vmax.f32 v48, $0.0e+00;
	s19 =	spop (v2sf)  }
0x83: {  	v11 =	vmul.f32 v11, v1;
	v13 =	vmin.f32 v22, v50;
	v14 =	vmin.f32 v25, v51;
	s18 =	sadd.f32 s19, s14;
	s21 =	spop (v2sf)  }
0x84: {  	v1 =	vmul.f32 v13, v1;
	v57 =	vadd.f32 v53, v59;
	v56 =	vmul.f32 v14, v2;
	s17 =	sadd.f32 s21, s16  }
0x85: {  	v62 =	vadd.s32 $0x1200, v28;
	v3 =	vadd.f32 v10, v3;
	v10 =	vadd.f32 v49, v0;
	s16 =	ssub.f32 $2.000000030e-01, s12  }
0x86: {  	v58 =	vld.idx.msk [tilespmem:v28+s2+$0x0], $0xffff;
	v1 =	vadd.f32 v1, v8;
	v8, _, _ =	vpop (xrf2);
	v0 =	vadd.f32 v56, v7;
	v7 =	vmax.f32 v57, $0.0e+00;
	s19 =	ssub.f32 $2.000000030e-01, s18  }
0x87: {  	v61 =	vld.idx.msk [tilespmem:v55+s2+$0x0], $0xffff;
	(xrf2) =	vadd.scan.msk.f32 $0xffff, v54;
	(v2sf) =	vpush v8, $0xF;
	v7 =	vmin.f32 v59, v7;
	v59 =	vsub.f32 s16, v8;
	v60, _, _ =	vpop (xrf2)  }
0x88: {  	v29 =	vadd.s32 $0x1B00, v28;
	v8 =	vsub.f32 s19, v60;
	s19 =	ssub.f32 $2.000000030e-01, s17;
	(v2sf) =	vpush v60, $0xF;
	v63, _, _ =	vpop (xrf2);
	s21 =	spop (v2sf)  }
0x89: {  	v7 =	vmul.f32 v7, v2;
	v13 =	vadd.f32 v59, v16;
	(v2sf) =	vpush v63, $0xF;
	s14 =	sadd.f32 s21, s13  }
0x8a: {  	v33, _, _ =	vpop (xrf2);
	v8 =	vadd.f32 v8, v21;
	v30 =	vsub.f32 s19, v63  }
0x8b: {  	v31 =	vadd.s32 $0x2400, v28;
	(xrf2) =	vadd.scan.msk.f32 $0xffff, v58;
	s21 =	spop (v2sf);
	v6 =	vadd.f32 v7, v6;
	v35, _, _ =	vpop (xrf2);
	(v2sf) =	vpush v33, $0xF;
	s19 =	ssub.f32 $2.000000030e-01, s14  }
0x8c: {  	v18 =	vld.idx.msk [tilespmem:v62+s2+$0x0], $0xffff;
	(xrf2) =	vadd.scan.msk.f32 $0xffff, v61;
	s13 =	sadd.f32 s21, s15;
	v7 =	vmax.f32 v13, $0.0e+00;
	s21 =	spop (v2sf);
	(v2sf) =	vpush v35, $0xF;
	v32 =	vadd.f32 v30, v36  }
0x8d: {  	v8 =	vmax.f32 v8, $0.0e+00;
	v7 =	vmin.f32 v16, v7;
	s15 =	sadd.f32 s21, s10;
	v34 =	vsub.f32 s19, v33  }
0x8e: {  	v19 =	vld.idx.msk [tilespmem:v29+s2+$0x0], $0xffff;
	v8 =	vmin.f32 v21, v8;
	v7 =	vmul.f32 v7, v2;
	s19 =	ssub.f32 $2.000000030e-01, s13;
	v13 =	vmax.f32 v32, $0.0e+00  }
0x8f: {  	v8 =	vmul.f32 v8, v2;
	v12 =	vmin.f32 v36, v13;
	v36 =	vadd.f32 v34, v43  }
0x90: {  	v38 =	vld.idx.msk [tilespmem:v31+s2+$0x0], $0xffff;
	v41 =	vadd.s32 $0x2D00, v28;
	s10 =	ssub.f32 $2.000000030e-01, s15;
	v39 =	vadd.f32 v7, v5;
	v37 =	vsub.f32 s19, v35  }
0x91: {  	(xrf2) =	vadd.scan.msk.f32 $0xffff, v18;
	v40, _, _ =	vpop (xrf2);
	v4 =	vadd.f32 v8, v4;
	v5 =	vmul.f32 v12, v2;
	s19 =	spop (v2sf);
	v7 =	vmax.f32 v36, $0.0e+00  }
0x92: {  	v42 =	vsub.f32 s10, v40;
	s16 =	sadd.f32 s19, s9;
	s21 =	spop (v2sf);
	v8 =	vadd.f32 v37, v17;
	v7 =	vmin.f32 v43, v7;
	v43 =	vld [tilespmem:s0+$0x10]  }
0x93: {  	(xrf2) =	vadd.scan.msk.f32 $0xffff, v19;
	(v2sf) =	vpush v40, $0xF;
	s11 =	sadd.f32 s21, s11;
	v44 =	vadd.f32 v5, v3;
	v3 =	vmul.f32 v7, v2  }
0x94: {  	s10 =	ssub.f32 $2.000000030e-01, s16;
	v5 =	vmax.f32 v8, $0.0e+00;
	v7 =	vadd.f32 v42, v54;
	v8 =	vadd.s32 $0x3600, v28  }
0x95: {  	v46 =	vadd.s32 $0x3F00, v28;
	v9 =	vadd.f32 v11, v9;
	(xrf2) =	vadd.scan.msk.f32 $0xffff, v38;
	v45, _, _ =	vpop (xrf2);
	s19 =	ssub.f32 $2.000000030e-01, s11  }
0x96: {  	v49 =	vld.idx.msk [tilespmem:v41+s2+$0x0], $0xffff;
	v48, _, _ =	vpop (xrf2);
	s21 =	spop (v2sf);
	v5 =	vmin.f32 v17, v5;
	v47 =	vsub.f32 s10, v45;
	v7 =	vmax.f32 v7, $0.0e+00  }
0x97: {  	s12 =	sadd.f32 s21, s12;
	v50 =	vsub.f32 s19, v48;
	v7 =	vmin.f32 v54, v7;
	v51 =	vadd.s32 $0x900, v43  }
0x98: {  	(v2sf) =	vpush v45, $0xF;
	v5 =	vmul.f32 v5, v2;
	v7 =	vmul.f32 v7, v2;
	v2 =	vld [tilespmem:s1+$0x0]  }
0x99: {  	s10 =	spop (v2sf);
	v12 =	vadd.f32 v47, v58;
	s21 =	ssub.f32 $2.000000030e-01, s12;
	v52 =	vadd.s32 $0x1200, v43;
	v13 =	vadd.f32 v50, v61;
	v53 =	vld.idx.msk [tilespmem:v8+s2+$0x0], $0xffff  }
0x9a: {  	v28 =	vld.idx.msk [tilespmem:v46+s2+$0x0], $0xffff;
	(v2sf) =	vpush v48, $0xF;
	s9 =	sadd.f32 s10, s18;
	s19 =	spop (v2sf);
	v54 =	vadd.f32 v5, v9;
	v8 =	vadd.s32 $0x1B00, v43  }
0x9b: {  	(xrf2) =	vadd.scan.msk.f32 $0xffff, v49;
	v55, _, _ =	vpop (xrf2);
	s10 =	sadd.f32 s19, s17;
	v5 =	vadd.f32 v7, v1;
	v1 =	vmax.f32 v12, $0.0e+00;
	v7 =	vmax.f32 v13, $0.0e+00;
	v29 =	vld.idx.msk [tilespmem:v43+s2+$0x0], $0xffff  }
0x9c: {  	v57 =	vsub.f32 s21, v55;
	s19 =	ssub.f32 $2.000000030e-01, s9;
	v1 =	vmin.f32 v58, v1;
	v56 =	vmin.f32 v61, v7;
	v7 =	vld.idx.msk [tilespmem:v51+s2+$0x0], $0xffff  }
0x9d: {  	v30 =	vld [tilespmem:s0+$0x20];
	(v2sf) =	vpush v55, $0xF;
	v3 =	vadd.f32 v3, v10;
	v58, _, _ =	vpop (xrf2);
	v1 =	vmul.f32 v1, v2  }
0x9e: {  	v62 =	vadd.s32 $0x2400, v43;
	s21 =	ssub.f32 $2.000000030e-01, s10;
	v59 =	vadd.f32 v57, v18;
	v60 =	vsub.f32 s19, v58;
	v12 =	vld.idx.msk [tilespmem:v52+s2+$0x0], $0xffff;
	(xrf2) =	vadd.scan.msk.f32 $0xffff, v53  }
0x9f: {  	v61, _, _ =	vpop (xrf2);
	v10 =	vmul.f32 v56, v2;
	v8 =	vld.idx.msk [tilespmem:v8+s2+$0x0], $0xffff;
	v63 =	vadd.f32 v1, v0;
	(xrf2) =	vadd.scan.msk.f32 $0xffff, v28;
	v1 =	vadd.s32 $0x2D00, v43  }
0xa0: {  	v35 =	vadd.s32 $0x3600, v43;
	v36 =	vadd.s32 $0x3F00, v43;
	v0 =	vsub.f32 s21, v61;
	(xrf2) =	vadd.scan.msk.f32 $0xffff, v29  }
0xa1: {  	s18 =	spop (v2sf);
	v34 =	vadd.f32 v60, v19;
	v11 =	vadd.f32 v10, v6;
	v6 =	vmax.f32 v59, $0.0e+00;
	(xrf2) =	vadd.scan.msk.f32 $0xffff, v7  }
0xa2: {  	s14 =	sadd.f32 s18, s14;
	s19 =	spop (v2sf);
	(v2sf) =	vpush v58, $0xF;
	v6 =	vmin.f32 v18, v6;
	v0 =	vadd.f32 v0, v38  }
0xa3: {  	v16 =	vld.idx.msk [tilespmem:v62+s2+$0x0], $0xffff;
	s13 =	sadd.f32 s19, s13;
	s19 =	spop (v2sf);
	(v2sf) =	vpush v61, $0xF;
	v10 =	vmax.f32 v34, $0.0e+00;
	v6 =	vmul.f32 v6, v2;
	(xrf2) =	vadd.scan.msk.f32 $0xffff, v12  }
0xa4: {  	s21 =	ssub.f32 $2.000000030e-01, s14;
	v10 =	vmin.f32 v19, v10;
	v0 =	vmax.f32 v0, $0.0e+00;
	(xrf2) =	vadd.scan.msk.f32 $0xffff, v8;
	v15 =	vld.idx.msk [tilespmem:v1+s2+$0x0], $0xffff;
	v1 =	vadd.s32 $0x900, v30  }
0xa5: {  	v37, _, _ =	vpop (xrf2);
	v10 =	vmul.f32 v10, v2;
	v21 =	vadd.f32 v6, v39;
	v0 =	vmin.f32 v38, v0  }
0xa6: {  	v9 =	vld.idx.msk [tilespmem:v35+s2+$0x0], $0xffff;
	s15 =	sadd.f32 s19, s15;
	v6 =	vsub.f32 s21, v37;
	v38 =	vadd.s32 $0x1200, v30;
	v0 =	vmul.f32 v0, v2  }
0xa7: {  	v13 =	vld.idx.msk [tilespmem:v36+s2+$0x0], $0xffff;
	(v2sf) =	vpush v37, $0xF;
	s17 =	ssub.f32 $2.000000030e-01, s13;
	v20 =	vadd.f32 v10, v4  }
0xa8: {  	s19 =	ssub.f32 $2.000000030e-01, s15;
	s21 =	spop (v2sf);
	v39 =	vadd.s32 $0x1B00, v30;
	v10 =	vld.idx.msk [tilespmem:v30+s2+$0x0], $0xffff;
	(xrf2) =	vadd.scan.msk.f32 $0xffff, v16;
	v18 =	vadd.f32 v0, v44;
	v0 =	vadd.f32 v6, v49;
	v4, _, _ =	vpop (xrf2)  }
0xa9: {  	s16 =	sadd.f32 s21, s16;
	v40 =	vsub.f32 s17, v4;
	(v2sf) =	vpush v4, $0xF;
	v4, _, _ =	vpop (xrf2);
	(xrf2) =	vadd.scan.msk.f32 $0xffff, v15;
	v6 =	vld.idx.msk [tilespmem:v1+s2+$0x0], $0xffff;
	v1 =	vadd.s32 $0x2400, v30  }
0xaa: {  	v0 =	vmax.f32 v0, $0.0e+00;
	v41 =	vsub.f32 s19, v4;
	(v2sf) =	vpush v4, $0xF;
	v4, _, _ =	vpop (xrf2)  }
0xab: {  	s18 =	ssub.f32 $2.000000030e-01, s16;
	v42 =	vmin.f32 v49, v0;
	(xrf2) =	vadd.scan.msk.f32 $0xffff, v9;
	v0 =	vld.idx.msk [tilespmem:v38+s2+$0x0], $0xffff;
	(v2sf) =	vpush v4, $0xF;
	v31, _, _ =	vpop (xrf2)  }
0xac: {  	v45 =	vadd.s32 $0x2D00, v30;
	v34 =	vld [tilespmem:s0+$0x30];
	v43 =	vadd.f32 v40, v53;
	(xrf2) =	vadd.scan.msk.f32 $0xffff, v13;
	(v2sf) =	vpush v31, $0xF  }
0xad: {  	v50 =	vadd.s32 $0x3F00, v30;
	v49 =	vadd.s32 $0x3600, v30;
	v33 =	vsub.f32 s18, v4;
	v4 =	vld.idx.msk [tilespmem:v39+s2+$0x0], $0xffff;
	v32, _, _ =	vpop (xrf2);
	(xrf2) =	vadd.scan.msk.f32 $0xffff, v10  }
0xae: {  	s19 =	spop (v2sf);
	v44 =	vadd.f32 v41, v28;
	v25 =	vmax.f32 v43, $0.0e+00;
	(v2sf) =	vpush v32, $0xF;
	v48, _, _ =	vpop (xrf2);
	(xrf2) =	vadd.scan.msk.f32 $0xffff, v6;
	v1 =	vld.idx.msk [tilespmem:v1+s2+$0x0], $0xffff  }
0xaf: {  	v17 =	vld [tilespmem:s1+$0x10];
	s11 =	sadd.f32 s19, s11;
	v46 =	vmul.f32 v42, v2;
	s21 =	spop (v2sf);
	v47 =	vmin.f32 v53, v25;
	(v2sf) =	vpush v48, $0xF  }
0xb0: {  	s17 =	sadd.f32 s21, s12;
	v33 =	vadd.f32 v33, v29;
	v22 =	vmax.f32 v44, $0.0e+00;
	v35 =	vmul.f32 v47, v2;
	(xrf2) =	vadd.scan.msk.f32 $0xffff, v0  }
0xb1: {  	v57 =	vadd.s32 $0x900, v34;
	s18 =	ssub.f32 $2.000000030e-01, s11;
	v24 =	vadd.f32 v46, v3;
	v22 =	vmin.f32 v28, v22  }
0xb2: {  	v3 =	vld.idx.msk [tilespmem:v45+s2+$0x0], $0xffff;
	v51 =	vmax.f32 v33, $0.0e+00;
	v2 =	vmul.f32 v22, v2;
	v19 =	vadd.f32 v35, v54;
	v54, _, _ =	vpop (xrf2);
	(xrf2) =	vadd.scan.msk.f32 $0xffff, v4  }
0xb3: {  	s19 =	ssub.f32 $2.000000030e-01, s17;
	v53 =	vsub.f32 s18, v31;
	s18 =	spop (v2sf);
	v52 =	vmin.f32 v29, v51;
	(v2sf) =	vpush v54, $0xF;
	v55, _, _ =	vpop (xrf2);
	(xrf2) =	vadd.scan.msk.f32 $0xffff, v1  }
0xb4: {  	s21 =	sadd.f32 s18, s9;
	s12 =	spop (v2sf);
	v22 =	vadd.f32 v2, v5;
	v2 =	vmul.f32 v52, v17;
	v5 =	vld.idx.msk [tilespmem:v49+s2+$0x0], $0xffff;
	(v2sf) =	vpush v55, $0xF  }
0xb5: {  	v61 =	vadd.s32 $0x1200, v34;
	v59 =	vsub.f32 s19, v32;
	v56 =	vadd.f32 v53, v7;
	s9 =	sadd.f32 s12, s10;
	v58, _, _ =	vpop (xrf2)  }
0xb6: {  	v36 =	vadd.s32 $0x1B00, v34;
	s18 =	spop (v2sf);
	s10 =	ssub.f32 $2.000000030e-01, s21;
	v23 =	vadd.f32 v2, v63;
	v2 =	vld.idx.msk [tilespmem:v50+s2+$0x0], $0xffff;
	(v2sf) =	vpush v58, $0xF;
	v60, _, _ =	vpop (xrf2)  }
0xb7: {  	v26 =	vadd.f32 v59, v12;
	s18 =	sadd.f32 s18, s14;
	v14 =	vmax.f32 v56, $0.0e+00;
	(xrf2) =	vadd.scan.msk.f32 $0xffff, v3;
	(v2sf) =	vpush v60, $0xF;
	v62, _, _ =	vpop (xrf2)  }
0xb8: {  	s19 =	ssub.f32 $2.000000030e-01, s9;
	v14 =	vmin.f32 v7, v14;
	v7 =	vld.idx.msk [tilespmem:v34+s2+$0x0], $0xffff;
	v25 =	vsub.f32 s10, v48;
	s14 =	spop (v2sf);
	(v2sf) =	vpush v62, $0xF;
	v63, _, _ =	vpop (xrf2)  }
0xb9: {  	v26 =	vmax.f32 v26, $0.0e+00;
	(xrf2) =	vadd.scan.msk.f32 $0xffff, v5;
	s13 =	sadd.f32 s14, s13;
	s14 =	spop (v2sf);
	(v2sf) =	vpush v63, $0xF  }
0xba: {  	v37 =	vmul.f32 v14, v17;
	v29 =	vsub.f32 s19, v54;
	v14 =	vld.idx.msk [tilespmem:v57+s2+$0x0], $0xffff;
	s19 =	ssub.f32 $2.000000030e-01, s18;
	v25 =	vadd.f32 v25, v8;
	v44, _, _ =	vpop (xrf2);
	s12 =	spop (v2sf)  }
0xbb: {  	v26 =	vmin.f32 v12, v26;
	v12 =	vld.idx.msk [tilespmem:v61+s2+$0x0], $0xffff;
	(xrf2) =	vadd.scan.msk.f32 $0xffff, v2;
	s14 =	sadd.f32 s14, s15;
	s15 =	spop (v2sf);
	(v2sf) =	vpush v44, $0xF  }
0xbc: {  	v38 =	vadd.s32 $0x2400, v34;
	v25 =	vmax.f32 v25, $0.0e+00;
	s12 =	sadd.f32 s12, s16;
	v45, _, _ =	vpop (xrf2)  }
0xbd: {  	v49 =	vsub.f32 s19, v55;
	v25 =	vmin.f32 v8, v25;
	v8 =	vld.idx.msk [tilespmem:v36+s2+$0x0], $0xffff;
	(xrf2) =	vadd.scan.msk.f32 $0xffff, v7;
	s19 =	ssub.f32 $2.000000030e-01, s14;
	s16 =	spop (v2sf);
	(v2sf) =	vpush v45, $0xF;
	v48, _, _ =	vpop (xrf2)  }
0xbe: {  	v29 =	vadd.f32 v29, v16;
	s10 =	sadd.f32 s16, s17;
	s17 =	spop (v2sf);
	(v2sf) =	vpush v48, $0xF  }
0xbf: {  	v39 =	vadd.s32 $0x2D00, v34;
	(xrf2) =	vadd.scan.msk.f32 $0xffff, v14;
	s15 =	sadd.f32 s15, s11  }
0xc0: {  	v51 =	vadd.s32 $0x3600, v34;
	v34 =	vadd.s32 $0x3F00, v34;
	v29 =	vmax.f32 v29, $0.0e+00;
	(xrf2) =	vadd.scan.msk.f32 $0xffff, v12;
	s11 =	sadd.f32 s17, s21  }
0xc1: {  	v46 =	vadd.f32 v37, v11;
	v11 =	vld.idx.msk [tilespmem:v38+s2+$0x0], $0xffff;
	v25 =	vmul.f32 v25, v17;
	v47 =	vmin.f32 v16, v29;
	v50, _, _ =	vpop (xrf2);
	s17 =	ssub.f32 $2.000000030e-01, s13  }
0xc2: {  	v52 =	vadd.f32 v49, v15;
	v16 =	vmul.f32 v47, v17;
	s16 =	ssub.f32 $2.000000030e-01, s12;
	(xrf2) =	vadd.scan.msk.f32 $0xffff, v8;
	(v2sf) =	vpush v50, $0xF;
	s21 =	spop (v2sf)  }
0xc3: {  	v25 =	vadd.f32 v25, v20;
	v53 =	vsub.f32 s17, v58;
	v54, _, _ =	vpop (xrf2);
	s17 =	sadd.f32 s21, s9;
	s21 =	spop (v2sf)  }
0xc4: {  	v20 =	vadd.f32 v16, v18;
	v16 =	vld.idx.msk [tilespmem:v39+s2+$0x0], $0xffff;
	(v2sf) =	vpush v54, $0xF;
	s9 =	sadd.f32 s21, s18  }
0xc5: {  	v18 =	vmax.f32 v52, $0.0e+00;
	v55, _, _ =	vpop (xrf2);
	s21 =	spop (v2sf);
	s18 =	ssub.f32 $2.000000030e-01, s15  }
0xc6: {  	v28 =	vsub.f32 s19, v60;
	v18 =	vmin.f32 v15, v18;
	v15 =	vld.idx.msk [tilespmem:v51+s2+$0x0], $0xffff;
	(xrf2) =	vadd.scan.msk.f32 $0xffff, v11;
	(v2sf) =	vpush v55, $0xF;
	s19 =	spop (v2sf);
	s21 =	sadd.f32 s21, s13  }
0xc7: {  	v56 =	vmul.f32 v18, v17;
	v18 =	vld.idx.msk [tilespmem:v34+s2+$0x0], $0xffff;
	v33 =	vsub.f32 s16, v62;
	v40, _, _ =	vpop (xrf2);
	s16 =	sadd.f32 s19, s14;
	s19 =	spop (v2sf)  }
0xc8: {  	v57 =	vld [tilespmem:s1+$0x20];
	(v2sf) =	vpush v40, $0xF;
	s14 =	sadd.f32 s19, s12;
	s13 =	spop (v2sf)  }
0xc9: {  	v33 =	vadd.f32 v33, v10;
	(xrf2) =	vadd.scan.msk.f32 $0xffff, v16;
	v58, _, _ =	vpop (xrf2);
	s12 =	sadd.f32 s13, s15  }
0xca: {  	v26 =	vmul.f32 v26, v17;
	v35 =	vsub.f32 s18, v63;
	v61, _, _ =	vpop (xrf2);
	(v2sf) =	vpush v58, $0xF;
	s15 =	ssub.f32 $2.000000030e-01, s10;
	s18 =	spop (v2sf)  }
0xcb: {  	v59 =	vmax.f32 v33, $0.0e+00;
	(xrf2) =	vadd.scan.msk.f32 $0xffff, v15;
	(v2sf) =	vpush v61, $0xF;
	s13 =	sadd.f32 s18, s10  }
0xcc: {  	v21 =	vadd.f32 v26, v21;
	v10 =	vmin.f32 v10, v59;
	v60 =	vadd.f32 v35, v6;
	v63, _, _ =	vpop (xrf2);
	(xrf2) =	vadd.scan.msk.f32 $0xffff, v18;
	s10 =	ssub.f32 $2.000000030e-01, s11;
	s19 =	spop (v2sf)  }
0xcd: {  	v28 =	vadd.f32 v28, v13;
	v10 =	vmul.f32 v10, v57;
	v35 =	vsub.f32 s15, v44;
	s18 =	sadd.f32 s19, s11;
	s15 =	spop (v2sf)  }
0xce: {  	v24 =	vadd.f32 v56, v24;
	v62 =	vmax.f32 v60, $0.0e+00;
	(v2sf) =	vpush v63, $0xF;
	s11 =	sadd.f32 s15, s17  }
0xcf: {  	v26 =	vadd.f32 v53, v9;
	v10 =	vadd.f32 v10, v23;
	v6 =	vmin.f32 v6, v62;
	s15 =	ssub.f32 $2.000000030e-01, s9  }
0xd0: {  	v6 =	vmul.f32 v6, v57;
	v33, _, _ =	vpop (xrf2);
	v23 =	vadd.f32 v35, v0;
	v37 =	vsub.f32 s10, v45;
	s10 =	ssub.f32 $2.000000030e-01, s17  }
0xd1: {  	v28 =	vmax.f32 v28, $0.0e+00;
	(v2sf) =	vpush v33, $0xF;
	s19 =	spop (v2sf);
	v43 =	vsub.f32 s15, v50;
	s15 =	ssub.f32 $2.000000030e-01, s21  }
0xd2: {  	v26 =	vmax.f32 v26, $0.0e+00;
	v6 =	vadd.f32 v6, v46;
	s17 =	sadd.f32 s19, s9;
	v42 =	vsub.f32 s10, v48  }
0xd3: {  	v9 =	vmin.f32 v9, v26;
	v41, _, _ =	vpop (xrf2);
	v26 =	vadd.f32 v37, v4;
	s19 =	spop (v2sf);
	v47 =	vsub.f32 s15, v54;
	s15 =	ssub.f32 $2.000000030e-01, s14  }
0xd4: {  	v23 =	vmax.f32 v23, $0.0e+00;
	(v2sf) =	vpush v41, $0xF;
	v44 =	vadd.f32 v42, v1;
	s10 =	sadd.f32 s19, s21  }
0xd5: {  	v0 =	vmin.f32 v0, v23;
	v45, _, _ =	vpop (xrf2);
	v26 =	vmax.f32 v26, $0.0e+00;
	v46 =	vadd.f32 v43, v3;
	s19 =	ssub.f32 $2.000000030e-01, s16;
	s21 =	spop (v2sf)  }
0xd6: {  	(v2sf) =	vpush v45, $0xF;
	v48, _, _ =	vpop (xrf2);
	v4 =	vmin.f32 v4, v26;
	v23 =	vmax.f32 v44, $0.0e+00;
	s9 =	sadd.f32 s21, s16  }
0xd7: {  	v49 =	vmax.f32 v46, $0.0e+00;
	v51 =	vsub.f32 s19, v55;
	s19 =	ssub.f32 $2.000000030e-01, s12;
	s21 =	spop (v2sf);
	(v2sf) =	vpush v48, $0xF  }
0xd8: {  	v52 =	vsub.f32 s15, v40;
	v1 =	vmin.f32 v1, v23;
	v3 =	vmin.f32 v3, v49;
	s16 =	sadd.f32 s21, s14  }
0xd9: {  	v3 =	vmul.f32 v3, v57;
	s21 =	spop (v2sf);
	v23 =	vadd.f32 v51, v2;
	v54 =	vsub.f32 s19, v58;
	s19 =	ssub.f32 $2.000000030e-01, s13  }
0xda: {  	v9 =	vmul.f32 v9, v17;
	v4 =	vmul.f32 v4, v57;
	v55 =	vadd.f32 v52, v7;
	s15 =	sadd.f32 s21, s12;
	s21 =	spop (v2sf)  }
0xdb: {  	v53 =	vld [tilespmem:s1+$0x30];
	v50 =	vadd.f32 v47, v5;
	v24 =	vadd.f32 v3, v24;
	v3 =	vmax.f32 v23, $0.0e+00;
	s14 =	sadd.f32 s21, s13  }
0xdc: {  	v4 =	vadd.f32 v4, v25;
	v2 =	vmin.f32 v2, v3;
	v3 =	vmax.f32 v55, $0.0e+00;
	s21 =	ssub.f32 $2.000000030e-01, s18  }
0xdd: {  	v25 =	vmax.f32 v50, $0.0e+00;
	s13 =	spop (v2sf);
	v3 =	vmin.f32 v7, v3;
	v7 =	vsub.f32 s19, v61;
	s19 =	ssub.f32 $2.000000030e-01, s17  }
0xde: {  	v13 =	vmin.f32 v13, v28;
	v0 =	vmul.f32 v0, v57;
	v5 =	vmin.f32 v5, v25;
	s13 =	sadd.f32 s13, s18  }
0xdf: {  	v9 =	vadd.f32 v9, v19;
	v1 =	vmul.f32 v1, v57;
	v5 =	vmul.f32 v5, v57;
	s18 =	ssub.f32 $2.000000030e-01, s11  }
0xe0: {  	v56 =	vadd.f32 v54, v14;
	v3 =	vmul.f32 v3, v53;
	s12 =	spop (v2sf);
	v58 =	vsub.f32 s21, v63;
	s21 =	ssub.f32 $2.000000030e-01, s10  }
0xe1: {  	v2 =	vmul.f32 v2, v57;
	v57 =	vadd.f32 v7, v12;
	v59 =	vsub.f32 s19, v41;
	s12 =	sadd.f32 s12, s11  }
0xe2: {  	v13 =	vmul.f32 v13, v17;
	s19 =	smin.f32 s16, s15;
	v7 =	vadd.f32 v3, v10;
	v3 =	vsub.f32 s18, v33;
	s18 =	ssub.f32 $2.000000030e-01, s9  }
0xe3: {  	v9 =	vadd.f32 v5, v9;
	v5 =	vmax.f32 v56, $0.0e+00;
	s19 =	smin.f32 s19, s14;
	s11 =	spop (v2sf)  }
0xe4: {  	v13 =	vadd.f32 v13, v22;
	v5 =	vmin.f32 v14, v5;
	s19 =	smin.f32 s19, s13;
	s11 =	sadd.f32 s11, s17  }
0xe5: {  	v5 =	vmul.f32 v5, v53;
	v60 =	vsub.f32 s21, v45;
	s17 =	smin.f32 s19, s12;
	s21 =	spop (v2sf)  }
0xe6: {  	v0 =	vadd.f32 v0, v21;
	v13 =	vadd.f32 v2, v13;
	v2 =	vmax.f32 v57, $0.0e+00;
	s10 =	sadd.f32 s21, s10;
	s21 =	spop (v2sf)  }
0xe7: {  	v6 =	vadd.f32 v5, v6;
	v5 =	vadd.f32 v58, v8;
	v2 =	vmin.f32 v12, v2;
	s17 =	smin.f32 s17, s11;
	s9 =	sadd.f32 s21, s9  }
0xe8: {  	v3 =	vadd.f32 v3, v11;
	v62 =	vsub.f32 s18, v48;
	v2 =	vmul.f32 v2, v53;
	s17 =	smin.f32 s17, s10  }
0xe9: {  	p0 =	sgt.u32 s8, $0x87;
	v1 =	vadd.f32 v1, v20;
	v10 =	vadd.f32 v59, v16;
	v61 =	vmax.f32 v5, $0.0e+00;
	s17 =	smin.f32 s17, s9  }
0xea: {  	v3 =	vmax.f32 v3, $0.0e+00;
	v63 =	vadd.f32 v62, v18;
	v5 =	vadd.f32 v2, v0;
	p1 =	slt.f32 @!p0 s17, $2.000000030e-01  }
0xeb: {  	v0 =	vmin.f32 v8, v61;
	v2 =	vadd.f32 v60, v15;
	v8 =	vmax.f32 v10, $0.0e+00  }
0xec: {  	v3 =	vmin.f32 v11, v3;
	v8 =	vmin.f32 v16, v8;
	v0 =	vmul.f32 v0, v53;
	p0 =	por p0, !p1  }
.Ltmp0:
0xed: {  	v10 =	vmax.f32 v63, $0.0e+00;
	v3 =	vmul.f32 v3, v53;
	v2 =	vmax.f32 v2, $0.0e+00;
	(pc) =	sbr.rel @!p0 .LBB2_4-.Ltmp0, $4  }
0xee: {  	v10 =	vmin.f32 v18, v10;
	v8 =	vmul.f32 v8, v53;
	v2 =	vmin.f32 v15, v2  }
0xef: {  	v4 =	vadd.f32 v0, v4;
	v10 =	vmul.f32 v10, v53;
	v0 =	vmul.f32 v2, v53  }
0xf0: {  	v3 =	vadd.f32 v3, v1;
	v2 =	vadd.f32 v8, v24  }
0xf1: {  	s8 =	sadd.s32 $0x8, s8;
	s0 =	sadd.s32 $0x80, s0;
	s1 =	sadd.s32 $0x80, s1;
	v1 =	vadd.f32 v0, v9;
	v0 =	vadd.f32 v10, v13  }
0xf2: {  	(xrf2) =	vadd.scan.msk.f32 $0xffff, v7  }
0xf3: {  	(xrf2) =	vadd.scan.msk.f32 $0xffff, v6  }
0xf4: {  	(xrf2) =	vadd.scan.msk.f32 $0xffff, v5  }
0xf5: {  	(xrf2) =	vadd.scan.msk.f32 $0xffff, v4  }
0xf6: {  	(xrf2) =	vadd.scan.msk.f32 $0xffff, v3  }
0xf7: {  	(xrf2) =	vadd.scan.msk.f32 $0xffff, v2  }
0xf8: {  	(xrf2) =	vadd.scan.msk.f32 $0xffff, v1;
	_ =	sdelay $0x1  }
0xf9: {  	(xrf2) =	vadd.scan.msk.f32 $0xffff, v0;
	_ =	sdelay $0x1  }
0xfa: {  	v40, _, _ =	vpop (xrf2)  }
0xfb: {  	v41, _, _ =	vpop (xrf2);
	(v2sf) =	vpush v40, $0xF  }
0xfc: {  	v42, _, _ =	vpop (xrf2);
	(v2sf) =	vpush v41, $0xF  }
0xfd: {  	v43, _, _ =	vpop (xrf2);
	(v2sf) =	vpush v42, $0xF  }
0xfe: {  	v44, _, _ =	vpop (xrf2);
	(v2sf) =	vpush v43, $0xF  }
0xff: {  	v45, _, _ =	vpop (xrf2);
	(v2sf) =	vpush v44, $0xF  }
0x100: {  	v46, _, _ =	vpop (xrf2);
	(v2sf) =	vpush v45, $0xF  }
0x101: {  	(v2sf) =	vpush v46, $0xF  }
0x102: {  	v47, _, _ =	vpop (xrf2)  }
0x103: {  	(v2sf) =	vpush v47, $0xF;
	_ =	sdelay $0x5  }
0x104: {  	s0 =	sadd.s32 s30, s31  }
0x105: {  	s31 =	sadd.s32 $0x1, s31;
	v48 =	vmov s0;
	s1 =	sadd.s32 $0x48, s0;
	s8 =	spop (v2sf)  }
0x106: {  	s10 =	sadd.s32 $0x90, s0;
	v49 =	vmov s1;
	s9 =	spop (v2sf);
	s8 =	smul.f32 $5.000000000e+00, s8  }
0x107: {  	s11 =	sadd.s32 $0xD8, s0;
	v50 =	vmov s10;
	s10 =	spop (v2sf);
	s9 =	smul.f32 $5.000000000e+00, s9  }
0x108: {  	s12 =	sadd.s32 $0x120, s0;
	v51 =	vmov s11;
	s13 =	spop (v2sf);
	s10 =	smul.f32 $5.000000000e+00, s10  }
0x109: {  	s14 =	sadd.s32 $0x168, s0;
	v53 =	vmov s12;
	v52 =	vmov s8;
	s15 =	spop (v2sf);
	s8 =	smul.f32 $5.000000000e+00, s13  }
0x10a: {  	s16 =	sadd.s32 $0x1B0, s0;
	v55 =	vmov s14;
	v54 =	vmov s9;
	[tilespmem:v48+s25+$0x0] =	vst.idx.msk $0x1, v52;
	s17 =	spop (v2sf);
	s9 =	smul.f32 $5.000000000e+00, s15  }
0x10b: {  	s0 =	sadd.s32 $0x1F8, s0;
	v57 =	vmov s16;
	v56 =	vmov s10;
	[tilespmem:v49+s25+$0x0] =	vst.idx.msk $0x1, v54;
	s18 =	spop (v2sf);
	s1 =	smul.f32 $5.000000000e+00, s17  }
0x10c: {  	p0 =	sne.s32 s31, $0x9;
	v59 =	vmov s0;
	v58 =	vmov s8;
	[tilespmem:v50+s25+$0x0] =	vst.idx.msk $0x1, v56;
	s0 =	smul.f32 $5.000000000e+00, s18  }
.Ltmp1:
0x10d: {  	[tilespmem:v51+s25+$0x0] =	vst.idx.msk $0x1, v58;
	v60 =	vmov s9;
	s19 =	spop (v2sf);
	(pc) =	sbr.rel @p0 .LBB2_3-.Ltmp1, $4  }
0x10e: {  	[tilespmem:v53+s25+$0x0] =	vst.idx.msk $0x1, v60;
	v61 =	vmov s1;
	s21 =	smul.f32 $5.000000000e+00, s19  }
0x10f: {  	[tilespmem:v55+s25+$0x0] =	vst.idx.msk $0x1, v61;
	v62 =	vmov s0  }
0x110: {  	[tilespmem:v57+s25+$0x0] =	vst.idx.msk $0x1, v62;
	v63 =	vmov s21  }
0x111: {  	s4 =	sadd.s32 $0x900, s4;
	s20 =	sadd.s32 $0x900, s20;
	[tilespmem:v59+s25+$0x0] =	vst.idx.msk $0x1, v63  }
0x112: {  	p0 =	seq.s32 s28, $0x3  }
0x113: {  	s0 =	sadd.s32 @!p0 s30, s7  }
0x114: {  	s0 =	smul.u32 @!p0 $0x120, s0;
	_ =	sdelay $0x1  }
0x115: {  	s4 =	simm.s32 @!p0 $0x0;
	s8 =	simm.s32 @!p0 $0x4800;
	s1 =	sadd.s32 @!p0 s5, s0  }
0x116: {  	[tilespmem:s8], [sflag:$0x1] =	stream.linear.gather @!p0 [hbm4b:s1+s4], $0x5100, $0x38;
	[tilespmem:$0x18E80] =	vst v63  }
0x117: {  	s0 =	sadd.s32 @!p0 s6, s0;
	s1 =	simm.s32 @!p0 $0x9900  }
0x118: {  	[tilespmem:s1], [sflag:$0x1] =	stream.linear.gather @!p0 [hbm4b:s0+s4], $0x5100, $0x38;
	[tilespmem:$0x18E80] =	vst v63  }
0x119: {  	_ =	swait.ge [sflag:s26], $0x5100  }
0x11a: {  	[sflag:s26] =	ssyncset.done $0x0  }
0x11b: {  	[sflag:s26] =	ssyncadd.s32 $0xFFFFAF00  }
0x11c: {  	_ =	swait.ge [sflag:s26], $0x5100  }
0x11d: {  	s30 =	simm.s32 $0x0;
	[sflag:s26] =	ssyncset.done $0x0  }
0x11e: {  	s1 =	simm.s32 $0x13B40;
	s0 =	simm.s32 $0xEA40;
	[sflag:s26] =	ssyncadd.s32 $0xFFFFAF00  }
.LBB2_7:
0x11f: {  	s9 =	simm.f32 $0.0e+00;
	s10 =	simm.f32 $0.0e+00  }
0x120: {  	v0 =	vimm.f32 $0.0e+00;
	v1 =	vimm.f32 $0.0e+00;
	s11 =	simm.f32 $0.0e+00;
	s12 =	simm.f32 $0.0e+00;
	s13 =	simm.f32 $0.0e+00  }
0x121: {  	v2 =	vimm.f32 $0.0e+00;
	v3 =	vimm.f32 $0.0e+00;
	v4 =	vimm.f32 $0.0e+00;
	s14 =	simm.f32 $0.0e+00;
	s20 =	smov.u32 s0;
	s4 =	smov.u32 s1  }
0x122: {  	v5 =	vimm.f32 $0.0e+00;
	v6 =	vimm.f32 $0.0e+00;
	v7 =	vimm.f32 $0.0e+00;
	s15 =	simm.f32 $0.0e+00;
	s16 =	simm.f32 $0.0e+00;
	s8 =	simm.s32 $0x0  }
.LBB2_8:
0x123: {  	v8 =	vld [tilespmem:s20+$0xFFFFFFC0];
	_ =	sdelay $0x5  }
0x124: {  	v9 =	vadd.s32 $0x900, v8  }
0x125: {  	v11 =	vadd.s32 $0x1200, v8  }
0x126: {  	v10 =	vld.idx.msk [tilespmem:v8+s2+$0x0], $0xffff  }
0x127: {  	v12 =	vadd.s32 $0x1B00, v8;
	_ =	sdelay $0x1  }
0x128: {  	v9 =	vld.idx.msk [tilespmem:v9+s2+$0x0], $0xffff  }
0x129: {  	v11 =	vld.idx.msk [tilespmem:v11+s2+$0x0], $0xffff  }
0x12a: {  	v13 =	vadd.s32 $0x2400, v8;
	(xrf2) =	vadd.scan.msk.f32 $0xffff, v10  }
0x12b: {  	v12 =	vld.idx.msk [tilespmem:v12+s2+$0x0], $0xffff;
	_ =	sdelay $0x1  }
0x12c: {  	(xrf2) =	vadd.scan.msk.f32 $0xffff, v9  }
0x12d: {  	v14 =	vadd.s32 $0x2D00, v8;
	(xrf2) =	vadd.scan.msk.f32 $0xffff, v11  }
0x12e: {  	v15 =	vadd.s32 $0x3600, v8;
	v13 =	vld.idx.msk [tilespmem:v13+s2+$0x0], $0xffff  }
0x12f: {  	v16 =	vld [tilespmem:s20+$0xFFFFFFD0];
	v8 =	vadd.s32 $0x3F00, v8;
	(xrf2) =	vadd.scan.msk.f32 $0xffff, v12;
	_ =	sdelay $0x2  }
0x130: {  	v14 =	vld.idx.msk [tilespmem:v14+s2+$0x0], $0xffff  }
0x131: {  	v15 =	vld.idx.msk [tilespmem:v15+s2+$0x0], $0xffff;
	(xrf2) =	vadd.scan.msk.f32 $0xffff, v13;
	v17, _, _ =	vpop (xrf2)  }
0x132: {  	v8 =	vld.idx.msk [tilespmem:v8+s2+$0x0], $0xffff;
	(v2sf) =	vpush v17, $0xF  }
0x133: {  	v21 =	vadd.s32 $0x900, v16  }
0x134: {  	s17 =	ssub.f32 $2.000000030e-01, s16;
	v26 =	vld [tilespmem:s20+$0xFFFFFFE0];
	v30, _, _ =	vpop (xrf2)  }
0x135: {  	s31 =	ssub.f32 $2.000000030e-01, s15;
	v23 =	vadd.s32 $0x1200, v16;
	v22 =	vld.idx.msk [tilespmem:v16+s2+$0x0], $0xffff;
	(xrf2) =	vadd.scan.msk.f32 $0xffff, v14;
	(v2sf) =	vpush v30, $0xF;
	v31, _, _ =	vpop (xrf2)  }
0x136: {  	v24 =	vadd.s32 $0x1B00, v16;
	v18 =	vsub.f32 s17, v17;
	(xrf2) =	vadd.scan.msk.f32 $0xffff, v15;
	(v2sf) =	vpush v31, $0xF  }
0x137: {  	v19 =	vld [tilespmem:s4+$0xFFFFFFC0];
	s18 =	ssub.f32 $2.000000030e-01, s14;
	v43 =	vadd.s32 $0x2400, v16;
	v46 =	vadd.s32 $0x2D00, v16;
	v20 =	vsub.f32 s31, v30;
	v33, _, _ =	vpop (xrf2);
	(xrf2) =	vadd.scan.msk.f32 $0xffff, v8  }
0x138: {  	s19 =	ssub.f32 $2.000000030e-01, s13;
	v51 =	vadd.s32 $0x3600, v16;
	v21 =	vld.idx.msk [tilespmem:v21+s2+$0x0], $0xffff;
	v18 =	vadd.f32 v18, v10;
	(v2sf) =	vpush v33, $0xF  }
0x139: {  	v62 =	vadd.s32 $0x900, v26;
	v16 =	vadd.s32 $0x3F00, v16;
	v20 =	vadd.f32 v20, v9  }
0x13a: {  	v32 =	vsub.f32 s18, v31;
	s18 =	ssub.f32 $2.000000030e-01, s12;
	v18 =	vmax.f32 v18, $0.0e+00;
	v34 =	vsub.f32 s19, v33;
	(xrf2) =	vadd.scan.msk.f32 $0xffff, v22  }
0x13b: {  	v41 =	vld.idx.msk [tilespmem:v23+s2+$0x0], $0xffff;
	v35, _, _ =	vpop (xrf2);
	v33 =	vadd.s32 $0x1B00, v26;
	v10 =	vmin.f32 v10, v18;
	v20 =	vmax.f32 v20, $0.0e+00  }
0x13c: {  	v24 =	vld.idx.msk [tilespmem:v24+s2+$0x0], $0xffff;
	v18 =	vadd.f32 v32, v11;
	v25 =	vsub.f32 s18, v35;
	v9 =	vmin.f32 v9, v20  }
0x13d: {  	(xrf2) =	vadd.scan.msk.f32 $0xffff, v21;
	(v2sf) =	vpush v35, $0xF;
	v10 =	vmul.f32 v10, v19;
	v9 =	vmul.f32 v9, v19  }
0x13e: {  	s21 =	ssub.f32 $2.000000030e-01, s11;
	v37 =	vadd.f32 v34, v12;
	v36 =	vmax.f32 v18, $0.0e+00;
	v39 =	vadd.f32 v25, v13  }
0x13f: {  	s31 =	ssub.f32 $2.000000030e-01, s10;
	v7 =	vadd.f32 v10, v7;
	v38 =	vmin.f32 v11, v36;
	v6 =	vadd.f32 v9, v6;
	v40, _, _ =	vpop (xrf2)  }
0x140: {  	s19 =	ssub.f32 $2.000000030e-01, s9;
	v18 =	vmax.f32 v37, $0.0e+00;
	(xrf2) =	vadd.scan.msk.f32 $0xffff, v41;
	v42 =	vsub.f32 s21, v40;
	v45, _, _ =	vpop (xrf2);
	(v2sf) =	vpush v40, $0xF  }
0x141: {  	v9 =	vmul.f32 v38, v19;
	(xrf2) =	vadd.scan.msk.f32 $0xffff, v24;
	v47 =	vsub.f32 s31, v45;
	v50, _, _ =	vpop (xrf2);
	(v2sf) =	vpush v45, $0xF;
	s18 =	spop (v2sf)  }
0x142: {  	v12 =	vmin.f32 v12, v18;
	v44 =	vadd.f32 v42, v14;
	v52 =	vsub.f32 s19, v50;
	s16 =	sadd.f32 s18, s16  }
0x143: {  	v48 =	vmul.f32 v12, v19;
	v5 =	vadd.f32 v9, v5;
	v11 =	vadd.f32 v47, v15  }
0x144: {  	v18 =	vld.idx.msk [tilespmem:v43+s2+$0x0], $0xffff;
	v56, _, _ =	vpop (xrf2);
	(v2sf) =	vpush v50, $0xF;
	v49 =	vmax.f32 v44, $0.0e+00;
	v55 =	vadd.f32 v52, v8;
	s21 =	spop (v2sf);
	s19 =	ssub.f32 $2.000000030e-01, s16  }
0x145: {  	v54 =	vld.idx.msk [tilespmem:v46+s2+$0x0], $0xffff;
	(v2sf) =	vpush v56, $0xF;
	v53 =	vmin.f32 v14, v49;
	v11 =	vmax.f32 v11, $0.0e+00;
	s18 =	sadd.f32 s21, s15;
	s31 =	spop (v2sf)  }
0x146: {  	v63 =	vld [tilespmem:s4+$0xFFFFFFD0];
	v9 =	vmul.f32 v53, v19;
	v11 =	vmin.f32 v15, v11;
	v12 =	vmax.f32 v55, $0.0e+00;
	s14 =	sadd.f32 s31, s14  }
0x147: {  	v58 =	vld.idx.msk [tilespmem:v51+s2+$0x0], $0xffff;
	v60, _, _ =	vpop (xrf2);
	v11 =	vmul.f32 v11, v19;
	v8 =	vmin.f32 v8, v12;
	v57 =	vsub.f32 s19, v56;
	s17 =	ssub.f32 $2.000000030e-01, s18;
	s19 =	spop (v2sf)  }
0x148: {  	v61 =	vld.idx.msk [tilespmem:v16+s2+$0x0], $0xffff;
	(v2sf) =	vpush v60, $0xF;
	v8 =	vmul.f32 v8, v19;
	v9 =	vadd.f32 v9, v2;
	s13 =	sadd.f32 s19, s13  }
0x149: {  	v29 =	vld.idx.msk [tilespmem:v26+s2+$0x0], $0xffff;
	v32 =	vadd.s32 $0x1200, v26;
	(xrf2) =	vadd.scan.msk.f32 $0xffff, v18;
	v11 =	vadd.f32 v11, v1;
	s21 =	ssub.f32 $2.000000030e-01, s14;
	v59 =	vadd.f32 v57, v22  }
0x14a: {  	v16 =	vld.idx.msk [tilespmem:v62+s2+$0x0], $0xffff;
	v10 =	vmax.f32 v39, $0.0e+00;
	(xrf2) =	vadd.scan.msk.f32 $0xffff, v54;
	v2, _, _ =	vpop (xrf2);
	v28 =	vsub.f32 s17, v60;
	v8 =	vadd.f32 v8, v0;
	s31 =	ssub.f32 $2.000000030e-01, s13  }
0x14b: {  	v10 =	vmin.f32 v13, v10;
	v31, _, _ =	vpop (xrf2);
	(v2sf) =	vpush v2, $0xF;
	v30 =	vsub.f32 s21, v2  }
0x14c: {  	(xrf2) =	vadd.scan.msk.f32 $0xffff, v58;
	v0 =	vmax.f32 v59, $0.0e+00;
	v1 =	vadd.f32 v28, v21;
	v2 =	vsub.f32 s31, v31  }
0x14d: {  	v10 =	vmul.f32 v10, v19;
	s19 =	spop (v2sf);
	(xrf2) =	vadd.scan.msk.f32 $0xffff, v61;
	v0 =	vmin.f32 v22, v0;
	v12 =	vadd.f32 v30, v41  }
0x14e: {  	s17 =	sadd.f32 s19, s12;
	(xrf2) =	vadd.scan.msk.f32 $0xffff, v29;
	v1 =	vmax.f32 v1, $0.0e+00;
	v0 =	vmul.f32 v0, v63;
	v2 =	vadd.f32 v2, v24  }
0x14f: {  	(xrf2) =	vadd.scan.msk.f32 $0xffff, v16;
	v1 =	vmin.f32 v21, v1;
	s21 =	spop (v2sf);
	v12 =	vmax.f32 v12, $0.0e+00;
	(v2sf) =	vpush v31, $0xF  }
0x150: {  	s31 =	ssub.f32 $2.000000030e-01, s17;
	v7 =	vadd.f32 v0, v7;
	v0 =	vmin.f32 v41, v12;
	v2 =	vmax.f32 v2, $0.0e+00  }
0x151: {  	v34 =	vadd.s32 $0x2400, v26;
	v1 =	vmul.f32 v1, v63;
	s15 =	sadd.f32 s21, s11;
	s19 =	spop (v2sf);
	v0 =	vmul.f32 v0, v63  }
0x152: {  	v35 =	vld.idx.msk [tilespmem:v32+s2+$0x0], $0xffff;
	v4 =	vadd.f32 v48, v4;
	v3 =	vadd.f32 v10, v3;
	s10 =	sadd.f32 s19, s10  }
0x153: {  	v6 =	vadd.f32 v1, v6;
	v1 =	vmin.f32 v24, v2;
	s21 =	ssub.f32 $2.000000030e-01, s15;
	v5 =	vadd.f32 v0, v5;
	v2, _, _ =	vpop (xrf2)  }
0x154: {  	v21 =	vld.idx.msk [tilespmem:v33+s2+$0x0], $0xffff;
	v1 =	vmul.f32 v1, v63;
	s12 =	ssub.f32 $2.000000030e-01, s10;
	v36 =	vsub.f32 s31, v2;
	(v2sf) =	vpush v2, $0xF;
	v2, _, _ =	vpop (xrf2);
	s31 =	spop (v2sf)  }
0x155: {  	v37 =	vadd.s32 $0x2D00, v26;
	v38 =	vsub.f32 s21, v2;
	(v2sf) =	vpush v2, $0xF;
	s21 =	sadd.f32 s31, s9;
	s11 =	spop (v2sf)  }
0x156: {  	v43 =	vadd.s32 $0x3F00, v26;
	v19 =	vld.idx.msk [tilespmem:v34+s2+$0x0], $0xffff;
	v4 =	vadd.f32 v1, v4;
	v39, _, _ =	vpop (xrf2);
	v0 =	vadd.f32 v36, v18;
	s9 =	sadd.f32 s11, s16  }
0x157: {  	v40 =	vadd.s32 $0x3600, v26;
	(xrf2) =	vadd.scan.msk.f32 $0xffff, v35;
	v2 =	vld [tilespmem:s20+$0xFFFFFFF0];
	v41 =	vsub.f32 s12, v39;
	(v2sf) =	vpush v39, $0xF;
	v42, _, _ =	vpop (xrf2);
	s12 =	spop (v2sf);
	s16 =	ssub.f32 $2.000000030e-01, s21  }
0x158: {  	v1 =	vadd.f32 v38, v54;
	(v2sf) =	vpush v42, $0xF;
	s11 =	sadd.f32 s12, s18;
	v44, _, _ =	vpop (xrf2);
	v0 =	vmax.f32 v0, $0.0e+00  }
0x159: {  	(xrf2) =	vadd.scan.msk.f32 $0xffff, v21;
	v24 =	vadd.f32 v41, v58;
	s18 =	ssub.f32 $2.000000030e-01, s9;
	(v2sf) =	vpush v44, $0xF;
	v47, _, _ =	vpop (xrf2);
	v0 =	vmin.f32 v18, v0  }
0x15a: {  	v18 =	vld.idx.msk [tilespmem:v37+s2+$0x0], $0xffff;
	v1 =	vmax.f32 v1, $0.0e+00;
	v45 =	vsub.f32 s16, v42;
	(v2sf) =	vpush v47, $0xF  }
0x15b: {  	(xrf2) =	vadd.scan.msk.f32 $0xffff, v19;
	v0 =	vmul.f32 v0, v63;
	v1 =	vmin.f32 v54, v1;
	v46 =	vsub.f32 s18, v44  }
0x15c: {  	v20 =	vld.idx.msk [tilespmem:v40+s2+$0x0], $0xffff;
	s31 =	spop (v2sf);
	s19 =	ssub.f32 $2.000000030e-01, s11;
	v50 =	vadd.s32 $0x900, v2;
	v60 =	vadd.s32 $0x1200, v2;
	v28 =	vadd.s32 $0x2400, v2  }
0x15d: {  	s12 =	sadd.f32 s31, s14;
	v33 =	vadd.s32 $0x2D00, v2;
	v37 =	vadd.s32 $0x3600, v2;
	v10 =	vadd.f32 v45, v61  }
0x15e: {  	v22 =	vld.idx.msk [tilespmem:v43+s2+$0x0], $0xffff;
	v3 =	vadd.f32 v0, v3;
	v0 =	vmul.f32 v1, v63;
	v1 =	vmax.f32 v24, $0.0e+00  }
0x15f: {  	v49 =	vsub.f32 s19, v47;
	s18 =	ssub.f32 $2.000000030e-01, s12;
	v23 =	vadd.f32 v46, v29;
	v14 =	vmin.f32 v58, v1;
	v25 =	vld.idx.msk [tilespmem:v2+s2+$0x0], $0xffff;
	s16 =	spop (v2sf);
	(xrf2) =	vadd.scan.msk.f32 $0xffff, v18  }
0x160: {  	v1 =	vld [tilespmem:s4+$0xFFFFFFE0];
	v10 =	vmax.f32 v10, $0.0e+00;
	v0 =	vadd.f32 v0, v9;
	v48 =	vmul.f32 v14, v63;
	s14 =	sadd.f32 s16, s13  }
0x161: {  	v10 =	vmin.f32 v61, v10;
	v14 =	vadd.f32 v49, v16;
	v51 =	vmax.f32 v23, $0.0e+00;
	v52, _, _ =	vpop (xrf2);
	(xrf2) =	vadd.scan.msk.f32 $0xffff, v20  }
0x162: {  	v10 =	vmul.f32 v10, v63;
	v59 =	vld.idx.msk [tilespmem:v50+s2+$0x0], $0xffff;
	v54 =	vsub.f32 s18, v52;
	s31 =	ssub.f32 $2.000000030e-01, s14;
	(v2sf) =	vpush v52, $0xF  }
0x163: {  	v63 =	vadd.s32 $0x1B00, v2;
	v9 =	vadd.f32 v48, v11;
	v11 =	vmin.f32 v29, v51;
	(xrf2) =	vadd.scan.msk.f32 $0xffff, v22;
	v58, _, _ =	vpop (xrf2);
	s19 =	spop (v2sf)  }
0x164: {  	v53 =	vmax.f32 v14, $0.0e+00;
	v57 =	vadd.f32 v54, v35;
	(xrf2) =	vadd.scan.msk.f32 $0xffff, v25;
	v61 =	vsub.f32 s31, v58;
	s16 =	sadd.f32 s19, s17;
	s17 =	spop (v2sf)  }
0x165: {  	v36 =	vld.idx.msk [tilespmem:v28+s2+$0x0], $0xffff;
	v56 =	vmin.f32 v16, v53;
	v62, _, _ =	vpop (xrf2);
	v55 =	vmul.f32 v11, v1;
	(v2sf) =	vpush v58, $0xF;
	s13 =	sadd.f32 s17, s15  }
0x166: {  	v28 =	vld [tilespmem:s20+$0x0];
	(v2sf) =	vpush v62, $0xF;
	v26 =	vmax.f32 v57, $0.0e+00;
	v27 =	vadd.f32 v61, v21;
	s19 =	spop (v2sf);
	s17 =	ssub.f32 $2.000000030e-01, s16  }
0x167: {  	v8 =	vadd.f32 v10, v8;
	v24 =	vmul.f32 v56, v1;
	(xrf2) =	vadd.scan.msk.f32 $0xffff, v59;
	v29 =	vmin.f32 v35, v26;
	s15 =	sadd.f32 s19, s10  }
0x168: {  	v16 =	vld.idx.msk [tilespmem:v60+s2+$0x0], $0xffff;
	v7 =	vadd.f32 v55, v7;
	s19 =	spop (v2sf);
	v13 =	vmax.f32 v27, $0.0e+00;
	v10 =	vmul.f32 v29, v1;
	s31 =	ssub.f32 $2.000000030e-01, s13  }
0x169: {  	v6 =	vadd.f32 v24, v6;
	s10 =	sadd.f32 s19, s21;
	s21 =	spop (v2sf);
	v13 =	vmin.f32 v21, v13;
	v21 =	vld.idx.msk [tilespmem:v63+s2+$0x0], $0xffff;
	v30 =	vsub.f32 s17, v62;
	v31, _, _ =	vpop (xrf2)  }
0x16a: {  	s9 =	sadd.f32 s21, s9;
	v13 =	vmul.f32 v13, v1;
	v5 =	vadd.f32 v10, v5;
	(v2sf) =	vpush v31, $0xF  }
0x16b: {  	v55 =	vadd.s32 $0x900, v28;
	v32 =	vsub.f32 s31, v31;
	s31 =	ssub.f32 $2.000000030e-01, s15;
	v34, _, _ =	vpop (xrf2);
	v11 =	vadd.f32 v30, v19  }
0x16c: {  	v27 =	vadd.s32 $0x3F00, v2;
	s19 =	ssub.f32 $2.000000030e-01, s10;
	(v2sf) =	vpush v34, $0xF;
	v4 =	vadd.f32 v13, v4  }
0x16d: {  	v43 =	vld.idx.msk [tilespmem:v33+s2+$0x0], $0xffff;
	(xrf2) =	vadd.scan.msk.f32 $0xffff, v16;
	v39, _, _ =	vpop (xrf2);
	s21 =	ssub.f32 $2.000000030e-01, s9;
	v14 =	vadd.f32 v32, v18;
	v35 =	vsub.f32 s31, v34;
	v38 =	vmax.f32 v11, $0.0e+00  }
0x16e: {  	v17 =	vld.idx.msk [tilespmem:v37+s2+$0x0], $0xffff;
	s31 =	spop (v2sf);
	v44 =	vsub.f32 s19, v39;
	(v2sf) =	vpush v39, $0xF;
	v42, _, _ =	vpop (xrf2);
	(xrf2) =	vadd.scan.msk.f32 $0xffff, v21;
	v10 =	vmin.f32 v19, v38  }
0x16f: {  	s11 =	sadd.f32 s31, s11;
	v40 =	vmax.f32 v14, $0.0e+00;
	v41 =	vadd.f32 v35, v20;
	v45 =	vsub.f32 s21, v42  }
0x170: {  	v2 =	vld [tilespmem:s4+$0xFFFFFFF0];
	v47 =	vadd.f32 v44, v22;
	(xrf2) =	vadd.scan.msk.f32 $0xffff, v36;
	(v2sf) =	vpush v42, $0xF;
	v10 =	vmul.f32 v10, v1  }
0x171: {  	v13 =	vmin.f32 v18, v40;
	s19 =	ssub.f32 $2.000000030e-01, s11;
	v52, _, _ =	vpop (xrf2);
	v46 =	vmax.f32 v41, $0.0e+00;
	v48 =	vadd.f32 v45, v25;
	s21 =	spop (v2sf)  }
0x172: {  	v54 =	vld.idx.msk [tilespmem:v27+s2+$0x0], $0xffff;
	(xrf2) =	vadd.scan.msk.f32 $0xffff, v43;
	v49 =	vmul.f32 v13, v1;
	v50 =	vmax.f32 v47, $0.0e+00;
	(v2sf) =	vpush v52, $0xF;
	s12 =	sadd.f32 s21, s12  }
0x173: {  	(xrf2) =	vadd.scan.msk.f32 $0xffff, v17;
	v11 =	vmin.f32 v20, v46;
	v53 =	vsub.f32 s19, v52;
	v51 =	vmax.f32 v48, $0.0e+00  }
0x174: {  	v13 =	vmin.f32 v22, v50;
	v11 =	vmul.f32 v11, v1;
	s31 =	spop (v2sf);
	v14 =	vmin.f32 v25, v51;
	s21 =	ssub.f32 $2.000000030e-01, s12  }
0x175: {  	v1 =	vmul.f32 v13, v1;
	v57 =	vadd.f32 v53, v59;
	s18 =	sadd.f32 s31, s14;
	s19 =	spop (v2sf);
	v56 =	vmul.f32 v14, v2  }
0x176: {  	v58 =	vld.idx.msk [tilespmem:v28+s2+$0x0], $0xffff;
	v62 =	vadd.s32 $0x1200, v28;
	v3 =	vadd.f32 v10, v3;
	v10 =	vadd.f32 v49, v0;
	s17 =	sadd.f32 s19, s16  }
0x177: {  	v61 =	vld.idx.msk [tilespmem:v55+s2+$0x0], $0xffff;
	(xrf2) =	vadd.scan.msk.f32 $0xffff, v54;
	v1 =	vadd.f32 v1, v8;
	v8, _, _ =	vpop (xrf2);
	v0 =	vadd.f32 v56, v7;
	v7 =	vmax.f32 v57, $0.0e+00;
	s31 =	ssub.f32 $2.000000030e-01, s18  }
0x178: {  	(v2sf) =	vpush v8, $0xF;
	v7 =	vmin.f32 v59, v7;
	v59 =	vsub.f32 s21, v8;
	v60, _, _ =	vpop (xrf2)  }
0x179: {  	v29 =	vadd.s32 $0x1B00, v28;
	v31 =	vadd.s32 $0x2400, v28;
	s21 =	ssub.f32 $2.000000030e-01, s17;
	v8 =	vsub.f32 s31, v60;
	s19 =	spop (v2sf)  }
0x17a: {  	v7 =	vmul.f32 v7, v2;
	(v2sf) =	vpush v60, $0xF;
	v63, _, _ =	vpop (xrf2);
	v13 =	vadd.f32 v59, v16;
	s14 =	sadd.f32 s19, s13  }
0x17b: {  	v41 =	vadd.s32 $0x2D00, v28;
	(xrf2) =	vadd.scan.msk.f32 $0xffff, v58;
	v30 =	vsub.f32 s21, v63;
	(v2sf) =	vpush v63, $0xF  }
0x17c: {  	v18 =	vld.idx.msk [tilespmem:v62+s2+$0x0], $0xffff;
	v46 =	vadd.s32 $0x3F00, v28;
	(xrf2) =	vadd.scan.msk.f32 $0xffff, v61;
	v33, _, _ =	vpop (xrf2);
	s31 =	spop (v2sf);
	v8 =	vadd.f32 v8, v21;
	v6 =	vadd.f32 v7, v6;
	s19 =	ssub.f32 $2.000000030e-01, s14  }
0x17d: {  	v35, _, _ =	vpop (xrf2);
	(v2sf) =	vpush v33, $0xF;
	s13 =	sadd.f32 s31, s15;
	v7 =	vmax.f32 v13, $0.0e+00;
	v32 =	vadd.f32 v30, v36;
	s21 =	spop (v2sf)  }
0x17e: {  	(v2sf) =	vpush v35, $0xF;
	v7 =	vmin.f32 v16, v7;
	s15 =	sadd.f32 s21, s10;
	v34 =	vsub.f32 s19, v33  }
0x17f: {  	v19 =	vld.idx.msk [tilespmem:v29+s2+$0x0], $0xffff;
	v8 =	vmax.f32 v8, $0.0e+00;
	s31 =	ssub.f32 $2.000000030e-01, s13;
	v7 =	vmul.f32 v7, v2;
	v13 =	vmax.f32 v32, $0.0e+00  }
0x180: {  	v8 =	vmin.f32 v21, v8;
	v12 =	vmin.f32 v36, v13;
	s10 =	ssub.f32 $2.000000030e-01, s15;
	v36 =	vadd.f32 v34, v43  }
0x181: {  	v38 =	vld.idx.msk [tilespmem:v31+s2+$0x0], $0xffff;
	(xrf2) =	vadd.scan.msk.f32 $0xffff, v18;
	v40, _, _ =	vpop (xrf2);
	s21 =	spop (v2sf);
	v8 =	vmul.f32 v8, v2;
	v37 =	vsub.f32 s31, v35;
	v39 =	vadd.f32 v7, v5  }
0x182: {  	s16 =	sadd.f32 s21, s9;
	v5 =	vmul.f32 v12, v2;
	s31 =	spop (v2sf);
	v42 =	vsub.f32 s10, v40;
	v7 =	vmax.f32 v36, $0.0e+00  }
0x183: {  	v4 =	vadd.f32 v8, v4;
	s11 =	sadd.f32 s31, s11;
	v8 =	vadd.f32 v37, v17;
	v7 =	vmin.f32 v43, v7;
	v43 =	vld [tilespmem:s20+$0x10]  }
0x184: {  	(xrf2) =	vadd.scan.msk.f32 $0xffff, v19;
	s19 =	ssub.f32 $2.000000030e-01, s16;
	v44 =	vadd.f32 v5, v3;
	v3 =	vmul.f32 v7, v2;
	v7 =	vadd.f32 v42, v54  }
0x185: {  	v49 =	vld.idx.msk [tilespmem:v41+s2+$0x0], $0xffff;
	(v2sf) =	vpush v40, $0xF;
	v45, _, _ =	vpop (xrf2);
	s21 =	ssub.f32 $2.000000030e-01, s11;
	v5 =	vmax.f32 v8, $0.0e+00;
	v8 =	vadd.s32 $0x3600, v28  }
0x186: {  	v9 =	vadd.f32 v11, v9;
	(xrf2) =	vadd.scan.msk.f32 $0xffff, v38;
	v48, _, _ =	vpop (xrf2);
	v47 =	vsub.f32 s19, v45;
	v7 =	vmax.f32 v7, $0.0e+00  }
0x187: {  	v5 =	vmin.f32 v17, v5;
	s31 =	spop (v2sf);
	v50 =	vsub.f32 s21, v48;
	v7 =	vmin.f32 v54, v7  }
0x188: {  	v5 =	vmul.f32 v5, v2;
	s12 =	sadd.f32 s31, s12;
	v51 =	vadd.s32 $0x900, v43;
	v7 =	vmul.f32 v7, v2;
	v2 =	vld [tilespmem:s4+$0x0]  }
0x189: {  	v30 =	vld [tilespmem:s20+$0x20];
	(v2sf) =	vpush v45, $0xF;
	v12 =	vadd.f32 v47, v58;
	v52 =	vadd.s32 $0x1200, v43  }
0x18a: {  	(xrf2) =	vadd.scan.msk.f32 $0xffff, v49;
	(v2sf) =	vpush v48, $0xF;
	v13 =	vadd.f32 v50, v61;
	s10 =	spop (v2sf);
	s19 =	ssub.f32 $2.000000030e-01, s12;
	v53 =	vld.idx.msk [tilespmem:v8+s2+$0x0], $0xffff;
	v8 =	vadd.s32 $0x1B00, v43  }
0x18b: {  	v28 =	vld.idx.msk [tilespmem:v46+s2+$0x0], $0xffff;
	v55, _, _ =	vpop (xrf2);
	v54 =	vadd.f32 v5, v9;
	s9 =	sadd.f32 s10, s18;
	s18 =	spop (v2sf);
	v5 =	vadd.f32 v7, v1;
	v1 =	vmax.f32 v12, $0.0e+00  }
0x18c: {  	(v2sf) =	vpush v55, $0xF;
	s10 =	sadd.f32 s18, s17;
	v7 =	vmax.f32 v13, $0.0e+00;
	v29 =	vld.idx.msk [tilespmem:v43+s2+$0x0], $0xffff;
	v1 =	vmin.f32 v58, v1  }
0x18d: {  	v62 =	vadd.s32 $0x2400, v43;
	s21 =	ssub.f32 $2.000000030e-01, s9;
	v56 =	vmin.f32 v61, v7;
	v7 =	vld.idx.msk [tilespmem:v51+s2+$0x0], $0xffff;
	v1 =	vmul.f32 v1, v2  }
0x18e: {  	v45 =	vadd.s32 $0x2D00, v30;
	v3 =	vadd.f32 v3, v10;
	v57 =	vsub.f32 s19, v55;
	v58, _, _ =	vpop (xrf2);
	v12 =	vld.idx.msk [tilespmem:v52+s2+$0x0], $0xffff  }
0x18f: {  	s31 =	ssub.f32 $2.000000030e-01, s10;
	v60 =	vsub.f32 s21, v58;
	(xrf2) =	vadd.scan.msk.f32 $0xffff, v53;
	v8 =	vld.idx.msk [tilespmem:v8+s2+$0x0], $0xffff;
	v63 =	vadd.f32 v1, v0;
	v1 =	vadd.s32 $0x2D00, v43  }
0x190: {  	v35 =	vadd.s32 $0x3600, v43;
	v59 =	vadd.f32 v57, v18;
	v61, _, _ =	vpop (xrf2);
	v10 =	vmul.f32 v56, v2;
	(xrf2) =	vadd.scan.msk.f32 $0xffff, v28  }
0x191: {  	v36 =	vadd.s32 $0x3F00, v43;
	s18 =	spop (v2sf);
	v34 =	vadd.f32 v60, v19;
	v0 =	vsub.f32 s31, v61;
	(xrf2) =	vadd.scan.msk.f32 $0xffff, v29  }
0x192: {  	s19 =	spop (v2sf);
	(v2sf) =	vpush v58, $0xF;
	v16 =	vld.idx.msk [tilespmem:v62+s2+$0x0], $0xffff;
	v11 =	vadd.f32 v10, v6;
	v6 =	vmax.f32 v59, $0.0e+00;
	(xrf2) =	vadd.scan.msk.f32 $0xffff, v7  }
0x193: {  	s14 =	sadd.f32 s18, s14;
	v6 =	vmin.f32 v18, v6;
	v10 =	vmax.f32 v34, $0.0e+00;
	v34 =	vld [tilespmem:s20+$0x30];
	v0 =	vadd.f32 v0, v38;
	(xrf2) =	vadd.scan.msk.f32 $0xffff, v12  }
0x194: {  	s13 =	sadd.f32 s19, s13;
	v37, _, _ =	vpop (xrf2);
	s31 =	spop (v2sf);
	(v2sf) =	vpush v61, $0xF;
	v6 =	vmul.f32 v6, v2;
	(xrf2) =	vadd.scan.msk.f32 $0xffff, v8;
	v15 =	vld.idx.msk [tilespmem:v1+s2+$0x0], $0xffff;
	v1 =	vadd.s32 $0x900, v30  }
0x195: {  	s21 =	ssub.f32 $2.000000030e-01, s14;
	(v2sf) =	vpush v37, $0xF;
	v10 =	vmin.f32 v19, v10;
	v0 =	vmax.f32 v0, $0.0e+00  }
0x196: {  	v9 =	vld.idx.msk [tilespmem:v35+s2+$0x0], $0xffff;
	s15 =	sadd.f32 s31, s15;
	v10 =	vmul.f32 v10, v2;
	v21 =	vadd.f32 v6, v39;
	v0 =	vmin.f32 v38, v0  }
0x197: {  	s19 =	ssub.f32 $2.000000030e-01, s13;
	v13 =	vld.idx.msk [tilespmem:v36+s2+$0x0], $0xffff;
	v6 =	vsub.f32 s21, v37;
	v38 =	vadd.s32 $0x1200, v30;
	v0 =	vmul.f32 v0, v2  }
0x198: {  	v50 =	vadd.s32 $0x3F00, v30;
	s31 =	ssub.f32 $2.000000030e-01, s15;
	s21 =	spop (v2sf);
	v39 =	vadd.s32 $0x1B00, v30;
	v20 =	vadd.f32 v10, v4;
	v10 =	vld.idx.msk [tilespmem:v30+s2+$0x0], $0xffff;
	(xrf2) =	vadd.scan.msk.f32 $0xffff, v16  }
0x199: {  	s16 =	sadd.f32 s21, s16;
	v57 =	vadd.s32 $0x900, v34;
	v18 =	vadd.f32 v0, v44;
	v0 =	vadd.f32 v6, v49;
	v4, _, _ =	vpop (xrf2);
	(xrf2) =	vadd.scan.msk.f32 $0xffff, v15;
	v6 =	vld.idx.msk [tilespmem:v1+s2+$0x0], $0xffff  }
0x19a: {  	v40 =	vsub.f32 s19, v4;
	(v2sf) =	vpush v4, $0xF;
	v4, _, _ =	vpop (xrf2);
	v1 =	vadd.s32 $0x2400, v30  }
0x19b: {  	s21 =	ssub.f32 $2.000000030e-01, s16;
	v0 =	vmax.f32 v0, $0.0e+00;
	v41 =	vsub.f32 s31, v4;
	(v2sf) =	vpush v4, $0xF;
	v4, _, _ =	vpop (xrf2);
	(xrf2) =	vadd.scan.msk.f32 $0xffff, v9  }
0x19c: {  	s31 =	spop (v2sf);
	v42 =	vmin.f32 v49, v0;
	v43 =	vadd.f32 v40, v53;
	v0 =	vld.idx.msk [tilespmem:v38+s2+$0x0], $0xffff;
	(v2sf) =	vpush v4, $0xF;
	(xrf2) =	vadd.scan.msk.f32 $0xffff, v13;
	v31, _, _ =	vpop (xrf2)  }
0x19d: {  	s11 =	sadd.f32 s31, s11;
	v49 =	vadd.s32 $0x3600, v30;
	v33 =	vsub.f32 s21, v4;
	v4 =	vld.idx.msk [tilespmem:v39+s2+$0x0], $0xffff;
	(v2sf) =	vpush v31, $0xF;
	v32, _, _ =	vpop (xrf2);
	(xrf2) =	vadd.scan.msk.f32 $0xffff, v10  }
0x19e: {  	v44 =	vadd.f32 v41, v28;
	v25 =	vmax.f32 v43, $0.0e+00;
	(v2sf) =	vpush v32, $0xF;
	v48, _, _ =	vpop (xrf2);
	(xrf2) =	vadd.scan.msk.f32 $0xffff, v6  }
0x19f: {  	v17 =	vld [tilespmem:s4+$0x10];
	v46 =	vmul.f32 v42, v2;
	s18 =	ssub.f32 $2.000000030e-01, s11;
	v47 =	vmin.f32 v53, v25;
	(v2sf) =	vpush v48, $0xF  }
0x1a0: {  	s19 =	spop (v2sf);
	v22 =	vmax.f32 v44, $0.0e+00;
	v33 =	vadd.f32 v33, v29;
	v35 =	vmul.f32 v47, v2  }
0x1a1: {  	s17 =	sadd.f32 s19, s12;
	s21 =	spop (v2sf);
	v24 =	vadd.f32 v46, v3;
	v1 =	vld.idx.msk [tilespmem:v1+s2+$0x0], $0xffff;
	v22 =	vmin.f32 v28, v22;
	v53 =	vsub.f32 s18, v31;
	(xrf2) =	vadd.scan.msk.f32 $0xffff, v0  }
0x1a2: {  	s21 =	sadd.f32 s21, s9;
	v3 =	vld.idx.msk [tilespmem:v45+s2+$0x0], $0xffff;
	v2 =	vmul.f32 v22, v2;
	v51 =	vmax.f32 v33, $0.0e+00;
	v19 =	vadd.f32 v35, v54;
	v54, _, _ =	vpop (xrf2);
	(xrf2) =	vadd.scan.msk.f32 $0xffff, v4  }
0x1a3: {  	s31 =	ssub.f32 $2.000000030e-01, s17;
	s19 =	spop (v2sf);
	v52 =	vmin.f32 v29, v51;
	v56 =	vadd.f32 v53, v7;
	(v2sf) =	vpush v54, $0xF;
	v55, _, _ =	vpop (xrf2)  }
0x1a4: {  	s9 =	sadd.f32 s19, s10;
	v22 =	vadd.f32 v2, v5;
	v2 =	vmul.f32 v52, v17;
	v5 =	vld.idx.msk [tilespmem:v49+s2+$0x0], $0xffff;
	(v2sf) =	vpush v55, $0xF  }
0x1a5: {  	v61 =	vadd.s32 $0x1200, v34;
	v59 =	vsub.f32 s31, v32;
	s10 =	ssub.f32 $2.000000030e-01, s21;
	s31 =	spop (v2sf);
	v58, _, _ =	vpop (xrf2)  }
0x1a6: {  	s18 =	sadd.f32 s31, s14;
	v14 =	vmax.f32 v56, $0.0e+00;
	(xrf2) =	vadd.scan.msk.f32 $0xffff, v1;
	v23 =	vadd.f32 v2, v63;
	v2 =	vld.idx.msk [tilespmem:v50+s2+$0x0], $0xffff;
	(v2sf) =	vpush v58, $0xF;
	v60, _, _ =	vpop (xrf2)  }
0x1a7: {  	v26 =	vadd.f32 v59, v12;
	s19 =	ssub.f32 $2.000000030e-01, s9;
	v14 =	vmin.f32 v7, v14;
	v7 =	vld.idx.msk [tilespmem:v34+s2+$0x0], $0xffff;
	(xrf2) =	vadd.scan.msk.f32 $0xffff, v3;
	(v2sf) =	vpush v60, $0xF;
	v62, _, _ =	vpop (xrf2)  }
0x1a8: {  	v36 =	vadd.s32 $0x1B00, v34;
	v25 =	vsub.f32 s10, v48;
	(v2sf) =	vpush v62, $0xF;
	v63, _, _ =	vpop (xrf2)  }
0x1a9: {  	v29 =	vsub.f32 s19, v54;
	s19 =	ssub.f32 $2.000000030e-01, s18;
	v37 =	vmul.f32 v14, v17;
	v14 =	vld.idx.msk [tilespmem:v57+s2+$0x0], $0xffff;
	s14 =	spop (v2sf);
	(xrf2) =	vadd.scan.msk.f32 $0xffff, v5;
	(v2sf) =	vpush v63, $0xF  }
0x1aa: {  	v26 =	vmax.f32 v26, $0.0e+00;
	v25 =	vadd.f32 v25, v8;
	s13 =	sadd.f32 s14, s13;
	s31 =	spop (v2sf)  }
0x1ab: {  	v38 =	vadd.s32 $0x2400, v34;
	v26 =	vmin.f32 v12, v26;
	v12 =	vld.idx.msk [tilespmem:v61+s2+$0x0], $0xffff;
	s14 =	sadd.f32 s31, s15;
	v44, _, _ =	vpop (xrf2);
	(xrf2) =	vadd.scan.msk.f32 $0xffff, v2;
	s12 =	spop (v2sf)  }
0x1ac: {  	v25 =	vmax.f32 v25, $0.0e+00;
	v45, _, _ =	vpop (xrf2);
	(xrf2) =	vadd.scan.msk.f32 $0xffff, v7;
	s12 =	sadd.f32 s12, s16;
	s15 =	spop (v2sf);
	(v2sf) =	vpush v44, $0xF  }
0x1ad: {  	v29 =	vadd.f32 v29, v16;
	v25 =	vmin.f32 v8, v25;
	v8 =	vld.idx.msk [tilespmem:v36+s2+$0x0], $0xffff;
	s15 =	sadd.f32 s15, s11;
	s16 =	spop (v2sf)  }
0x1ae: {  	v39 =	vadd.s32 $0x2D00, v34;
	v49 =	vsub.f32 s19, v55;
	(xrf2) =	vadd.scan.msk.f32 $0xffff, v14;
	s10 =	sadd.f32 s16, s17;
	s17 =	spop (v2sf)  }
0x1af: {  	v46 =	vadd.f32 v37, v11;
	v29 =	vmax.f32 v29, $0.0e+00;
	(v2sf) =	vpush v45, $0xF;
	s11 =	sadd.f32 s17, s21  }
0x1b0: {  	v51 =	vadd.s32 $0x3600, v34;
	v11 =	vld.idx.msk [tilespmem:v38+s2+$0x0], $0xffff;
	v25 =	vmul.f32 v25, v17;
	v47 =	vmin.f32 v16, v29;
	v48, _, _ =	vpop (xrf2);
	(xrf2) =	vadd.scan.msk.f32 $0xffff, v12;
	s21 =	ssub.f32 $2.000000030e-01, s13  }
0x1b1: {  	v52 =	vadd.f32 v49, v15;
	v16 =	vmul.f32 v47, v17;
	s19 =	ssub.f32 $2.000000030e-01, s14;
	(v2sf) =	vpush v48, $0xF;
	v50, _, _ =	vpop (xrf2)  }
0x1b2: {  	v34 =	vadd.s32 $0x3F00, v34;
	(xrf2) =	vadd.scan.msk.f32 $0xffff, v8;
	(v2sf) =	vpush v50, $0xF;
	s31 =	spop (v2sf);
	v53 =	vsub.f32 s21, v58;
	s21 =	ssub.f32 $2.000000030e-01, s12  }
0x1b3: {  	v25 =	vadd.f32 v25, v20;
	v20 =	vadd.f32 v16, v18;
	v16 =	vld.idx.msk [tilespmem:v39+s2+$0x0], $0xffff;
	s17 =	sadd.f32 s31, s9;
	v54, _, _ =	vpop (xrf2);
	s31 =	spop (v2sf)  }
0x1b4: {  	v18 =	vmax.f32 v52, $0.0e+00;
	(v2sf) =	vpush v54, $0xF;
	s9 =	sadd.f32 s31, s18  }
0x1b5: {  	v18 =	vmin.f32 v15, v18;
	v15 =	vld.idx.msk [tilespmem:v51+s2+$0x0], $0xffff;
	v33 =	vsub.f32 s21, v62;
	v55, _, _ =	vpop (xrf2);
	(xrf2) =	vadd.scan.msk.f32 $0xffff, v11;
	s21 =	spop (v2sf);
	s18 =	ssub.f32 $2.000000030e-01, s15  }
0x1b6: {  	(v2sf) =	vpush v55, $0xF;
	v40, _, _ =	vpop (xrf2);
	s31 =	spop (v2sf);
	s21 =	sadd.f32 s21, s13  }
0x1b7: {  	v26 =	vmul.f32 v26, v17;
	v56 =	vmul.f32 v18, v17;
	v18 =	vld.idx.msk [tilespmem:v34+s2+$0x0], $0xffff;
	s16 =	sadd.f32 s31, s14;
	s31 =	spop (v2sf);
	(v2sf) =	vpush v40, $0xF  }
0x1b8: {  	v28 =	vsub.f32 s19, v60;
	(xrf2) =	vadd.scan.msk.f32 $0xffff, v16;
	v58, _, _ =	vpop (xrf2);
	s14 =	sadd.f32 s31, s12;
	s13 =	spop (v2sf)  }
0x1b9: {  	v21 =	vadd.f32 v26, v21;
	(v2sf) =	vpush v58, $0xF;
	s12 =	sadd.f32 s13, s15  }
0x1ba: {  	v57 =	vld [tilespmem:s4+$0x20];
	v28 =	vadd.f32 v28, v13;
	v35 =	vsub.f32 s18, v63;
	v61, _, _ =	vpop (xrf2);
	(xrf2) =	vadd.scan.msk.f32 $0xffff, v15;
	s15 =	ssub.f32 $2.000000030e-01, s10  }
0x1bb: {  	s19 =	ssub.f32 $2.000000030e-01, s11;
	v33 =	vadd.f32 v33, v10;
	s18 =	spop (v2sf);
	(v2sf) =	vpush v61, $0xF  }
0x1bc: {  	v60 =	vadd.f32 v35, v6;
	v63, _, _ =	vpop (xrf2);
	(xrf2) =	vadd.scan.msk.f32 $0xffff, v18;
	v35 =	vsub.f32 s15, v44;
	s15 =	ssub.f32 $2.000000030e-01, s9  }
0x1bd: {  	v24 =	vadd.f32 v56, v24;
	v26 =	vadd.f32 v53, v9;
	v59 =	vmax.f32 v33, $0.0e+00;
	s13 =	sadd.f32 s18, s10  }
0x1be: {  	v37 =	vsub.f32 s19, v45;
	v10 =	vmin.f32 v10, v59;
	s31 =	spop (v2sf);
	(v2sf) =	vpush v63, $0xF;
	s10 =	ssub.f32 $2.000000030e-01, s17  }
0x1bf: {  	v26 =	vmax.f32 v26, $0.0e+00;
	v10 =	vmul.f32 v10, v57;
	v62 =	vmax.f32 v60, $0.0e+00;
	s18 =	sadd.f32 s31, s11;
	v33, _, _ =	vpop (xrf2)  }
0x1c0: {  	v6 =	vmin.f32 v6, v62;
	s19 =	spop (v2sf);
	v43 =	vsub.f32 s15, v50;
	s15 =	ssub.f32 $2.000000030e-01, s14;
	(v2sf) =	vpush v33, $0xF  }
0x1c1: {  	v9 =	vmin.f32 v9, v26;
	v26 =	vadd.f32 v37, v4;
	v6 =	vmul.f32 v6, v57;
	s11 =	sadd.f32 s19, s17;
	s31 =	spop (v2sf)  }
0x1c2: {  	v28 =	vmax.f32 v28, $0.0e+00;
	v10 =	vadd.f32 v10, v23;
	v23 =	vadd.f32 v35, v0;
	v41, _, _ =	vpop (xrf2);
	s17 =	sadd.f32 s31, s9  }
0x1c3: {  	v13 =	vmin.f32 v13, v28;
	v6 =	vadd.f32 v6, v46;
	(v2sf) =	vpush v41, $0xF;
	s31 =	ssub.f32 $2.000000030e-01, s21;
	s19 =	spop (v2sf)  }
0x1c4: {  	v9 =	vmul.f32 v9, v17;
	v42 =	vsub.f32 s10, v48;
	v46 =	vadd.f32 v43, v3;
	v45, _, _ =	vpop (xrf2);
	s10 =	sadd.f32 s19, s21  }
0x1c5: {  	v26 =	vmax.f32 v26, $0.0e+00;
	v52 =	vsub.f32 s15, v40;
	(v2sf) =	vpush v45, $0xF;
	s19 =	ssub.f32 $2.000000030e-01, s16;
	s21 =	spop (v2sf)  }
0x1c6: {  	v23 =	vmax.f32 v23, $0.0e+00;
	v44 =	vadd.f32 v42, v1;
	v47 =	vsub.f32 s31, v54;
	v48, _, _ =	vpop (xrf2);
	s9 =	sadd.f32 s21, s16;
	s31 =	spop (v2sf)  }
0x1c7: {  	v49 =	vmax.f32 v46, $0.0e+00;
	v51 =	vsub.f32 s19, v55;
	(v2sf) =	vpush v48, $0xF;
	s16 =	sadd.f32 s31, s14  }
0x1c8: {  	v0 =	vmin.f32 v0, v23;
	v23 =	vmax.f32 v44, $0.0e+00;
	v3 =	vmin.f32 v3, v49;
	s21 =	spop (v2sf);
	s31 =	ssub.f32 $2.000000030e-01, s12  }
0x1c9: {  	v1 =	vmin.f32 v1, v23;
	v3 =	vmul.f32 v3, v57;
	v23 =	vadd.f32 v51, v2;
	s15 =	sadd.f32 s21, s12  }
0x1ca: {  	v53 =	vld [tilespmem:s4+$0x30];
	v4 =	vmin.f32 v4, v26;
	v55 =	vadd.f32 v52, v7;
	v54 =	vsub.f32 s31, v58;
	s31 =	ssub.f32 $2.000000030e-01, s13;
	s21 =	spop (v2sf)  }
0x1cb: {  	v4 =	vmul.f32 v4, v57;
	v24 =	vadd.f32 v3, v24;
	v3 =	vmax.f32 v23, $0.0e+00;
	s14 =	sadd.f32 s21, s13  }
0x1cc: {  	v50 =	vadd.f32 v47, v5;
	v2 =	vmin.f32 v2, v3;
	v3 =	vmax.f32 v55, $0.0e+00;
	s21 =	ssub.f32 $2.000000030e-01, s18  }
0x1cd: {  	v4 =	vadd.f32 v4, v25;
	s13 =	spop (v2sf);
	v3 =	vmin.f32 v7, v3;
	v7 =	vsub.f32 s31, v61;
	s31 =	ssub.f32 $2.000000030e-01, s11  }
0x1ce: {  	v0 =	vmul.f32 v0, v57;
	v1 =	vmul.f32 v1, v57;
	v25 =	vmax.f32 v50, $0.0e+00;
	s13 =	sadd.f32 s13, s18  }
0x1cf: {  	v5 =	vmin.f32 v5, v25;
	v3 =	vmul.f32 v3, v53;
	s18 =	spop (v2sf);
	v58 =	vsub.f32 s21, v63;
	s21 =	ssub.f32 $2.000000030e-01, s17  }
0x1d0: {  	v5 =	vmul.f32 v5, v57;
	v2 =	vmul.f32 v2, v57;
	v57 =	vadd.f32 v7, v12;
	s12 =	sadd.f32 s18, s11  }
0x1d1: {  	v13 =	vmul.f32 v13, v17;
	v7 =	vadd.f32 v3, v10;
	v3 =	vsub.f32 s31, v33;
	s31 =	ssub.f32 $2.000000030e-01, s10  }
0x1d2: {  	v9 =	vadd.f32 v9, v19;
	v56 =	vadd.f32 v54, v14;
	s19 =	spop (v2sf);
	s18 =	ssub.f32 $2.000000030e-01, s9  }
0x1d3: {  	v13 =	vadd.f32 v13, v22;
	s11 =	sadd.f32 s19, s17;
	v59 =	vsub.f32 s21, v41;
	s21 =	smin.f32 s16, s15  }
0x1d4: {  	v9 =	vadd.f32 v5, v9;
	v5 =	vmax.f32 v56, $0.0e+00;
	v60 =	vsub.f32 s31, v45;
	s19 =	smin.f32 s21, s14;
	s31 =	spop (v2sf)  }
0x1d5: {  	v0 =	vadd.f32 v0, v21;
	v5 =	vmin.f32 v14, v5;
	s21 =	smin.f32 s19, s13;
	s10 =	sadd.f32 s31, s10  }
0x1d6: {  	v13 =	vadd.f32 v2, v13;
	v5 =	vmul.f32 v5, v53;
	v2 =	vmax.f32 v57, $0.0e+00;
	s17 =	smin.f32 s21, s12;
	s31 =	spop (v2sf)  }
0x1d7: {  	v2 =	vmin.f32 v12, v2;
	v3 =	vadd.f32 v3, v11;
	v62 =	vsub.f32 s18, v48;
	s17 =	smin.f32 s17, s11;
	s9 =	sadd.f32 s31, s9  }
0x1d8: {  	v6 =	vadd.f32 v5, v6;
	v5 =	vadd.f32 v58, v8;
	v2 =	vmul.f32 v2, v53;
	s17 =	smin.f32 s17, s10  }
0x1d9: {  	p0 =	sgt.u32 s8, $0x87;
	v1 =	vadd.f32 v1, v20;
	v10 =	vadd.f32 v59, v16;
	v3 =	vmax.f32 v3, $0.0e+00;
	s17 =	smin.f32 s17, s9  }
0x1da: {  	v63 =	vadd.f32 v62, v18;
	v61 =	vmax.f32 v5, $0.0e+00;
	v5 =	vadd.f32 v2, v0;
	p1 =	slt.f32 @!p0 s17, $2.000000030e-01  }
0x1db: {  	v2 =	vadd.f32 v60, v15;
	v3 =	vmin.f32 v11, v3;
	v0 =	vmin.f32 v8, v61  }
0x1dc: {  	v8 =	vmax.f32 v10, $0.0e+00;
	v10 =	vmax.f32 v63, $0.0e+00;
	v3 =	vmul.f32 v3, v53;
	p0 =	por p0, !p1  }
.Ltmp2:
0x1dd: {  	v8 =	vmin.f32 v16, v8;
	v2 =	vmax.f32 v2, $0.0e+00;
	v0 =	vmul.f32 v0, v53;
	(pc) =	sbr.rel @!p0 .LBB2_8-.Ltmp2, $4  }
0x1de: {  	v10 =	vmin.f32 v18, v10;
	v2 =	vmin.f32 v15, v2;
	v8 =	vmul.f32 v8, v53  }
0x1df: {  	v10 =	vmul.f32 v10, v53;
	v4 =	vadd.f32 v0, v4;
	v0 =	vmul.f32 v2, v53  }
0x1e0: {  	v3 =	vadd.f32 v3, v1;
	v2 =	vadd.f32 v8, v24  }
0x1e1: {  	s8 =	sadd.s32 $0x8, s8;
	s20 =	sadd.s32 $0x80, s20;
	s4 =	sadd.s32 $0x80, s4;
	v1 =	vadd.f32 v0, v9;
	v0 =	vadd.f32 v10, v13  }
0x1e2: {  	(xrf2) =	vadd.scan.msk.f32 $0xffff, v7  }
0x1e3: {  	(xrf2) =	vadd.scan.msk.f32 $0xffff, v6  }
0x1e4: {  	(xrf2) =	vadd.scan.msk.f32 $0xffff, v5  }
0x1e5: {  	(xrf2) =	vadd.scan.msk.f32 $0xffff, v4  }
0x1e6: {  	(xrf2) =	vadd.scan.msk.f32 $0xffff, v3  }
0x1e7: {  	(xrf2) =	vadd.scan.msk.f32 $0xffff, v2  }
0x1e8: {  	(xrf2) =	vadd.scan.msk.f32 $0xffff, v1;
	_ =	sdelay $0x1  }
0x1e9: {  	(xrf2) =	vadd.scan.msk.f32 $0xffff, v0;
	_ =	sdelay $0x1  }
0x1ea: {  	v40, _, _ =	vpop (xrf2)  }
0x1eb: {  	v41, _, _ =	vpop (xrf2);
	(v2sf) =	vpush v40, $0xF  }
0x1ec: {  	v42, _, _ =	vpop (xrf2);
	(v2sf) =	vpush v41, $0xF  }
0x1ed: {  	v43, _, _ =	vpop (xrf2);
	(v2sf) =	vpush v42, $0xF  }
0x1ee: {  	v44, _, _ =	vpop (xrf2);
	(v2sf) =	vpush v43, $0xF  }
0x1ef: {  	v45, _, _ =	vpop (xrf2);
	(v2sf) =	vpush v44, $0xF  }
0x1f0: {  	v46, _, _ =	vpop (xrf2);
	(v2sf) =	vpush v45, $0xF  }
0x1f1: {  	(v2sf) =	vpush v46, $0xF  }
0x1f2: {  	v47, _, _ =	vpop (xrf2)  }
0x1f3: {  	(v2sf) =	vpush v47, $0xF;
	_ =	sdelay $0x5  }
0x1f4: {  	s4 =	sadd.s32 s29, s30  }
0x1f5: {  	s30 =	sadd.s32 $0x1, s30;
	v48 =	vmov s4;
	s8 =	sadd.s32 $0x48, s4;
	s9 =	spop (v2sf)  }
0x1f6: {  	s12 =	sadd.s32 $0x90, s4;
	v49 =	vmov s8;
	s10 =	spop (v2sf);
	s9 =	smul.f32 $5.000000000e+00, s9  }
0x1f7: {  	s13 =	sadd.s32 $0xD8, s4;
	v50 =	vmov s12;
	s11 =	spop (v2sf);
	s10 =	smul.f32 $5.000000000e+00, s10  }
0x1f8: {  	s14 =	sadd.s32 $0x120, s4;
	v51 =	vmov s13;
	s15 =	spop (v2sf);
	s11 =	smul.f32 $5.000000000e+00, s11  }
0x1f9: {  	s16 =	sadd.s32 $0x168, s4;
	v53 =	vmov s14;
	v52 =	vmov s9;
	s17 =	spop (v2sf);
	s9 =	smul.f32 $5.000000000e+00, s15  }
0x1fa: {  	s18 =	sadd.s32 $0x1B0, s4;
	v55 =	vmov s16;
	v54 =	vmov s10;
	[tilespmem:v48+s25+$0x0] =	vst.idx.msk $0x1, v52;
	s19 =	spop (v2sf);
	s10 =	smul.f32 $5.000000000e+00, s17  }
0x1fb: {  	s4 =	sadd.s32 $0x1F8, s4;
	v57 =	vmov s18;
	v56 =	vmov s11;
	[tilespmem:v49+s25+$0x0] =	vst.idx.msk $0x1, v54;
	s20 =	spop (v2sf);
	s8 =	smul.f32 $5.000000000e+00, s19  }
0x1fc: {  	p0 =	sne.s32 s30, $0x9;
	v59 =	vmov s4;
	v58 =	vmov s9;
	[tilespmem:v50+s25+$0x0] =	vst.idx.msk $0x1, v56;
	s4 =	smul.f32 $5.000000000e+00, s20  }
.Ltmp3:
0x1fd: {  	[tilespmem:v51+s25+$0x0] =	vst.idx.msk $0x1, v58;
	v60 =	vmov s10;
	s21 =	spop (v2sf);
	(pc) =	sbr.rel @p0 .LBB2_7-.Ltmp3, $4  }
0x1fe: {  	[tilespmem:v53+s25+$0x0] =	vst.idx.msk $0x1, v60;
	v61 =	vmov s8;
	s31 =	smul.f32 $5.000000000e+00, s21  }
0x1ff: {  	[tilespmem:v55+s25+$0x0] =	vst.idx.msk $0x1, v61;
	v62 =	vmov s4  }
0x200: {  	[tilespmem:v57+s25+$0x0] =	vst.idx.msk $0x1, v62;
	v63 =	vmov s31  }
0x201: {  	s1 =	sadd.s32 $0x900, s1;
	s0 =	sadd.s32 $0x900, s0;
	[tilespmem:v59+s25+$0x0] =	vst.idx.msk $0x1, v63  }
0x202: {  	s28 =	sadd.s32 $0x1, s28  }
0x203: {  	p0 =	sne.s32 s28, $0x4  }
.Ltmp4:
0x204: {  	_ = 	snop;
	(pc) =	sbr.rel @p0 .LBB2_2-.Ltmp4, $1  }
0x205: {  	_ =	sdelay $0x3  }
0x206: {  	s0 =	rddreg [dreg:$0x3];
	s1 =	simm.s32 $0x3  }
0x207: {  	[hbm4b:s0+s2] =	stream.linear.scatter [tilespmem:s25], [sflag:$0x3], $0x48, $0x38;
	[tilespmem:$0x18E80] =	vst v63  }
0x208: {  	_ =	swait.ge [sflag:s1], $0x48  }
0x209: {  	[sflag:s1] =	ssyncset.done $0x0  }
0x20a: {  	s4 =	simm.s32 $0x18C48;
	s11 =	rddreg [dreg:$0x4];
	[sflag:s1] =	ssyncadd.s32 $0xFFFFFFB8  }
0x20b: {  	[hbm4b:s11+s2] =	stream.linear.scatter [tilespmem:s4], [sflag:$0x3], $0x48, $0x38;
	[tilespmem:$0x18E80] =	vst v63  }
0x20c: {  	_ =	swait.ge [sflag:s1], $0x48  }
0x20d: {  	[sflag:s1] =	ssyncset.done $0x0  }
0x20e: {  	s13 =	simm.s32 $0x18C90;
	s12 =	rddreg [dreg:$0x5];
	[sflag:s1] =	ssyncadd.s32 $0xFFFFFFB8  }
0x20f: {  	[hbm4b:s12+s2] =	stream.linear.scatter [tilespmem:s13], [sflag:$0x3], $0x48, $0x38;
	[tilespmem:$0x18E80] =	vst v63  }
0x210: {  	_ =	swait.ge [sflag:s1], $0x48  }
0x211: {  	[sflag:s1] =	ssyncset.done $0x0  }
0x212: {  	s15 =	simm.s32 $0x18CD8;
	s14 =	rddreg [dreg:$0x7];
	[sflag:s1] =	ssyncadd.s32 $0xFFFFFFB8  }
0x213: {  	[hbm4b:s14+s2] =	stream.linear.scatter [tilespmem:s15], [sflag:$0x3], $0x48, $0x38;
	[tilespmem:$0x18E80] =	vst v63  }
0x214: {  	_ =	swait.ge [sflag:s1], $0x48  }
0x215: {  	[sflag:s1] =	ssyncset.done $0x0  }
0x216: {  	s17 =	simm.s32 $0x18D20;
	s16 =	rddreg [dreg:$0x8];
	[sflag:s1] =	ssyncadd.s32 $0xFFFFFFB8  }
0x217: {  	[hbm4b:s16+s2] =	stream.linear.scatter [tilespmem:s17], [sflag:$0x3], $0x48, $0x38;
	[tilespmem:$0x18E80] =	vst v63  }
0x218: {  	_ =	swait.ge [sflag:s1], $0x48  }
0x219: {  	[sflag:s1] =	ssyncset.done $0x0  }
0x21a: {  	s19 =	simm.s32 $0x18D68;
	s18 =	rddreg [dreg:$0xa];
	[sflag:s1] =	ssyncadd.s32 $0xFFFFFFB8  }
0x21b: {  	[hbm4b:s18+s2] =	stream.linear.scatter [tilespmem:s19], [sflag:$0x3], $0x48, $0x38;
	[tilespmem:$0x18E80] =	vst v63  }
0x21c: {  	_ =	swait.ge [sflag:s1], $0x48  }
0x21d: {  	[sflag:s1] =	ssyncset.done $0x0  }
0x21e: {  	s21 =	simm.s32 $0x18DB0;
	s20 =	rddreg [dreg:$0xb];
	[sflag:s1] =	ssyncadd.s32 $0xFFFFFFB8  }
0x21f: {  	[hbm4b:s20+s2] =	stream.linear.scatter [tilespmem:s21], [sflag:$0x3], $0x48, $0x38;
	[tilespmem:$0x18E80] =	vst v63  }
0x220: {  	_ =	swait.ge [sflag:s1], $0x48  }
0x221: {  	[sflag:s1] =	ssyncset.done $0x0  }
0x222: {  	s29 =	simm.s32 $0x18DF8;
	s28 =	rddreg [dreg:$0xc];
	[sflag:s1] =	ssyncadd.s32 $0xFFFFFFB8  }
0x223: {  	[hbm4b:s28+s2] =	stream.linear.scatter [tilespmem:s29], [sflag:$0x3], $0x48, $0x38;
	[tilespmem:$0x18E80] =	vst v63  }
0x224: {  	_ =	swait.ge [sflag:s1], $0x48  }
0x225: {  	s30 =	rddreg [dreg:$0xe]  }
0x226: {  	s31 =	rddreg [dreg:$0xd];
	s4 =	sadd.s32 $0x1, s30  }
0x227: {  	p0 =	sne.s32 s4, s31  }
.Ltmp5:
0x228: {  	_ = 	snop;
	(pc) =	sbr.rel @p0 .LBB2_1-.Ltmp5, $3  }
0x229: {  	_ =	sdelay $0x1  }
0x22a: {  	[sflag:s1] =	ssyncset.done $0x0  }
0x22b: {  	[sflag:s1] =	ssyncadd.s32 $0xFFFFFFB8  }
0x22c: {  	_ =	sfence.sel $0x180000  }
0x22d: {  	[bflag:$0x0] =	sbarrier.arrive $0xFFFF  }
0x22e: {  	_ =	strace $0x90000047  }
0x22f: {  	s0 =	stileid.u32;
	[bflag:$0x2] =	sbarrier.arrive $0xFFFF  }
0x230: {  	p0 =	sne.s32 s0, $0x0;
	s0 =	rddreg [dreg:$0x1]  }
0x231: {  	s0 =	sadd.s32 @!p0 $0x100000, s0  }
0x232: {  	[sflag:s0] =	ssyncadd.tile.s32 @!p0 $0x1;
	_ =	shalt  }
.Lfunc_end2:
_tile_overlayer_lowered:
.L_overlay_start_2:
0x233: {  	(tag) =	ssettag $0x2  }
0x234: {  	s0 =	rddreg [dreg:$0x0];
	s2 =	stileid.u32  }
0x235: {  	s1 =	rddreg [dreg:$0x1];
	p0 =	sne.s32 s2, $0x0  }
0x236: {  	s3 =	rddreg [dreg:$0x2];
	[bflag:$0x3] =	sbarrier.arrive $0xFFFF;
	s2 =	simm.s32 @!p0 $0x1C03  }
0x237: {  	[timem:s3], [sflag:s2] =	dma.local @!p0 [hbm:s0], s1  }
0x238: {  	s0 =	simm.s32 @!p0 $0x3  }
0x239: {  	_ =	swait.ge @!p0 [sflag:s0], s1  }
0x23a: {  	s1 =	ssub.s32 @!p0 $0x0, s1;
	[sflag:s0] =	ssyncset.done @!p0 $0x0  }
0x23b: {  	[sflag:s0] =	ssyncadd.s32 @!p0 s1  }
0x23c: {  	[bflag:$0x3] =	sbarrier.arrive $0xFFFF  }
0x23d: {  	_ =	shalt  }

</sc_bundles>
